<compile_context>
chip_gen: v7x
topology: tpu7x:2x2x1
jax: 0.10.2.dev20260603
libtpu: 0.0.44.dev20260713+nightly
codegen_flags: <defaults>
</compile_context>

<pallas_src>
import dataclasses
import functools

import jax
import jax.numpy as jnp
from jax import lax
from jax.experimental import pallas as pl
from jax.experimental.pallas import tpu as pltpu
from jax.experimental.pallas import tpu_sc as plsc

N = 320000
IN_CH = 128
UNITS = 64
NUM_SEG = 10000
EPS = 1e-3

TILE = 6400
GRID = N // TILE
NW = 32
CHUNK = 256
CHUNK2 = 96
SEG_PW = (NUM_SEG + NW - 1) // NW + 4
SLAB = SEG_PW + 3
NSEG_PAD = NUM_SEG + 16
N_PAD = N + CHUNK


def _mm_stats_body(in_ref, ids_ref, w_ref, x_ref, stats_ref, counts_ref,
                   acc_ref):
    i = pl.program_id(0)

    @pl.when(i == 0)
    def _():
        stats_ref[...] = jnp.zeros_like(stats_ref)
        acc_ref[...] = jnp.zeros_like(acc_ref)

    x = lax.dot_general(in_ref[...], w_ref[...],
                        (((1,), (1,)), ((), ())),
                        preferred_element_type=jnp.float32)
    x_ref[...] = x.astype(jnp.bfloat16)
    s = jnp.sum(x, axis=0, keepdims=True)
    s2 = jnp.sum(x * x, axis=0, keepdims=True)
    stats_ref[0:1, :] += s
    stats_ref[1:2, :] += s2

    ids = ids_ref[0, 0, :].astype(jnp.int32)
    wix = lax.broadcasted_iota(jnp.int32, (64, 1), 0)
    thr = ((wix + 1) * NUM_SEG) // NW
    acc_ref[...] += (ids[None, :] < thr).astype(jnp.int32)

    @pl.when(i == GRID - 1)
    def _():
        counts_ref[...] = jnp.sum(acc_ref[...], axis=1, keepdims=True)


def _run_mm_stats(inputs, ids3, W):
    return pl.pallas_call(
        _mm_stats_body,
        grid=(GRID,),
        in_specs=[
            pl.BlockSpec((TILE, IN_CH), lambda i: (i, 0)),
            pl.BlockSpec((1, 1, TILE), lambda i: (i, 0, 0)),
            pl.BlockSpec((UNITS, IN_CH), lambda i: (0, 0)),
        ],
        out_specs=[
            pl.BlockSpec((TILE, UNITS), lambda i: (i, 0)),
            pl.BlockSpec((8, UNITS), lambda i: (0, 0)),
            pl.BlockSpec((64, 1), lambda i: (0, 0)),
        ],
        out_shape=[
            jax.ShapeDtypeStruct((N_PAD, UNITS), jnp.bfloat16),
            jax.ShapeDtypeStruct((8, UNITS), jnp.float32),
            jax.ShapeDtypeStruct((64, 1), jnp.int32),
        ],
        scratch_shapes=[pltpu.VMEM((64, TILE), jnp.int32)],
    )(inputs, ids3, W)


def _bn_swish_body(x_ref, stats_ref, g_ref, b_ref, y_ref):
    mean = stats_ref[0:1, :] / N
    ex2 = stats_ref[1:2, :] / N
    var = ex2 - mean * mean
    inv = lax.rsqrt(var + EPS)
    a = g_ref[...] * inv
    b = b_ref[...] - mean * a
    t = x_ref[...].astype(jnp.float32) * a + b
    y_ref[...] = t * (1.0 / (1.0 + jnp.exp(-t)))


def _run_bn_swish(x, stats, gamma, beta):
    return pl.pallas_call(
        _bn_swish_body,
        grid=(GRID,),
        in_specs=[
            pl.BlockSpec((TILE, UNITS), lambda i: (i, 0)),
            pl.BlockSpec((8, UNITS), lambda i: (0, 0)),
            pl.BlockSpec((1, UNITS), lambda i: (0, 0)),
            pl.BlockSpec((1, UNITS), lambda i: (0, 0)),
        ],
        out_specs=pl.BlockSpec((TILE, UNITS), lambda i: (i, 0)),
        out_shape=jax.ShapeDtypeStruct((N_PAD, UNITS), jnp.float32),
    )(x, stats, gamma, beta)


def _tail_start(src, dst_hbm, base, cnt, sem):
    off = jnp.int32(0)
    sz = 1 << (src.shape[0].bit_length() - 1)
    while sz >= 8:
        here = (cnt & sz) != 0

        @pl.when(here)
        def _(off=off, sz=sz):
            o8 = pl.multiple_of(base + off, 8)
            pltpu.async_copy(src.at[pl.ds(off, sz), :],
                             dst_hbm.at[pl.ds(o8, sz), :], sem)

        off = off + jnp.where(here, sz, 0)
        sz //= 2


def _tail_wait(src, dst_hbm, base, cnt, sem):
    off = jnp.int32(0)
    sz = 1 << (src.shape[0].bit_length() - 1)
    while sz >= 8:
        here = (cnt & sz) != 0

        @pl.when(here)
        def _(off=off, sz=sz):
            o8 = pl.multiple_of(base + off, 8)
            pltpu.make_async_copy(src.at[pl.ds(off, sz), :],
                                  dst_hbm.at[pl.ds(o8, sz), :], sem).wait()

        off = off + jnp.where(here, sz, 0)
        sz //= 2


def _find_run_end(idv, sid, q, qend):
    sidv = jnp.full((16,), sid, jnp.int32)

    def cond(p):
        in_range = p < qend
        same = plsc.all_reduce_ffs(idv[pl.ds(p, 16)] != sidv)[0] >= 16
        return jnp.logical_and(in_range, same)

    p = lax.while_loop(cond, lambda p: p + 16, q)
    f = plsc.all_reduce_ffs(idv[pl.ds(p, 16)] != sidv)[0]
    return jnp.maximum(jnp.minimum(p + f, qend), q + 1)


def _sc1_body(y_hbm, ids_hbm, bounds_hbm, feat_hbm,
              bvbuf, idv0, idv1, ybuf0, ybuf1, feat,
              sem_y0, sem_y1, sem_i0, sem_i1):
    wid = lax.axis_index("c") * 16 + lax.axis_index("s")
    pltpu.sync_copy(bounds_hbm, bvbuf.at[pl.ds(0, 40)])
    lo = bvbuf[pl.ds(wid, 16)][0]
    hi = bvbuf[pl.ds(wid + 1, 16)][0]
    n = hi - lo
    segbase = (wid * NUM_SEG) // NW
    nsegs = ((wid + 1) * NUM_SEG) // NW - segbase
    nch = (n + CHUNK - 1) // CHUNK

    ybufs = (ybuf0, ybuf1)
    idvs = (idv0, idv1)
    sems = ((sem_y0, sem_i0), (sem_y1, sem_i1))

    def issue(ci, b):
        base = lo + ci * CHUNK
        base_al = pl.multiple_of((base // 8) * 8, 8)
        pltpu.async_copy(y_hbm.at[pl.ds(base_al, CHUNK + 8), :],
                         ybufs[b], sems[b][0])
        pltpu.async_copy(ids_hbm.at[pl.ds(base_al, CHUNK + 8)],
                         idvs[b].at[pl.ds(0, CHUNK + 8)], sems[b][1])

    def wait(ci, b):
        base = lo + ci * CHUNK
        base_al = pl.multiple_of((base // 8) * 8, 8)
        pltpu.make_async_copy(y_hbm.at[pl.ds(base_al, CHUNK + 8), :],
                              ybufs[b], sems[b][0]).wait()
        pltpu.make_async_copy(ids_hbm.at[pl.ds(base_al, CHUNK + 8)],
                              idvs[b].at[pl.ds(0, CHUNK + 8)],
                              sems[b][1]).wait()

    minf = jnp.full((16,), -jnp.inf, jnp.float32)

    @pl.when(n > 0)
    def _():
        issue(0, 0)

        @pl.when(nch > 1)
        def _():
            issue(1, 1)

        def process(ci, b, carry):
            ybuf = ybufs[b]
            idv = idvs[b]
            wait(ci, b)
            base = lo + ci * CHUNK
            cnt = jnp.minimum(CHUNK, n - ci * CHUNK)
            o = base - (base // 8) * 8

            def run_body(c):
                r, m0, m1, m2, m3, prev = c
                q = o + r
                sid = idv[pl.ds(q, 16)][0]
                change = sid != prev

                @pl.when(change)
                def _():
                    foff = (prev - segbase) * 64
                    feat[pl.ds(foff, 16)] = m0
                    feat[pl.ds(foff + 16, 16)] = m1
                    feat[pl.ds(foff + 32, 16)] = m2
                    feat[pl.ds(foff + 48, 16)] = m3

                e = _find_run_end(idv, sid, q, o + cnt) - o

                y0 = ybuf[q, pl.ds(0, 16)]
                y1 = ybuf[q, pl.ds(16, 16)]
                y2 = ybuf[q, pl.ds(32, 16)]
                y3 = ybuf[q, pl.ds(48, 16)]
                m0 = jnp.where(change, y0, jnp.maximum(m0, y0))
                m1 = jnp.where(change, y1, jnp.maximum(m1, y1))
                m2 = jnp.where(change, y2, jnp.maximum(m2, y2))
                m3 = jnp.where(change, y3, jnp.maximum(m3, y3))

                def maxrow(rr, mm):
                    m0, m1, m2, m3 = mm
                    qq = o + rr
                    m0 = jnp.maximum(m0, ybuf[qq, pl.ds(0, 16)])
                    m1 = jnp.maximum(m1, ybuf[qq, pl.ds(16, 16)])
                    m2 = jnp.maximum(m2, ybuf[qq, pl.ds(32, 16)])
                    m3 = jnp.maximum(m3, ybuf[qq, pl.ds(48, 16)])
                    return m0, m1, m2, m3

                m0, m1, m2, m3 = lax.fori_loop(r + 1, e, maxrow,
                                               (m0, m1, m2, m3))
                return e, m0, m1, m2, m3, sid

            r, m0, m1, m2, m3, prev = lax.while_loop(
                lambda c: c[0] < cnt, run_body, carry)
            return jnp.int32(0), m0, m1, m2, m3, prev

        def outer(cj, carry):
            c = carry
            for b in range(2):
                ci = cj * 2 + b

                def do(c=c, ci=ci, b=b):
                    c2 = process(ci, b, c)

                    @pl.when(ci + 2 < nch)
                    def _():
                        issue(ci + 2, b)

                    return c2

                c = lax.cond(ci < nch, do, lambda c=c: c)
            return c

        init = (jnp.int32(0), minf, minf, minf, minf,
                segbase.astype(jnp.int32))
        fin = lax.fori_loop(0, (nch + 1) // 2, outer, init)
        _, m0, m1, m2, m3, prev = fin
        foff = (prev - segbase) * 64
        feat[pl.ds(foff, 16)] = m0
        feat[pl.ds(foff + 16, 16)] = m1
        feat[pl.ds(foff + 32, 16)] = m2
        feat[pl.ds(foff + 48, 16)] = m3

        pltpu.sync_copy(feat.at[pl.ds(0, 312 * 64)],
                        feat_hbm.at[pl.ds(segbase * 64, 312 * 64)])

        @pl.when(nsegs > 312)
        def _():
            pltpu.sync_copy(
                feat.at[pl.ds(312 * 64, 64)],
                feat_hbm.at[pl.ds((segbase + 312) * 64, 64)])


def _sc2_body(y_hbm, ids_hbm, wal_hbm, feat_hbm, out_hbm,
              bvbuf, idv0, idv1, ybuf0, ybuf1, slab, fbuf, obuf0, obuf1,
              sem_y0, sem_y1, sem_i0, sem_i1, sem_o0, sem_o1):
    wid = lax.axis_index("c") * 16 + lax.axis_index("s")
    pltpu.sync_copy(wal_hbm, bvbuf.at[pl.ds(0, 40)])
    lo = bvbuf[pl.ds(wid, 16)][0]
    hi = bvbuf[pl.ds(wid + 1, 16)][0]
    n = hi - lo
    segbase = (wid * NUM_SEG) // NW
    nch = (n + CHUNK2 - 1) // CHUNK2

    pltpu.sync_copy(feat_hbm.at[pl.ds(segbase * 64, SLAB * 64)], slab)

    ybufs = (ybuf0, ybuf1)
    idvs = (idv0, idv1)
    obufs = (obuf0, obuf1)
    isems = ((sem_y0, sem_i0), (sem_y1, sem_i1))
    osems = (sem_o0, sem_o1)

    def issue(ci, b):
        base = pl.multiple_of(lo + ci * CHUNK2, 8)
        pltpu.async_copy(y_hbm.at[pl.ds(base, CHUNK2), :],
                         ybufs[b], isems[b][0])
        pltpu.async_copy(ids_hbm.at[pl.ds(base, CHUNK2 + 8)],
                         idvs[b].at[pl.ds(0, CHUNK2 + 8)], isems[b][1])

    def wait_in(ci, b):
        base = pl.multiple_of(lo + ci * CHUNK2, 8)
        pltpu.make_async_copy(y_hbm.at[pl.ds(base, CHUNK2), :],
                              ybufs[b], isems[b][0]).wait()
        pltpu.make_async_copy(ids_hbm.at[pl.ds(base, CHUNK2 + 8)],
                              idvs[b].at[pl.ds(0, CHUNK2 + 8)],
                              isems[b][1]).wait()

    @pl.when(n > 0)
    def _():
        issue(0, 0)

        @pl.when(nch > 1)
        def _():
            issue(1, 1)

        def process(ci, b):
            ybuf = ybufs[b]
            idv = idvs[b]
            obuf = obufs[b]
            wait_in(ci, b)
            base = pl.multiple_of(lo + ci * CHUNK2, 8)
            cnt = jnp.minimum(CHUNK2, n - ci * CHUNK2)

            @pl.when(ci >= 2)
            def _():
                pb = pl.multiple_of(lo + (ci - 2) * CHUNK2, 8)
                pcnt = jnp.minimum(CHUNK2, n - (ci - 2) * CHUNK2)
                _tail_wait(obuf, out_hbm, pb, pcnt, osems[b])

            def run_body(c):
                (r,) = c
                sid = idv[pl.ds(r, 16)][0]
                off = sid - segbase
                e = _find_run_end(idv, sid, r, cnt)

                @pl.when(off >= 0)
                def _():
                    foff = off * 64
                    f0 = slab[pl.ds(foff, 16)]
                    f1 = slab[pl.ds(foff + 16, 16)]
                    f2 = slab[pl.ds(foff + 32, 16)]
                    f3 = slab[pl.ds(foff + 48, 16)]

                    def crow(rr, _):
                        obuf[rr, pl.ds(0, 16)] = ybuf[rr, pl.ds(0, 16)]
                        obuf[rr, pl.ds(16, 16)] = ybuf[rr, pl.ds(16, 16)]
                        obuf[rr, pl.ds(32, 16)] = ybuf[rr, pl.ds(32, 16)]
                        obuf[rr, pl.ds(48, 16)] = ybuf[rr, pl.ds(48, 16)]
                        obuf[rr, pl.ds(64, 16)] = f0
                        obuf[rr, pl.ds(80, 16)] = f1
                        obuf[rr, pl.ds(96, 16)] = f2
                        obuf[rr, pl.ds(112, 16)] = f3
                        return 0

                    lax.fori_loop(r, e, crow, 0)

                @pl.when(off < 0)
                def _():
                    pltpu.sync_copy(feat_hbm.at[pl.ds(sid * 64, 64)], fbuf)
                    f0 = fbuf[pl.ds(0, 16)]
                    f1 = fbuf[pl.ds(16, 16)]
                    f2 = fbuf[pl.ds(32, 16)]
                    f3 = fbuf[pl.ds(48, 16)]

                    def crow(rr, _):
                        obuf[rr, pl.ds(0, 16)] = ybuf[rr, pl.ds(0, 16)]
                        obuf[rr, pl.ds(16, 16)] = ybuf[rr, pl.ds(16, 16)]
                        obuf[rr, pl.ds(32, 16)] = ybuf[rr, pl.ds(32, 16)]
                        obuf[rr, pl.ds(48, 16)] = ybuf[rr, pl.ds(48, 16)]
                        obuf[rr, pl.ds(64, 16)] = f0
                        obuf[rr, pl.ds(80, 16)] = f1
                        obuf[rr, pl.ds(96, 16)] = f2
                        obuf[rr, pl.ds(112, 16)] = f3
                        return 0

                    lax.fori_loop(r, e, crow, 0)

                return (e,)

            lax.while_loop(lambda c: c[0] < cnt, run_body, (jnp.int32(0),))
            _tail_start(obuf, out_hbm, base, cnt, osems[b])

        def outer(cj, _):
            for b in range(2):
                ci = cj * 2 + b

                @pl.when(ci < nch)
                def _(ci=ci, b=b):
                    process(ci, b)

                    @pl.when(ci + 2 < nch)
                    def _():
                        issue(ci + 2, b)

            return 0

        lax.fori_loop(0, (nch + 1) // 2, outer, 0)

        for b in range(2):
            cl = jnp.where((nch - 1) % 2 == b, nch - 1, nch - 2)

            @pl.when(cl >= 0)
            def _(b=b, cl=cl):
                pb = pl.multiple_of(lo + cl * CHUNK2, 8)
                pcnt = jnp.minimum(CHUNK2, n - cl * CHUNK2)
                _tail_wait(obufs[b], out_hbm, pb, pcnt, osems[b])


def _sc_params():
    cp = pltpu.CompilerParams()
    if "needs_layout_passes" in pltpu.CompilerParams.__dataclass_fields__:
        cp = dataclasses.replace(cp, needs_layout_passes=False)
    return cp


def _run_sc(y, ids_pad, bounds, walign):
    mesh = plsc.VectorSubcoreMesh(core_axis_name="c", subcore_axis_name="s")
    cp = _sc_params()
    feat = pl.kernel(
        _sc1_body,
        out_type=jax.ShapeDtypeStruct((NSEG_PAD * 64,), jnp.float32),
        mesh=mesh,
        compiler_params=cp,
        scratch_types=[
            pltpu.VMEM((56,), jnp.int32),
            pltpu.VMEM((CHUNK + 40,), jnp.int32),
            pltpu.VMEM((CHUNK + 40,), jnp.int32),
            pltpu.VMEM((CHUNK + 8, UNITS), jnp.float32),
            pltpu.VMEM((CHUNK + 8, UNITS), jnp.float32),
            pltpu.VMEM((SEG_PW * UNITS,), jnp.float32),
            pltpu.SemaphoreType.DMA,
            pltpu.SemaphoreType.DMA,
            pltpu.SemaphoreType.DMA,
            pltpu.SemaphoreType.DMA,
        ],
    )(y, ids_pad, bounds)
    out = pl.kernel(
        _sc2_body,
        out_type=jax.ShapeDtypeStruct((N, 128), jnp.float32),
        mesh=mesh,
        compiler_params=cp,
        scratch_types=[
            pltpu.VMEM((56,), jnp.int32),
            pltpu.VMEM((CHUNK2 + 40,), jnp.int32),
            pltpu.VMEM((CHUNK2 + 40,), jnp.int32),
            pltpu.VMEM((CHUNK2, UNITS), jnp.float32),
            pltpu.VMEM((CHUNK2, UNITS), jnp.float32),
            pltpu.VMEM((SLAB * UNITS,), jnp.float32),
            pltpu.VMEM((UNITS,), jnp.float32),
            pltpu.VMEM((CHUNK2, 128), jnp.float32),
            pltpu.VMEM((CHUNK2, 128), jnp.float32),
            pltpu.SemaphoreType.DMA,
            pltpu.SemaphoreType.DMA,
            pltpu.SemaphoreType.DMA,
            pltpu.SemaphoreType.DMA,
            pltpu.SemaphoreType.DMA,
            pltpu.SemaphoreType.DMA,
        ],
    )(y, ids_pad, walign, feat)
    return out


def kernel(inputs, unq_inv, W, gamma, beta):
    ids = unq_inv.astype(jnp.int32)
    ids3 = ids.reshape(GRID, 1, TILE)
    x, stats, counts = _run_mm_stats(inputs, ids3, W)
    y = _run_bn_swish(x, stats, gamma.reshape(1, UNITS), beta.reshape(1, UNITS))
    c = counts[:NW, 0]
    zero1 = jnp.zeros((1,), jnp.int32)
    pad7 = jnp.zeros((40 - NW - 1,), jnp.int32)
    bounds = jnp.concatenate([zero1, c, pad7])
    wal = jnp.concatenate(
        [zero1, (c[: NW - 1] // 8) * 8, jnp.full((1,), N, jnp.int32), pad7])
    ids_pad = jnp.pad(ids, (0, CHUNK + 8))
    return _run_sc(y, ids_pad, bounds, wal)

# --- scband reference (transcript-rebuilt; emitter-appended) ---
"""Pipeline reference for scband-pfnlayer-386547057184 (READ-ONLY COPY).

The authoritative reference and input builder live on the scoring server;
editing this copy changes nothing except your own understanding.
"""

import jax, jax.numpy as jnp
import numpy as np

N = 320000
IN_CH = 128
UNITS = 64  # out_channels // 2 since last_layer=False
NUM_SEG = 10000
EPS = 1e-3


def setup_inputs(seed: int = 0) -> dict:
    key = jax.random.key(seed)
    k1, k2, k3 = jax.random.split(key, 3)
    inputs = jax.random.normal(k1, (N, IN_CH), dtype=jnp.float32)
    unq_inv = jnp.sort(jax.random.randint(k2, (N,), 0, NUM_SEG)).astype(jnp.int32)
    # Linear weight [out, in], no bias
    W = jax.random.normal(k3, (UNITS, IN_CH), dtype=jnp.float32) * (1.0 / np.sqrt(IN_CH))
    # BatchNorm1d affine params
    gamma = jnp.ones((UNITS,), dtype=jnp.float32)
    beta = jnp.zeros((UNITS,), dtype=jnp.float32)
    return {"inputs": inputs, "unq_inv": unq_inv, "W": W, "gamma": gamma, "beta": beta}


def reference(inputs, unq_inv, W, gamma, beta):
    # x = self.linear(inputs)
    x = inputs @ W.T
    # BatchNorm1d in training mode: normalize with batch statistics (biased var)
    mean = jnp.mean(x, axis=0)
    var = jnp.var(x, axis=0)
    x = (x - mean) / jnp.sqrt(var + EPS) * gamma + beta
    # Swish
    x = x * jax.nn.sigmoid(x)
    # scatter_max over segments, then gather back per point
    feat_max = jax.ops.segment_max(x, unq_inv, num_segments=NUM_SEG)
    x_max = feat_max[unq_inv]
    # last_vfe=False -> concatenate
    return jnp.concatenate([x, x_max], axis=1)

if __name__ == "__main__":
    import jax
    _d = setup_inputs()
    print(jax.jit(kernel)(*tuple(_d.values())))

</pallas_src>

<mosaic_0001>
#map = affine_map<(d0, d1) -> (0, 0)>
#map1 = affine_map<(d0, d1) -> (0)>
module attributes {stable_mosaic.version = 14 : i64} {
  func.func @_sc2_body(%arg0: i32, %arg1: i32, %arg2: memref<320256x64xf32, #tpu.memory_space<hbm>>, %arg3: memref<320264xi32, #tpu.memory_space<hbm>>, %arg4: memref<40xi32, #tpu.memory_space<hbm>>, %arg5: memref<641024xf32, #tpu.memory_space<hbm>>, %arg6: memref<320000x128xf32, #tpu.memory_space<hbm>>, %arg7: memref<56xi32, #tpu.memory_space<vmem>>, %arg8: memref<136xi32, #tpu.memory_space<vmem>>, %arg9: memref<136xi32, #tpu.memory_space<vmem>>, %arg10: memref<96x64xf32, #tpu.memory_space<vmem>>, %arg11: memref<96x64xf32, #tpu.memory_space<vmem>>, %arg12: memref<20480xf32, #tpu.memory_space<vmem>>, %arg13: memref<64xf32, #tpu.memory_space<vmem>>, %arg14: memref<96x128xf32, #tpu.memory_space<vmem>>, %arg15: memref<96x128xf32, #tpu.memory_space<vmem>>, %arg16: memref<!tpu.dma_semaphore, #tpu.memory_space<semaphore_mem>>, %arg17: memref<!tpu.dma_semaphore, #tpu.memory_space<semaphore_mem>>, %arg18: memref<!tpu.dma_semaphore, #tpu.memory_space<semaphore_mem>>, %arg19: memref<!tpu.dma_semaphore, #tpu.memory_space<semaphore_mem>>, %arg20: memref<!tpu.dma_semaphore, #tpu.memory_space<semaphore_mem>>, %arg21: memref<!tpu.dma_semaphore, #tpu.memory_space<semaphore_mem>>) attributes {dimension_semantics = [#tpu.dimension_semantics<core_parallel>, #tpu.dimension_semantics<subcore_parallel>], iteration_bounds = array<i64: 2, 16>, scalar_prefetch = 0 : i64, scratch_operands = 15 : i64, tpu.core_type = #tpu.core_type<sc_vector_subcore>, window_params = [{transform_indices = #map}, {transform_indices = #map1}, {transform_indices = #map1}, {transform_indices = #map1}, {transform_indices = #map}]} {
    %mul3A = arith.constant 16 : i32
    %mul3A_0 = arith.muli %arg0, %mul3A : i32
    %add3A = arith.addi %mul3A_0, %arg1 : i32
    "tpu.region"() ({
      %run_scoped3A = tpu.sem_alloc : memref<!tpu.dma_semaphore, #tpu.memory_space<semaphore_mem>>
      %dma_start3A = arith.constant 0 : i32
      %dma_start3A_59 = tpu.memref_slice %arg7[%dma_start3A] : memref<56xi32, #tpu.memory_space<vmem>> -> memref<40xi32, #tpu.memory_space<vmem>>
      %dma_start3A_60 = arith.constant 0 : i32
      %dma_start3A_61 = tpu.memref_slice %arg7[%dma_start3A_60] : memref<56xi32, #tpu.memory_space<vmem>> -> memref<40xi32, #tpu.memory_space<vmem>>
      tpu.enqueue_dma source(%arg4 : memref<40xi32, #tpu.memory_space<hbm>>) target(%dma_start3A_61 : memref<40xi32, #tpu.memory_space<vmem>>) target_semaphore(%run_scoped3A : memref<!tpu.dma_semaphore, #tpu.memory_space<semaphore_mem>>)
      %dma_wait3A = arith.constant 0 : i32
      %dma_wait3A_62 = tpu.memref_slice %arg7[%dma_wait3A] : memref<56xi32, #tpu.memory_space<vmem>> -> memref<40xi32, #tpu.memory_space<vmem>>
      %dma_wait3A_63 = arith.constant 0 : i32
      %dma_wait3A_64 = tpu.memref_slice %arg7[%dma_wait3A_63] : memref<56xi32, #tpu.memory_space<vmem>> -> memref<40xi32, #tpu.memory_space<vmem>>
      tpu.wait_dma2 semaphore(%run_scoped3A : memref<!tpu.dma_semaphore, #tpu.memory_space<semaphore_mem>>) src(%arg4 : memref<40xi32, #tpu.memory_space<hbm>>) dst(%dma_wait3A_64 : memref<40xi32, #tpu.memory_space<vmem>>)
      tpu.yield
    }) : () -> ()
    %get3A = arith.index_cast %add3A : i32 to index
    %get3A_1 = tpu.vector_load %arg7[%get3A] {strides = array<i32>} : memref<56xi32, #tpu.memory_space<vmem>>, vector<16xi32>,
    %slice3A = vector.extract_strided_slice %get3A_1 {offsets = [0], sizes = [1], strides = [1]} : vector<16xi32> to vector<1xi32>
    %squeeze3A = vector.extract %slice3A[0] : i32 from vector<1xi32>
    %add3A_2 = arith.constant 1 : i32
    %add3A_3 = arith.addi %add3A, %add3A_2 : i32
    %get3A_4 = arith.index_cast %add3A_3 : i32 to index
    %get3A_5 = tpu.vector_load %arg7[%get3A_4] {strides = array<i32>} : memref<56xi32, #tpu.memory_space<vmem>>, vector<16xi32>,
    %slice3A_6 = vector.extract_strided_slice %get3A_5 {offsets = [0], sizes = [1], strides = [1]} : vector<16xi32> to vector<1xi32>
    %squeeze3A_7 = vector.extract %slice3A_6[0] : i32 from vector<1xi32>
    %sub3A = arith.subi %squeeze3A_7, %squeeze3A : i32
    %mul3A_8 = arith.constant 10000 : i32
    %mul3A_9 = arith.muli %add3A, %mul3A_8 : i32
    %jit3A = arith.constant 32 : i32
    %div3A = arith.divsi %mul3A_9, %jit3A : i32
    %sign3A = arith.constant 0 : i32
    %sign3A_10 = arith.cmpi sgt, %mul3A_9, %sign3A : i32
    %sign3A_11 = arith.extui %sign3A_10 : i1 to i32
    %sign3A_12 = arith.constant 0 : i32
    %sign3A_13 = arith.cmpi slt, %mul3A_9, %sign3A_12 : i32
    %sign3A_14 = arith.extui %sign3A_13 : i1 to i32
    %sign3A_15 = arith.subi %sign3A_11, %sign3A_14 : i32
    %sign3A_16 = arith.constant 0 : i32
    %sign3A_17 = arith.cmpi sgt, %jit3A, %sign3A_16 : i32
    %sign3A_18 = arith.extui %sign3A_17 : i1 to i32
    %sign3A_19 = arith.constant 0 : i32
    %sign3A_20 = arith.cmpi slt, %jit3A, %sign3A_19 : i32
    %sign3A_21 = arith.extui %sign3A_20 : i1 to i32
    %sign3A_22 = arith.subi %sign3A_18, %sign3A_21 : i32
    %ne3A = arith.cmpi ne, %sign3A_15, %sign3A_22 : i32
    %rem3A = arith.remsi %mul3A_9, %jit3A : i32
    %ne3A_23 = arith.constant 0 : i32
    %ne3A_24 = arith.cmpi ne, %rem3A, %ne3A_23 : i32
    %and3A = arith.andi %ne3A, %ne3A_24 : i1
    %sub3A_25 = arith.constant 1 : i32
    %sub3A_26 = arith.subi %div3A, %sub3A_25 : i32
    %select_n3A = arith.select %and3A, %sub3A_26, %div3A : i32
    %add3A_27 = arith.constant 96 : i32
    %add3A_28 = arith.addi %sub3A, %add3A_27 : i32
    %sub3A_29 = arith.constant 1 : i32
    %sub3A_30 = arith.subi %add3A_28, %sub3A_29 : i32
    %jit3A_31 = arith.constant 96 : i32
    %div3A_32 = arith.divsi %sub3A_30, %jit3A_31 : i32
    %sign3A_33 = arith.constant 0 : i32
    %sign3A_34 = arith.cmpi sgt, %sub3A_30, %sign3A_33 : i32
    %sign3A_35 = arith.extui %sign3A_34 : i1 to i32
    %sign3A_36 = arith.constant 0 : i32
    %sign3A_37 = arith.cmpi slt, %sub3A_30, %sign3A_36 : i32
    %sign3A_38 = arith.extui %sign3A_37 : i1 to i32
    %sign3A_39 = arith.subi %sign3A_35, %sign3A_38 : i32
    %sign3A_40 = arith.constant 0 : i32
    %sign3A_41 = arith.cmpi sgt, %jit3A_31, %sign3A_40 : i32
    %sign3A_42 = arith.extui %sign3A_41 : i1 to i32
    %sign3A_43 = arith.constant 0 : i32
    %sign3A_44 = arith.cmpi slt, %jit3A_31, %sign3A_43 : i32
    %sign3A_45 = arith.extui %sign3A_44 : i1 to i32
    %sign3A_46 = arith.subi %sign3A_42, %sign3A_45 : i32
    %ne3A_47 = arith.cmpi ne, %sign3A_39, %sign3A_46 : i32
    %rem3A_48 = arith.remsi %sub3A_30, %jit3A_31 : i32
    %ne3A_49 = arith.constant 0 : i32
    %ne3A_50 = arith.cmpi ne, %rem3A_48, %ne3A_49 : i32
    %and3A_51 = arith.andi %ne3A_47, %ne3A_50 : i1
    %sub3A_52 = arith.constant 1 : i32
    %sub3A_53 = arith.subi %div3A_32, %sub3A_52 : i32
    %select_n3A_54 = arith.select %and3A_51, %sub3A_53, %div3A_32 : i32
    %mul3A_55 = arith.constant 64 : i32
    %mul3A_56 = arith.muli %select_n3A, %mul3A_55 : i32
    "tpu.region"() ({
      %run_scoped3A = tpu.sem_alloc : memref<!tpu.dma_semaphore, #tpu.memory_space<semaphore_mem>>
      %dma_start3A = tpu.memref_slice %arg5[%mul3A_56] : memref<641024xf32, #tpu.memory_space<hbm>> -> memref<20480xf32, #tpu.memory_space<hbm>>
      %dma_start3A_59 = tpu.memref_slice %arg5[%mul3A_56] : memref<641024xf32, #tpu.memory_space<hbm>> -> memref<20480xf32, #tpu.memory_space<hbm>>
      tpu.enqueue_dma source(%dma_start3A_59 : memref<20480xf32, #tpu.memory_space<hbm>>) target(%arg12 : memref<20480xf32, #tpu.memory_space<vmem>>) target_semaphore(%run_scoped3A : memref<!tpu.dma_semaphore, #tpu.memory_space<semaphore_mem>>)
      %dma_wait3A = tpu.memref_slice %arg5[%mul3A_56] : memref<641024xf32, #tpu.memory_space<hbm>> -> memref<20480xf32, #tpu.memory_space<hbm>>
      %dma_wait3A_60 = tpu.memref_slice %arg5[%mul3A_56] : memref<641024xf32, #tpu.memory_space<hbm>> -> memref<20480xf32, #tpu.memory_space<hbm>>
      tpu.wait_dma2 semaphore(%run_scoped3A : memref<!tpu.dma_semaphore, #tpu.memory_space<semaphore_mem>>) src(%dma_wait3A_60 : memref<20480xf32, #tpu.memory_space<hbm>>) dst(%arg12 : memref<20480xf32, #tpu.memory_space<vmem>>)
      tpu.yield
    }) : () -> ()
    %gt3A = arith.constant 0 : i32
    %gt3A_57 = arith.cmpi sgt, %sub3A, %gt3A : i32
    %convert_element_type3A = arith.extui %gt3A_57 : i1 to i32
    %cond3A = arith.constant 0 : i32
    %cond3A_58 = arith.cmpi ne, %convert_element_type3A, %cond3A : i32
    scf.if %cond3A_58 {
      %add3A_59 = arith.constant 0 : i32
      %add3A_60 = arith.addi %squeeze3A, %add3A_59 : i32
      %multiple_of3A = tpu.assume_multiple %add3A_60, 8 : i32
      %dma_start3A = arith.constant 0 : i32
      %dma_start3A_61 = tpu.memref_slice %arg2[%multiple_of3A, %dma_start3A] : memref<320256x64xf32, #tpu.memory_space<hbm>> -> memref<96x64xf32, #tpu.memory_space<hbm>>
      %dma_start3A_62 = arith.constant 0 : i32
      %dma_start3A_63 = tpu.memref_slice %arg2[%multiple_of3A, %dma_start3A_62] : memref<320256x64xf32, #tpu.memory_space<hbm>> -> memref<96x64xf32, #tpu.memory_space<hbm>>
      tpu.enqueue_dma source(%dma_start3A_63 : memref<96x64xf32, #tpu.memory_space<hbm>>) target(%arg10 : memref<96x64xf32, #tpu.memory_space<vmem>>) target_semaphore(%arg16 : memref<!tpu.dma_semaphore, #tpu.memory_space<semaphore_mem>>)
      %dma_start3A_64 = arith.constant 0 : i32
      %dma_start3A_65 = tpu.memref_slice %arg8[%dma_start3A_64] : memref<136xi32, #tpu.memory_space<vmem>> -> memref<104xi32, #tpu.memory_space<vmem>>
      %dma_start3A_66 = tpu.memref_slice %arg3[%multiple_of3A] : memref<320264xi32, #tpu.memory_space<hbm>> -> memref<104xi32, #tpu.memory_space<hbm>>
      %dma_start3A_67 = arith.constant 0 : i32
      %dma_start3A_68 = tpu.memref_slice %arg8[%dma_start3A_67] : memref<136xi32, #tpu.memory_space<vmem>> -> memref<104xi32, #tpu.memory_space<vmem>>
      %dma_start3A_69 = tpu.memref_slice %arg3[%multiple_of3A] : memref<320264xi32, #tpu.memory_space<hbm>> -> memref<104xi32, #tpu.memory_space<hbm>>
      tpu.enqueue_dma source(%dma_start3A_69 : memref<104xi32, #tpu.memory_space<hbm>>) target(%dma_start3A_68 : memref<104xi32, #tpu.memory_space<vmem>>) target_semaphore(%arg18 : memref<!tpu.dma_semaphore, #tpu.memory_space<semaphore_mem>>)
      %gt3A_70 = arith.constant 1 : i32
      %gt3A_71 = arith.cmpi sgt, %select_n3A_54, %gt3A_70 : i32
      %convert_element_type3A_72 = arith.extui %gt3A_71 : i1 to i32
      %cond3A_73 = arith.constant 0 : i32
      %cond3A_74 = arith.cmpi ne, %convert_element_type3A_72, %cond3A_73 : i32
      scf.if %cond3A_74 {
        %add3A_169 = arith.constant 96 : i32
        %add3A_170 = arith.addi %squeeze3A, %add3A_169 : i32
        %multiple_of3A_171 = tpu.assume_multiple %add3A_170, 8 : i32
        %dma_start3A_172 = arith.constant 0 : i32
        %dma_start3A_173 = tpu.memref_slice %arg2[%multiple_of3A_171, %dma_start3A_172] : memref<320256x64xf32, #tpu.memory_space<hbm>> -> memref<96x64xf32, #tpu.memory_space<hbm>>
        %dma_start3A_174 = arith.constant 0 : i32
        %dma_start3A_175 = tpu.memref_slice %arg2[%multiple_of3A_171, %dma_start3A_174] : memref<320256x64xf32, #tpu.memory_space<hbm>> -> memref<96x64xf32, #tpu.memory_space<hbm>>
        tpu.enqueue_dma source(%dma_start3A_175 : memref<96x64xf32, #tpu.memory_space<hbm>>) target(%arg11 : memref<96x64xf32, #tpu.memory_space<vmem>>) target_semaphore(%arg17 : memref<!tpu.dma_semaphore, #tpu.memory_space<semaphore_mem>>)
        %dma_start3A_176 = arith.constant 0 : i32
        %dma_start3A_177 = tpu.memref_slice %arg9[%dma_start3A_176] : memref<136xi32, #tpu.memory_space<vmem>> -> memref<104xi32, #tpu.memory_space<vmem>>
        %dma_start3A_178 = tpu.memref_slice %arg3[%multiple_of3A_171] : memref<320264xi32, #tpu.memory_space<hbm>> -> memref<104xi32, #tpu.memory_space<hbm>>
        %dma_start3A_179 = arith.constant 0 : i32
        %dma_start3A_180 = tpu.memref_slice %arg9[%dma_start3A_179] : memref<136xi32, #tpu.memory_space<vmem>> -> memref<104xi32, #tpu.memory_space<vmem>>
        %dma_start3A_181 = tpu.memref_slice %arg3[%multiple_of3A_171] : memref<320264xi32, #tpu.memory_space<hbm>> -> memref<104xi32, #tpu.memory_space<hbm>>
        tpu.enqueue_dma source(%dma_start3A_181 : memref<104xi32, #tpu.memory_space<hbm>>) target(%dma_start3A_180 : memref<104xi32, #tpu.memory_space<vmem>>) target_semaphore(%arg19 : memref<!tpu.dma_semaphore, #tpu.memory_space<semaphore_mem>>)
      } else {
      }
      %add3A_75 = arith.constant 1 : i32
      %add3A_76 = arith.addi %select_n3A_54, %add3A_75 : i32
      %jit3A_77 = arith.constant 2 : i32
      %div3A_78 = arith.divsi %add3A_76, %jit3A_77 : i32
      %sign3A_79 = arith.constant 0 : i32
      %sign3A_80 = arith.cmpi sgt, %add3A_76, %sign3A_79 : i32
      %sign3A_81 = arith.extui %sign3A_80 : i1 to i32
      %sign3A_82 = arith.constant 0 : i32
      %sign3A_83 = arith.cmpi slt, %add3A_76, %sign3A_82 : i32
      %sign3A_84 = arith.extui %sign3A_83 : i1 to i32
      %sign3A_85 = arith.subi %sign3A_81, %sign3A_84 : i32
      %sign3A_86 = arith.constant 0 : i32
      %sign3A_87 = arith.cmpi sgt, %jit3A_77, %sign3A_86 : i32
      %sign3A_88 = arith.extui %sign3A_87 : i1 to i32
      %sign3A_89 = arith.constant 0 : i32
      %sign3A_90 = arith.cmpi slt, %jit3A_77, %sign3A_89 : i32
      %sign3A_91 = arith.extui %sign3A_90 : i1 to i32
      %sign3A_92 = arith.subi %sign3A_88, %sign3A_91 : i32
      %ne3A_93 = arith.cmpi ne, %sign3A_85, %sign3A_92 : i32
      %rem3A_94 = arith.remsi %add3A_76, %jit3A_77 : i32
      %ne3A_95 = arith.constant 0 : i32
      %ne3A_96 = arith.cmpi ne, %rem3A_94, %ne3A_95 : i32
      %and3A_97 = arith.andi %ne3A_93, %ne3A_96 : i1
      %sub3A_98 = arith.constant 1 : i32
      %sub3A_99 = arith.subi %div3A_78, %sub3A_98 : i32
      %select_n3A_100 = arith.select %and3A_97, %sub3A_99, %div3A_78 : i32
      %while3A = arith.constant 0 : i32
      %while3A_101 = arith.constant 0 : i32
      %while3A_102 = arith.subi %select_n3A_100, %while3A : i32
      %while3A_103 = arith.addi %while3A, %while3A_102 : i32
      %while3A_104 = arith.constant 1 : i32
      %while3A_105 = arith.divsi %while3A_102, %while3A_104 : i32
      %while3A_106 = arith.muli %while3A_105, %while3A_104 : i32
      %while3A_107 = arith.addi %while3A, %while3A_106 : i32
      %while3A_108 = arith.constant 1 : i32
      %while3A_109 = scf.for %while3A_169 = %while3A to %while3A_107 step %while3A_108 iter_args(%while3A_170 = %while3A_101) -> (i32)  : i32 {
        %mul3A_171 = arith.constant 2 : i32
        %mul3A_172 = arith.muli %while3A_169, %mul3A_171 : i32
        %add3A_173 = arith.constant 0 : i32
        %add3A_174 = arith.addi %mul3A_172, %add3A_173 : i32
        %lt3A_175 = arith.cmpi slt, %add3A_174, %select_n3A_54 : i32
        %convert_element_type3A_176 = arith.extui %lt3A_175 : i1 to i32
        %cond3A_177 = arith.constant 0 : i32
        %cond3A_178 = arith.cmpi ne, %convert_element_type3A_176, %cond3A_177 : i32
        scf.if %cond3A_178 {
          %mul3A_188 = arith.constant 96 : i32
          %mul3A_189 = arith.muli %add3A_174, %mul3A_188 : i32
          %add3A_190 = arith.addi %squeeze3A, %mul3A_189 : i32
          %multiple_of3A_191 = tpu.assume_multiple %add3A_190, 8 : i32
          %dma_wait3A = arith.constant 0 : i32
          %dma_wait3A_192 = tpu.memref_slice %arg2[%multiple_of3A_191, %dma_wait3A] : memref<320256x64xf32, #tpu.memory_space<hbm>> -> memref<96x64xf32, #tpu.memory_space<hbm>>
          %dma_wait3A_193 = arith.constant 0 : i32
          %dma_wait3A_194 = tpu.memref_slice %arg2[%multiple_of3A_191, %dma_wait3A_193] : memref<320256x64xf32, #tpu.memory_space<hbm>> -> memref<96x64xf32, #tpu.memory_space<hbm>>
          tpu.wait_dma2 semaphore(%arg16 : memref<!tpu.dma_semaphore, #tpu.memory_space<semaphore_mem>>) src(%dma_wait3A_194 : memref<96x64xf32, #tpu.memory_space<hbm>>) dst(%arg10 : memref<96x64xf32, #tpu.memory_space<vmem>>)
          %dma_wait3A_195 = arith.constant 0 : i32
          %dma_wait3A_196 = tpu.memref_slice %arg8[%dma_wait3A_195] : memref<136xi32, #tpu.memory_space<vmem>> -> memref<104xi32, #tpu.memory_space<vmem>>
          %dma_wait3A_197 = tpu.memref_slice %arg3[%multiple_of3A_191] : memref<320264xi32, #tpu.memory_space<hbm>> -> memref<104xi32, #tpu.memory_space<hbm>>
          %dma_wait3A_198 = arith.constant 0 : i32
          %dma_wait3A_199 = tpu.memref_slice %arg8[%dma_wait3A_198] : memref<136xi32, #tpu.memory_space<vmem>> -> memref<104xi32, #tpu.memory_space<vmem>>
          %dma_wait3A_200 = tpu.memref_slice %arg3[%multiple_of3A_191] : memref<320264xi32, #tpu.memory_space<hbm>> -> memref<104xi32, #tpu.memory_space<hbm>>
          tpu.wait_dma2 semaphore(%arg18 : memref<!tpu.dma_semaphore, #tpu.memory_space<semaphore_mem>>) src(%dma_wait3A_200 : memref<104xi32, #tpu.memory_space<hbm>>) dst(%dma_wait3A_199 : memref<104xi32, #tpu.memory_space<vmem>>)
          %mul3A_201 = arith.constant 96 : i32
          %mul3A_202 = arith.muli %add3A_174, %mul3A_201 : i32
          %add3A_203 = arith.addi %squeeze3A, %mul3A_202 : i32
          %multiple_of3A_204 = tpu.assume_multiple %add3A_203, 8 : i32
          %mul3A_205 = arith.constant 96 : i32
          %mul3A_206 = arith.muli %add3A_174, %mul3A_205 : i32
          %sub3A_207 = arith.subi %sub3A, %mul3A_206 : i32
          %min3A = arith.constant 96 : i32
          %min3A_208 = arith.minsi %min3A, %sub3A_207 : i32
          %ge3A_209 = arith.constant 2 : i32
          %ge3A_210 = arith.cmpi sge, %add3A_174, %ge3A_209 : i32
          %convert_element_type3A_211 = arith.extui %ge3A_210 : i1 to i32
          %cond3A_212 = arith.constant 0 : i32
          %cond3A_213 = arith.cmpi ne, %convert_element_type3A_211, %cond3A_212 : i32
          scf.if %cond3A_213 {
            %sub3A_268 = arith.constant 2 : i32
            %sub3A_269 = arith.subi %add3A_174, %sub3A_268 : i32
            %mul3A_270 = arith.constant 96 : i32
            %mul3A_271 = arith.muli %sub3A_269, %mul3A_270 : i32
            %add3A_272 = arith.addi %squeeze3A, %mul3A_271 : i32
            %multiple_of3A_273 = tpu.assume_multiple %add3A_272, 8 : i32
            %sub3A_274 = arith.constant 2 : i32
            %sub3A_275 = arith.subi %add3A_174, %sub3A_274 : i32
            %mul3A_276 = arith.constant 96 : i32
            %mul3A_277 = arith.muli %sub3A_275, %mul3A_276 : i32
            %sub3A_278 = arith.subi %sub3A, %mul3A_277 : i32
            %min3A_279 = arith.constant 96 : i32
            %min3A_280 = arith.minsi %min3A_279, %sub3A_278 : i32
            %and3A_281 = arith.constant 64 : i32
            %and3A_282 = arith.andi %min3A_280, %and3A_281 : i32
            %ne3A_283 = arith.constant 0 : i32
            %ne3A_284 = arith.cmpi ne, %and3A_282, %ne3A_283 : i32
            %convert_element_type3A_285 = arith.extui %ne3A_284 : i1 to i32
            %cond3A_286 = arith.constant 0 : i32
            %cond3A_287 = arith.constant 0 : i32
            %cond3A_288 = arith.cmpi ne, %convert_element_type3A_285, %cond3A_287 : i32
            scf.if %cond3A_288 {
              %add3A_327 = arith.addi %multiple_of3A_273, %cond3A_286 : i32
              %multiple_of3A_328 = tpu.assume_multiple %add3A_327, 8 : i32
              %dma_wait3A_329 = arith.constant 0 : i32
              %dma_wait3A_330 = tpu.memref_slice %arg14[%cond3A_286, %dma_wait3A_329] : memref<96x128xf32, #tpu.memory_space<vmem>> -> memref<64x128xf32, #tpu.memory_space<vmem>>
              %dma_wait3A_331 = arith.constant 0 : i32
              %dma_wait3A_332 = tpu.memref_slice %arg6[%multiple_of3A_328, %dma_wait3A_331] : memref<320000x128xf32, #tpu.memory_space<hbm>> -> memref<64x128xf32, #tpu.memory_space<hbm>>
              %dma_wait3A_333 = arith.constant 0 : i32
              %dma_wait3A_334 = tpu.memref_slice %arg6[%multiple_of3A_328, %dma_wait3A_333] : memref<320000x128xf32, #tpu.memory_space<hbm>> -> memref<64x128xf32, #tpu.memory_space<hbm>>
              %dma_wait3A_335 = arith.constant 0 : i32
              %dma_wait3A_336 = tpu.memref_slice %arg14[%cond3A_286, %dma_wait3A_335] : memref<96x128xf32, #tpu.memory_space<vmem>> -> memref<64x128xf32, #tpu.memory_space<vmem>>
              tpu.wait_dma2 semaphore(%arg20 : memref<!tpu.dma_semaphore, #tpu.memory_space<semaphore_mem>>) src(%dma_wait3A_336 : memref<64x128xf32, #tpu.memory_space<vmem>>) dst(%dma_wait3A_334 : memref<64x128xf32, #tpu.memory_space<hbm>>)
            } else {
            }
            %jit3A_289 = arith.constant 64 : i32
            %jit3A_290 = arith.constant 0 : i32
            %select_n3A_291 = arith.select %ne3A_284, %jit3A_289, %jit3A_290 : i32
            %add3A_292 = arith.constant 0 : i32
            %add3A_293 = arith.addi %add3A_292, %select_n3A_291 : i32
            %and3A_294 = arith.constant 32 : i32
            %and3A_295 = arith.andi %min3A_280, %and3A_294 : i32
            %ne3A_296 = arith.constant 0 : i32
            %ne3A_297 = arith.cmpi ne, %and3A_295, %ne3A_296 : i32
            %convert_element_type3A_298 = arith.extui %ne3A_297 : i1 to i32
            %cond3A_299 = arith.constant 0 : i32
            %cond3A_300 = arith.cmpi ne, %convert_element_type3A_298, %cond3A_299 : i32
            scf.if %cond3A_300 {
              %add3A_327 = arith.addi %multiple_of3A_273, %add3A_293 : i32
              %multiple_of3A_328 = tpu.assume_multiple %add3A_327, 8 : i32
              %dma_wait3A_329 = arith.constant 0 : i32
              %dma_wait3A_330 = tpu.memref_slice %arg14[%add3A_293, %dma_wait3A_329] : memref<96x128xf32, #tpu.memory_space<vmem>> -> memref<32x128xf32, #tpu.memory_space<vmem>>
              %dma_wait3A_331 = arith.constant 0 : i32
              %dma_wait3A_332 = tpu.memref_slice %arg6[%multiple_of3A_328, %dma_wait3A_331] : memref<320000x128xf32, #tpu.memory_space<hbm>> -> memref<32x128xf32, #tpu.memory_space<hbm>>
              %dma_wait3A_333 = arith.constant 0 : i32
              %dma_wait3A_334 = tpu.memref_slice %arg6[%multiple_of3A_328, %dma_wait3A_333] : memref<320000x128xf32, #tpu.memory_space<hbm>> -> memref<32x128xf32, #tpu.memory_space<hbm>>
              %dma_wait3A_335 = arith.constant 0 : i32
              %dma_wait3A_336 = tpu.memref_slice %arg14[%add3A_293, %dma_wait3A_335] : memref<96x128xf32, #tpu.memory_space<vmem>> -> memref<32x128xf32, #tpu.memory_space<vmem>>
              tpu.wait_dma2 semaphore(%arg20 : memref<!tpu.dma_semaphore, #tpu.memory_space<semaphore_mem>>) src(%dma_wait3A_336 : memref<32x128xf32, #tpu.memory_space<vmem>>) dst(%dma_wait3A_334 : memref<32x128xf32, #tpu.memory_space<hbm>>)
            } else {
            }
            %jit3A_301 = arith.constant 32 : i32
            %jit3A_302 = arith.constant 0 : i32
            %select_n3A_303 = arith.select %ne3A_297, %jit3A_301, %jit3A_302 : i32
            %add3A_304 = arith.addi %add3A_293, %select_n3A_303 : i32
            %and3A_305 = arith.constant 16 : i32
            %and3A_306 = arith.andi %min3A_280, %and3A_305 : i32
            %ne3A_307 = arith.constant 0 : i32
            %ne3A_308 = arith.cmpi ne, %and3A_306, %ne3A_307 : i32
            %convert_element_type3A_309 = arith.extui %ne3A_308 : i1 to i32
            %cond3A_310 = arith.constant 0 : i32
            %cond3A_311 = arith.cmpi ne, %convert_element_type3A_309, %cond3A_310 : i32
            scf.if %cond3A_311 {
              %add3A_327 = arith.addi %multiple_of3A_273, %add3A_304 : i32
              %multiple_of3A_328 = tpu.assume_multiple %add3A_327, 8 : i32
              %dma_wait3A_329 = arith.constant 0 : i32
              %dma_wait3A_330 = tpu.memref_slice %arg14[%add3A_304, %dma_wait3A_329] : memref<96x128xf32, #tpu.memory_space<vmem>> -> memref<16x128xf32, #tpu.memory_space<vmem>>
              %dma_wait3A_331 = arith.constant 0 : i32
              %dma_wait3A_332 = tpu.memref_slice %arg6[%multiple_of3A_328, %dma_wait3A_331] : memref<320000x128xf32, #tpu.memory_space<hbm>> -> memref<16x128xf32, #tpu.memory_space<hbm>>
              %dma_wait3A_333 = arith.constant 0 : i32
              %dma_wait3A_334 = tpu.memref_slice %arg6[%multiple_of3A_328, %dma_wait3A_333] : memref<320000x128xf32, #tpu.memory_space<hbm>> -> memref<16x128xf32, #tpu.memory_space<hbm>>
              %dma_wait3A_335 = arith.constant 0 : i32
              %dma_wait3A_336 = tpu.memref_slice %arg14[%add3A_304, %dma_wait3A_335] : memref<96x128xf32, #tpu.memory_space<vmem>> -> memref<16x128xf32, #tpu.memory_space<vmem>>
              tpu.wait_dma2 semaphore(%arg20 : memref<!tpu.dma_semaphore, #tpu.memory_space<semaphore_mem>>) src(%dma_wait3A_336 : memref<16x128xf32, #tpu.memory_space<vmem>>) dst(%dma_wait3A_334 : memref<16x128xf32, #tpu.memory_space<hbm>>)
            } else {
            }
            %jit3A_312 = arith.constant 16 : i32
            %jit3A_313 = arith.constant 0 : i32
            %select_n3A_314 = arith.select %ne3A_308, %jit3A_312, %jit3A_313 : i32
            %add3A_315 = arith.addi %add3A_304, %select_n3A_314 : i32
            %and3A_316 = arith.constant 8 : i32
            %and3A_317 = arith.andi %min3A_280, %and3A_316 : i32
            %ne3A_318 = arith.constant 0 : i32
            %ne3A_319 = arith.cmpi ne, %and3A_317, %ne3A_318 : i32
            %convert_element_type3A_320 = arith.extui %ne3A_319 : i1 to i32
            %cond3A_321 = arith.constant 0 : i32
            %cond3A_322 = arith.cmpi ne, %convert_element_type3A_320, %cond3A_321 : i32
            scf.if %cond3A_322 {
              %add3A_327 = arith.addi %multiple_of3A_273, %add3A_315 : i32
              %multiple_of3A_328 = tpu.assume_multiple %add3A_327, 8 : i32
              %dma_wait3A_329 = arith.constant 0 : i32
              %dma_wait3A_330 = tpu.memref_slice %arg14[%add3A_315, %dma_wait3A_329] : memref<96x128xf32, #tpu.memory_space<vmem>> -> memref<8x128xf32, #tpu.memory_space<vmem>>
              %dma_wait3A_331 = arith.constant 0 : i32
              %dma_wait3A_332 = tpu.memref_slice %arg6[%multiple_of3A_328, %dma_wait3A_331] : memref<320000x128xf32, #tpu.memory_space<hbm>> -> memref<8x128xf32, #tpu.memory_space<hbm>>
              %dma_wait3A_333 = arith.constant 0 : i32
              %dma_wait3A_334 = tpu.memref_slice %arg6[%multiple_of3A_328, %dma_wait3A_333] : memref<320000x128xf32, #tpu.memory_space<hbm>> -> memref<8x128xf32, #tpu.memory_space<hbm>>
              %dma_wait3A_335 = arith.constant 0 : i32
              %dma_wait3A_336 = tpu.memref_slice %arg14[%add3A_315, %dma_wait3A_335] : memref<96x128xf32, #tpu.memory_space<vmem>> -> memref<8x128xf32, #tpu.memory_space<vmem>>
              tpu.wait_dma2 semaphore(%arg20 : memref<!tpu.dma_semaphore, #tpu.memory_space<semaphore_mem>>) src(%dma_wait3A_336 : memref<8x128xf32, #tpu.memory_space<vmem>>) dst(%dma_wait3A_334 : memref<8x128xf32, #tpu.memory_space<hbm>>)
            } else {
            }
            %jit3A_323 = arith.constant 8 : i32
            %jit3A_324 = arith.constant 0 : i32
            %select_n3A_325 = arith.select %ne3A_319, %jit3A_323, %jit3A_324 : i32
            %add3A_326 = arith.addi %add3A_315, %select_n3A_325 : i32
          } else {
          }
          %while3A_214 = arith.constant 0 : i32
          %while3A_215 = scf.while (%while3A_268 = %while3A_214) : (i32) -> i32 {
            %lt3A_269 = arith.cmpi slt, %while3A_268, %min3A_208 : i32
            scf.condition(%lt3A_269) %while3A_268 : i32
          } do {
          ^bb0(%while3A_268: i32):
            %get3A_269 = arith.index_cast %while3A_268 : i32 to index
            %get3A_270 = tpu.vector_load %arg8[%get3A_269] {strides = array<i32>} : memref<136xi32, #tpu.memory_space<vmem>>, vector<16xi32>,
            %slice3A_271 = vector.extract_strided_slice %get3A_270 {offsets = [0], sizes = [1], strides = [1]} : vector<16xi32> to vector<1xi32>
            %squeeze3A_272 = vector.extract %slice3A_271[0] : i32 from vector<1xi32>
            %sub3A_273 = arith.subi %squeeze3A_272, %select_n3A : i32
            %broadcast_in_dim3A = vector.broadcast %squeeze3A_272 : i32 to vector<16xi32>
            %while3A_274 = scf.while (%while3A_294 = %while3A_268) : (i32) -> i32 {
              %lt3A_295 = arith.cmpi slt, %while3A_294, %min3A_208 : i32
              %get3A_296 = arith.index_cast %while3A_294 : i32 to index
              %get3A_297 = tpu.vector_load %arg8[%get3A_296] {strides = array<i32>} : memref<136xi32, #tpu.memory_space<vmem>>, vector<16xi32>,
              %ne3A_298 = arith.cmpi ne, %get3A_297, %broadcast_in_dim3A : vector<16xi32>
              %all_reduce_ffs3A_299 = tpu.all_reduce %ne3A_298 {dim = 0 : i64, kind = #tpu.reduction_kind<find_first_set>} : vector<16xi1> -> vector<16xi32>
              %slice3A_300 = vector.extract_strided_slice %all_reduce_ffs3A_299 {offsets = [0], sizes = [1], strides = [1]} : vector<16xi32> to vector<1xi32>
              %squeeze3A_301 = vector.extract %slice3A_300[0] : i32 from vector<1xi32>
              %ge3A_302 = arith.constant 16 : i32
              %ge3A_303 = arith.cmpi sge, %squeeze3A_301, %ge3A_302 : i32
              %and3A_304 = arith.andi %lt3A_295, %ge3A_303 : i1
              scf.condition(%and3A_304) %while3A_294 : i32
            } do {
            ^bb0(%while3A_294: i32):
              %add3A_295 = arith.constant 16 : i32
              %add3A_296 = arith.addi %while3A_294, %add3A_295 : i32
              scf.yield %add3A_296 : i32
            }
            %get3A_275 = arith.index_cast %while3A_274 : i32 to index
            %get3A_276 = tpu.vector_load %arg8[%get3A_275] {strides = array<i32>} : memref<136xi32, #tpu.memory_space<vmem>>, vector<16xi32>,
            %ne3A_277 = arith.cmpi ne, %get3A_276, %broadcast_in_dim3A : vector<16xi32>
            %all_reduce_ffs3A = tpu.all_reduce %ne3A_277 {dim = 0 : i64, kind = #tpu.reduction_kind<find_first_set>} : vector<16xi1> -> vector<16xi32>
            %slice3A_278 = vector.extract_strided_slice %all_reduce_ffs3A {offsets = [0], sizes = [1], strides = [1]} : vector<16xi32> to vector<1xi32>
            %squeeze3A_279 = vector.extract %slice3A_278[0] : i32 from vector<1xi32>
            %add3A_280 = arith.addi %while3A_274, %squeeze3A_279 : i32
            %min3A_281 = arith.minsi %add3A_280, %min3A_208 : i32
            %add3A_282 = arith.constant 1 : i32
            %add3A_283 = arith.addi %while3A_268, %add3A_282 : i32
            %max3A = arith.maxsi %min3A_281, %add3A_283 : i32
            %ge3A_284 = arith.constant 0 : i32
            %ge3A_285 = arith.cmpi sge, %sub3A_273, %ge3A_284 : i32
            %convert_element_type3A_286 = arith.extui %ge3A_285 : i1 to i32
            %cond3A_287 = arith.constant 0 : i32
            %cond3A_288 = arith.cmpi ne, %convert_element_type3A_286, %cond3A_287 : i32
            scf.if %cond3A_288 {
              %mul3A_294 = arith.constant 64 : i32
              %mul3A_295 = arith.muli %sub3A_273, %mul3A_294 : i32
              %get3A_296 = arith.index_cast %mul3A_295 : i32 to index
              %get3A_297 = tpu.vector_load %arg12[%get3A_296] {strides = array<i32>} : memref<20480xf32, #tpu.memory_space<vmem>>, vector<16xf32>,
              %add3A_298 = arith.constant 16 : i32
              %add3A_299 = arith.addi %mul3A_295, %add3A_298 : i32
              %get3A_300 = arith.index_cast %add3A_299 : i32 to index
              %get3A_301 = tpu.vector_load %arg12[%get3A_300] {strides = array<i32>} : memref<20480xf32, #tpu.memory_space<vmem>>, vector<16xf32>,
              %add3A_302 = arith.constant 32 : i32
              %add3A_303 = arith.addi %mul3A_295, %add3A_302 : i32
              %get3A_304 = arith.index_cast %add3A_303 : i32 to index
              %get3A_305 = tpu.vector_load %arg12[%get3A_304] {strides = array<i32>} : memref<20480xf32, #tpu.memory_space<vmem>>, vector<16xf32>,
              %add3A_306 = arith.constant 48 : i32
              %add3A_307 = arith.addi %mul3A_295, %add3A_306 : i32
              %get3A_308 = arith.index_cast %add3A_307 : i32 to index
              %get3A_309 = tpu.vector_load %arg12[%get3A_308] {strides = array<i32>} : memref<20480xf32, #tpu.memory_space<vmem>>, vector<16xf32>,
              %while3A_310 = arith.constant 0 : i32
              %while3A_311 = arith.subi %max3A, %while3A_268 : i32
              %while3A_312 = arith.addi %while3A_268, %while3A_311 : i32
              %while3A_313 = arith.constant 1 : i32
              %while3A_314 = arith.divsi %while3A_311, %while3A_313 : i32
              %while3A_315 = arith.muli %while3A_314, %while3A_313 : i32
              %while3A_316 = arith.addi %while3A_268, %while3A_315 : i32
              %while3A_317 = arith.constant 1 : i32
              %while3A_318 = scf.for %while3A_321 = %while3A_268 to %while3A_316 step %while3A_317 iter_args(%while3A_322 = %while3A_310) -> (i32)  : i32 {
                %get3A_323 = arith.index_cast %while3A_321 : i32 to index
                %get3A_324 = arith.constant 0 : index
                %get3A_325 = tpu.vector_load %arg10[%get3A_323, %get3A_324] {strides = array<i32>} : memref<96x64xf32, #tpu.memory_space<vmem>>, vector<16xf32>,
                %swap3A = arith.index_cast %while3A_321 : i32 to index
                %swap3A_326 = arith.constant 0 : index
                %swap3A_327 = tpu.vector_load %arg14[%swap3A, %swap3A_326] {strides = array<i32>} : memref<96x128xf32, #tpu.memory_space<vmem>>, vector<16xf32>,
                tpu.vector_store %arg14[%swap3A, %swap3A_326], %get3A_325 {strides = array<i32>} : memref<96x128xf32, #tpu.memory_space<vmem>>, vector<16xf32>,
                %get3A_328 = arith.index_cast %while3A_321 : i32 to index
                %get3A_329 = arith.constant 16 : index
                %get3A_330 = tpu.vector_load %arg10[%get3A_328, %get3A_329] {strides = array<i32>} : memref<96x64xf32, #tpu.memory_space<vmem>>, vector<16xf32>,
                %swap3A_331 = arith.index_cast %while3A_321 : i32 to index
                %swap3A_332 = arith.constant 16 : index
                %swap3A_333 = tpu.vector_load %arg14[%swap3A_331, %swap3A_332] {strides = array<i32>} : memref<96x128xf32, #tpu.memory_space<vmem>>, vector<16xf32>,
                tpu.vector_store %arg14[%swap3A_331, %swap3A_332], %get3A_330 {strides = array<i32>} : memref<96x128xf32, #tpu.memory_space<vmem>>, vector<16xf32>,
                %get3A_334 = arith.index_cast %while3A_321 : i32 to index
                %get3A_335 = arith.constant 32 : index
                %get3A_336 = tpu.vector_load %arg10[%get3A_334, %get3A_335] {strides = array<i32>} : memref<96x64xf32, #tpu.memory_space<vmem>>, vector<16xf32>,
                %swap3A_337 = arith.index_cast %while3A_321 : i32 to index
                %swap3A_338 = arith.constant 32 : index
                %swap3A_339 = tpu.vector_load %arg14[%swap3A_337, %swap3A_338] {strides = array<i32>} : memref<96x128xf32, #tpu.memory_space<vmem>>, vector<16xf32>,
                tpu.vector_store %arg14[%swap3A_337, %swap3A_338], %get3A_336 {strides = array<i32>} : memref<96x128xf32, #tpu.memory_space<vmem>>, vector<16xf32>,
                %get3A_340 = arith.index_cast %while3A_321 : i32 to index
                %get3A_341 = arith.constant 48 : index
                %get3A_342 = tpu.vector_load %arg10[%get3A_340, %get3A_341] {strides = array<i32>} : memref<96x64xf32, #tpu.memory_space<vmem>>, vector<16xf32>,
                %swap3A_343 = arith.index_cast %while3A_321 : i32 to index
                %swap3A_344 = arith.constant 48 : index
                %swap3A_345 = tpu.vector_load %arg14[%swap3A_343, %swap3A_344] {strides = array<i32>} : memref<96x128xf32, #tpu.memory_space<vmem>>, vector<16xf32>,
                tpu.vector_store %arg14[%swap3A_343, %swap3A_344], %get3A_342 {strides = array<i32>} : memref<96x128xf32, #tpu.memory_space<vmem>>, vector<16xf32>,
                %swap3A_346 = arith.index_cast %while3A_321 : i32 to index
                %swap3A_347 = arith.constant 64 : index
                %swap3A_348 = tpu.vector_load %arg14[%swap3A_346, %swap3A_347] {strides = array<i32>} : memref<96x128xf32, #tpu.memory_space<vmem>>, vector<16xf32>,
                tpu.vector_store %arg14[%swap3A_346, %swap3A_347], %get3A_297 {strides = array<i32>} : memref<96x128xf32, #tpu.memory_space<vmem>>, vector<16xf32>,
                %swap3A_349 = arith.index_cast %while3A_321 : i32 to index
                %swap3A_350 = arith.constant 80 : index
                %swap3A_351 = tpu.vector_load %arg14[%swap3A_349, %swap3A_350] {strides = array<i32>} : memref<96x128xf32, #tpu.memory_space<vmem>>, vector<16xf32>,
                tpu.vector_store %arg14[%swap3A_349, %swap3A_350], %get3A_301 {strides = array<i32>} : memref<96x128xf32, #tpu.memory_space<vmem>>, vector<16xf32>,
                %swap3A_352 = arith.index_cast %while3A_321 : i32 to index
                %swap3A_353 = arith.constant 96 : index
                %swap3A_354 = tpu.vector_load %arg14[%swap3A_352, %swap3A_353] {strides = array<i32>} : memref<96x128xf32, #tpu.memory_space<vmem>>, vector<16xf32>,
                tpu.vector_store %arg14[%swap3A_352, %swap3A_353], %get3A_305 {strides = array<i32>} : memref<96x128xf32, #tpu.memory_space<vmem>>, vector<16xf32>,
                %swap3A_355 = arith.index_cast %while3A_321 : i32 to index
                %swap3A_356 = arith.constant 112 : index
                %swap3A_357 = tpu.vector_load %arg14[%swap3A_355, %swap3A_356] {strides = array<i32>} : memref<96x128xf32, #tpu.memory_space<vmem>>, vector<16xf32>,
                tpu.vector_store %arg14[%swap3A_355, %swap3A_356], %get3A_309 {strides = array<i32>} : memref<96x128xf32, #tpu.memory_space<vmem>>, vector<16xf32>,
                %while3A_358 = arith.constant 0 : i32
                scf.yield %while3A_358 : i32
              }
              %while3A_319 = arith.constant 1 : i32
              %while3A_320 = scf.for %while3A_321 = %while3A_316 to %while3A_312 step %while3A_319 iter_args(%while3A_322 = %while3A_318) -> (i32)  : i32 {
                %get3A_323 = arith.index_cast %while3A_321 : i32 to index
                %get3A_324 = arith.constant 0 : index
                %get3A_325 = tpu.vector_load %arg10[%get3A_323, %get3A_324] {strides = array<i32>} : memref<96x64xf32, #tpu.memory_space<vmem>>, vector<16xf32>,
                %swap3A = arith.index_cast %while3A_321 : i32 to index
                %swap3A_326 = arith.constant 0 : index
                %swap3A_327 = tpu.vector_load %arg14[%swap3A, %swap3A_326] {strides = array<i32>} : memref<96x128xf32, #tpu.memory_space<vmem>>, vector<16xf32>,
                tpu.vector_store %arg14[%swap3A, %swap3A_326], %get3A_325 {strides = array<i32>} : memref<96x128xf32, #tpu.memory_space<vmem>>, vector<16xf32>,
                %get3A_328 = arith.index_cast %while3A_321 : i32 to index
                %get3A_329 = arith.constant 16 : index
                %get3A_330 = tpu.vector_load %arg10[%get3A_328, %get3A_329] {strides = array<i32>} : memref<96x64xf32, #tpu.memory_space<vmem>>, vector<16xf32>,
                %swap3A_331 = arith.index_cast %while3A_321 : i32 to index
                %swap3A_332 = arith.constant 16 : index
                %swap3A_333 = tpu.vector_load %arg14[%swap3A_331, %swap3A_332] {strides = array<i32>} : memref<96x128xf32, #tpu.memory_space<vmem>>, vector<16xf32>,
                tpu.vector_store %arg14[%swap3A_331, %swap3A_332], %get3A_330 {strides = array<i32>} : memref<96x128xf32, #tpu.memory_space<vmem>>, vector<16xf32>,
                %get3A_334 = arith.index_cast %while3A_321 : i32 to index
                %get3A_335 = arith.constant 32 : index
                %get3A_336 = tpu.vector_load %arg10[%get3A_334, %get3A_335] {strides = array<i32>} : memref<96x64xf32, #tpu.memory_space<vmem>>, vector<16xf32>,
                %swap3A_337 = arith.index_cast %while3A_321 : i32 to index
                %swap3A_338 = arith.constant 32 : index
                %swap3A_339 = tpu.vector_load %arg14[%swap3A_337, %swap3A_338] {strides = array<i32>} : memref<96x128xf32, #tpu.memory_space<vmem>>, vector<16xf32>,
                tpu.vector_store %arg14[%swap3A_337, %swap3A_338], %get3A_336 {strides = array<i32>} : memref<96x128xf32, #tpu.memory_space<vmem>>, vector<16xf32>,
                %get3A_340 = arith.index_cast %while3A_321 : i32 to index
                %get3A_341 = arith.constant 48 : index
                %get3A_342 = tpu.vector_load %arg10[%get3A_340, %get3A_341] {strides = array<i32>} : memref<96x64xf32, #tpu.memory_space<vmem>>, vector<16xf32>,
                %swap3A_343 = arith.index_cast %while3A_321 : i32 to index
                %swap3A_344 = arith.constant 48 : index
                %swap3A_345 = tpu.vector_load %arg14[%swap3A_343, %swap3A_344] {strides = array<i32>} : memref<96x128xf32, #tpu.memory_space<vmem>>, vector<16xf32>,
                tpu.vector_store %arg14[%swap3A_343, %swap3A_344], %get3A_342 {strides = array<i32>} : memref<96x128xf32, #tpu.memory_space<vmem>>, vector<16xf32>,
                %swap3A_346 = arith.index_cast %while3A_321 : i32 to index
                %swap3A_347 = arith.constant 64 : index
                %swap3A_348 = tpu.vector_load %arg14[%swap3A_346, %swap3A_347] {strides = array<i32>} : memref<96x128xf32, #tpu.memory_space<vmem>>, vector<16xf32>,
                tpu.vector_store %arg14[%swap3A_346, %swap3A_347], %get3A_297 {strides = array<i32>} : memref<96x128xf32, #tpu.memory_space<vmem>>, vector<16xf32>,
                %swap3A_349 = arith.index_cast %while3A_321 : i32 to index
                %swap3A_350 = arith.constant 80 : index
                %swap3A_351 = tpu.vector_load %arg14[%swap3A_349, %swap3A_350] {strides = array<i32>} : memref<96x128xf32, #tpu.memory_space<vmem>>, vector<16xf32>,
                tpu.vector_store %arg14[%swap3A_349, %swap3A_350], %get3A_301 {strides = array<i32>} : memref<96x128xf32, #tpu.memory_space<vmem>>, vector<16xf32>,
                %swap3A_352 = arith.index_cast %while3A_321 : i32 to index
                %swap3A_353 = arith.constant 96 : index
                %swap3A_354 = tpu.vector_load %arg14[%swap3A_352, %swap3A_353] {strides = array<i32>} : memref<96x128xf32, #tpu.memory_space<vmem>>, vector<16xf32>,
                tpu.vector_store %arg14[%swap3A_352, %swap3A_353], %get3A_305 {strides = array<i32>} : memref<96x128xf32, #tpu.memory_space<vmem>>, vector<16xf32>,
                %swap3A_355 = arith.index_cast %while3A_321 : i32 to index
                %swap3A_356 = arith.constant 112 : index
                %swap3A_357 = tpu.vector_load %arg14[%swap3A_355, %swap3A_356] {strides = array<i32>} : memref<96x128xf32, #tpu.memory_space<vmem>>, vector<16xf32>,
                tpu.vector_store %arg14[%swap3A_355, %swap3A_356], %get3A_309 {strides = array<i32>} : memref<96x128xf32, #tpu.memory_space<vmem>>, vector<16xf32>,
                %while3A_358 = arith.constant 0 : i32
                scf.yield %while3A_358 : i32
              }
            } else {
            }
            %lt3A_289 = arith.constant 0 : i32
            %lt3A_290 = arith.cmpi slt, %sub3A_273, %lt3A_289 : i32
            %convert_element_type3A_291 = arith.extui %lt3A_290 : i1 to i32
            %cond3A_292 = arith.constant 0 : i32
            %cond3A_293 = arith.cmpi ne, %convert_element_type3A_291, %cond3A_292 : i32
            scf.if %cond3A_293 {
              %mul3A_294 = arith.constant 64 : i32
              %mul3A_295 = arith.muli %squeeze3A_272, %mul3A_294 : i32
              "tpu.region"() ({
                %run_scoped3A = tpu.sem_alloc : memref<!tpu.dma_semaphore, #tpu.memory_space<semaphore_mem>>
                %dma_start3A_315 = tpu.memref_slice %arg5[%mul3A_295] : memref<641024xf32, #tpu.memory_space<hbm>> -> memref<64xf32, #tpu.memory_space<hbm>>
                %dma_start3A_316 = tpu.memref_slice %arg5[%mul3A_295] : memref<641024xf32, #tpu.memory_space<hbm>> -> memref<64xf32, #tpu.memory_space<hbm>>
                tpu.enqueue_dma source(%dma_start3A_316 : memref<64xf32, #tpu.memory_space<hbm>>) target(%arg13 : memref<64xf32, #tpu.memory_space<vmem>>) target_semaphore(%run_scoped3A : memref<!tpu.dma_semaphore, #tpu.memory_space<semaphore_mem>>)
                %dma_wait3A_317 = tpu.memref_slice %arg5[%mul3A_295] : memref<641024xf32, #tpu.memory_space<hbm>> -> memref<64xf32, #tpu.memory_space<hbm>>
                %dma_wait3A_318 = tpu.memref_slice %arg5[%mul3A_295] : memref<641024xf32, #tpu.memory_space<hbm>> -> memref<64xf32, #tpu.memory_space<hbm>>
                tpu.wait_dma2 semaphore(%run_scoped3A : memref<!tpu.dma_semaphore, #tpu.memory_space<semaphore_mem>>) src(%dma_wait3A_318 : memref<64xf32, #tpu.memory_space<hbm>>) dst(%arg13 : memref<64xf32, #tpu.memory_space<vmem>>)
                tpu.yield
              }) : () -> ()
              %get3A_296 = arith.constant 0 : index
              %get3A_297 = tpu.vector_load %arg13[%get3A_296] {strides = array<i32>} : memref<64xf32, #tpu.memory_space<vmem>>, vector<16xf32>,
              %get3A_298 = arith.constant 16 : index
              %get3A_299 = tpu.vector_load %arg13[%get3A_298] {strides = array<i32>} : memref<64xf32, #tpu.memory_space<vmem>>, vector<16xf32>,
              %get3A_300 = arith.constant 32 : index
              %get3A_301 = tpu.vector_load %arg13[%get3A_300] {strides = array<i32>} : memref<64xf32, #tpu.memory_space<vmem>>, vector<16xf32>,
              %get3A_302 = arith.constant 48 : index
              %get3A_303 = tpu.vector_load %arg13[%get3A_302] {strides = array<i32>} : memref<64xf32, #tpu.memory_space<vmem>>, vector<16xf32>,
              %while3A_304 = arith.constant 0 : i32
              %while3A_305 = arith.subi %max3A, %while3A_268 : i32
              %while3A_306 = arith.addi %while3A_268, %while3A_305 : i32
              %while3A_307 = arith.constant 1 : i32
              %while3A_308 = arith.divsi %while3A_305, %while3A_307 : i32
              %while3A_309 = arith.muli %while3A_308, %while3A_307 : i32
              %while3A_310 = arith.addi %while3A_268, %while3A_309 : i32
              %while3A_311 = arith.constant 1 : i32
              %while3A_312 = scf.for %while3A_315 = %while3A_268 to %while3A_310 step %while3A_311 iter_args(%while3A_316 = %while3A_304) -> (i32)  : i32 {
                %get3A_317 = arith.index_cast %while3A_315 : i32 to index
                %get3A_318 = arith.constant 0 : index
                %get3A_319 = tpu.vector_load %arg10[%get3A_317, %get3A_318] {strides = array<i32>} : memref<96x64xf32, #tpu.memory_space<vmem>>, vector<16xf32>,
                %swap3A = arith.index_cast %while3A_315 : i32 to index
                %swap3A_320 = arith.constant 0 : index
                %swap3A_321 = tpu.vector_load %arg14[%swap3A, %swap3A_320] {strides = array<i32>} : memref<96x128xf32, #tpu.memory_space<vmem>>, vector<16xf32>,
                tpu.vector_store %arg14[%swap3A, %swap3A_320], %get3A_319 {strides = array<i32>} : memref<96x128xf32, #tpu.memory_space<vmem>>, vector<16xf32>,
                %get3A_322 = arith.index_cast %while3A_315 : i32 to index
                %get3A_323 = arith.constant 16 : index
                %get3A_324 = tpu.vector_load %arg10[%get3A_322, %get3A_323] {strides = array<i32>} : memref<96x64xf32, #tpu.memory_space<vmem>>, vector<16xf32>,
                %swap3A_325 = arith.index_cast %while3A_315 : i32 to index
                %swap3A_326 = arith.constant 16 : index
                %swap3A_327 = tpu.vector_load %arg14[%swap3A_325, %swap3A_326] {strides = array<i32>} : memref<96x128xf32, #tpu.memory_space<vmem>>, vector<16xf32>,
                tpu.vector_store %arg14[%swap3A_325, %swap3A_326], %get3A_324 {strides = array<i32>} : memref<96x128xf32, #tpu.memory_space<vmem>>, vector<16xf32>,
                %get3A_328 = arith.index_cast %while3A_315 : i32 to index
                %get3A_329 = arith.constant 32 : index
                %get3A_330 = tpu.vector_load %arg10[%get3A_328, %get3A_329] {strides = array<i32>} : memref<96x64xf32, #tpu.memory_space<vmem>>, vector<16xf32>,
                %swap3A_331 = arith.index_cast %while3A_315 : i32 to index
                %swap3A_332 = arith.constant 32 : index
                %swap3A_333 = tpu.vector_load %arg14[%swap3A_331, %swap3A_332] {strides = array<i32>} : memref<96x128xf32, #tpu.memory_space<vmem>>, vector<16xf32>,
                tpu.vector_store %arg14[%swap3A_331, %swap3A_332], %get3A_330 {strides = array<i32>} : memref<96x128xf32, #tpu.memory_space<vmem>>, vector<16xf32>,
                %get3A_334 = arith.index_cast %while3A_315 : i32 to index
                %get3A_335 = arith.constant 48 : index
                %get3A_336 = tpu.vector_load %arg10[%get3A_334, %get3A_335] {strides = array<i32>} : memref<96x64xf32, #tpu.memory_space<vmem>>, vector<16xf32>,
                %swap3A_337 = arith.index_cast %while3A_315 : i32 to index
                %swap3A_338 = arith.constant 48 : index
                %swap3A_339 = tpu.vector_load %arg14[%swap3A_337, %swap3A_338] {strides = array<i32>} : memref<96x128xf32, #tpu.memory_space<vmem>>, vector<16xf32>,
                tpu.vector_store %arg14[%swap3A_337, %swap3A_338], %get3A_336 {strides = array<i32>} : memref<96x128xf32, #tpu.memory_space<vmem>>, vector<16xf32>,
                %swap3A_340 = arith.index_cast %while3A_315 : i32 to index
                %swap3A_341 = arith.constant 64 : index
                %swap3A_342 = tpu.vector_load %arg14[%swap3A_340, %swap3A_341] {strides = array<i32>} : memref<96x128xf32, #tpu.memory_space<vmem>>, vector<16xf32>,
                tpu.vector_store %arg14[%swap3A_340, %swap3A_341], %get3A_297 {strides = array<i32>} : memref<96x128xf32, #tpu.memory_space<vmem>>, vector<16xf32>,
                %swap3A_343 = arith.index_cast %while3A_315 : i32 to index
                %swap3A_344 = arith.constant 80 : index
                %swap3A_345 = tpu.vector_load %arg14[%swap3A_343, %swap3A_344] {strides = array<i32>} : memref<96x128xf32, #tpu.memory_space<vmem>>, vector<16xf32>,
                tpu.vector_store %arg14[%swap3A_343, %swap3A_344], %get3A_299 {strides = array<i32>} : memref<96x128xf32, #tpu.memory_space<vmem>>, vector<16xf32>,
                %swap3A_346 = arith.index_cast %while3A_315 : i32 to index
                %swap3A_347 = arith.constant 96 : index
                %swap3A_348 = tpu.vector_load %arg14[%swap3A_346, %swap3A_347] {strides = array<i32>} : memref<96x128xf32, #tpu.memory_space<vmem>>, vector<16xf32>,
                tpu.vector_store %arg14[%swap3A_346, %swap3A_347], %get3A_301 {strides = array<i32>} : memref<96x128xf32, #tpu.memory_space<vmem>>, vector<16xf32>,
                %swap3A_349 = arith.index_cast %while3A_315 : i32 to index
                %swap3A_350 = arith.constant 112 : index
                %swap3A_351 = tpu.vector_load %arg14[%swap3A_349, %swap3A_350] {strides = array<i32>} : memref<96x128xf32, #tpu.memory_space<vmem>>, vector<16xf32>,
                tpu.vector_store %arg14[%swap3A_349, %swap3A_350], %get3A_303 {strides = array<i32>} : memref<96x128xf32, #tpu.memory_space<vmem>>, vector<16xf32>,
                %while3A_352 = arith.constant 0 : i32
                scf.yield %while3A_352 : i32
              }
              %while3A_313 = arith.constant 1 : i32
              %while3A_314 = scf.for %while3A_315 = %while3A_310 to %while3A_306 step %while3A_313 iter_args(%while3A_316 = %while3A_312) -> (i32)  : i32 {
                %get3A_317 = arith.index_cast %while3A_315 : i32 to index
                %get3A_318 = arith.constant 0 : index
                %get3A_319 = tpu.vector_load %arg10[%get3A_317, %get3A_318] {strides = array<i32>} : memref<96x64xf32, #tpu.memory_space<vmem>>, vector<16xf32>,
                %swap3A = arith.index_cast %while3A_315 : i32 to index
                %swap3A_320 = arith.constant 0 : index
                %swap3A_321 = tpu.vector_load %arg14[%swap3A, %swap3A_320] {strides = array<i32>} : memref<96x128xf32, #tpu.memory_space<vmem>>, vector<16xf32>,
                tpu.vector_store %arg14[%swap3A, %swap3A_320], %get3A_319 {strides = array<i32>} : memref<96x128xf32, #tpu.memory_space<vmem>>, vector<16xf32>,
                %get3A_322 = arith.index_cast %while3A_315 : i32 to index
                %get3A_323 = arith.constant 16 : index
                %get3A_324 = tpu.vector_load %arg10[%get3A_322, %get3A_323] {strides = array<i32>} : memref<96x64xf32, #tpu.memory_space<vmem>>, vector<16xf32>,
                %swap3A_325 = arith.index_cast %while3A_315 : i32 to index
                %swap3A_326 = arith.constant 16 : index
                %swap3A_327 = tpu.vector_load %arg14[%swap3A_325, %swap3A_326] {strides = array<i32>} : memref<96x128xf32, #tpu.memory_space<vmem>>, vector<16xf32>,
                tpu.vector_store %arg14[%swap3A_325, %swap3A_326], %get3A_324 {strides = array<i32>} : memref<96x128xf32, #tpu.memory_space<vmem>>, vector<16xf32>,
                %get3A_328 = arith.index_cast %while3A_315 : i32 to index
                %get3A_329 = arith.constant 32 : index
                %get3A_330 = tpu.vector_load %arg10[%get3A_328, %get3A_329] {strides = array<i32>} : memref<96x64xf32, #tpu.memory_space<vmem>>, vector<16xf32>,
                %swap3A_331 = arith.index_cast %while3A_315 : i32 to index
                %swap3A_332 = arith.constant 32 : index
                %swap3A_333 = tpu.vector_load %arg14[%swap3A_331, %swap3A_332] {strides = array<i32>} : memref<96x128xf32, #tpu.memory_space<vmem>>, vector<16xf32>,
                tpu.vector_store %arg14[%swap3A_331, %swap3A_332], %get3A_330 {strides = array<i32>} : memref<96x128xf32, #tpu.memory_space<vmem>>, vector<16xf32>,
                %get3A_334 = arith.index_cast %while3A_315 : i32 to index
                %get3A_335 = arith.constant 48 : index
                %get3A_336 = tpu.vector_load %arg10[%get3A_334, %get3A_335] {strides = array<i32>} : memref<96x64xf32, #tpu.memory_space<vmem>>, vector<16xf32>,
                %swap3A_337 = arith.index_cast %while3A_315 : i32 to index
                %swap3A_338 = arith.constant 48 : index
                %swap3A_339 = tpu.vector_load %arg14[%swap3A_337, %swap3A_338] {strides = array<i32>} : memref<96x128xf32, #tpu.memory_space<vmem>>, vector<16xf32>,
                tpu.vector_store %arg14[%swap3A_337, %swap3A_338], %get3A_336 {strides = array<i32>} : memref<96x128xf32, #tpu.memory_space<vmem>>, vector<16xf32>,
                %swap3A_340 = arith.index_cast %while3A_315 : i32 to index
                %swap3A_341 = arith.constant 64 : index
                %swap3A_342 = tpu.vector_load %arg14[%swap3A_340, %swap3A_341] {strides = array<i32>} : memref<96x128xf32, #tpu.memory_space<vmem>>, vector<16xf32>,
                tpu.vector_store %arg14[%swap3A_340, %swap3A_341], %get3A_297 {strides = array<i32>} : memref<96x128xf32, #tpu.memory_space<vmem>>, vector<16xf32>,
                %swap3A_343 = arith.index_cast %while3A_315 : i32 to index
                %swap3A_344 = arith.constant 80 : index
                %swap3A_345 = tpu.vector_load %arg14[%swap3A_343, %swap3A_344] {strides = array<i32>} : memref<96x128xf32, #tpu.memory_space<vmem>>, vector<16xf32>,
                tpu.vector_store %arg14[%swap3A_343, %swap3A_344], %get3A_299 {strides = array<i32>} : memref<96x128xf32, #tpu.memory_space<vmem>>, vector<16xf32>,
                %swap3A_346 = arith.index_cast %while3A_315 : i32 to index
                %swap3A_347 = arith.constant 96 : index
                %swap3A_348 = tpu.vector_load %arg14[%swap3A_346, %swap3A_347] {strides = array<i32>} : memref<96x128xf32, #tpu.memory_space<vmem>>, vector<16xf32>,
                tpu.vector_store %arg14[%swap3A_346, %swap3A_347], %get3A_301 {strides = array<i32>} : memref<96x128xf32, #tpu.memory_space<vmem>>, vector<16xf32>,
                %swap3A_349 = arith.index_cast %while3A_315 : i32 to index
                %swap3A_350 = arith.constant 112 : index
                %swap3A_351 = tpu.vector_load %arg14[%swap3A_349, %swap3A_350] {strides = array<i32>} : memref<96x128xf32, #tpu.memory_space<vmem>>, vector<16xf32>,
                tpu.vector_store %arg14[%swap3A_349, %swap3A_350], %get3A_303 {strides = array<i32>} : memref<96x128xf32, #tpu.memory_space<vmem>>, vector<16xf32>,
                %while3A_352 = arith.constant 0 : i32
                scf.yield %while3A_352 : i32
              }
            } else {
            }
            scf.yield %max3A : i32
          }
          %and3A_216 = arith.constant 64 : i32
          %and3A_217 = arith.andi %min3A_208, %and3A_216 : i32
          %ne3A_218 = arith.constant 0 : i32
          %ne3A_219 = arith.cmpi ne, %and3A_217, %ne3A_218 : i32
          %convert_element_type3A_220 = arith.extui %ne3A_219 : i1 to i32
          %cond3A_221 = arith.constant 0 : i32
          %cond3A_222 = arith.constant 0 : i32
          %cond3A_223 = arith.cmpi ne, %convert_element_type3A_220, %cond3A_222 : i32
          scf.if %cond3A_223 {
            %add3A_268 = arith.addi %multiple_of3A_204, %cond3A_221 : i32
            %multiple_of3A_269 = tpu.assume_multiple %add3A_268, 8 : i32
            %dma_start3A_270 = arith.constant 0 : i32
            %dma_start3A_271 = tpu.memref_slice %arg14[%cond3A_221, %dma_start3A_270] : memref<96x128xf32, #tpu.memory_space<vmem>> -> memref<64x128xf32, #tpu.memory_space<vmem>>
            %dma_start3A_272 = arith.constant 0 : i32
            %dma_start3A_273 = tpu.memref_slice %arg6[%multiple_of3A_269, %dma_start3A_272] : memref<320000x128xf32, #tpu.memory_space<hbm>> -> memref<64x128xf32, #tpu.memory_space<hbm>>
            %dma_start3A_274 = arith.constant 0 : i32
            %dma_start3A_275 = tpu.memref_slice %arg6[%multiple_of3A_269, %dma_start3A_274] : memref<320000x128xf32, #tpu.memory_space<hbm>> -> memref<64x128xf32, #tpu.memory_space<hbm>>
            %dma_start3A_276 = arith.constant 0 : i32
            %dma_start3A_277 = tpu.memref_slice %arg14[%cond3A_221, %dma_start3A_276] : memref<96x128xf32, #tpu.memory_space<vmem>> -> memref<64x128xf32, #tpu.memory_space<vmem>>
            tpu.enqueue_dma source(%dma_start3A_277 : memref<64x128xf32, #tpu.memory_space<vmem>>) target(%dma_start3A_275 : memref<64x128xf32, #tpu.memory_space<hbm>>) target_semaphore(%arg20 : memref<!tpu.dma_semaphore, #tpu.memory_space<semaphore_mem>>)
          } else {
          }
          %jit3A_224 = arith.constant 64 : i32
          %jit3A_225 = arith.constant 0 : i32
          %select_n3A_226 = arith.select %ne3A_219, %jit3A_224, %jit3A_225 : i32
          %add3A_227 = arith.constant 0 : i32
          %add3A_228 = arith.addi %add3A_227, %select_n3A_226 : i32
          %and3A_229 = arith.constant 32 : i32
          %and3A_230 = arith.andi %min3A_208, %and3A_229 : i32
          %ne3A_231 = arith.constant 0 : i32
          %ne3A_232 = arith.cmpi ne, %and3A_230, %ne3A_231 : i32
          %convert_element_type3A_233 = arith.extui %ne3A_232 : i1 to i32
          %cond3A_234 = arith.constant 0 : i32
          %cond3A_235 = arith.cmpi ne, %convert_element_type3A_233, %cond3A_234 : i32
          scf.if %cond3A_235 {
            %add3A_268 = arith.addi %multiple_of3A_204, %add3A_228 : i32
            %multiple_of3A_269 = tpu.assume_multiple %add3A_268, 8 : i32
            %dma_start3A_270 = arith.constant 0 : i32
            %dma_start3A_271 = tpu.memref_slice %arg14[%add3A_228, %dma_start3A_270] : memref<96x128xf32, #tpu.memory_space<vmem>> -> memref<32x128xf32, #tpu.memory_space<vmem>>
            %dma_start3A_272 = arith.constant 0 : i32
            %dma_start3A_273 = tpu.memref_slice %arg6[%multiple_of3A_269, %dma_start3A_272] : memref<320000x128xf32, #tpu.memory_space<hbm>> -> memref<32x128xf32, #tpu.memory_space<hbm>>
            %dma_start3A_274 = arith.constant 0 : i32
            %dma_start3A_275 = tpu.memref_slice %arg6[%multiple_of3A_269, %dma_start3A_274] : memref<320000x128xf32, #tpu.memory_space<hbm>> -> memref<32x128xf32, #tpu.memory_space<hbm>>
            %dma_start3A_276 = arith.constant 0 : i32
            %dma_start3A_277 = tpu.memref_slice %arg14[%add3A_228, %dma_start3A_276] : memref<96x128xf32, #tpu.memory_space<vmem>> -> memref<32x128xf32, #tpu.memory_space<vmem>>
            tpu.enqueue_dma source(%dma_start3A_277 : memref<32x128xf32, #tpu.memory_space<vmem>>) target(%dma_start3A_275 : memref<32x128xf32, #tpu.memory_space<hbm>>) target_semaphore(%arg20 : memref<!tpu.dma_semaphore, #tpu.memory_space<semaphore_mem>>)
          } else {
          }
          %jit3A_236 = arith.constant 32 : i32
          %jit3A_237 = arith.constant 0 : i32
          %select_n3A_238 = arith.select %ne3A_232, %jit3A_236, %jit3A_237 : i32
          %add3A_239 = arith.addi %add3A_228, %select_n3A_238 : i32
          %and3A_240 = arith.constant 16 : i32
          %and3A_241 = arith.andi %min3A_208, %and3A_240 : i32
          %ne3A_242 = arith.constant 0 : i32
          %ne3A_243 = arith.cmpi ne, %and3A_241, %ne3A_242 : i32
          %convert_element_type3A_244 = arith.extui %ne3A_243 : i1 to i32
          %cond3A_245 = arith.constant 0 : i32
          %cond3A_246 = arith.cmpi ne, %convert_element_type3A_244, %cond3A_245 : i32
          scf.if %cond3A_246 {
            %add3A_268 = arith.addi %multiple_of3A_204, %add3A_239 : i32
            %multiple_of3A_269 = tpu.assume_multiple %add3A_268, 8 : i32
            %dma_start3A_270 = arith.constant 0 : i32
            %dma_start3A_271 = tpu.memref_slice %arg14[%add3A_239, %dma_start3A_270] : memref<96x128xf32, #tpu.memory_space<vmem>> -> memref<16x128xf32, #tpu.memory_space<vmem>>
            %dma_start3A_272 = arith.constant 0 : i32
            %dma_start3A_273 = tpu.memref_slice %arg6[%multiple_of3A_269, %dma_start3A_272] : memref<320000x128xf32, #tpu.memory_space<hbm>> -> memref<16x128xf32, #tpu.memory_space<hbm>>
            %dma_start3A_274 = arith.constant 0 : i32
            %dma_start3A_275 = tpu.memref_slice %arg6[%multiple_of3A_269, %dma_start3A_274] : memref<320000x128xf32, #tpu.memory_space<hbm>> -> memref<16x128xf32, #tpu.memory_space<hbm>>
            %dma_start3A_276 = arith.constant 0 : i32
            %dma_start3A_277 = tpu.memref_slice %arg14[%add3A_239, %dma_start3A_276] : memref<96x128xf32, #tpu.memory_space<vmem>> -> memref<16x128xf32, #tpu.memory_space<vmem>>
            tpu.enqueue_dma source(%dma_start3A_277 : memref<16x128xf32, #tpu.memory_space<vmem>>) target(%dma_start3A_275 : memref<16x128xf32, #tpu.memory_space<hbm>>) target_semaphore(%arg20 : memref<!tpu.dma_semaphore, #tpu.memory_space<semaphore_mem>>)
          } else {
          }
          %jit3A_247 = arith.constant 16 : i32
          %jit3A_248 = arith.constant 0 : i32
          %select_n3A_249 = arith.select %ne3A_243, %jit3A_247, %jit3A_248 : i32
          %add3A_250 = arith.addi %add3A_239, %select_n3A_249 : i32
          %and3A_251 = arith.constant 8 : i32
          %and3A_252 = arith.andi %min3A_208, %and3A_251 : i32
          %ne3A_253 = arith.constant 0 : i32
          %ne3A_254 = arith.cmpi ne, %and3A_252, %ne3A_253 : i32
          %convert_element_type3A_255 = arith.extui %ne3A_254 : i1 to i32
          %cond3A_256 = arith.constant 0 : i32
          %cond3A_257 = arith.cmpi ne, %convert_element_type3A_255, %cond3A_256 : i32
          scf.if %cond3A_257 {
            %add3A_268 = arith.addi %multiple_of3A_204, %add3A_250 : i32
            %multiple_of3A_269 = tpu.assume_multiple %add3A_268, 8 : i32
            %dma_start3A_270 = arith.constant 0 : i32
            %dma_start3A_271 = tpu.memref_slice %arg14[%add3A_250, %dma_start3A_270] : memref<96x128xf32, #tpu.memory_space<vmem>> -> memref<8x128xf32, #tpu.memory_space<vmem>>
            %dma_start3A_272 = arith.constant 0 : i32
            %dma_start3A_273 = tpu.memref_slice %arg6[%multiple_of3A_269, %dma_start3A_272] : memref<320000x128xf32, #tpu.memory_space<hbm>> -> memref<8x128xf32, #tpu.memory_space<hbm>>
            %dma_start3A_274 = arith.constant 0 : i32
            %dma_start3A_275 = tpu.memref_slice %arg6[%multiple_of3A_269, %dma_start3A_274] : memref<320000x128xf32, #tpu.memory_space<hbm>> -> memref<8x128xf32, #tpu.memory_space<hbm>>
            %dma_start3A_276 = arith.constant 0 : i32
            %dma_start3A_277 = tpu.memref_slice %arg14[%add3A_250, %dma_start3A_276] : memref<96x128xf32, #tpu.memory_space<vmem>> -> memref<8x128xf32, #tpu.memory_space<vmem>>
            tpu.enqueue_dma source(%dma_start3A_277 : memref<8x128xf32, #tpu.memory_space<vmem>>) target(%dma_start3A_275 : memref<8x128xf32, #tpu.memory_space<hbm>>) target_semaphore(%arg20 : memref<!tpu.dma_semaphore, #tpu.memory_space<semaphore_mem>>)
          } else {
          }
          %jit3A_258 = arith.constant 8 : i32
          %jit3A_259 = arith.constant 0 : i32
          %select_n3A_260 = arith.select %ne3A_254, %jit3A_258, %jit3A_259 : i32
          %add3A_261 = arith.addi %add3A_250, %select_n3A_260 : i32
          %add3A_262 = arith.constant 2 : i32
          %add3A_263 = arith.addi %add3A_174, %add3A_262 : i32
          %lt3A_264 = arith.cmpi slt, %add3A_263, %select_n3A_54 : i32
          %convert_element_type3A_265 = arith.extui %lt3A_264 : i1 to i32
          %cond3A_266 = arith.constant 0 : i32
          %cond3A_267 = arith.cmpi ne, %convert_element_type3A_265, %cond3A_266 : i32
          scf.if %cond3A_267 {
            %add3A_268 = arith.constant 2 : i32
            %add3A_269 = arith.addi %add3A_174, %add3A_268 : i32
            %mul3A_270 = arith.constant 96 : i32
            %mul3A_271 = arith.muli %add3A_269, %mul3A_270 : i32
            %add3A_272 = arith.addi %squeeze3A, %mul3A_271 : i32
            %multiple_of3A_273 = tpu.assume_multiple %add3A_272, 8 : i32
            %dma_start3A_274 = arith.constant 0 : i32
            %dma_start3A_275 = tpu.memref_slice %arg2[%multiple_of3A_273, %dma_start3A_274] : memref<320256x64xf32, #tpu.memory_space<hbm>> -> memref<96x64xf32, #tpu.memory_space<hbm>>
            %dma_start3A_276 = arith.constant 0 : i32
            %dma_start3A_277 = tpu.memref_slice %arg2[%multiple_of3A_273, %dma_start3A_276] : memref<320256x64xf32, #tpu.memory_space<hbm>> -> memref<96x64xf32, #tpu.memory_space<hbm>>
            tpu.enqueue_dma source(%dma_start3A_277 : memref<96x64xf32, #tpu.memory_space<hbm>>) target(%arg10 : memref<96x64xf32, #tpu.memory_space<vmem>>) target_semaphore(%arg16 : memref<!tpu.dma_semaphore, #tpu.memory_space<semaphore_mem>>)
            %dma_start3A_278 = arith.constant 0 : i32
            %dma_start3A_279 = tpu.memref_slice %arg8[%dma_start3A_278] : memref<136xi32, #tpu.memory_space<vmem>> -> memref<104xi32, #tpu.memory_space<vmem>>
            %dma_start3A_280 = tpu.memref_slice %arg3[%multiple_of3A_273] : memref<320264xi32, #tpu.memory_space<hbm>> -> memref<104xi32, #tpu.memory_space<hbm>>
            %dma_start3A_281 = arith.constant 0 : i32
            %dma_start3A_282 = tpu.memref_slice %arg8[%dma_start3A_281] : memref<136xi32, #tpu.memory_space<vmem>> -> memref<104xi32, #tpu.memory_space<vmem>>
            %dma_start3A_283 = tpu.memref_slice %arg3[%multiple_of3A_273] : memref<320264xi32, #tpu.memory_space<hbm>> -> memref<104xi32, #tpu.memory_space<hbm>>
            tpu.enqueue_dma source(%dma_start3A_283 : memref<104xi32, #tpu.memory_space<hbm>>) target(%dma_start3A_282 : memref<104xi32, #tpu.memory_space<vmem>>) target_semaphore(%arg18 : memref<!tpu.dma_semaphore, #tpu.memory_space<semaphore_mem>>)
          } else {
          }
        } else {
        }
        %mul3A_179 = arith.constant 2 : i32
        %mul3A_180 = arith.muli %while3A_169, %mul3A_179 : i32
        %add3A_181 = arith.constant 1 : i32
        %add3A_182 = arith.addi %mul3A_180, %add3A_181 : i32
        %lt3A_183 = arith.cmpi slt, %add3A_182, %select_n3A_54 : i32
        %convert_element_type3A_184 = arith.extui %lt3A_183 : i1 to i32
        %cond3A_185 = arith.constant 0 : i32
        %cond3A_186 = arith.cmpi ne, %convert_element_type3A_184, %cond3A_185 : i32
        scf.if %cond3A_186 {
          %mul3A_188 = arith.constant 96 : i32
          %mul3A_189 = arith.muli %add3A_182, %mul3A_188 : i32
          %add3A_190 = arith.addi %squeeze3A, %mul3A_189 : i32
          %multiple_of3A_191 = tpu.assume_multiple %add3A_190, 8 : i32
          %dma_wait3A = arith.constant 0 : i32
          %dma_wait3A_192 = tpu.memref_slice %arg2[%multiple_of3A_191, %dma_wait3A] : memref<320256x64xf32, #tpu.memory_space<hbm>> -> memref<96x64xf32, #tpu.memory_space<hbm>>
          %dma_wait3A_193 = arith.constant 0 : i32
          %dma_wait3A_194 = tpu.memref_slice %arg2[%multiple_of3A_191, %dma_wait3A_193] : memref<320256x64xf32, #tpu.memory_space<hbm>> -> memref<96x64xf32, #tpu.memory_space<hbm>>
          tpu.wait_dma2 semaphore(%arg17 : memref<!tpu.dma_semaphore, #tpu.memory_space<semaphore_mem>>) src(%dma_wait3A_194 : memref<96x64xf32, #tpu.memory_space<hbm>>) dst(%arg11 : memref<96x64xf32, #tpu.memory_space<vmem>>)
          %dma_wait3A_195 = arith.constant 0 : i32
          %dma_wait3A_196 = tpu.memref_slice %arg9[%dma_wait3A_195] : memref<136xi32, #tpu.memory_space<vmem>> -> memref<104xi32, #tpu.memory_space<vmem>>
          %dma_wait3A_197 = tpu.memref_slice %arg3[%multiple_of3A_191] : memref<320264xi32, #tpu.memory_space<hbm>> -> memref<104xi32, #tpu.memory_space<hbm>>
          %dma_wait3A_198 = arith.constant 0 : i32
          %dma_wait3A_199 = tpu.memref_slice %arg9[%dma_wait3A_198] : memref<136xi32, #tpu.memory_space<vmem>> -> memref<104xi32, #tpu.memory_space<vmem>>
          %dma_wait3A_200 = tpu.memref_slice %arg3[%multiple_of3A_191] : memref<320264xi32, #tpu.memory_space<hbm>> -> memref<104xi32, #tpu.memory_space<hbm>>
          tpu.wait_dma2 semaphore(%arg19 : memref<!tpu.dma_semaphore, #tpu.memory_space<semaphore_mem>>) src(%dma_wait3A_200 : memref<104xi32, #tpu.memory_space<hbm>>) dst(%dma_wait3A_199 : memref<104xi32, #tpu.memory_space<vmem>>)
          %mul3A_201 = arith.constant 96 : i32
          %mul3A_202 = arith.muli %add3A_182, %mul3A_201 : i32
          %add3A_203 = arith.addi %squeeze3A, %mul3A_202 : i32
          %multiple_of3A_204 = tpu.assume_multiple %add3A_203, 8 : i32
          %mul3A_205 = arith.constant 96 : i32
          %mul3A_206 = arith.muli %add3A_182, %mul3A_205 : i32
          %sub3A_207 = arith.subi %sub3A, %mul3A_206 : i32
          %min3A = arith.constant 96 : i32
          %min3A_208 = arith.minsi %min3A, %sub3A_207 : i32
          %ge3A_209 = arith.constant 2 : i32
          %ge3A_210 = arith.cmpi sge, %add3A_182, %ge3A_209 : i32
          %convert_element_type3A_211 = arith.extui %ge3A_210 : i1 to i32
          %cond3A_212 = arith.constant 0 : i32
          %cond3A_213 = arith.cmpi ne, %convert_element_type3A_211, %cond3A_212 : i32
          scf.if %cond3A_213 {
            %sub3A_268 = arith.constant 2 : i32
            %sub3A_269 = arith.subi %add3A_182, %sub3A_268 : i32
            %mul3A_270 = arith.constant 96 : i32
            %mul3A_271 = arith.muli %sub3A_269, %mul3A_270 : i32
            %add3A_272 = arith.addi %squeeze3A, %mul3A_271 : i32
            %multiple_of3A_273 = tpu.assume_multiple %add3A_272, 8 : i32
            %sub3A_274 = arith.constant 2 : i32
            %sub3A_275 = arith.subi %add3A_182, %sub3A_274 : i32
            %mul3A_276 = arith.constant 96 : i32
            %mul3A_277 = arith.muli %sub3A_275, %mul3A_276 : i32
            %sub3A_278 = arith.subi %sub3A, %mul3A_277 : i32
            %min3A_279 = arith.constant 96 : i32
            %min3A_280 = arith.minsi %min3A_279, %sub3A_278 : i32
            %and3A_281 = arith.constant 64 : i32
            %and3A_282 = arith.andi %min3A_280, %and3A_281 : i32
            %ne3A_283 = arith.constant 0 : i32
            %ne3A_284 = arith.cmpi ne, %and3A_282, %ne3A_283 : i32
            %convert_element_type3A_285 = arith.extui %ne3A_284 : i1 to i32
            %cond3A_286 = arith.constant 0 : i32
            %cond3A_287 = arith.constant 0 : i32
            %cond3A_288 = arith.cmpi ne, %convert_element_type3A_285, %cond3A_287 : i32
            scf.if %cond3A_288 {
              %add3A_327 = arith.addi %multiple_of3A_273, %cond3A_286 : i32
              %multiple_of3A_328 = tpu.assume_multiple %add3A_327, 8 : i32
              %dma_wait3A_329 = arith.constant 0 : i32
              %dma_wait3A_330 = tpu.memref_slice %arg15[%cond3A_286, %dma_wait3A_329] : memref<96x128xf32, #tpu.memory_space<vmem>> -> memref<64x128xf32, #tpu.memory_space<vmem>>
              %dma_wait3A_331 = arith.constant 0 : i32
              %dma_wait3A_332 = tpu.memref_slice %arg6[%multiple_of3A_328, %dma_wait3A_331] : memref<320000x128xf32, #tpu.memory_space<hbm>> -> memref<64x128xf32, #tpu.memory_space<hbm>>
              %dma_wait3A_333 = arith.constant 0 : i32
              %dma_wait3A_334 = tpu.memref_slice %arg6[%multiple_of3A_328, %dma_wait3A_333] : memref<320000x128xf32, #tpu.memory_space<hbm>> -> memref<64x128xf32, #tpu.memory_space<hbm>>
              %dma_wait3A_335 = arith.constant 0 : i32
              %dma_wait3A_336 = tpu.memref_slice %arg15[%cond3A_286, %dma_wait3A_335] : memref<96x128xf32, #tpu.memory_space<vmem>> -> memref<64x128xf32, #tpu.memory_space<vmem>>
              tpu.wait_dma2 semaphore(%arg21 : memref<!tpu.dma_semaphore, #tpu.memory_space<semaphore_mem>>) src(%dma_wait3A_336 : memref<64x128xf32, #tpu.memory_space<vmem>>) dst(%dma_wait3A_334 : memref<64x128xf32, #tpu.memory_space<hbm>>)
            } else {
            }
            %jit3A_289 = arith.constant 64 : i32
            %jit3A_290 = arith.constant 0 : i32
            %select_n3A_291 = arith.select %ne3A_284, %jit3A_289, %jit3A_290 : i32
            %add3A_292 = arith.constant 0 : i32
            %add3A_293 = arith.addi %add3A_292, %select_n3A_291 : i32
            %and3A_294 = arith.constant 32 : i32
            %and3A_295 = arith.andi %min3A_280, %and3A_294 : i32
            %ne3A_296 = arith.constant 0 : i32
            %ne3A_297 = arith.cmpi ne, %and3A_295, %ne3A_296 : i32
            %convert_element_type3A_298 = arith.extui %ne3A_297 : i1 to i32
            %cond3A_299 = arith.constant 0 : i32
            %cond3A_300 = arith.cmpi ne, %convert_element_type3A_298, %cond3A_299 : i32
            scf.if %cond3A_300 {
              %add3A_327 = arith.addi %multiple_of3A_273, %add3A_293 : i32
              %multiple_of3A_328 = tpu.assume_multiple %add3A_327, 8 : i32
              %dma_wait3A_329 = arith.constant 0 : i32
              %dma_wait3A_330 = tpu.memref_slice %arg15[%add3A_293, %dma_wait3A_329] : memref<96x128xf32, #tpu.memory_space<vmem>> -> memref<32x128xf32, #tpu.memory_space<vmem>>
              %dma_wait3A_331 = arith.constant 0 : i32
              %dma_wait3A_332 = tpu.memref_slice %arg6[%multiple_of3A_328, %dma_wait3A_331] : memref<320000x128xf32, #tpu.memory_space<hbm>> -> memref<32x128xf32, #tpu.memory_space<hbm>>
              %dma_wait3A_333 = arith.constant 0 : i32
              %dma_wait3A_334 = tpu.memref_slice %arg6[%multiple_of3A_328, %dma_wait3A_333] : memref<320000x128xf32, #tpu.memory_space<hbm>> -> memref<32x128xf32, #tpu.memory_space<hbm>>
              %dma_wait3A_335 = arith.constant 0 : i32
              %dma_wait3A_336 = tpu.memref_slice %arg15[%add3A_293, %dma_wait3A_335] : memref<96x128xf32, #tpu.memory_space<vmem>> -> memref<32x128xf32, #tpu.memory_space<vmem>>
              tpu.wait_dma2 semaphore(%arg21 : memref<!tpu.dma_semaphore, #tpu.memory_space<semaphore_mem>>) src(%dma_wait3A_336 : memref<32x128xf32, #tpu.memory_space<vmem>>) dst(%dma_wait3A_334 : memref<32x128xf32, #tpu.memory_space<hbm>>)
            } else {
            }
            %jit3A_301 = arith.constant 32 : i32
            %jit3A_302 = arith.constant 0 : i32
            %select_n3A_303 = arith.select %ne3A_297, %jit3A_301, %jit3A_302 : i32
            %add3A_304 = arith.addi %add3A_293, %select_n3A_303 : i32
            %and3A_305 = arith.constant 16 : i32
            %and3A_306 = arith.andi %min3A_280, %and3A_305 : i32
            %ne3A_307 = arith.constant 0 : i32
            %ne3A_308 = arith.cmpi ne, %and3A_306, %ne3A_307 : i32
            %convert_element_type3A_309 = arith.extui %ne3A_308 : i1 to i32
            %cond3A_310 = arith.constant 0 : i32
            %cond3A_311 = arith.cmpi ne, %convert_element_type3A_309, %cond3A_310 : i32
            scf.if %cond3A_311 {
              %add3A_327 = arith.addi %multiple_of3A_273, %add3A_304 : i32
              %multiple_of3A_328 = tpu.assume_multiple %add3A_327, 8 : i32
              %dma_wait3A_329 = arith.constant 0 : i32
              %dma_wait3A_330 = tpu.memref_slice %arg15[%add3A_304, %dma_wait3A_329] : memref<96x128xf32, #tpu.memory_space<vmem>> -> memref<16x128xf32, #tpu.memory_space<vmem>>
              %dma_wait3A_331 = arith.constant 0 : i32
              %dma_wait3A_332 = tpu.memref_slice %arg6[%multiple_of3A_328, %dma_wait3A_331] : memref<320000x128xf32, #tpu.memory_space<hbm>> -> memref<16x128xf32, #tpu.memory_space<hbm>>
              %dma_wait3A_333 = arith.constant 0 : i32
              %dma_wait3A_334 = tpu.memref_slice %arg6[%multiple_of3A_328, %dma_wait3A_333] : memref<320000x128xf32, #tpu.memory_space<hbm>> -> memref<16x128xf32, #tpu.memory_space<hbm>>
              %dma_wait3A_335 = arith.constant 0 : i32
              %dma_wait3A_336 = tpu.memref_slice %arg15[%add3A_304, %dma_wait3A_335] : memref<96x128xf32, #tpu.memory_space<vmem>> -> memref<16x128xf32, #tpu.memory_space<vmem>>
              tpu.wait_dma2 semaphore(%arg21 : memref<!tpu.dma_semaphore, #tpu.memory_space<semaphore_mem>>) src(%dma_wait3A_336 : memref<16x128xf32, #tpu.memory_space<vmem>>) dst(%dma_wait3A_334 : memref<16x128xf32, #tpu.memory_space<hbm>>)
            } else {
            }
            %jit3A_312 = arith.constant 16 : i32
            %jit3A_313 = arith.constant 0 : i32
            %select_n3A_314 = arith.select %ne3A_308, %jit3A_312, %jit3A_313 : i32
            %add3A_315 = arith.addi %add3A_304, %select_n3A_314 : i32
            %and3A_316 = arith.constant 8 : i32
            %and3A_317 = arith.andi %min3A_280, %and3A_316 : i32
            %ne3A_318 = arith.constant 0 : i32
            %ne3A_319 = arith.cmpi ne, %and3A_317, %ne3A_318 : i32
            %convert_element_type3A_320 = arith.extui %ne3A_319 : i1 to i32
            %cond3A_321 = arith.constant 0 : i32
            %cond3A_322 = arith.cmpi ne, %convert_element_type3A_320, %cond3A_321 : i32
            scf.if %cond3A_322 {
              %add3A_327 = arith.addi %multiple_of3A_273, %add3A_315 : i32
              %multiple_of3A_328 = tpu.assume_multiple %add3A_327, 8 : i32
              %dma_wait3A_329 = arith.constant 0 : i32
              %dma_wait3A_330 = tpu.memref_slice %arg15[%add3A_315, %dma_wait3A_329] : memref<96x128xf32, #tpu.memory_space<vmem>> -> memref<8x128xf32, #tpu.memory_space<vmem>>
              %dma_wait3A_331 = arith.constant 0 : i32
              %dma_wait3A_332 = tpu.memref_slice %arg6[%multiple_of3A_328, %dma_wait3A_331] : memref<320000x128xf32, #tpu.memory_space<hbm>> -> memref<8x128xf32, #tpu.memory_space<hbm>>
              %dma_wait3A_333 = arith.constant 0 : i32
              %dma_wait3A_334 = tpu.memref_slice %arg6[%multiple_of3A_328, %dma_wait3A_333] : memref<320000x128xf32, #tpu.memory_space<hbm>> -> memref<8x128xf32, #tpu.memory_space<hbm>>
              %dma_wait3A_335 = arith.constant 0 : i32
              %dma_wait3A_336 = tpu.memref_slice %arg15[%add3A_315, %dma_wait3A_335] : memref<96x128xf32, #tpu.memory_space<vmem>> -> memref<8x128xf32, #tpu.memory_space<vmem>>
              tpu.wait_dma2 semaphore(%arg21 : memref<!tpu.dma_semaphore, #tpu.memory_space<semaphore_mem>>) src(%dma_wait3A_336 : memref<8x128xf32, #tpu.memory_space<vmem>>) dst(%dma_wait3A_334 : memref<8x128xf32, #tpu.memory_space<hbm>>)
            } else {
            }
            %jit3A_323 = arith.constant 8 : i32
            %jit3A_324 = arith.constant 0 : i32
            %select_n3A_325 = arith.select %ne3A_319, %jit3A_323, %jit3A_324 : i32
            %add3A_326 = arith.addi %add3A_315, %select_n3A_325 : i32
          } else {
          }
          %while3A_214 = arith.constant 0 : i32
          %while3A_215 = scf.while (%while3A_268 = %while3A_214) : (i32) -> i32 {
            %lt3A_269 = arith.cmpi slt, %while3A_268, %min3A_208 : i32
            scf.condition(%lt3A_269) %while3A_268 : i32
          } do {
          ^bb0(%while3A_268: i32):
            %get3A_269 = arith.index_cast %while3A_268 : i32 to index
            %get3A_270 = tpu.vector_load %arg9[%get3A_269] {strides = array<i32>} : memref<136xi32, #tpu.memory_space<vmem>>, vector<16xi32>,
            %slice3A_271 = vector.extract_strided_slice %get3A_270 {offsets = [0], sizes = [1], strides = [1]} : vector<16xi32> to vector<1xi32>
            %squeeze3A_272 = vector.extract %slice3A_271[0] : i32 from vector<1xi32>
            %sub3A_273 = arith.subi %squeeze3A_272, %select_n3A : i32
            %broadcast_in_dim3A = vector.broadcast %squeeze3A_272 : i32 to vector<16xi32>
            %while3A_274 = scf.while (%while3A_294 = %while3A_268) : (i32) -> i32 {
              %lt3A_295 = arith.cmpi slt, %while3A_294, %min3A_208 : i32
              %get3A_296 = arith.index_cast %while3A_294 : i32 to index
              %get3A_297 = tpu.vector_load %arg9[%get3A_296] {strides = array<i32>} : memref<136xi32, #tpu.memory_space<vmem>>, vector<16xi32>,
              %ne3A_298 = arith.cmpi ne, %get3A_297, %broadcast_in_dim3A : vector<16xi32>
              %all_reduce_ffs3A_299 = tpu.all_reduce %ne3A_298 {dim = 0 : i64, kind = #tpu.reduction_kind<find_first_set>} : vector<16xi1> -> vector<16xi32>
              %slice3A_300 = vector.extract_strided_slice %all_reduce_ffs3A_299 {offsets = [0], sizes = [1], strides = [1]} : vector<16xi32> to vector<1xi32>
              %squeeze3A_301 = vector.extract %slice3A_300[0] : i32 from vector<1xi32>
              %ge3A_302 = arith.constant 16 : i32
              %ge3A_303 = arith.cmpi sge, %squeeze3A_301, %ge3A_302 : i32
              %and3A_304 = arith.andi %lt3A_295, %ge3A_303 : i1
              scf.condition(%and3A_304) %while3A_294 : i32
            } do {
            ^bb0(%while3A_294: i32):
              %add3A_295 = arith.constant 16 : i32
              %add3A_296 = arith.addi %while3A_294, %add3A_295 : i32
              scf.yield %add3A_296 : i32
            }
            %get3A_275 = arith.index_cast %while3A_274 : i32 to index
            %get3A_276 = tpu.vector_load %arg9[%get3A_275] {strides = array<i32>} : memref<136xi32, #tpu.memory_space<vmem>>, vector<16xi32>,
            %ne3A_277 = arith.cmpi ne, %get3A_276, %broadcast_in_dim3A : vector<16xi32>
            %all_reduce_ffs3A = tpu.all_reduce %ne3A_277 {dim = 0 : i64, kind = #tpu.reduction_kind<find_first_set>} : vector<16xi1> -> vector<16xi32>
            %slice3A_278 = vector.extract_strided_slice %all_reduce_ffs3A {offsets = [0], sizes = [1], strides = [1]} : vector<16xi32> to vector<1xi32>
            %squeeze3A_279 = vector.extract %slice3A_278[0] : i32 from vector<1xi32>
            %add3A_280 = arith.addi %while3A_274, %squeeze3A_279 : i32
            %min3A_281 = arith.minsi %add3A_280, %min3A_208 : i32
            %add3A_282 = arith.constant 1 : i32
            %add3A_283 = arith.addi %while3A_268, %add3A_282 : i32
            %max3A = arith.maxsi %min3A_281, %add3A_283 : i32
            %ge3A_284 = arith.constant 0 : i32
            %ge3A_285 = arith.cmpi sge, %sub3A_273, %ge3A_284 : i32
            %convert_element_type3A_286 = arith.extui %ge3A_285 : i1 to i32
            %cond3A_287 = arith.constant 0 : i32
            %cond3A_288 = arith.cmpi ne, %convert_element_type3A_286, %cond3A_287 : i32
            scf.if %cond3A_288 {
              %mul3A_294 = arith.constant 64 : i32
              %mul3A_295 = arith.muli %sub3A_273, %mul3A_294 : i32
              %get3A_296 = arith.index_cast %mul3A_295 : i32 to index
              %get3A_297 = tpu.vector_load %arg12[%get3A_296] {strides = array<i32>} : memref<20480xf32, #tpu.memory_space<vmem>>, vector<16xf32>,
              %add3A_298 = arith.constant 16 : i32
              %add3A_299 = arith.addi %mul3A_295, %add3A_298 : i32
              %get3A_300 = arith.index_cast %add3A_299 : i32 to index
              %get3A_301 = tpu.vector_load %arg12[%get3A_300] {strides = array<i32>} : memref<20480xf32, #tpu.memory_space<vmem>>, vector<16xf32>,
              %add3A_302 = arith.constant 32 : i32
              %add3A_303 = arith.addi %mul3A_295, %add3A_302 : i32
              %get3A_304 = arith.index_cast %add3A_303 : i32 to index
              %get3A_305 = tpu.vector_load %arg12[%get3A_304] {strides = array<i32>} : memref<20480xf32, #tpu.memory_space<vmem>>, vector<16xf32>,
              %add3A_306 = arith.constant 48 : i32
              %add3A_307 = arith.addi %mul3A_295, %add3A_306 : i32
              %get3A_308 = arith.index_cast %add3A_307 : i32 to index
              %get3A_309 = tpu.vector_load %arg12[%get3A_308] {strides = array<i32>} : memref<20480xf32, #tpu.memory_space<vmem>>, vector<16xf32>,
              %while3A_310 = arith.constant 0 : i32
              %while3A_311 = arith.subi %max3A, %while3A_268 : i32
              %while3A_312 = arith.addi %while3A_268, %while3A_311 : i32
              %while3A_313 = arith.constant 1 : i32
              %while3A_314 = arith.divsi %while3A_311, %while3A_313 : i32
              %while3A_315 = arith.muli %while3A_314, %while3A_313 : i32
              %while3A_316 = arith.addi %while3A_268, %while3A_315 : i32
              %while3A_317 = arith.constant 1 : i32
              %while3A_318 = scf.for %while3A_321 = %while3A_268 to %while3A_316 step %while3A_317 iter_args(%while3A_322 = %while3A_310) -> (i32)  : i32 {
                %get3A_323 = arith.index_cast %while3A_321 : i32 to index
                %get3A_324 = arith.constant 0 : index
                %get3A_325 = tpu.vector_load %arg11[%get3A_323, %get3A_324] {strides = array<i32>} : memref<96x64xf32, #tpu.memory_space<vmem>>, vector<16xf32>,
                %swap3A = arith.index_cast %while3A_321 : i32 to index
                %swap3A_326 = arith.constant 0 : index
                %swap3A_327 = tpu.vector_load %arg15[%swap3A, %swap3A_326] {strides = array<i32>} : memref<96x128xf32, #tpu.memory_space<vmem>>, vector<16xf32>,
                tpu.vector_store %arg15[%swap3A, %swap3A_326], %get3A_325 {strides = array<i32>} : memref<96x128xf32, #tpu.memory_space<vmem>>, vector<16xf32>,
                %get3A_328 = arith.index_cast %while3A_321 : i32 to index
                %get3A_329 = arith.constant 16 : index
                %get3A_330 = tpu.vector_load %arg11[%get3A_328, %get3A_329] {strides = array<i32>} : memref<96x64xf32, #tpu.memory_space<vmem>>, vector<16xf32>,
                %swap3A_331 = arith.index_cast %while3A_321 : i32 to index
                %swap3A_332 = arith.constant 16 : index
                %swap3A_333 = tpu.vector_load %arg15[%swap3A_331, %swap3A_332] {strides = array<i32>} : memref<96x128xf32, #tpu.memory_space<vmem>>, vector<16xf32>,
                tpu.vector_store %arg15[%swap3A_331, %swap3A_332], %get3A_330 {strides = array<i32>} : memref<96x128xf32, #tpu.memory_space<vmem>>, vector<16xf32>,
                %get3A_334 = arith.index_cast %while3A_321 : i32 to index
                %get3A_335 = arith.constant 32 : index
                %get3A_336 = tpu.vector_load %arg11[%get3A_334, %get3A_335] {strides = array<i32>} : memref<96x64xf32, #tpu.memory_space<vmem>>, vector<16xf32>,
                %swap3A_337 = arith.index_cast %while3A_321 : i32 to index
                %swap3A_338 = arith.constant 32 : index
                %swap3A_339 = tpu.vector_load %arg15[%swap3A_337, %swap3A_338] {strides = array<i32>} : memref<96x128xf32, #tpu.memory_space<vmem>>, vector<16xf32>,
                tpu.vector_store %arg15[%swap3A_337, %swap3A_338], %get3A_336 {strides = array<i32>} : memref<96x128xf32, #tpu.memory_space<vmem>>, vector<16xf32>,
                %get3A_340 = arith.index_cast %while3A_321 : i32 to index
                %get3A_341 = arith.constant 48 : index
                %get3A_342 = tpu.vector_load %arg11[%get3A_340, %get3A_341] {strides = array<i32>} : memref<96x64xf32, #tpu.memory_space<vmem>>, vector<16xf32>,
                %swap3A_343 = arith.index_cast %while3A_321 : i32 to index
                %swap3A_344 = arith.constant 48 : index
                %swap3A_345 = tpu.vector_load %arg15[%swap3A_343, %swap3A_344] {strides = array<i32>} : memref<96x128xf32, #tpu.memory_space<vmem>>, vector<16xf32>,
                tpu.vector_store %arg15[%swap3A_343, %swap3A_344], %get3A_342 {strides = array<i32>} : memref<96x128xf32, #tpu.memory_space<vmem>>, vector<16xf32>,
                %swap3A_346 = arith.index_cast %while3A_321 : i32 to index
                %swap3A_347 = arith.constant 64 : index
                %swap3A_348 = tpu.vector_load %arg15[%swap3A_346, %swap3A_347] {strides = array<i32>} : memref<96x128xf32, #tpu.memory_space<vmem>>, vector<16xf32>,
                tpu.vector_store %arg15[%swap3A_346, %swap3A_347], %get3A_297 {strides = array<i32>} : memref<96x128xf32, #tpu.memory_space<vmem>>, vector<16xf32>,
                %swap3A_349 = arith.index_cast %while3A_321 : i32 to index
                %swap3A_350 = arith.constant 80 : index
                %swap3A_351 = tpu.vector_load %arg15[%swap3A_349, %swap3A_350] {strides = array<i32>} : memref<96x128xf32, #tpu.memory_space<vmem>>, vector<16xf32>,
                tpu.vector_store %arg15[%swap3A_349, %swap3A_350], %get3A_301 {strides = array<i32>} : memref<96x128xf32, #tpu.memory_space<vmem>>, vector<16xf32>,
                %swap3A_352 = arith.index_cast %while3A_321 : i32 to index
                %swap3A_353 = arith.constant 96 : index
                %swap3A_354 = tpu.vector_load %arg15[%swap3A_352, %swap3A_353] {strides = array<i32>} : memref<96x128xf32, #tpu.memory_space<vmem>>, vector<16xf32>,
                tpu.vector_store %arg15[%swap3A_352, %swap3A_353], %get3A_305 {strides = array<i32>} : memref<96x128xf32, #tpu.memory_space<vmem>>, vector<16xf32>,
                %swap3A_355 = arith.index_cast %while3A_321 : i32 to index
                %swap3A_356 = arith.constant 112 : index
                %swap3A_357 = tpu.vector_load %arg15[%swap3A_355, %swap3A_356] {strides = array<i32>} : memref<96x128xf32, #tpu.memory_space<vmem>>, vector<16xf32>,
                tpu.vector_store %arg15[%swap3A_355, %swap3A_356], %get3A_309 {strides = array<i32>} : memref<96x128xf32, #tpu.memory_space<vmem>>, vector<16xf32>,
                %while3A_358 = arith.constant 0 : i32
                scf.yield %while3A_358 : i32
              }
              %while3A_319 = arith.constant 1 : i32
              %while3A_320 = scf.for %while3A_321 = %while3A_316 to %while3A_312 step %while3A_319 iter_args(%while3A_322 = %while3A_318) -> (i32)  : i32 {
                %get3A_323 = arith.index_cast %while3A_321 : i32 to index
                %get3A_324 = arith.constant 0 : index
                %get3A_325 = tpu.vector_load %arg11[%get3A_323, %get3A_324] {strides = array<i32>} : memref<96x64xf32, #tpu.memory_space<vmem>>, vector<16xf32>,
                %swap3A = arith.index_cast %while3A_321 : i32 to index
                %swap3A_326 = arith.constant 0 : index
                %swap3A_327 = tpu.vector_load %arg15[%swap3A, %swap3A_326] {strides = array<i32>} : memref<96x128xf32, #tpu.memory_space<vmem>>, vector<16xf32>,
                tpu.vector_store %arg15[%swap3A, %swap3A_326], %get3A_325 {strides = array<i32>} : memref<96x128xf32, #tpu.memory_space<vmem>>, vector<16xf32>,
                %get3A_328 = arith.index_cast %while3A_321 : i32 to index
                %get3A_329 = arith.constant 16 : index
                %get3A_330 = tpu.vector_load %arg11[%get3A_328, %get3A_329] {strides = array<i32>} : memref<96x64xf32, #tpu.memory_space<vmem>>, vector<16xf32>,
                %swap3A_331 = arith.index_cast %while3A_321 : i32 to index
                %swap3A_332 = arith.constant 16 : index
                %swap3A_333 = tpu.vector_load %arg15[%swap3A_331, %swap3A_332] {strides = array<i32>} : memref<96x128xf32, #tpu.memory_space<vmem>>, vector<16xf32>,
                tpu.vector_store %arg15[%swap3A_331, %swap3A_332], %get3A_330 {strides = array<i32>} : memref<96x128xf32, #tpu.memory_space<vmem>>, vector<16xf32>,
                %get3A_334 = arith.index_cast %while3A_321 : i32 to index
                %get3A_335 = arith.constant 32 : index
                %get3A_336 = tpu.vector_load %arg11[%get3A_334, %get3A_335] {strides = array<i32>} : memref<96x64xf32, #tpu.memory_space<vmem>>, vector<16xf32>,
                %swap3A_337 = arith.index_cast %while3A_321 : i32 to index
                %swap3A_338 = arith.constant 32 : index
                %swap3A_339 = tpu.vector_load %arg15[%swap3A_337, %swap3A_338] {strides = array<i32>} : memref<96x128xf32, #tpu.memory_space<vmem>>, vector<16xf32>,
                tpu.vector_store %arg15[%swap3A_337, %swap3A_338], %get3A_336 {strides = array<i32>} : memref<96x128xf32, #tpu.memory_space<vmem>>, vector<16xf32>,
                %get3A_340 = arith.index_cast %while3A_321 : i32 to index
                %get3A_341 = arith.constant 48 : index
                %get3A_342 = tpu.vector_load %arg11[%get3A_340, %get3A_341] {strides = array<i32>} : memref<96x64xf32, #tpu.memory_space<vmem>>, vector<16xf32>,
                %swap3A_343 = arith.index_cast %while3A_321 : i32 to index
                %swap3A_344 = arith.constant 48 : index
                %swap3A_345 = tpu.vector_load %arg15[%swap3A_343, %swap3A_344] {strides = array<i32>} : memref<96x128xf32, #tpu.memory_space<vmem>>, vector<16xf32>,
                tpu.vector_store %arg15[%swap3A_343, %swap3A_344], %get3A_342 {strides = array<i32>} : memref<96x128xf32, #tpu.memory_space<vmem>>, vector<16xf32>,
                %swap3A_346 = arith.index_cast %while3A_321 : i32 to index
                %swap3A_347 = arith.constant 64 : index
                %swap3A_348 = tpu.vector_load %arg15[%swap3A_346, %swap3A_347] {strides = array<i32>} : memref<96x128xf32, #tpu.memory_space<vmem>>, vector<16xf32>,
                tpu.vector_store %arg15[%swap3A_346, %swap3A_347], %get3A_297 {strides = array<i32>} : memref<96x128xf32, #tpu.memory_space<vmem>>, vector<16xf32>,
                %swap3A_349 = arith.index_cast %while3A_321 : i32 to index
                %swap3A_350 = arith.constant 80 : index
                %swap3A_351 = tpu.vector_load %arg15[%swap3A_349, %swap3A_350] {strides = array<i32>} : memref<96x128xf32, #tpu.memory_space<vmem>>, vector<16xf32>,
                tpu.vector_store %arg15[%swap3A_349, %swap3A_350], %get3A_301 {strides = array<i32>} : memref<96x128xf32, #tpu.memory_space<vmem>>, vector<16xf32>,
                %swap3A_352 = arith.index_cast %while3A_321 : i32 to index
                %swap3A_353 = arith.constant 96 : index
                %swap3A_354 = tpu.vector_load %arg15[%swap3A_352, %swap3A_353] {strides = array<i32>} : memref<96x128xf32, #tpu.memory_space<vmem>>, vector<16xf32>,
                tpu.vector_store %arg15[%swap3A_352, %swap3A_353], %get3A_305 {strides = array<i32>} : memref<96x128xf32, #tpu.memory_space<vmem>>, vector<16xf32>,
                %swap3A_355 = arith.index_cast %while3A_321 : i32 to index
                %swap3A_356 = arith.constant 112 : index
                %swap3A_357 = tpu.vector_load %arg15[%swap3A_355, %swap3A_356] {strides = array<i32>} : memref<96x128xf32, #tpu.memory_space<vmem>>, vector<16xf32>,
                tpu.vector_store %arg15[%swap3A_355, %swap3A_356], %get3A_309 {strides = array<i32>} : memref<96x128xf32, #tpu.memory_space<vmem>>, vector<16xf32>,
                %while3A_358 = arith.constant 0 : i32
                scf.yield %while3A_358 : i32
              }
            } else {
            }
            %lt3A_289 = arith.constant 0 : i32
            %lt3A_290 = arith.cmpi slt, %sub3A_273, %lt3A_289 : i32
            %convert_element_type3A_291 = arith.extui %lt3A_290 : i1 to i32
            %cond3A_292 = arith.constant 0 : i32
            %cond3A_293 = arith.cmpi ne, %convert_element_type3A_291, %cond3A_292 : i32
            scf.if %cond3A_293 {
              %mul3A_294 = arith.constant 64 : i32
              %mul3A_295 = arith.muli %squeeze3A_272, %mul3A_294 : i32
              "tpu.region"() ({
                %run_scoped3A = tpu.sem_alloc : memref<!tpu.dma_semaphore, #tpu.memory_space<semaphore_mem>>
                %dma_start3A_315 = tpu.memref_slice %arg5[%mul3A_295] : memref<641024xf32, #tpu.memory_space<hbm>> -> memref<64xf32, #tpu.memory_space<hbm>>
                %dma_start3A_316 = tpu.memref_slice %arg5[%mul3A_295] : memref<641024xf32, #tpu.memory_space<hbm>> -> memref<64xf32, #tpu.memory_space<hbm>>
                tpu.enqueue_dma source(%dma_start3A_316 : memref<64xf32, #tpu.memory_space<hbm>>) target(%arg13 : memref<64xf32, #tpu.memory_space<vmem>>) target_semaphore(%run_scoped3A : memref<!tpu.dma_semaphore, #tpu.memory_space<semaphore_mem>>)
                %dma_wait3A_317 = tpu.memref_slice %arg5[%mul3A_295] : memref<641024xf32, #tpu.memory_space<hbm>> -> memref<64xf32, #tpu.memory_space<hbm>>
                %dma_wait3A_318 = tpu.memref_slice %arg5[%mul3A_295] : memref<641024xf32, #tpu.memory_space<hbm>> -> memref<64xf32, #tpu.memory_space<hbm>>
                tpu.wait_dma2 semaphore(%run_scoped3A : memref<!tpu.dma_semaphore, #tpu.memory_space<semaphore_mem>>) src(%dma_wait3A_318 : memref<64xf32, #tpu.memory_space<hbm>>) dst(%arg13 : memref<64xf32, #tpu.memory_space<vmem>>)
                tpu.yield
              }) : () -> ()
              %get3A_296 = arith.constant 0 : index
              %get3A_297 = tpu.vector_load %arg13[%get3A_296] {strides = array<i32>} : memref<64xf32, #tpu.memory_space<vmem>>, vector<16xf32>,
              %get3A_298 = arith.constant 16 : index
              %get3A_299 = tpu.vector_load %arg13[%get3A_298] {strides = array<i32>} : memref<64xf32, #tpu.memory_space<vmem>>, vector<16xf32>,
              %get3A_300 = arith.constant 32 : index
              %get3A_301 = tpu.vector_load %arg13[%get3A_300] {strides = array<i32>} : memref<64xf32, #tpu.memory_space<vmem>>, vector<16xf32>,
              %get3A_302 = arith.constant 48 : index
              %get3A_303 = tpu.vector_load %arg13[%get3A_302] {strides = array<i32>} : memref<64xf32, #tpu.memory_space<vmem>>, vector<16xf32>,
              %while3A_304 = arith.constant 0 : i32
              %while3A_305 = arith.subi %max3A, %while3A_268 : i32
              %while3A_306 = arith.addi %while3A_268, %while3A_305 : i32
              %while3A_307 = arith.constant 1 : i32
              %while3A_308 = arith.divsi %while3A_305, %while3A_307 : i32
              %while3A_309 = arith.muli %while3A_308, %while3A_307 : i32
              %while3A_310 = arith.addi %while3A_268, %while3A_309 : i32
              %while3A_311 = arith.constant 1 : i32
              %while3A_312 = scf.for %while3A_315 = %while3A_268 to %while3A_310 step %while3A_311 iter_args(%while3A_316 = %while3A_304) -> (i32)  : i32 {
                %get3A_317 = arith.index_cast %while3A_315 : i32 to index
                %get3A_318 = arith.constant 0 : index
                %get3A_319 = tpu.vector_load %arg11[%get3A_317, %get3A_318] {strides = array<i32>} : memref<96x64xf32, #tpu.memory_space<vmem>>, vector<16xf32>,
                %swap3A = arith.index_cast %while3A_315 : i32 to index
                %swap3A_320 = arith.constant 0 : index
                %swap3A_321 = tpu.vector_load %arg15[%swap3A, %swap3A_320] {strides = array<i32>} : memref<96x128xf32, #tpu.memory_space<vmem>>, vector<16xf32>,
                tpu.vector_store %arg15[%swap3A, %swap3A_320], %get3A_319 {strides = array<i32>} : memref<96x128xf32, #tpu.memory_space<vmem>>, vector<16xf32>,
                %get3A_322 = arith.index_cast %while3A_315 : i32 to index
                %get3A_323 = arith.constant 16 : index
                %get3A_324 = tpu.vector_load %arg11[%get3A_322, %get3A_323] {strides = array<i32>} : memref<96x64xf32, #tpu.memory_space<vmem>>, vector<16xf32>,
                %swap3A_325 = arith.index_cast %while3A_315 : i32 to index
                %swap3A_326 = arith.constant 16 : index
                %swap3A_327 = tpu.vector_load %arg15[%swap3A_325, %swap3A_326] {strides = array<i32>} : memref<96x128xf32, #tpu.memory_space<vmem>>, vector<16xf32>,
                tpu.vector_store %arg15[%swap3A_325, %swap3A_326], %get3A_324 {strides = array<i32>} : memref<96x128xf32, #tpu.memory_space<vmem>>, vector<16xf32>,
                %get3A_328 = arith.index_cast %while3A_315 : i32 to index
                %get3A_329 = arith.constant 32 : index
                %get3A_330 = tpu.vector_load %arg11[%get3A_328, %get3A_329] {strides = array<i32>} : memref<96x64xf32, #tpu.memory_space<vmem>>, vector<16xf32>,
                %swap3A_331 = arith.index_cast %while3A_315 : i32 to index
                %swap3A_332 = arith.constant 32 : index
                %swap3A_333 = tpu.vector_load %arg15[%swap3A_331, %swap3A_332] {strides = array<i32>} : memref<96x128xf32, #tpu.memory_space<vmem>>, vector<16xf32>,
                tpu.vector_store %arg15[%swap3A_331, %swap3A_332], %get3A_330 {strides = array<i32>} : memref<96x128xf32, #tpu.memory_space<vmem>>, vector<16xf32>,
                %get3A_334 = arith.index_cast %while3A_315 : i32 to index
                %get3A_335 = arith.constant 48 : index
                %get3A_336 = tpu.vector_load %arg11[%get3A_334, %get3A_335] {strides = array<i32>} : memref<96x64xf32, #tpu.memory_space<vmem>>, vector<16xf32>,
                %swap3A_337 = arith.index_cast %while3A_315 : i32 to index
                %swap3A_338 = arith.constant 48 : index
                %swap3A_339 = tpu.vector_load %arg15[%swap3A_337, %swap3A_338] {strides = array<i32>} : memref<96x128xf32, #tpu.memory_space<vmem>>, vector<16xf32>,
                tpu.vector_store %arg15[%swap3A_337, %swap3A_338], %get3A_336 {strides = array<i32>} : memref<96x128xf32, #tpu.memory_space<vmem>>, vector<16xf32>,
                %swap3A_340 = arith.index_cast %while3A_315 : i32 to index
                %swap3A_341 = arith.constant 64 : index
                %swap3A_342 = tpu.vector_load %arg15[%swap3A_340, %swap3A_341] {strides = array<i32>} : memref<96x128xf32, #tpu.memory_space<vmem>>, vector<16xf32>,
                tpu.vector_store %arg15[%swap3A_340, %swap3A_341], %get3A_297 {strides = array<i32>} : memref<96x128xf32, #tpu.memory_space<vmem>>, vector<16xf32>,
                %swap3A_343 = arith.index_cast %while3A_315 : i32 to index
                %swap3A_344 = arith.constant 80 : index
                %swap3A_345 = tpu.vector_load %arg15[%swap3A_343, %swap3A_344] {strides = array<i32>} : memref<96x128xf32, #tpu.memory_space<vmem>>, vector<16xf32>,
                tpu.vector_store %arg15[%swap3A_343, %swap3A_344], %get3A_299 {strides = array<i32>} : memref<96x128xf32, #tpu.memory_space<vmem>>, vector<16xf32>,
                %swap3A_346 = arith.index_cast %while3A_315 : i32 to index
                %swap3A_347 = arith.constant 96 : index
                %swap3A_348 = tpu.vector_load %arg15[%swap3A_346, %swap3A_347] {strides = array<i32>} : memref<96x128xf32, #tpu.memory_space<vmem>>, vector<16xf32>,
                tpu.vector_store %arg15[%swap3A_346, %swap3A_347], %get3A_301 {strides = array<i32>} : memref<96x128xf32, #tpu.memory_space<vmem>>, vector<16xf32>,
                %swap3A_349 = arith.index_cast %while3A_315 : i32 to index
                %swap3A_350 = arith.constant 112 : index
                %swap3A_351 = tpu.vector_load %arg15[%swap3A_349, %swap3A_350] {strides = array<i32>} : memref<96x128xf32, #tpu.memory_space<vmem>>, vector<16xf32>,
                tpu.vector_store %arg15[%swap3A_349, %swap3A_350], %get3A_303 {strides = array<i32>} : memref<96x128xf32, #tpu.memory_space<vmem>>, vector<16xf32>,
                %while3A_352 = arith.constant 0 : i32
                scf.yield %while3A_352 : i32
              }
              %while3A_313 = arith.constant 1 : i32
              %while3A_314 = scf.for %while3A_315 = %while3A_310 to %while3A_306 step %while3A_313 iter_args(%while3A_316 = %while3A_312) -> (i32)  : i32 {
                %get3A_317 = arith.index_cast %while3A_315 : i32 to index
                %get3A_318 = arith.constant 0 : index
                %get3A_319 = tpu.vector_load %arg11[%get3A_317, %get3A_318] {strides = array<i32>} : memref<96x64xf32, #tpu.memory_space<vmem>>, vector<16xf32>,
                %swap3A = arith.index_cast %while3A_315 : i32 to index
                %swap3A_320 = arith.constant 0 : index
                %swap3A_321 = tpu.vector_load %arg15[%swap3A, %swap3A_320] {strides = array<i32>} : memref<96x128xf32, #tpu.memory_space<vmem>>, vector<16xf32>,
                tpu.vector_store %arg15[%swap3A, %swap3A_320], %get3A_319 {strides = array<i32>} : memref<96x128xf32, #tpu.memory_space<vmem>>, vector<16xf32>,
                %get3A_322 = arith.index_cast %while3A_315 : i32 to index
                %get3A_323 = arith.constant 16 : index
                %get3A_324 = tpu.vector_load %arg11[%get3A_322, %get3A_323] {strides = array<i32>} : memref<96x64xf32, #tpu.memory_space<vmem>>, vector<16xf32>,
                %swap3A_325 = arith.index_cast %while3A_315 : i32 to index
                %swap3A_326 = arith.constant 16 : index
                %swap3A_327 = tpu.vector_load %arg15[%swap3A_325, %swap3A_326] {strides = array<i32>} : memref<96x128xf32, #tpu.memory_space<vmem>>, vector<16xf32>,
                tpu.vector_store %arg15[%swap3A_325, %swap3A_326], %get3A_324 {strides = array<i32>} : memref<96x128xf32, #tpu.memory_space<vmem>>, vector<16xf32>,
                %get3A_328 = arith.index_cast %while3A_315 : i32 to index
                %get3A_329 = arith.constant 32 : index
                %get3A_330 = tpu.vector_load %arg11[%get3A_328, %get3A_329] {strides = array<i32>} : memref<96x64xf32, #tpu.memory_space<vmem>>, vector<16xf32>,
                %swap3A_331 = arith.index_cast %while3A_315 : i32 to index
                %swap3A_332 = arith.constant 32 : index
                %swap3A_333 = tpu.vector_load %arg15[%swap3A_331, %swap3A_332] {strides = array<i32>} : memref<96x128xf32, #tpu.memory_space<vmem>>, vector<16xf32>,
                tpu.vector_store %arg15[%swap3A_331, %swap3A_332], %get3A_330 {strides = array<i32>} : memref<96x128xf32, #tpu.memory_space<vmem>>, vector<16xf32>,
                %get3A_334 = arith.index_cast %while3A_315 : i32 to index
                %get3A_335 = arith.constant 48 : index
                %get3A_336 = tpu.vector_load %arg11[%get3A_334, %get3A_335] {strides = array<i32>} : memref<96x64xf32, #tpu.memory_space<vmem>>, vector<16xf32>,
                %swap3A_337 = arith.index_cast %while3A_315 : i32 to index
                %swap3A_338 = arith.constant 48 : index
                %swap3A_339 = tpu.vector_load %arg15[%swap3A_337, %swap3A_338] {strides = array<i32>} : memref<96x128xf32, #tpu.memory_space<vmem>>, vector<16xf32>,
                tpu.vector_store %arg15[%swap3A_337, %swap3A_338], %get3A_336 {strides = array<i32>} : memref<96x128xf32, #tpu.memory_space<vmem>>, vector<16xf32>,
                %swap3A_340 = arith.index_cast %while3A_315 : i32 to index
                %swap3A_341 = arith.constant 64 : index
                %swap3A_342 = tpu.vector_load %arg15[%swap3A_340, %swap3A_341] {strides = array<i32>} : memref<96x128xf32, #tpu.memory_space<vmem>>, vector<16xf32>,
                tpu.vector_store %arg15[%swap3A_340, %swap3A_341], %get3A_297 {strides = array<i32>} : memref<96x128xf32, #tpu.memory_space<vmem>>, vector<16xf32>,
                %swap3A_343 = arith.index_cast %while3A_315 : i32 to index
                %swap3A_344 = arith.constant 80 : index
                %swap3A_345 = tpu.vector_load %arg15[%swap3A_343, %swap3A_344] {strides = array<i32>} : memref<96x128xf32, #tpu.memory_space<vmem>>, vector<16xf32>,
                tpu.vector_store %arg15[%swap3A_343, %swap3A_344], %get3A_299 {strides = array<i32>} : memref<96x128xf32, #tpu.memory_space<vmem>>, vector<16xf32>,
                %swap3A_346 = arith.index_cast %while3A_315 : i32 to index
                %swap3A_347 = arith.constant 96 : index
                %swap3A_348 = tpu.vector_load %arg15[%swap3A_346, %swap3A_347] {strides = array<i32>} : memref<96x128xf32, #tpu.memory_space<vmem>>, vector<16xf32>,
                tpu.vector_store %arg15[%swap3A_346, %swap3A_347], %get3A_301 {strides = array<i32>} : memref<96x128xf32, #tpu.memory_space<vmem>>, vector<16xf32>,
                %swap3A_349 = arith.index_cast %while3A_315 : i32 to index
                %swap3A_350 = arith.constant 112 : index
                %swap3A_351 = tpu.vector_load %arg15[%swap3A_349, %swap3A_350] {strides = array<i32>} : memref<96x128xf32, #tpu.memory_space<vmem>>, vector<16xf32>,
                tpu.vector_store %arg15[%swap3A_349, %swap3A_350], %get3A_303 {strides = array<i32>} : memref<96x128xf32, #tpu.memory_space<vmem>>, vector<16xf32>,
                %while3A_352 = arith.constant 0 : i32
                scf.yield %while3A_352 : i32
              }
            } else {
            }
            scf.yield %max3A : i32
          }
          %and3A_216 = arith.constant 64 : i32
          %and3A_217 = arith.andi %min3A_208, %and3A_216 : i32
          %ne3A_218 = arith.constant 0 : i32
          %ne3A_219 = arith.cmpi ne, %and3A_217, %ne3A_218 : i32
          %convert_element_type3A_220 = arith.extui %ne3A_219 : i1 to i32
          %cond3A_221 = arith.constant 0 : i32
          %cond3A_222 = arith.constant 0 : i32
          %cond3A_223 = arith.cmpi ne, %convert_element_type3A_220, %cond3A_222 : i32
          scf.if %cond3A_223 {
            %add3A_268 = arith.addi %multiple_of3A_204, %cond3A_221 : i32
            %multiple_of3A_269 = tpu.assume_multiple %add3A_268, 8 : i32
            %dma_start3A_270 = arith.constant 0 : i32
            %dma_start3A_271 = tpu.memref_slice %arg15[%cond3A_221, %dma_start3A_270] : memref<96x128xf32, #tpu.memory_space<vmem>> -> memref<64x128xf32, #tpu.memory_space<vmem>>
            %dma_start3A_272 = arith.constant 0 : i32
            %dma_start3A_273 = tpu.memref_slice %arg6[%multiple_of3A_269, %dma_start3A_272] : memref<320000x128xf32, #tpu.memory_space<hbm>> -> memref<64x128xf32, #tpu.memory_space<hbm>>
            %dma_start3A_274 = arith.constant 0 : i32
            %dma_start3A_275 = tpu.memref_slice %arg6[%multiple_of3A_269, %dma_start3A_274] : memref<320000x128xf32, #tpu.memory_space<hbm>> -> memref<64x128xf32, #tpu.memory_space<hbm>>
            %dma_start3A_276 = arith.constant 0 : i32
            %dma_start3A_277 = tpu.memref_slice %arg15[%cond3A_221, %dma_start3A_276] : memref<96x128xf32, #tpu.memory_space<vmem>> -> memref<64x128xf32, #tpu.memory_space<vmem>>
            tpu.enqueue_dma source(%dma_start3A_277 : memref<64x128xf32, #tpu.memory_space<vmem>>) target(%dma_start3A_275 : memref<64x128xf32, #tpu.memory_space<hbm>>) target_semaphore(%arg21 : memref<!tpu.dma_semaphore, #tpu.memory_space<semaphore_mem>>)
          } else {
          }
          %jit3A_224 = arith.constant 64 : i32
          %jit3A_225 = arith.constant 0 : i32
          %select_n3A_226 = arith.select %ne3A_219, %jit3A_224, %jit3A_225 : i32
          %add3A_227 = arith.constant 0 : i32
          %add3A_228 = arith.addi %add3A_227, %select_n3A_226 : i32
          %and3A_229 = arith.constant 32 : i32
          %and3A_230 = arith.andi %min3A_208, %and3A_229 : i32
          %ne3A_231 = arith.constant 0 : i32
          %ne3A_232 = arith.cmpi ne, %and3A_230, %ne3A_231 : i32
          %convert_element_type3A_233 = arith.extui %ne3A_232 : i1 to i32
          %cond3A_234 = arith.constant 0 : i32
          %cond3A_235 = arith.cmpi ne, %convert_element_type3A_233, %cond3A_234 : i32
          scf.if %cond3A_235 {
            %add3A_268 = arith.addi %multiple_of3A_204, %add3A_228 : i32
            %multiple_of3A_269 = tpu.assume_multiple %add3A_268, 8 : i32
            %dma_start3A_270 = arith.constant 0 : i32
            %dma_start3A_271 = tpu.memref_slice %arg15[%add3A_228, %dma_start3A_270] : memref<96x128xf32, #tpu.memory_space<vmem>> -> memref<32x128xf32, #tpu.memory_space<vmem>>
            %dma_start3A_272 = arith.constant 0 : i32
            %dma_start3A_273 = tpu.memref_slice %arg6[%multiple_of3A_269, %dma_start3A_272] : memref<320000x128xf32, #tpu.memory_space<hbm>> -> memref<32x128xf32, #tpu.memory_space<hbm>>
            %dma_start3A_274 = arith.constant 0 : i32
            %dma_start3A_275 = tpu.memref_slice %arg6[%multiple_of3A_269, %dma_start3A_274] : memref<320000x128xf32, #tpu.memory_space<hbm>> -> memref<32x128xf32, #tpu.memory_space<hbm>>
            %dma_start3A_276 = arith.constant 0 : i32
            %dma_start3A_277 = tpu.memref_slice %arg15[%add3A_228, %dma_start3A_276] : memref<96x128xf32, #tpu.memory_space<vmem>> -> memref<32x128xf32, #tpu.memory_space<vmem>>
            tpu.enqueue_dma source(%dma_start3A_277 : memref<32x128xf32, #tpu.memory_space<vmem>>) target(%dma_start3A_275 : memref<32x128xf32, #tpu.memory_space<hbm>>) target_semaphore(%arg21 : memref<!tpu.dma_semaphore, #tpu.memory_space<semaphore_mem>>)
          } else {
          }
          %jit3A_236 = arith.constant 32 : i32
          %jit3A_237 = arith.constant 0 : i32
          %select_n3A_238 = arith.select %ne3A_232, %jit3A_236, %jit3A_237 : i32
          %add3A_239 = arith.addi %add3A_228, %select_n3A_238 : i32
          %and3A_240 = arith.constant 16 : i32
          %and3A_241 = arith.andi %min3A_208, %and3A_240 : i32
          %ne3A_242 = arith.constant 0 : i32
          %ne3A_243 = arith.cmpi ne, %and3A_241, %ne3A_242 : i32
          %convert_element_type3A_244 = arith.extui %ne3A_243 : i1 to i32
          %cond3A_245 = arith.constant 0 : i32
          %cond3A_246 = arith.cmpi ne, %convert_element_type3A_244, %cond3A_245 : i32
          scf.if %cond3A_246 {
            %add3A_268 = arith.addi %multiple_of3A_204, %add3A_239 : i32
            %multiple_of3A_269 = tpu.assume_multiple %add3A_268, 8 : i32
            %dma_start3A_270 = arith.constant 0 : i32
            %dma_start3A_271 = tpu.memref_slice %arg15[%add3A_239, %dma_start3A_270] : memref<96x128xf32, #tpu.memory_space<vmem>> -> memref<16x128xf32, #tpu.memory_space<vmem>>
            %dma_start3A_272 = arith.constant 0 : i32
            %dma_start3A_273 = tpu.memref_slice %arg6[%multiple_of3A_269, %dma_start3A_272] : memref<320000x128xf32, #tpu.memory_space<hbm>> -> memref<16x128xf32, #tpu.memory_space<hbm>>
            %dma_start3A_274 = arith.constant 0 : i32
            %dma_start3A_275 = tpu.memref_slice %arg6[%multiple_of3A_269, %dma_start3A_274] : memref<320000x128xf32, #tpu.memory_space<hbm>> -> memref<16x128xf32, #tpu.memory_space<hbm>>
            %dma_start3A_276 = arith.constant 0 : i32
            %dma_start3A_277 = tpu.memref_slice %arg15[%add3A_239, %dma_start3A_276] : memref<96x128xf32, #tpu.memory_space<vmem>> -> memref<16x128xf32, #tpu.memory_space<vmem>>
            tpu.enqueue_dma source(%dma_start3A_277 : memref<16x128xf32, #tpu.memory_space<vmem>>) target(%dma_start3A_275 : memref<16x128xf32, #tpu.memory_space<hbm>>) target_semaphore(%arg21 : memref<!tpu.dma_semaphore, #tpu.memory_space<semaphore_mem>>)
          } else {
          }
          %jit3A_247 = arith.constant 16 : i32
          %jit3A_248 = arith.constant 0 : i32
          %select_n3A_249 = arith.select %ne3A_243, %jit3A_247, %jit3A_248 : i32
          %add3A_250 = arith.addi %add3A_239, %select_n3A_249 : i32
          %and3A_251 = arith.constant 8 : i32
          %and3A_252 = arith.andi %min3A_208, %and3A_251 : i32
          %ne3A_253 = arith.constant 0 : i32
          %ne3A_254 = arith.cmpi ne, %and3A_252, %ne3A_253 : i32
          %convert_element_type3A_255 = arith.extui %ne3A_254 : i1 to i32
          %cond3A_256 = arith.constant 0 : i32
          %cond3A_257 = arith.cmpi ne, %convert_element_type3A_255, %cond3A_256 : i32
          scf.if %cond3A_257 {
            %add3A_268 = arith.addi %multiple_of3A_204, %add3A_250 : i32
            %multiple_of3A_269 = tpu.assume_multiple %add3A_268, 8 : i32
            %dma_start3A_270 = arith.constant 0 : i32
            %dma_start3A_271 = tpu.memref_slice %arg15[%add3A_250, %dma_start3A_270] : memref<96x128xf32, #tpu.memory_space<vmem>> -> memref<8x128xf32, #tpu.memory_space<vmem>>
            %dma_start3A_272 = arith.constant 0 : i32
            %dma_start3A_273 = tpu.memref_slice %arg6[%multiple_of3A_269, %dma_start3A_272] : memref<320000x128xf32, #tpu.memory_space<hbm>> -> memref<8x128xf32, #tpu.memory_space<hbm>>
            %dma_start3A_274 = arith.constant 0 : i32
            %dma_start3A_275 = tpu.memref_slice %arg6[%multiple_of3A_269, %dma_start3A_274] : memref<320000x128xf32, #tpu.memory_space<hbm>> -> memref<8x128xf32, #tpu.memory_space<hbm>>
            %dma_start3A_276 = arith.constant 0 : i32
            %dma_start3A_277 = tpu.memref_slice %arg15[%add3A_250, %dma_start3A_276] : memref<96x128xf32, #tpu.memory_space<vmem>> -> memref<8x128xf32, #tpu.memory_space<vmem>>
            tpu.enqueue_dma source(%dma_start3A_277 : memref<8x128xf32, #tpu.memory_space<vmem>>) target(%dma_start3A_275 : memref<8x128xf32, #tpu.memory_space<hbm>>) target_semaphore(%arg21 : memref<!tpu.dma_semaphore, #tpu.memory_space<semaphore_mem>>)
          } else {
          }
          %jit3A_258 = arith.constant 8 : i32
          %jit3A_259 = arith.constant 0 : i32
          %select_n3A_260 = arith.select %ne3A_254, %jit3A_258, %jit3A_259 : i32
          %add3A_261 = arith.addi %add3A_250, %select_n3A_260 : i32
          %add3A_262 = arith.constant 2 : i32
          %add3A_263 = arith.addi %add3A_182, %add3A_262 : i32
          %lt3A_264 = arith.cmpi slt, %add3A_263, %select_n3A_54 : i32
          %convert_element_type3A_265 = arith.extui %lt3A_264 : i1 to i32
          %cond3A_266 = arith.constant 0 : i32
          %cond3A_267 = arith.cmpi ne, %convert_element_type3A_265, %cond3A_266 : i32
          scf.if %cond3A_267 {
            %add3A_268 = arith.constant 2 : i32
            %add3A_269 = arith.addi %add3A_182, %add3A_268 : i32
            %mul3A_270 = arith.constant 96 : i32
            %mul3A_271 = arith.muli %add3A_269, %mul3A_270 : i32
            %add3A_272 = arith.addi %squeeze3A, %mul3A_271 : i32
            %multiple_of3A_273 = tpu.assume_multiple %add3A_272, 8 : i32
            %dma_start3A_274 = arith.constant 0 : i32
            %dma_start3A_275 = tpu.memref_slice %arg2[%multiple_of3A_273, %dma_start3A_274] : memref<320256x64xf32, #tpu.memory_space<hbm>> -> memref<96x64xf32, #tpu.memory_space<hbm>>
            %dma_start3A_276 = arith.constant 0 : i32
            %dma_start3A_277 = tpu.memref_slice %arg2[%multiple_of3A_273, %dma_start3A_276] : memref<320256x64xf32, #tpu.memory_space<hbm>> -> memref<96x64xf32, #tpu.memory_space<hbm>>
            tpu.enqueue_dma source(%dma_start3A_277 : memref<96x64xf32, #tpu.memory_space<hbm>>) target(%arg11 : memref<96x64xf32, #tpu.memory_space<vmem>>) target_semaphore(%arg17 : memref<!tpu.dma_semaphore, #tpu.memory_space<semaphore_mem>>)
            %dma_start3A_278 = arith.constant 0 : i32
            %dma_start3A_279 = tpu.memref_slice %arg9[%dma_start3A_278] : memref<136xi32, #tpu.memory_space<vmem>> -> memref<104xi32, #tpu.memory_space<vmem>>
            %dma_start3A_280 = tpu.memref_slice %arg3[%multiple_of3A_273] : memref<320264xi32, #tpu.memory_space<hbm>> -> memref<104xi32, #tpu.memory_space<hbm>>
            %dma_start3A_281 = arith.constant 0 : i32
            %dma_start3A_282 = tpu.memref_slice %arg9[%dma_start3A_281] : memref<136xi32, #tpu.memory_space<vmem>> -> memref<104xi32, #tpu.memory_space<vmem>>
            %dma_start3A_283 = tpu.memref_slice %arg3[%multiple_of3A_273] : memref<320264xi32, #tpu.memory_space<hbm>> -> memref<104xi32, #tpu.memory_space<hbm>>
            tpu.enqueue_dma source(%dma_start3A_283 : memref<104xi32, #tpu.memory_space<hbm>>) target(%dma_start3A_282 : memref<104xi32, #tpu.memory_space<vmem>>) target_semaphore(%arg19 : memref<!tpu.dma_semaphore, #tpu.memory_space<semaphore_mem>>)
          } else {
          }
        } else {
        }
        %while3A_187 = arith.constant 0 : i32
        scf.yield %while3A_187 : i32
      }
      %while3A_110 = arith.constant 1 : i32
      %while3A_111 = scf.for %while3A_169 = %while3A_107 to %while3A_103 step %while3A_110 iter_args(%while3A_170 = %while3A_109) -> (i32)  : i32 {
        %mul3A_171 = arith.constant 2 : i32
        %mul3A_172 = arith.muli %while3A_169, %mul3A_171 : i32
        %add3A_173 = arith.constant 0 : i32
        %add3A_174 = arith.addi %mul3A_172, %add3A_173 : i32
        %lt3A_175 = arith.cmpi slt, %add3A_174, %select_n3A_54 : i32
        %convert_element_type3A_176 = arith.extui %lt3A_175 : i1 to i32
        %cond3A_177 = arith.constant 0 : i32
        %cond3A_178 = arith.cmpi ne, %convert_element_type3A_176, %cond3A_177 : i32
        scf.if %cond3A_178 {
          %mul3A_188 = arith.constant 96 : i32
          %mul3A_189 = arith.muli %add3A_174, %mul3A_188 : i32
          %add3A_190 = arith.addi %squeeze3A, %mul3A_189 : i32
          %multiple_of3A_191 = tpu.assume_multiple %add3A_190, 8 : i32
          %dma_wait3A = arith.constant 0 : i32
          %dma_wait3A_192 = tpu.memref_slice %arg2[%multiple_of3A_191, %dma_wait3A] : memref<320256x64xf32, #tpu.memory_space<hbm>> -> memref<96x64xf32, #tpu.memory_space<hbm>>
          %dma_wait3A_193 = arith.constant 0 : i32
          %dma_wait3A_194 = tpu.memref_slice %arg2[%multiple_of3A_191, %dma_wait3A_193] : memref<320256x64xf32, #tpu.memory_space<hbm>> -> memref<96x64xf32, #tpu.memory_space<hbm>>
          tpu.wait_dma2 semaphore(%arg16 : memref<!tpu.dma_semaphore, #tpu.memory_space<semaphore_mem>>) src(%dma_wait3A_194 : memref<96x64xf32, #tpu.memory_space<hbm>>) dst(%arg10 : memref<96x64xf32, #tpu.memory_space<vmem>>)
          %dma_wait3A_195 = arith.constant 0 : i32
          %dma_wait3A_196 = tpu.memref_slice %arg8[%dma_wait3A_195] : memref<136xi32, #tpu.memory_space<vmem>> -> memref<104xi32, #tpu.memory_space<vmem>>
          %dma_wait3A_197 = tpu.memref_slice %arg3[%multiple_of3A_191] : memref<320264xi32, #tpu.memory_space<hbm>> -> memref<104xi32, #tpu.memory_space<hbm>>
          %dma_wait3A_198 = arith.constant 0 : i32
          %dma_wait3A_199 = tpu.memref_slice %arg8[%dma_wait3A_198] : memref<136xi32, #tpu.memory_space<vmem>> -> memref<104xi32, #tpu.memory_space<vmem>>
          %dma_wait3A_200 = tpu.memref_slice %arg3[%multiple_of3A_191] : memref<320264xi32, #tpu.memory_space<hbm>> -> memref<104xi32, #tpu.memory_space<hbm>>
          tpu.wait_dma2 semaphore(%arg18 : memref<!tpu.dma_semaphore, #tpu.memory_space<semaphore_mem>>) src(%dma_wait3A_200 : memref<104xi32, #tpu.memory_space<hbm>>) dst(%dma_wait3A_199 : memref<104xi32, #tpu.memory_space<vmem>>)
          %mul3A_201 = arith.constant 96 : i32
          %mul3A_202 = arith.muli %add3A_174, %mul3A_201 : i32
          %add3A_203 = arith.addi %squeeze3A, %mul3A_202 : i32
          %multiple_of3A_204 = tpu.assume_multiple %add3A_203, 8 : i32
          %mul3A_205 = arith.constant 96 : i32
          %mul3A_206 = arith.muli %add3A_174, %mul3A_205 : i32
          %sub3A_207 = arith.subi %sub3A, %mul3A_206 : i32
          %min3A = arith.constant 96 : i32
          %min3A_208 = arith.minsi %min3A, %sub3A_207 : i32
          %ge3A_209 = arith.constant 2 : i32
          %ge3A_210 = arith.cmpi sge, %add3A_174, %ge3A_209 : i32
          %convert_element_type3A_211 = arith.extui %ge3A_210 : i1 to i32
          %cond3A_212 = arith.constant 0 : i32
          %cond3A_213 = arith.cmpi ne, %convert_element_type3A_211, %cond3A_212 : i32
          scf.if %cond3A_213 {
            %sub3A_268 = arith.constant 2 : i32
            %sub3A_269 = arith.subi %add3A_174, %sub3A_268 : i32
            %mul3A_270 = arith.constant 96 : i32
            %mul3A_271 = arith.muli %sub3A_269, %mul3A_270 : i32
            %add3A_272 = arith.addi %squeeze3A, %mul3A_271 : i32
            %multiple_of3A_273 = tpu.assume_multiple %add3A_272, 8 : i32
            %sub3A_274 = arith.constant 2 : i32
            %sub3A_275 = arith.subi %add3A_174, %sub3A_274 : i32
            %mul3A_276 = arith.constant 96 : i32
            %mul3A_277 = arith.muli %sub3A_275, %mul3A_276 : i32
            %sub3A_278 = arith.subi %sub3A, %mul3A_277 : i32
            %min3A_279 = arith.constant 96 : i32
            %min3A_280 = arith.minsi %min3A_279, %sub3A_278 : i32
            %and3A_281 = arith.constant 64 : i32
            %and3A_282 = arith.andi %min3A_280, %and3A_281 : i32
            %ne3A_283 = arith.constant 0 : i32
            %ne3A_284 = arith.cmpi ne, %and3A_282, %ne3A_283 : i32
            %convert_element_type3A_285 = arith.extui %ne3A_284 : i1 to i32
            %cond3A_286 = arith.constant 0 : i32
            %cond3A_287 = arith.constant 0 : i32
            %cond3A_288 = arith.cmpi ne, %convert_element_type3A_285, %cond3A_287 : i32
            scf.if %cond3A_288 {
              %add3A_327 = arith.addi %multiple_of3A_273, %cond3A_286 : i32
              %multiple_of3A_328 = tpu.assume_multiple %add3A_327, 8 : i32
              %dma_wait3A_329 = arith.constant 0 : i32
              %dma_wait3A_330 = tpu.memref_slice %arg14[%cond3A_286, %dma_wait3A_329] : memref<96x128xf32, #tpu.memory_space<vmem>> -> memref<64x128xf32, #tpu.memory_space<vmem>>
              %dma_wait3A_331 = arith.constant 0 : i32
              %dma_wait3A_332 = tpu.memref_slice %arg6[%multiple_of3A_328, %dma_wait3A_331] : memref<320000x128xf32, #tpu.memory_space<hbm>> -> memref<64x128xf32, #tpu.memory_space<hbm>>
              %dma_wait3A_333 = arith.constant 0 : i32
              %dma_wait3A_334 = tpu.memref_slice %arg6[%multiple_of3A_328, %dma_wait3A_333] : memref<320000x128xf32, #tpu.memory_space<hbm>> -> memref<64x128xf32, #tpu.memory_space<hbm>>
              %dma_wait3A_335 = arith.constant 0 : i32
              %dma_wait3A_336 = tpu.memref_slice %arg14[%cond3A_286, %dma_wait3A_335] : memref<96x128xf32, #tpu.memory_space<vmem>> -> memref<64x128xf32, #tpu.memory_space<vmem>>
              tpu.wait_dma2 semaphore(%arg20 : memref<!tpu.dma_semaphore, #tpu.memory_space<semaphore_mem>>) src(%dma_wait3A_336 : memref<64x128xf32, #tpu.memory_space<vmem>>) dst(%dma_wait3A_334 : memref<64x128xf32, #tpu.memory_space<hbm>>)
            } else {
            }
            %jit3A_289 = arith.constant 64 : i32
            %jit3A_290 = arith.constant 0 : i32
            %select_n3A_291 = arith.select %ne3A_284, %jit3A_289, %jit3A_290 : i32
            %add3A_292 = arith.constant 0 : i32
            %add3A_293 = arith.addi %add3A_292, %select_n3A_291 : i32
            %and3A_294 = arith.constant 32 : i32
            %and3A_295 = arith.andi %min3A_280, %and3A_294 : i32
            %ne3A_296 = arith.constant 0 : i32
            %ne3A_297 = arith.cmpi ne, %and3A_295, %ne3A_296 : i32
            %convert_element_type3A_298 = arith.extui %ne3A_297 : i1 to i32
            %cond3A_299 = arith.constant 0 : i32
            %cond3A_300 = arith.cmpi ne, %convert_element_type3A_298, %cond3A_299 : i32
            scf.if %cond3A_300 {
              %add3A_327 = arith.addi %multiple_of3A_273, %add3A_293 : i32
              %multiple_of3A_328 = tpu.assume_multiple %add3A_327, 8 : i32
              %dma_wait3A_329 = arith.constant 0 : i32
              %dma_wait3A_330 = tpu.memref_slice %arg14[%add3A_293, %dma_wait3A_329] : memref<96x128xf32, #tpu.memory_space<vmem>> -> memref<32x128xf32, #tpu.memory_space<vmem>>
              %dma_wait3A_331 = arith.constant 0 : i32
              %dma_wait3A_332 = tpu.memref_slice %arg6[%multiple_of3A_328, %dma_wait3A_331] : memref<320000x128xf32, #tpu.memory_space<hbm>> -> memref<32x128xf32, #tpu.memory_space<hbm>>
              %dma_wait3A_333 = arith.constant 0 : i32
              %dma_wait3A_334 = tpu.memref_slice %arg6[%multiple_of3A_328, %dma_wait3A_333] : memref<320000x128xf32, #tpu.memory_space<hbm>> -> memref<32x128xf32, #tpu.memory_space<hbm>>
              %dma_wait3A_335 = arith.constant 0 : i32
              %dma_wait3A_336 = tpu.memref_slice %arg14[%add3A_293, %dma_wait3A_335] : memref<96x128xf32, #tpu.memory_space<vmem>> -> memref<32x128xf32, #tpu.memory_space<vmem>>
              tpu.wait_dma2 semaphore(%arg20 : memref<!tpu.dma_semaphore, #tpu.memory_space<semaphore_mem>>) src(%dma_wait3A_336 : memref<32x128xf32, #tpu.memory_space<vmem>>) dst(%dma_wait3A_334 : memref<32x128xf32, #tpu.memory_space<hbm>>)
            } else {
            }
            %jit3A_301 = arith.constant 32 : i32
            %jit3A_302 = arith.constant 0 : i32
            %select_n3A_303 = arith.select %ne3A_297, %jit3A_301, %jit3A_302 : i32
            %add3A_304 = arith.addi %add3A_293, %select_n3A_303 : i32
            %and3A_305 = arith.constant 16 : i32
            %and3A_306 = arith.andi %min3A_280, %and3A_305 : i32
            %ne3A_307 = arith.constant 0 : i32
            %ne3A_308 = arith.cmpi ne, %and3A_306, %ne3A_307 : i32
            %convert_element_type3A_309 = arith.extui %ne3A_308 : i1 to i32
            %cond3A_310 = arith.constant 0 : i32
            %cond3A_311 = arith.cmpi ne, %convert_element_type3A_309, %cond3A_310 : i32
            scf.if %cond3A_311 {
              %add3A_327 = arith.addi %multiple_of3A_273, %add3A_304 : i32
              %multiple_of3A_328 = tpu.assume_multiple %add3A_327, 8 : i32
              %dma_wait3A_329 = arith.constant 0 : i32
              %dma_wait3A_330 = tpu.memref_slice %arg14[%add3A_304, %dma_wait3A_329] : memref<96x128xf32, #tpu.memory_space<vmem>> -> memref<16x128xf32, #tpu.memory_space<vmem>>
              %dma_wait3A_331 = arith.constant 0 : i32
              %dma_wait3A_332 = tpu.memref_slice %arg6[%multiple_of3A_328, %dma_wait3A_331] : memref<320000x128xf32, #tpu.memory_space<hbm>> -> memref<16x128xf32, #tpu.memory_space<hbm>>
              %dma_wait3A_333 = arith.constant 0 : i32
              %dma_wait3A_334 = tpu.memref_slice %arg6[%multiple_of3A_328, %dma_wait3A_333] : memref<320000x128xf32, #tpu.memory_space<hbm>> -> memref<16x128xf32, #tpu.memory_space<hbm>>
              %dma_wait3A_335 = arith.constant 0 : i32
              %dma_wait3A_336 = tpu.memref_slice %arg14[%add3A_304, %dma_wait3A_335] : memref<96x128xf32, #tpu.memory_space<vmem>> -> memref<16x128xf32, #tpu.memory_space<vmem>>
              tpu.wait_dma2 semaphore(%arg20 : memref<!tpu.dma_semaphore, #tpu.memory_space<semaphore_mem>>) src(%dma_wait3A_336 : memref<16x128xf32, #tpu.memory_space<vmem>>) dst(%dma_wait3A_334 : memref<16x128xf32, #tpu.memory_space<hbm>>)
            } else {
            }
            %jit3A_312 = arith.constant 16 : i32
            %jit3A_313 = arith.constant 0 : i32
            %select_n3A_314 = arith.select %ne3A_308, %jit3A_312, %jit3A_313 : i32
            %add3A_315 = arith.addi %add3A_304, %select_n3A_314 : i32
            %and3A_316 = arith.constant 8 : i32
            %and3A_317 = arith.andi %min3A_280, %and3A_316 : i32
            %ne3A_318 = arith.constant 0 : i32
            %ne3A_319 = arith.cmpi ne, %and3A_317, %ne3A_318 : i32
            %convert_element_type3A_320 = arith.extui %ne3A_319 : i1 to i32
            %cond3A_321 = arith.constant 0 : i32
            %cond3A_322 = arith.cmpi ne, %convert_element_type3A_320, %cond3A_321 : i32
            scf.if %cond3A_322 {
              %add3A_327 = arith.addi %multiple_of3A_273, %add3A_315 : i32
              %multiple_of3A_328 = tpu.assume_multiple %add3A_327, 8 : i32
              %dma_wait3A_329 = arith.constant 0 : i32
              %dma_wait3A_330 = tpu.memref_slice %arg14[%add3A_315, %dma_wait3A_329] : memref<96x128xf32, #tpu.memory_space<vmem>> -> memref<8x128xf32, #tpu.memory_space<vmem>>
              %dma_wait3A_331 = arith.constant 0 : i32
              %dma_wait3A_332 = tpu.memref_slice %arg6[%multiple_of3A_328, %dma_wait3A_331] : memref<320000x128xf32, #tpu.memory_space<hbm>> -> memref<8x128xf32, #tpu.memory_space<hbm>>
              %dma_wait3A_333 = arith.constant 0 : i32
              %dma_wait3A_334 = tpu.memref_slice %arg6[%multiple_of3A_328, %dma_wait3A_333] : memref<320000x128xf32, #tpu.memory_space<hbm>> -> memref<8x128xf32, #tpu.memory_space<hbm>>
              %dma_wait3A_335 = arith.constant 0 : i32
              %dma_wait3A_336 = tpu.memref_slice %arg14[%add3A_315, %dma_wait3A_335] : memref<96x128xf32, #tpu.memory_space<vmem>> -> memref<8x128xf32, #tpu.memory_space<vmem>>
              tpu.wait_dma2 semaphore(%arg20 : memref<!tpu.dma_semaphore, #tpu.memory_space<semaphore_mem>>) src(%dma_wait3A_336 : memref<8x128xf32, #tpu.memory_space<vmem>>) dst(%dma_wait3A_334 : memref<8x128xf32, #tpu.memory_space<hbm>>)
            } else {
            }
            %jit3A_323 = arith.constant 8 : i32
            %jit3A_324 = arith.constant 0 : i32
            %select_n3A_325 = arith.select %ne3A_319, %jit3A_323, %jit3A_324 : i32
            %add3A_326 = arith.addi %add3A_315, %select_n3A_325 : i32
          } else {
          }
          %while3A_214 = arith.constant 0 : i32
          %while3A_215 = scf.while (%while3A_268 = %while3A_214) : (i32) -> i32 {
            %lt3A_269 = arith.cmpi slt, %while3A_268, %min3A_208 : i32
            scf.condition(%lt3A_269) %while3A_268 : i32
          } do {
          ^bb0(%while3A_268: i32):
            %get3A_269 = arith.index_cast %while3A_268 : i32 to index
            %get3A_270 = tpu.vector_load %arg8[%get3A_269] {strides = array<i32>} : memref<136xi32, #tpu.memory_space<vmem>>, vector<16xi32>,
            %slice3A_271 = vector.extract_strided_slice %get3A_270 {offsets = [0], sizes = [1], strides = [1]} : vector<16xi32> to vector<1xi32>
            %squeeze3A_272 = vector.extract %slice3A_271[0] : i32 from vector<1xi32>
            %sub3A_273 = arith.subi %squeeze3A_272, %select_n3A : i32
            %broadcast_in_dim3A = vector.broadcast %squeeze3A_272 : i32 to vector<16xi32>
            %while3A_274 = scf.while (%while3A_294 = %while3A_268) : (i32) -> i32 {
              %lt3A_295 = arith.cmpi slt, %while3A_294, %min3A_208 : i32
              %get3A_296 = arith.index_cast %while3A_294 : i32 to index
              %get3A_297 = tpu.vector_load %arg8[%get3A_296] {strides = array<i32>} : memref<136xi32, #tpu.memory_space<vmem>>, vector<16xi32>,
              %ne3A_298 = arith.cmpi ne, %get3A_297, %broadcast_in_dim3A : vector<16xi32>
              %all_reduce_ffs3A_299 = tpu.all_reduce %ne3A_298 {dim = 0 : i64, kind = #tpu.reduction_kind<find_first_set>} : vector<16xi1> -> vector<16xi32>
              %slice3A_300 = vector.extract_strided_slice %all_reduce_ffs3A_299 {offsets = [0], sizes = [1], strides = [1]} : vector<16xi32> to vector<1xi32>
              %squeeze3A_301 = vector.extract %slice3A_300[0] : i32 from vector<1xi32>
              %ge3A_302 = arith.constant 16 : i32
              %ge3A_303 = arith.cmpi sge, %squeeze3A_301, %ge3A_302 : i32
              %and3A_304 = arith.andi %lt3A_295, %ge3A_303 : i1
              scf.condition(%and3A_304) %while3A_294 : i32
            } do {
            ^bb0(%while3A_294: i32):
              %add3A_295 = arith.constant 16 : i32
              %add3A_296 = arith.addi %while3A_294, %add3A_295 : i32
              scf.yield %add3A_296 : i32
            }
            %get3A_275 = arith.index_cast %while3A_274 : i32 to index
            %get3A_276 = tpu.vector_load %arg8[%get3A_275] {strides = array<i32>} : memref<136xi32, #tpu.memory_space<vmem>>, vector<16xi32>,
            %ne3A_277 = arith.cmpi ne, %get3A_276, %broadcast_in_dim3A : vector<16xi32>
            %all_reduce_ffs3A = tpu.all_reduce %ne3A_277 {dim = 0 : i64, kind = #tpu.reduction_kind<find_first_set>} : vector<16xi1> -> vector<16xi32>
            %slice3A_278 = vector.extract_strided_slice %all_reduce_ffs3A {offsets = [0], sizes = [1], strides = [1]} : vector<16xi32> to vector<1xi32>
            %squeeze3A_279 = vector.extract %slice3A_278[0] : i32 from vector<1xi32>
            %add3A_280 = arith.addi %while3A_274, %squeeze3A_279 : i32
            %min3A_281 = arith.minsi %add3A_280, %min3A_208 : i32
            %add3A_282 = arith.constant 1 : i32
            %add3A_283 = arith.addi %while3A_268, %add3A_282 : i32
            %max3A = arith.maxsi %min3A_281, %add3A_283 : i32
            %ge3A_284 = arith.constant 0 : i32
            %ge3A_285 = arith.cmpi sge, %sub3A_273, %ge3A_284 : i32
            %convert_element_type3A_286 = arith.extui %ge3A_285 : i1 to i32
            %cond3A_287 = arith.constant 0 : i32
            %cond3A_288 = arith.cmpi ne, %convert_element_type3A_286, %cond3A_287 : i32
            scf.if %cond3A_288 {
              %mul3A_294 = arith.constant 64 : i32
              %mul3A_295 = arith.muli %sub3A_273, %mul3A_294 : i32
              %get3A_296 = arith.index_cast %mul3A_295 : i32 to index
              %get3A_297 = tpu.vector_load %arg12[%get3A_296] {strides = array<i32>} : memref<20480xf32, #tpu.memory_space<vmem>>, vector<16xf32>,
              %add3A_298 = arith.constant 16 : i32
              %add3A_299 = arith.addi %mul3A_295, %add3A_298 : i32
              %get3A_300 = arith.index_cast %add3A_299 : i32 to index
              %get3A_301 = tpu.vector_load %arg12[%get3A_300] {strides = array<i32>} : memref<20480xf32, #tpu.memory_space<vmem>>, vector<16xf32>,
              %add3A_302 = arith.constant 32 : i32
              %add3A_303 = arith.addi %mul3A_295, %add3A_302 : i32
              %get3A_304 = arith.index_cast %add3A_303 : i32 to index
              %get3A_305 = tpu.vector_load %arg12[%get3A_304] {strides = array<i32>} : memref<20480xf32, #tpu.memory_space<vmem>>, vector<16xf32>,
              %add3A_306 = arith.constant 48 : i32
              %add3A_307 = arith.addi %mul3A_295, %add3A_306 : i32
              %get3A_308 = arith.index_cast %add3A_307 : i32 to index
              %get3A_309 = tpu.vector_load %arg12[%get3A_308] {strides = array<i32>} : memref<20480xf32, #tpu.memory_space<vmem>>, vector<16xf32>,
              %while3A_310 = arith.constant 0 : i32
              %while3A_311 = arith.subi %max3A, %while3A_268 : i32
              %while3A_312 = arith.addi %while3A_268, %while3A_311 : i32
              %while3A_313 = arith.constant 1 : i32
              %while3A_314 = arith.divsi %while3A_311, %while3A_313 : i32
              %while3A_315 = arith.muli %while3A_314, %while3A_313 : i32
              %while3A_316 = arith.addi %while3A_268, %while3A_315 : i32
              %while3A_317 = arith.constant 1 : i32
              %while3A_318 = scf.for %while3A_321 = %while3A_268 to %while3A_316 step %while3A_317 iter_args(%while3A_322 = %while3A_310) -> (i32)  : i32 {
                %get3A_323 = arith.index_cast %while3A_321 : i32 to index
                %get3A_324 = arith.constant 0 : index
                %get3A_325 = tpu.vector_load %arg10[%get3A_323, %get3A_324] {strides = array<i32>} : memref<96x64xf32, #tpu.memory_space<vmem>>, vector<16xf32>,
                %swap3A = arith.index_cast %while3A_321 : i32 to index
                %swap3A_326 = arith.constant 0 : index
                %swap3A_327 = tpu.vector_load %arg14[%swap3A, %swap3A_326] {strides = array<i32>} : memref<96x128xf32, #tpu.memory_space<vmem>>, vector<16xf32>,
                tpu.vector_store %arg14[%swap3A, %swap3A_326], %get3A_325 {strides = array<i32>} : memref<96x128xf32, #tpu.memory_space<vmem>>, vector<16xf32>,
                %get3A_328 = arith.index_cast %while3A_321 : i32 to index
                %get3A_329 = arith.constant 16 : index
                %get3A_330 = tpu.vector_load %arg10[%get3A_328, %get3A_329] {strides = array<i32>} : memref<96x64xf32, #tpu.memory_space<vmem>>, vector<16xf32>,
                %swap3A_331 = arith.index_cast %while3A_321 : i32 to index
                %swap3A_332 = arith.constant 16 : index
                %swap3A_333 = tpu.vector_load %arg14[%swap3A_331, %swap3A_332] {strides = array<i32>} : memref<96x128xf32, #tpu.memory_space<vmem>>, vector<16xf32>,
                tpu.vector_store %arg14[%swap3A_331, %swap3A_332], %get3A_330 {strides = array<i32>} : memref<96x128xf32, #tpu.memory_space<vmem>>, vector<16xf32>,
                %get3A_334 = arith.index_cast %while3A_321 : i32 to index
                %get3A_335 = arith.constant 32 : index
                %get3A_336 = tpu.vector_load %arg10[%get3A_334, %get3A_335] {strides = array<i32>} : memref<96x64xf32, #tpu.memory_space<vmem>>, vector<16xf32>,
                %swap3A_337 = arith.index_cast %while3A_321 : i32 to index
                %swap3A_338 = arith.constant 32 : index
                %swap3A_339 = tpu.vector_load %arg14[%swap3A_337, %swap3A_338] {strides = array<i32>} : memref<96x128xf32, #tpu.memory_space<vmem>>, vector<16xf32>,
                tpu.vector_store %arg14[%swap3A_337, %swap3A_338], %get3A_336 {strides = array<i32>} : memref<96x128xf32, #tpu.memory_space<vmem>>, vector<16xf32>,
                %get3A_340 = arith.index_cast %while3A_321 : i32 to index
                %get3A_341 = arith.constant 48 : index
                %get3A_342 = tpu.vector_load %arg10[%get3A_340, %get3A_341] {strides = array<i32>} : memref<96x64xf32, #tpu.memory_space<vmem>>, vector<16xf32>,
                %swap3A_343 = arith.index_cast %while3A_321 : i32 to index
                %swap3A_344 = arith.constant 48 : index
                %swap3A_345 = tpu.vector_load %arg14[%swap3A_343, %swap3A_344] {strides = array<i32>} : memref<96x128xf32, #tpu.memory_space<vmem>>, vector<16xf32>,
                tpu.vector_store %arg14[%swap3A_343, %swap3A_344], %get3A_342 {strides = array<i32>} : memref<96x128xf32, #tpu.memory_space<vmem>>, vector<16xf32>,
                %swap3A_346 = arith.index_cast %while3A_321 : i32 to index
                %swap3A_347 = arith.constant 64 : index
                %swap3A_348 = tpu.vector_load %arg14[%swap3A_346, %swap3A_347] {strides = array<i32>} : memref<96x128xf32, #tpu.memory_space<vmem>>, vector<16xf32>,
                tpu.vector_store %arg14[%swap3A_346, %swap3A_347], %get3A_297 {strides = array<i32>} : memref<96x128xf32, #tpu.memory_space<vmem>>, vector<16xf32>,
                %swap3A_349 = arith.index_cast %while3A_321 : i32 to index
                %swap3A_350 = arith.constant 80 : index
                %swap3A_351 = tpu.vector_load %arg14[%swap3A_349, %swap3A_350] {strides = array<i32>} : memref<96x128xf32, #tpu.memory_space<vmem>>, vector<16xf32>,
                tpu.vector_store %arg14[%swap3A_349, %swap3A_350], %get3A_301 {strides = array<i32>} : memref<96x128xf32, #tpu.memory_space<vmem>>, vector<16xf32>,
                %swap3A_352 = arith.index_cast %while3A_321 : i32 to index
                %swap3A_353 = arith.constant 96 : index
                %swap3A_354 = tpu.vector_load %arg14[%swap3A_352, %swap3A_353] {strides = array<i32>} : memref<96x128xf32, #tpu.memory_space<vmem>>, vector<16xf32>,
                tpu.vector_store %arg14[%swap3A_352, %swap3A_353], %get3A_305 {strides = array<i32>} : memref<96x128xf32, #tpu.memory_space<vmem>>, vector<16xf32>,
                %swap3A_355 = arith.index_cast %while3A_321 : i32 to index
                %swap3A_356 = arith.constant 112 : index
                %swap3A_357 = tpu.vector_load %arg14[%swap3A_355, %swap3A_356] {strides = array<i32>} : memref<96x128xf32, #tpu.memory_space<vmem>>, vector<16xf32>,
                tpu.vector_store %arg14[%swap3A_355, %swap3A_356], %get3A_309 {strides = array<i32>} : memref<96x128xf32, #tpu.memory_space<vmem>>, vector<16xf32>,
                %while3A_358 = arith.constant 0 : i32
                scf.yield %while3A_358 : i32
              }
              %while3A_319 = arith.constant 1 : i32
              %while3A_320 = scf.for %while3A_321 = %while3A_316 to %while3A_312 step %while3A_319 iter_args(%while3A_322 = %while3A_318) -> (i32)  : i32 {
                %get3A_323 = arith.index_cast %while3A_321 : i32 to index
                %get3A_324 = arith.constant 0 : index
                %get3A_325 = tpu.vector_load %arg10[%get3A_323, %get3A_324] {strides = array<i32>} : memref<96x64xf32, #tpu.memory_space<vmem>>, vector<16xf32>,
                %swap3A = arith.index_cast %while3A_321 : i32 to index
                %swap3A_326 = arith.constant 0 : index
                %swap3A_327 = tpu.vector_load %arg14[%swap3A, %swap3A_326] {strides = array<i32>} : memref<96x128xf32, #tpu.memory_space<vmem>>, vector<16xf32>,
                tpu.vector_store %arg14[%swap3A, %swap3A_326], %get3A_325 {strides = array<i32>} : memref<96x128xf32, #tpu.memory_space<vmem>>, vector<16xf32>,
                %get3A_328 = arith.index_cast %while3A_321 : i32 to index
                %get3A_329 = arith.constant 16 : index
                %get3A_330 = tpu.vector_load %arg10[%get3A_328, %get3A_329] {strides = array<i32>} : memref<96x64xf32, #tpu.memory_space<vmem>>, vector<16xf32>,
                %swap3A_331 = arith.index_cast %while3A_321 : i32 to index
                %swap3A_332 = arith.constant 16 : index
                %swap3A_333 = tpu.vector_load %arg14[%swap3A_331, %swap3A_332] {strides = array<i32>} : memref<96x128xf32, #tpu.memory_space<vmem>>, vector<16xf32>,
                tpu.vector_store %arg14[%swap3A_331, %swap3A_332], %get3A_330 {strides = array<i32>} : memref<96x128xf32, #tpu.memory_space<vmem>>, vector<16xf32>,
                %get3A_334 = arith.index_cast %while3A_321 : i32 to index
                %get3A_335 = arith.constant 32 : index
                %get3A_336 = tpu.vector_load %arg10[%get3A_334, %get3A_335] {strides = array<i32>} : memref<96x64xf32, #tpu.memory_space<vmem>>, vector<16xf32>,
                %swap3A_337 = arith.index_cast %while3A_321 : i32 to index
                %swap3A_338 = arith.constant 32 : index
                %swap3A_339 = tpu.vector_load %arg14[%swap3A_337, %swap3A_338] {strides = array<i32>} : memref<96x128xf32, #tpu.memory_space<vmem>>, vector<16xf32>,
                tpu.vector_store %arg14[%swap3A_337, %swap3A_338], %get3A_336 {strides = array<i32>} : memref<96x128xf32, #tpu.memory_space<vmem>>, vector<16xf32>,
                %get3A_340 = arith.index_cast %while3A_321 : i32 to index
                %get3A_341 = arith.constant 48 : index
                %get3A_342 = tpu.vector_load %arg10[%get3A_340, %get3A_341] {strides = array<i32>} : memref<96x64xf32, #tpu.memory_space<vmem>>, vector<16xf32>,
                %swap3A_343 = arith.index_cast %while3A_321 : i32 to index
                %swap3A_344 = arith.constant 48 : index
                %swap3A_345 = tpu.vector_load %arg14[%swap3A_343, %swap3A_344] {strides = array<i32>} : memref<96x128xf32, #tpu.memory_space<vmem>>, vector<16xf32>,
                tpu.vector_store %arg14[%swap3A_343, %swap3A_344], %get3A_342 {strides = array<i32>} : memref<96x128xf32, #tpu.memory_space<vmem>>, vector<16xf32>,
                %swap3A_346 = arith.index_cast %while3A_321 : i32 to index
                %swap3A_347 = arith.constant 64 : index
                %swap3A_348 = tpu.vector_load %arg14[%swap3A_346, %swap3A_347] {strides = array<i32>} : memref<96x128xf32, #tpu.memory_space<vmem>>, vector<16xf32>,
                tpu.vector_store %arg14[%swap3A_346, %swap3A_347], %get3A_297 {strides = array<i32>} : memref<96x128xf32, #tpu.memory_space<vmem>>, vector<16xf32>,
                %swap3A_349 = arith.index_cast %while3A_321 : i32 to index
                %swap3A_350 = arith.constant 80 : index
                %swap3A_351 = tpu.vector_load %arg14[%swap3A_349, %swap3A_350] {strides = array<i32>} : memref<96x128xf32, #tpu.memory_space<vmem>>, vector<16xf32>,
                tpu.vector_store %arg14[%swap3A_349, %swap3A_350], %get3A_301 {strides = array<i32>} : memref<96x128xf32, #tpu.memory_space<vmem>>, vector<16xf32>,
                %swap3A_352 = arith.index_cast %while3A_321 : i32 to index
                %swap3A_353 = arith.constant 96 : index
                %swap3A_354 = tpu.vector_load %arg14[%swap3A_352, %swap3A_353] {strides = array<i32>} : memref<96x128xf32, #tpu.memory_space<vmem>>, vector<16xf32>,
                tpu.vector_store %arg14[%swap3A_352, %swap3A_353], %get3A_305 {strides = array<i32>} : memref<96x128xf32, #tpu.memory_space<vmem>>, vector<16xf32>,
                %swap3A_355 = arith.index_cast %while3A_321 : i32 to index
                %swap3A_356 = arith.constant 112 : index
                %swap3A_357 = tpu.vector_load %arg14[%swap3A_355, %swap3A_356] {strides = array<i32>} : memref<96x128xf32, #tpu.memory_space<vmem>>, vector<16xf32>,
                tpu.vector_store %arg14[%swap3A_355, %swap3A_356], %get3A_309 {strides = array<i32>} : memref<96x128xf32, #tpu.memory_space<vmem>>, vector<16xf32>,
                %while3A_358 = arith.constant 0 : i32
                scf.yield %while3A_358 : i32
              }
            } else {
            }
            %lt3A_289 = arith.constant 0 : i32
            %lt3A_290 = arith.cmpi slt, %sub3A_273, %lt3A_289 : i32
            %convert_element_type3A_291 = arith.extui %lt3A_290 : i1 to i32
            %cond3A_292 = arith.constant 0 : i32
            %cond3A_293 = arith.cmpi ne, %convert_element_type3A_291, %cond3A_292 : i32
            scf.if %cond3A_293 {
              %mul3A_294 = arith.constant 64 : i32
              %mul3A_295 = arith.muli %squeeze3A_272, %mul3A_294 : i32
              "tpu.region"() ({
                %run_scoped3A = tpu.sem_alloc : memref<!tpu.dma_semaphore, #tpu.memory_space<semaphore_mem>>
                %dma_start3A_315 = tpu.memref_slice %arg5[%mul3A_295] : memref<641024xf32, #tpu.memory_space<hbm>> -> memref<64xf32, #tpu.memory_space<hbm>>
                %dma_start3A_316 = tpu.memref_slice %arg5[%mul3A_295] : memref<641024xf32, #tpu.memory_space<hbm>> -> memref<64xf32, #tpu.memory_space<hbm>>
                tpu.enqueue_dma source(%dma_start3A_316 : memref<64xf32, #tpu.memory_space<hbm>>) target(%arg13 : memref<64xf32, #tpu.memory_space<vmem>>) target_semaphore(%run_scoped3A : memref<!tpu.dma_semaphore, #tpu.memory_space<semaphore_mem>>)
                %dma_wait3A_317 = tpu.memref_slice %arg5[%mul3A_295] : memref<641024xf32, #tpu.memory_space<hbm>> -> memref<64xf32, #tpu.memory_space<hbm>>
                %dma_wait3A_318 = tpu.memref_slice %arg5[%mul3A_295] : memref<641024xf32, #tpu.memory_space<hbm>> -> memref<64xf32, #tpu.memory_space<hbm>>
                tpu.wait_dma2 semaphore(%run_scoped3A : memref<!tpu.dma_semaphore, #tpu.memory_space<semaphore_mem>>) src(%dma_wait3A_318 : memref<64xf32, #tpu.memory_space<hbm>>) dst(%arg13 : memref<64xf32, #tpu.memory_space<vmem>>)
                tpu.yield
              }) : () -> ()
              %get3A_296 = arith.constant 0 : index
              %get3A_297 = tpu.vector_load %arg13[%get3A_296] {strides = array<i32>} : memref<64xf32, #tpu.memory_space<vmem>>, vector<16xf32>,
              %get3A_298 = arith.constant 16 : index
              %get3A_299 = tpu.vector_load %arg13[%get3A_298] {strides = array<i32>} : memref<64xf32, #tpu.memory_space<vmem>>, vector<16xf32>,
              %get3A_300 = arith.constant 32 : index
              %get3A_301 = tpu.vector_load %arg13[%get3A_300] {strides = array<i32>} : memref<64xf32, #tpu.memory_space<vmem>>, vector<16xf32>,
              %get3A_302 = arith.constant 48 : index
              %get3A_303 = tpu.vector_load %arg13[%get3A_302] {strides = array<i32>} : memref<64xf32, #tpu.memory_space<vmem>>, vector<16xf32>,
              %while3A_304 = arith.constant 0 : i32
              %while3A_305 = arith.subi %max3A, %while3A_268 : i32
              %while3A_306 = arith.addi %while3A_268, %while3A_305 : i32
              %while3A_307 = arith.constant 1 : i32
              %while3A_308 = arith.divsi %while3A_305, %while3A_307 : i32
              %while3A_309 = arith.muli %while3A_308, %while3A_307 : i32
              %while3A_310 = arith.addi %while3A_268, %while3A_309 : i32
              %while3A_311 = arith.constant 1 : i32
              %while3A_312 = scf.for %while3A_315 = %while3A_268 to %while3A_310 step %while3A_311 iter_args(%while3A_316 = %while3A_304) -> (i32)  : i32 {
                %get3A_317 = arith.index_cast %while3A_315 : i32 to index
                %get3A_318 = arith.constant 0 : index
                %get3A_319 = tpu.vector_load %arg10[%get3A_317, %get3A_318] {strides = array<i32>} : memref<96x64xf32, #tpu.memory_space<vmem>>, vector<16xf32>,
                %swap3A = arith.index_cast %while3A_315 : i32 to index
                %swap3A_320 = arith.constant 0 : index
                %swap3A_321 = tpu.vector_load %arg14[%swap3A, %swap3A_320] {strides = array<i32>} : memref<96x128xf32, #tpu.memory_space<vmem>>, vector<16xf32>,
                tpu.vector_store %arg14[%swap3A, %swap3A_320], %get3A_319 {strides = array<i32>} : memref<96x128xf32, #tpu.memory_space<vmem>>, vector<16xf32>,
                %get3A_322 = arith.index_cast %while3A_315 : i32 to index
                %get3A_323 = arith.constant 16 : index
                %get3A_324 = tpu.vector_load %arg10[%get3A_322, %get3A_323] {strides = array<i32>} : memref<96x64xf32, #tpu.memory_space<vmem>>, vector<16xf32>,
                %swap3A_325 = arith.index_cast %while3A_315 : i32 to index
                %swap3A_326 = arith.constant 16 : index
                %swap3A_327 = tpu.vector_load %arg14[%swap3A_325, %swap3A_326] {strides = array<i32>} : memref<96x128xf32, #tpu.memory_space<vmem>>, vector<16xf32>,
                tpu.vector_store %arg14[%swap3A_325, %swap3A_326], %get3A_324 {strides = array<i32>} : memref<96x128xf32, #tpu.memory_space<vmem>>, vector<16xf32>,
                %get3A_328 = arith.index_cast %while3A_315 : i32 to index
                %get3A_329 = arith.constant 32 : index
                %get3A_330 = tpu.vector_load %arg10[%get3A_328, %get3A_329] {strides = array<i32>} : memref<96x64xf32, #tpu.memory_space<vmem>>, vector<16xf32>,
                %swap3A_331 = arith.index_cast %while3A_315 : i32 to index
                %swap3A_332 = arith.constant 32 : index
                %swap3A_333 = tpu.vector_load %arg14[%swap3A_331, %swap3A_332] {strides = array<i32>} : memref<96x128xf32, #tpu.memory_space<vmem>>, vector<16xf32>,
                tpu.vector_store %arg14[%swap3A_331, %swap3A_332], %get3A_330 {strides = array<i32>} : memref<96x128xf32, #tpu.memory_space<vmem>>, vector<16xf32>,
                %get3A_334 = arith.index_cast %while3A_315 : i32 to index
                %get3A_335 = arith.constant 48 : index
                %get3A_336 = tpu.vector_load %arg10[%get3A_334, %get3A_335] {strides = array<i32>} : memref<96x64xf32, #tpu.memory_space<vmem>>, vector<16xf32>,
                %swap3A_337 = arith.index_cast %while3A_315 : i32 to index
                %swap3A_338 = arith.constant 48 : index
                %swap3A_339 = tpu.vector_load %arg14[%swap3A_337, %swap3A_338] {strides = array<i32>} : memref<96x128xf32, #tpu.memory_space<vmem>>, vector<16xf32>,
                tpu.vector_store %arg14[%swap3A_337, %swap3A_338], %get3A_336 {strides = array<i32>} : memref<96x128xf32, #tpu.memory_space<vmem>>, vector<16xf32>,
                %swap3A_340 = arith.index_cast %while3A_315 : i32 to index
                %swap3A_341 = arith.constant 64 : index
                %swap3A_342 = tpu.vector_load %arg14[%swap3A_340, %swap3A_341] {strides = array<i32>} : memref<96x128xf32, #tpu.memory_space<vmem>>, vector<16xf32>,
                tpu.vector_store %arg14[%swap3A_340, %swap3A_341], %get3A_297 {strides = array<i32>} : memref<96x128xf32, #tpu.memory_space<vmem>>, vector<16xf32>,
                %swap3A_343 = arith.index_cast %while3A_315 : i32 to index
                %swap3A_344 = arith.constant 80 : index
                %swap3A_345 = tpu.vector_load %arg14[%swap3A_343, %swap3A_344] {strides = array<i32>} : memref<96x128xf32, #tpu.memory_space<vmem>>, vector<16xf32>,
                tpu.vector_store %arg14[%swap3A_343, %swap3A_344], %get3A_299 {strides = array<i32>} : memref<96x128xf32, #tpu.memory_space<vmem>>, vector<16xf32>,
                %swap3A_346 = arith.index_cast %while3A_315 : i32 to index
                %swap3A_347 = arith.constant 96 : index
                %swap3A_348 = tpu.vector_load %arg14[%swap3A_346, %swap3A_347] {strides = array<i32>} : memref<96x128xf32, #tpu.memory_space<vmem>>, vector<16xf32>,
                tpu.vector_store %arg14[%swap3A_346, %swap3A_347], %get3A_301 {strides = array<i32>} : memref<96x128xf32, #tpu.memory_space<vmem>>, vector<16xf32>,
                %swap3A_349 = arith.index_cast %while3A_315 : i32 to index
                %swap3A_350 = arith.constant 112 : index
                %swap3A_351 = tpu.vector_load %arg14[%swap3A_349, %swap3A_350] {strides = array<i32>} : memref<96x128xf32, #tpu.memory_space<vmem>>, vector<16xf32>,
                tpu.vector_store %arg14[%swap3A_349, %swap3A_350], %get3A_303 {strides = array<i32>} : memref<96x128xf32, #tpu.memory_space<vmem>>, vector<16xf32>,
                %while3A_352 = arith.constant 0 : i32
                scf.yield %while3A_352 : i32
              }
              %while3A_313 = arith.constant 1 : i32
              %while3A_314 = scf.for %while3A_315 = %while3A_310 to %while3A_306 step %while3A_313 iter_args(%while3A_316 = %while3A_312) -> (i32)  : i32 {
                %get3A_317 = arith.index_cast %while3A_315 : i32 to index
                %get3A_318 = arith.constant 0 : index
                %get3A_319 = tpu.vector_load %arg10[%get3A_317, %get3A_318] {strides = array<i32>} : memref<96x64xf32, #tpu.memory_space<vmem>>, vector<16xf32>,
                %swap3A = arith.index_cast %while3A_315 : i32 to index
                %swap3A_320 = arith.constant 0 : index
                %swap3A_321 = tpu.vector_load %arg14[%swap3A, %swap3A_320] {strides = array<i32>} : memref<96x128xf32, #tpu.memory_space<vmem>>, vector<16xf32>,
                tpu.vector_store %arg14[%swap3A, %swap3A_320], %get3A_319 {strides = array<i32>} : memref<96x128xf32, #tpu.memory_space<vmem>>, vector<16xf32>,
                %get3A_322 = arith.index_cast %while3A_315 : i32 to index
                %get3A_323 = arith.constant 16 : index
                %get3A_324 = tpu.vector_load %arg10[%get3A_322, %get3A_323] {strides = array<i32>} : memref<96x64xf32, #tpu.memory_space<vmem>>, vector<16xf32>,
                %swap3A_325 = arith.index_cast %while3A_315 : i32 to index
                %swap3A_326 = arith.constant 16 : index
                %swap3A_327 = tpu.vector_load %arg14[%swap3A_325, %swap3A_326] {strides = array<i32>} : memref<96x128xf32, #tpu.memory_space<vmem>>, vector<16xf32>,
                tpu.vector_store %arg14[%swap3A_325, %swap3A_326], %get3A_324 {strides = array<i32>} : memref<96x128xf32, #tpu.memory_space<vmem>>, vector<16xf32>,
                %get3A_328 = arith.index_cast %while3A_315 : i32 to index
                %get3A_329 = arith.constant 32 : index
                %get3A_330 = tpu.vector_load %arg10[%get3A_328, %get3A_329] {strides = array<i32>} : memref<96x64xf32, #tpu.memory_space<vmem>>, vector<16xf32>,
                %swap3A_331 = arith.index_cast %while3A_315 : i32 to index
                %swap3A_332 = arith.constant 32 : index
                %swap3A_333 = tpu.vector_load %arg14[%swap3A_331, %swap3A_332] {strides = array<i32>} : memref<96x128xf32, #tpu.memory_space<vmem>>, vector<16xf32>,
                tpu.vector_store %arg14[%swap3A_331, %swap3A_332], %get3A_330 {strides = array<i32>} : memref<96x128xf32, #tpu.memory_space<vmem>>, vector<16xf32>,
                %get3A_334 = arith.index_cast %while3A_315 : i32 to index
                %get3A_335 = arith.constant 48 : index
                %get3A_336 = tpu.vector_load %arg10[%get3A_334, %get3A_335] {strides = array<i32>} : memref<96x64xf32, #tpu.memory_space<vmem>>, vector<16xf32>,
                %swap3A_337 = arith.index_cast %while3A_315 : i32 to index
                %swap3A_338 = arith.constant 48 : index
                %swap3A_339 = tpu.vector_load %arg14[%swap3A_337, %swap3A_338] {strides = array<i32>} : memref<96x128xf32, #tpu.memory_space<vmem>>, vector<16xf32>,
                tpu.vector_store %arg14[%swap3A_337, %swap3A_338], %get3A_336 {strides = array<i32>} : memref<96x128xf32, #tpu.memory_space<vmem>>, vector<16xf32>,
                %swap3A_340 = arith.index_cast %while3A_315 : i32 to index
                %swap3A_341 = arith.constant 64 : index
                %swap3A_342 = tpu.vector_load %arg14[%swap3A_340, %swap3A_341] {strides = array<i32>} : memref<96x128xf32, #tpu.memory_space<vmem>>, vector<16xf32>,
                tpu.vector_store %arg14[%swap3A_340, %swap3A_341], %get3A_297 {strides = array<i32>} : memref<96x128xf32, #tpu.memory_space<vmem>>, vector<16xf32>,
                %swap3A_343 = arith.index_cast %while3A_315 : i32 to index
                %swap3A_344 = arith.constant 80 : index
                %swap3A_345 = tpu.vector_load %arg14[%swap3A_343, %swap3A_344] {strides = array<i32>} : memref<96x128xf32, #tpu.memory_space<vmem>>, vector<16xf32>,
                tpu.vector_store %arg14[%swap3A_343, %swap3A_344], %get3A_299 {strides = array<i32>} : memref<96x128xf32, #tpu.memory_space<vmem>>, vector<16xf32>,
                %swap3A_346 = arith.index_cast %while3A_315 : i32 to index
                %swap3A_347 = arith.constant 96 : index
                %swap3A_348 = tpu.vector_load %arg14[%swap3A_346, %swap3A_347] {strides = array<i32>} : memref<96x128xf32, #tpu.memory_space<vmem>>, vector<16xf32>,
                tpu.vector_store %arg14[%swap3A_346, %swap3A_347], %get3A_301 {strides = array<i32>} : memref<96x128xf32, #tpu.memory_space<vmem>>, vector<16xf32>,
                %swap3A_349 = arith.index_cast %while3A_315 : i32 to index
                %swap3A_350 = arith.constant 112 : index
                %swap3A_351 = tpu.vector_load %arg14[%swap3A_349, %swap3A_350] {strides = array<i32>} : memref<96x128xf32, #tpu.memory_space<vmem>>, vector<16xf32>,
                tpu.vector_store %arg14[%swap3A_349, %swap3A_350], %get3A_303 {strides = array<i32>} : memref<96x128xf32, #tpu.memory_space<vmem>>, vector<16xf32>,
                %while3A_352 = arith.constant 0 : i32
                scf.yield %while3A_352 : i32
              }
            } else {
            }
            scf.yield %max3A : i32
          }
          %and3A_216 = arith.constant 64 : i32
          %and3A_217 = arith.andi %min3A_208, %and3A_216 : i32
          %ne3A_218 = arith.constant 0 : i32
          %ne3A_219 = arith.cmpi ne, %and3A_217, %ne3A_218 : i32
          %convert_element_type3A_220 = arith.extui %ne3A_219 : i1 to i32
          %cond3A_221 = arith.constant 0 : i32
          %cond3A_222 = arith.constant 0 : i32
          %cond3A_223 = arith.cmpi ne, %convert_element_type3A_220, %cond3A_222 : i32
          scf.if %cond3A_223 {
            %add3A_268 = arith.addi %multiple_of3A_204, %cond3A_221 : i32
            %multiple_of3A_269 = tpu.assume_multiple %add3A_268, 8 : i32
            %dma_start3A_270 = arith.constant 0 : i32
            %dma_start3A_271 = tpu.memref_slice %arg14[%cond3A_221, %dma_start3A_270] : memref<96x128xf32, #tpu.memory_space<vmem>> -> memref<64x128xf32, #tpu.memory_space<vmem>>
            %dma_start3A_272 = arith.constant 0 : i32
            %dma_start3A_273 = tpu.memref_slice %arg6[%multiple_of3A_269, %dma_start3A_272] : memref<320000x128xf32, #tpu.memory_space<hbm>> -> memref<64x128xf32, #tpu.memory_space<hbm>>
            %dma_start3A_274 = arith.constant 0 : i32
            %dma_start3A_275 = tpu.memref_slice %arg6[%multiple_of3A_269, %dma_start3A_274] : memref<320000x128xf32, #tpu.memory_space<hbm>> -> memref<64x128xf32, #tpu.memory_space<hbm>>
            %dma_start3A_276 = arith.constant 0 : i32
            %dma_start3A_277 = tpu.memref_slice %arg14[%cond3A_221, %dma_start3A_276] : memref<96x128xf32, #tpu.memory_space<vmem>> -> memref<64x128xf32, #tpu.memory_space<vmem>>
            tpu.enqueue_dma source(%dma_start3A_277 : memref<64x128xf32, #tpu.memory_space<vmem>>) target(%dma_start3A_275 : memref<64x128xf32, #tpu.memory_space<hbm>>) target_semaphore(%arg20 : memref<!tpu.dma_semaphore, #tpu.memory_space<semaphore_mem>>)
          } else {
          }
          %jit3A_224 = arith.constant 64 : i32
          %jit3A_225 = arith.constant 0 : i32
          %select_n3A_226 = arith.select %ne3A_219, %jit3A_224, %jit3A_225 : i32
          %add3A_227 = arith.constant 0 : i32
          %add3A_228 = arith.addi %add3A_227, %select_n3A_226 : i32
          %and3A_229 = arith.constant 32 : i32
          %and3A_230 = arith.andi %min3A_208, %and3A_229 : i32
          %ne3A_231 = arith.constant 0 : i32
          %ne3A_232 = arith.cmpi ne, %and3A_230, %ne3A_231 : i32
          %convert_element_type3A_233 = arith.extui %ne3A_232 : i1 to i32
          %cond3A_234 = arith.constant 0 : i32
          %cond3A_235 = arith.cmpi ne, %convert_element_type3A_233, %cond3A_234 : i32
          scf.if %cond3A_235 {
            %add3A_268 = arith.addi %multiple_of3A_204, %add3A_228 : i32
            %multiple_of3A_269 = tpu.assume_multiple %add3A_268, 8 : i32
            %dma_start3A_270 = arith.constant 0 : i32
            %dma_start3A_271 = tpu.memref_slice %arg14[%add3A_228, %dma_start3A_270] : memref<96x128xf32, #tpu.memory_space<vmem>> -> memref<32x128xf32, #tpu.memory_space<vmem>>
            %dma_start3A_272 = arith.constant 0 : i32
            %dma_start3A_273 = tpu.memref_slice %arg6[%multiple_of3A_269, %dma_start3A_272] : memref<320000x128xf32, #tpu.memory_space<hbm>> -> memref<32x128xf32, #tpu.memory_space<hbm>>
            %dma_start3A_274 = arith.constant 0 : i32
            %dma_start3A_275 = tpu.memref_slice %arg6[%multiple_of3A_269, %dma_start3A_274] : memref<320000x128xf32, #tpu.memory_space<hbm>> -> memref<32x128xf32, #tpu.memory_space<hbm>>
            %dma_start3A_276 = arith.constant 0 : i32
            %dma_start3A_277 = tpu.memref_slice %arg14[%add3A_228, %dma_start3A_276] : memref<96x128xf32, #tpu.memory_space<vmem>> -> memref<32x128xf32, #tpu.memory_space<vmem>>
            tpu.enqueue_dma source(%dma_start3A_277 : memref<32x128xf32, #tpu.memory_space<vmem>>) target(%dma_start3A_275 : memref<32x128xf32, #tpu.memory_space<hbm>>) target_semaphore(%arg20 : memref<!tpu.dma_semaphore, #tpu.memory_space<semaphore_mem>>)
          } else {
          }
          %jit3A_236 = arith.constant 32 : i32
          %jit3A_237 = arith.constant 0 : i32
          %select_n3A_238 = arith.select %ne3A_232, %jit3A_236, %jit3A_237 : i32
          %add3A_239 = arith.addi %add3A_228, %select_n3A_238 : i32
          %and3A_240 = arith.constant 16 : i32
          %and3A_241 = arith.andi %min3A_208, %and3A_240 : i32
          %ne3A_242 = arith.constant 0 : i32
          %ne3A_243 = arith.cmpi ne, %and3A_241, %ne3A_242 : i32
          %convert_element_type3A_244 = arith.extui %ne3A_243 : i1 to i32
          %cond3A_245 = arith.constant 0 : i32
          %cond3A_246 = arith.cmpi ne, %convert_element_type3A_244, %cond3A_245 : i32
          scf.if %cond3A_246 {
            %add3A_268 = arith.addi %multiple_of3A_204, %add3A_239 : i32
            %multiple_of3A_269 = tpu.assume_multiple %add3A_268, 8 : i32
            %dma_start3A_270 = arith.constant 0 : i32
            %dma_start3A_271 = tpu.memref_slice %arg14[%add3A_239, %dma_start3A_270] : memref<96x128xf32, #tpu.memory_space<vmem>> -> memref<16x128xf32, #tpu.memory_space<vmem>>
            %dma_start3A_272 = arith.constant 0 : i32
            %dma_start3A_273 = tpu.memref_slice %arg6[%multiple_of3A_269, %dma_start3A_272] : memref<320000x128xf32, #tpu.memory_space<hbm>> -> memref<16x128xf32, #tpu.memory_space<hbm>>
            %dma_start3A_274 = arith.constant 0 : i32
            %dma_start3A_275 = tpu.memref_slice %arg6[%multiple_of3A_269, %dma_start3A_274] : memref<320000x128xf32, #tpu.memory_space<hbm>> -> memref<16x128xf32, #tpu.memory_space<hbm>>
            %dma_start3A_276 = arith.constant 0 : i32
            %dma_start3A_277 = tpu.memref_slice %arg14[%add3A_239, %dma_start3A_276] : memref<96x128xf32, #tpu.memory_space<vmem>> -> memref<16x128xf32, #tpu.memory_space<vmem>>
            tpu.enqueue_dma source(%dma_start3A_277 : memref<16x128xf32, #tpu.memory_space<vmem>>) target(%dma_start3A_275 : memref<16x128xf32, #tpu.memory_space<hbm>>) target_semaphore(%arg20 : memref<!tpu.dma_semaphore, #tpu.memory_space<semaphore_mem>>)
          } else {
          }
          %jit3A_247 = arith.constant 16 : i32
          %jit3A_248 = arith.constant 0 : i32
          %select_n3A_249 = arith.select %ne3A_243, %jit3A_247, %jit3A_248 : i32
          %add3A_250 = arith.addi %add3A_239, %select_n3A_249 : i32
          %and3A_251 = arith.constant 8 : i32
          %and3A_252 = arith.andi %min3A_208, %and3A_251 : i32
          %ne3A_253 = arith.constant 0 : i32
          %ne3A_254 = arith.cmpi ne, %and3A_252, %ne3A_253 : i32
          %convert_element_type3A_255 = arith.extui %ne3A_254 : i1 to i32
          %cond3A_256 = arith.constant 0 : i32
          %cond3A_257 = arith.cmpi ne, %convert_element_type3A_255, %cond3A_256 : i32
          scf.if %cond3A_257 {
            %add3A_268 = arith.addi %multiple_of3A_204, %add3A_250 : i32
            %multiple_of3A_269 = tpu.assume_multiple %add3A_268, 8 : i32
            %dma_start3A_270 = arith.constant 0 : i32
            %dma_start3A_271 = tpu.memref_slice %arg14[%add3A_250, %dma_start3A_270] : memref<96x128xf32, #tpu.memory_space<vmem>> -> memref<8x128xf32, #tpu.memory_space<vmem>>
            %dma_start3A_272 = arith.constant 0 : i32
            %dma_start3A_273 = tpu.memref_slice %arg6[%multiple_of3A_269, %dma_start3A_272] : memref<320000x128xf32, #tpu.memory_space<hbm>> -> memref<8x128xf32, #tpu.memory_space<hbm>>
            %dma_start3A_274 = arith.constant 0 : i32
            %dma_start3A_275 = tpu.memref_slice %arg6[%multiple_of3A_269, %dma_start3A_274] : memref<320000x128xf32, #tpu.memory_space<hbm>> -> memref<8x128xf32, #tpu.memory_space<hbm>>
            %dma_start3A_276 = arith.constant 0 : i32
            %dma_start3A_277 = tpu.memref_slice %arg14[%add3A_250, %dma_start3A_276] : memref<96x128xf32, #tpu.memory_space<vmem>> -> memref<8x128xf32, #tpu.memory_space<vmem>>
            tpu.enqueue_dma source(%dma_start3A_277 : memref<8x128xf32, #tpu.memory_space<vmem>>) target(%dma_start3A_275 : memref<8x128xf32, #tpu.memory_space<hbm>>) target_semaphore(%arg20 : memref<!tpu.dma_semaphore, #tpu.memory_space<semaphore_mem>>)
          } else {
          }
          %jit3A_258 = arith.constant 8 : i32
          %jit3A_259 = arith.constant 0 : i32
          %select_n3A_260 = arith.select %ne3A_254, %jit3A_258, %jit3A_259 : i32
          %add3A_261 = arith.addi %add3A_250, %select_n3A_260 : i32
          %add3A_262 = arith.constant 2 : i32
          %add3A_263 = arith.addi %add3A_174, %add3A_262 : i32
          %lt3A_264 = arith.cmpi slt, %add3A_263, %select_n3A_54 : i32
          %convert_element_type3A_265 = arith.extui %lt3A_264 : i1 to i32
          %cond3A_266 = arith.constant 0 : i32
          %cond3A_267 = arith.cmpi ne, %convert_element_type3A_265, %cond3A_266 : i32
          scf.if %cond3A_267 {
            %add3A_268 = arith.constant 2 : i32
            %add3A_269 = arith.addi %add3A_174, %add3A_268 : i32
            %mul3A_270 = arith.constant 96 : i32
            %mul3A_271 = arith.muli %add3A_269, %mul3A_270 : i32
            %add3A_272 = arith.addi %squeeze3A, %mul3A_271 : i32
            %multiple_of3A_273 = tpu.assume_multiple %add3A_272, 8 : i32
            %dma_start3A_274 = arith.constant 0 : i32
            %dma_start3A_275 = tpu.memref_slice %arg2[%multiple_of3A_273, %dma_start3A_274] : memref<320256x64xf32, #tpu.memory_space<hbm>> -> memref<96x64xf32, #tpu.memory_space<hbm>>
            %dma_start3A_276 = arith.constant 0 : i32
            %dma_start3A_277 = tpu.memref_slice %arg2[%multiple_of3A_273, %dma_start3A_276] : memref<320256x64xf32, #tpu.memory_space<hbm>> -> memref<96x64xf32, #tpu.memory_space<hbm>>
            tpu.enqueue_dma source(%dma_start3A_277 : memref<96x64xf32, #tpu.memory_space<hbm>>) target(%arg10 : memref<96x64xf32, #tpu.memory_space<vmem>>) target_semaphore(%arg16 : memref<!tpu.dma_semaphore, #tpu.memory_space<semaphore_mem>>)
            %dma_start3A_278 = arith.constant 0 : i32
            %dma_start3A_279 = tpu.memref_slice %arg8[%dma_start3A_278] : memref<136xi32, #tpu.memory_space<vmem>> -> memref<104xi32, #tpu.memory_space<vmem>>
            %dma_start3A_280 = tpu.memref_slice %arg3[%multiple_of3A_273] : memref<320264xi32, #tpu.memory_space<hbm>> -> memref<104xi32, #tpu.memory_space<hbm>>
            %dma_start3A_281 = arith.constant 0 : i32
            %dma_start3A_282 = tpu.memref_slice %arg8[%dma_start3A_281] : memref<136xi32, #tpu.memory_space<vmem>> -> memref<104xi32, #tpu.memory_space<vmem>>
            %dma_start3A_283 = tpu.memref_slice %arg3[%multiple_of3A_273] : memref<320264xi32, #tpu.memory_space<hbm>> -> memref<104xi32, #tpu.memory_space<hbm>>
            tpu.enqueue_dma source(%dma_start3A_283 : memref<104xi32, #tpu.memory_space<hbm>>) target(%dma_start3A_282 : memref<104xi32, #tpu.memory_space<vmem>>) target_semaphore(%arg18 : memref<!tpu.dma_semaphore, #tpu.memory_space<semaphore_mem>>)
          } else {
          }
        } else {
        }
        %mul3A_179 = arith.constant 2 : i32
        %mul3A_180 = arith.muli %while3A_169, %mul3A_179 : i32
        %add3A_181 = arith.constant 1 : i32
        %add3A_182 = arith.addi %mul3A_180, %add3A_181 : i32
        %lt3A_183 = arith.cmpi slt, %add3A_182, %select_n3A_54 : i32
        %convert_element_type3A_184 = arith.extui %lt3A_183 : i1 to i32
        %cond3A_185 = arith.constant 0 : i32
        %cond3A_186 = arith.cmpi ne, %convert_element_type3A_184, %cond3A_185 : i32
        scf.if %cond3A_186 {
          %mul3A_188 = arith.constant 96 : i32
          %mul3A_189 = arith.muli %add3A_182, %mul3A_188 : i32
          %add3A_190 = arith.addi %squeeze3A, %mul3A_189 : i32
          %multiple_of3A_191 = tpu.assume_multiple %add3A_190, 8 : i32
          %dma_wait3A = arith.constant 0 : i32
          %dma_wait3A_192 = tpu.memref_slice %arg2[%multiple_of3A_191, %dma_wait3A] : memref<320256x64xf32, #tpu.memory_space<hbm>> -> memref<96x64xf32, #tpu.memory_space<hbm>>
          %dma_wait3A_193 = arith.constant 0 : i32
          %dma_wait3A_194 = tpu.memref_slice %arg2[%multiple_of3A_191, %dma_wait3A_193] : memref<320256x64xf32, #tpu.memory_space<hbm>> -> memref<96x64xf32, #tpu.memory_space<hbm>>
          tpu.wait_dma2 semaphore(%arg17 : memref<!tpu.dma_semaphore, #tpu.memory_space<semaphore_mem>>) src(%dma_wait3A_194 : memref<96x64xf32, #tpu.memory_space<hbm>>) dst(%arg11 : memref<96x64xf32, #tpu.memory_space<vmem>>)
          %dma_wait3A_195 = arith.constant 0 : i32
          %dma_wait3A_196 = tpu.memref_slice %arg9[%dma_wait3A_195] : memref<136xi32, #tpu.memory_space<vmem>> -> memref<104xi32, #tpu.memory_space<vmem>>
          %dma_wait3A_197 = tpu.memref_slice %arg3[%multiple_of3A_191] : memref<320264xi32, #tpu.memory_space<hbm>> -> memref<104xi32, #tpu.memory_space<hbm>>
          %dma_wait3A_198 = arith.constant 0 : i32
          %dma_wait3A_199 = tpu.memref_slice %arg9[%dma_wait3A_198] : memref<136xi32, #tpu.memory_space<vmem>> -> memref<104xi32, #tpu.memory_space<vmem>>
          %dma_wait3A_200 = tpu.memref_slice %arg3[%multiple_of3A_191] : memref<320264xi32, #tpu.memory_space<hbm>> -> memref<104xi32, #tpu.memory_space<hbm>>
          tpu.wait_dma2 semaphore(%arg19 : memref<!tpu.dma_semaphore, #tpu.memory_space<semaphore_mem>>) src(%dma_wait3A_200 : memref<104xi32, #tpu.memory_space<hbm>>) dst(%dma_wait3A_199 : memref<104xi32, #tpu.memory_space<vmem>>)
          %mul3A_201 = arith.constant 96 : i32
          %mul3A_202 = arith.muli %add3A_182, %mul3A_201 : i32
          %add3A_203 = arith.addi %squeeze3A, %mul3A_202 : i32
          %multiple_of3A_204 = tpu.assume_multiple %add3A_203, 8 : i32
          %mul3A_205 = arith.constant 96 : i32
          %mul3A_206 = arith.muli %add3A_182, %mul3A_205 : i32
          %sub3A_207 = arith.subi %sub3A, %mul3A_206 : i32
          %min3A = arith.constant 96 : i32
          %min3A_208 = arith.minsi %min3A, %sub3A_207 : i32
          %ge3A_209 = arith.constant 2 : i32
          %ge3A_210 = arith.cmpi sge, %add3A_182, %ge3A_209 : i32
          %convert_element_type3A_211 = arith.extui %ge3A_210 : i1 to i32
          %cond3A_212 = arith.constant 0 : i32
          %cond3A_213 = arith.cmpi ne, %convert_element_type3A_211, %cond3A_212 : i32
          scf.if %cond3A_213 {
            %sub3A_268 = arith.constant 2 : i32
            %sub3A_269 = arith.subi %add3A_182, %sub3A_268 : i32
            %mul3A_270 = arith.constant 96 : i32
            %mul3A_271 = arith.muli %sub3A_269, %mul3A_270 : i32
            %add3A_272 = arith.addi %squeeze3A, %mul3A_271 : i32
            %multiple_of3A_273 = tpu.assume_multiple %add3A_272, 8 : i32
            %sub3A_274 = arith.constant 2 : i32
            %sub3A_275 = arith.subi %add3A_182, %sub3A_274 : i32
            %mul3A_276 = arith.constant 96 : i32
            %mul3A_277 = arith.muli %sub3A_275, %mul3A_276 : i32
            %sub3A_278 = arith.subi %sub3A, %mul3A_277 : i32
            %min3A_279 = arith.constant 96 : i32
            %min3A_280 = arith.minsi %min3A_279, %sub3A_278 : i32
            %and3A_281 = arith.constant 64 : i32
            %and3A_282 = arith.andi %min3A_280, %and3A_281 : i32
            %ne3A_283 = arith.constant 0 : i32
            %ne3A_284 = arith.cmpi ne, %and3A_282, %ne3A_283 : i32
            %convert_element_type3A_285 = arith.extui %ne3A_284 : i1 to i32
            %cond3A_286 = arith.constant 0 : i32
            %cond3A_287 = arith.constant 0 : i32
            %cond3A_288 = arith.cmpi ne, %convert_element_type3A_285, %cond3A_287 : i32
            scf.if %cond3A_288 {
              %add3A_327 = arith.addi %multiple_of3A_273, %cond3A_286 : i32
              %multiple_of3A_328 = tpu.assume_multiple %add3A_327, 8 : i32
              %dma_wait3A_329 = arith.constant 0 : i32
              %dma_wait3A_330 = tpu.memref_slice %arg15[%cond3A_286, %dma_wait3A_329] : memref<96x128xf32, #tpu.memory_space<vmem>> -> memref<64x128xf32, #tpu.memory_space<vmem>>
              %dma_wait3A_331 = arith.constant 0 : i32
              %dma_wait3A_332 = tpu.memref_slice %arg6[%multiple_of3A_328, %dma_wait3A_331] : memref<320000x128xf32, #tpu.memory_space<hbm>> -> memref<64x128xf32, #tpu.memory_space<hbm>>
              %dma_wait3A_333 = arith.constant 0 : i32
              %dma_wait3A_334 = tpu.memref_slice %arg6[%multiple_of3A_328, %dma_wait3A_333] : memref<320000x128xf32, #tpu.memory_space<hbm>> -> memref<64x128xf32, #tpu.memory_space<hbm>>
              %dma_wait3A_335 = arith.constant 0 : i32
              %dma_wait3A_336 = tpu.memref_slice %arg15[%cond3A_286, %dma_wait3A_335] : memref<96x128xf32, #tpu.memory_space<vmem>> -> memref<64x128xf32, #tpu.memory_space<vmem>>
              tpu.wait_dma2 semaphore(%arg21 : memref<!tpu.dma_semaphore, #tpu.memory_space<semaphore_mem>>) src(%dma_wait3A_336 : memref<64x128xf32, #tpu.memory_space<vmem>>) dst(%dma_wait3A_334 : memref<64x128xf32, #tpu.memory_space<hbm>>)
            } else {
            }
            %jit3A_289 = arith.constant 64 : i32
            %jit3A_290 = arith.constant 0 : i32
            %select_n3A_291 = arith.select %ne3A_284, %jit3A_289, %jit3A_290 : i32
            %add3A_292 = arith.constant 0 : i32
            %add3A_293 = arith.addi %add3A_292, %select_n3A_291 : i32
            %and3A_294 = arith.constant 32 : i32
            %and3A_295 = arith.andi %min3A_280, %and3A_294 : i32
            %ne3A_296 = arith.constant 0 : i32
            %ne3A_297 = arith.cmpi ne, %and3A_295, %ne3A_296 : i32
            %convert_element_type3A_298 = arith.extui %ne3A_297 : i1 to i32
            %cond3A_299 = arith.constant 0 : i32
            %cond3A_300 = arith.cmpi ne, %convert_element_type3A_298, %cond3A_299 : i32
            scf.if %cond3A_300 {
              %add3A_327 = arith.addi %multiple_of3A_273, %add3A_293 : i32
              %multiple_of3A_328 = tpu.assume_multiple %add3A_327, 8 : i32
              %dma_wait3A_329 = arith.constant 0 : i32
              %dma_wait3A_330 = tpu.memref_slice %arg15[%add3A_293, %dma_wait3A_329] : memref<96x128xf32, #tpu.memory_space<vmem>> -> memref<32x128xf32, #tpu.memory_space<vmem>>
              %dma_wait3A_331 = arith.constant 0 : i32
              %dma_wait3A_332 = tpu.memref_slice %arg6[%multiple_of3A_328, %dma_wait3A_331] : memref<320000x128xf32, #tpu.memory_space<hbm>> -> memref<32x128xf32, #tpu.memory_space<hbm>>
              %dma_wait3A_333 = arith.constant 0 : i32
              %dma_wait3A_334 = tpu.memref_slice %arg6[%multiple_of3A_328, %dma_wait3A_333] : memref<320000x128xf32, #tpu.memory_space<hbm>> -> memref<32x128xf32, #tpu.memory_space<hbm>>
              %dma_wait3A_335 = arith.constant 0 : i32
              %dma_wait3A_336 = tpu.memref_slice %arg15[%add3A_293, %dma_wait3A_335] : memref<96x128xf32, #tpu.memory_space<vmem>> -> memref<32x128xf32, #tpu.memory_space<vmem>>
              tpu.wait_dma2 semaphore(%arg21 : memref<!tpu.dma_semaphore, #tpu.memory_space<semaphore_mem>>) src(%dma_wait3A_336 : memref<32x128xf32, #tpu.memory_space<vmem>>) dst(%dma_wait3A_334 : memref<32x128xf32, #tpu.memory_space<hbm>>)
            } else {
            }
            %jit3A_301 = arith.constant 32 : i32
            %jit3A_302 = arith.constant 0 : i32
            %select_n3A_303 = arith.select %ne3A_297, %jit3A_301, %jit3A_302 : i32
            %add3A_304 = arith.addi %add3A_293, %select_n3A_303 : i32
            %and3A_305 = arith.constant 16 : i32
            %and3A_306 = arith.andi %min3A_280, %and3A_305 : i32
            %ne3A_307 = arith.constant 0 : i32
            %ne3A_308 = arith.cmpi ne, %and3A_306, %ne3A_307 : i32
            %convert_element_type3A_309 = arith.extui %ne3A_308 : i1 to i32
            %cond3A_310 = arith.constant 0 : i32
            %cond3A_311 = arith.cmpi ne, %convert_element_type3A_309, %cond3A_310 : i32
            scf.if %cond3A_311 {
              %add3A_327 = arith.addi %multiple_of3A_273, %add3A_304 : i32
              %multiple_of3A_328 = tpu.assume_multiple %add3A_327, 8 : i32
              %dma_wait3A_329 = arith.constant 0 : i32
              %dma_wait3A_330 = tpu.memref_slice %arg15[%add3A_304, %dma_wait3A_329] : memref<96x128xf32, #tpu.memory_space<vmem>> -> memref<16x128xf32, #tpu.memory_space<vmem>>
              %dma_wait3A_331 = arith.constant 0 : i32
              %dma_wait3A_332 = tpu.memref_slice %arg6[%multiple_of3A_328, %dma_wait3A_331] : memref<320000x128xf32, #tpu.memory_space<hbm>> -> memref<16x128xf32, #tpu.memory_space<hbm>>
              %dma_wait3A_333 = arith.constant 0 : i32
              %dma_wait3A_334 = tpu.memref_slice %arg6[%multiple_of3A_328, %dma_wait3A_333] : memref<320000x128xf32, #tpu.memory_space<hbm>> -> memref<16x128xf32, #tpu.memory_space<hbm>>
              %dma_wait3A_335 = arith.constant 0 : i32
              %dma_wait3A_336 = tpu.memref_slice %arg15[%add3A_304, %dma_wait3A_335] : memref<96x128xf32, #tpu.memory_space<vmem>> -> memref<16x128xf32, #tpu.memory_space<vmem>>
              tpu.wait_dma2 semaphore(%arg21 : memref<!tpu.dma_semaphore, #tpu.memory_space<semaphore_mem>>) src(%dma_wait3A_336 : memref<16x128xf32, #tpu.memory_space<vmem>>) dst(%dma_wait3A_334 : memref<16x128xf32, #tpu.memory_space<hbm>>)
            } else {
            }
            %jit3A_312 = arith.constant 16 : i32
            %jit3A_313 = arith.constant 0 : i32
            %select_n3A_314 = arith.select %ne3A_308, %jit3A_312, %jit3A_313 : i32
            %add3A_315 = arith.addi %add3A_304, %select_n3A_314 : i32
            %and3A_316 = arith.constant 8 : i32
            %and3A_317 = arith.andi %min3A_280, %and3A_316 : i32
            %ne3A_318 = arith.constant 0 : i32
            %ne3A_319 = arith.cmpi ne, %and3A_317, %ne3A_318 : i32
            %convert_element_type3A_320 = arith.extui %ne3A_319 : i1 to i32
            %cond3A_321 = arith.constant 0 : i32
            %cond3A_322 = arith.cmpi ne, %convert_element_type3A_320, %cond3A_321 : i32
            scf.if %cond3A_322 {
              %add3A_327 = arith.addi %multiple_of3A_273, %add3A_315 : i32
              %multiple_of3A_328 = tpu.assume_multiple %add3A_327, 8 : i32
              %dma_wait3A_329 = arith.constant 0 : i32
              %dma_wait3A_330 = tpu.memref_slice %arg15[%add3A_315, %dma_wait3A_329] : memref<96x128xf32, #tpu.memory_space<vmem>> -> memref<8x128xf32, #tpu.memory_space<vmem>>
              %dma_wait3A_331 = arith.constant 0 : i32
              %dma_wait3A_332 = tpu.memref_slice %arg6[%multiple_of3A_328, %dma_wait3A_331] : memref<320000x128xf32, #tpu.memory_space<hbm>> -> memref<8x128xf32, #tpu.memory_space<hbm>>
              %dma_wait3A_333 = arith.constant 0 : i32
              %dma_wait3A_334 = tpu.memref_slice %arg6[%multiple_of3A_328, %dma_wait3A_333] : memref<320000x128xf32, #tpu.memory_space<hbm>> -> memref<8x128xf32, #tpu.memory_space<hbm>>
              %dma_wait3A_335 = arith.constant 0 : i32
              %dma_wait3A_336 = tpu.memref_slice %arg15[%add3A_315, %dma_wait3A_335] : memref<96x128xf32, #tpu.memory_space<vmem>> -> memref<8x128xf32, #tpu.memory_space<vmem>>
              tpu.wait_dma2 semaphore(%arg21 : memref<!tpu.dma_semaphore, #tpu.memory_space<semaphore_mem>>) src(%dma_wait3A_336 : memref<8x128xf32, #tpu.memory_space<vmem>>) dst(%dma_wait3A_334 : memref<8x128xf32, #tpu.memory_space<hbm>>)
            } else {
            }
            %jit3A_323 = arith.constant 8 : i32
            %jit3A_324 = arith.constant 0 : i32
            %select_n3A_325 = arith.select %ne3A_319, %jit3A_323, %jit3A_324 : i32
            %add3A_326 = arith.addi %add3A_315, %select_n3A_325 : i32
          } else {
          }
          %while3A_214 = arith.constant 0 : i32
          %while3A_215 = scf.while (%while3A_268 = %while3A_214) : (i32) -> i32 {
            %lt3A_269 = arith.cmpi slt, %while3A_268, %min3A_208 : i32
            scf.condition(%lt3A_269) %while3A_268 : i32
          } do {
          ^bb0(%while3A_268: i32):
            %get3A_269 = arith.index_cast %while3A_268 : i32 to index
            %get3A_270 = tpu.vector_load %arg9[%get3A_269] {strides = array<i32>} : memref<136xi32, #tpu.memory_space<vmem>>, vector<16xi32>,
            %slice3A_271 = vector.extract_strided_slice %get3A_270 {offsets = [0], sizes = [1], strides = [1]} : vector<16xi32> to vector<1xi32>
            %squeeze3A_272 = vector.extract %slice3A_271[0] : i32 from vector<1xi32>
            %sub3A_273 = arith.subi %squeeze3A_272, %select_n3A : i32
            %broadcast_in_dim3A = vector.broadcast %squeeze3A_272 : i32 to vector<16xi32>
            %while3A_274 = scf.while (%while3A_294 = %while3A_268) : (i32) -> i32 {
              %lt3A_295 = arith.cmpi slt, %while3A_294, %min3A_208 : i32
              %get3A_296 = arith.index_cast %while3A_294 : i32 to index
              %get3A_297 = tpu.vector_load %arg9[%get3A_296] {strides = array<i32>} : memref<136xi32, #tpu.memory_space<vmem>>, vector<16xi32>,
              %ne3A_298 = arith.cmpi ne, %get3A_297, %broadcast_in_dim3A : vector<16xi32>
              %all_reduce_ffs3A_299 = tpu.all_reduce %ne3A_298 {dim = 0 : i64, kind = #tpu.reduction_kind<find_first_set>} : vector<16xi1> -> vector<16xi32>
              %slice3A_300 = vector.extract_strided_slice %all_reduce_ffs3A_299 {offsets = [0], sizes = [1], strides = [1]} : vector<16xi32> to vector<1xi32>
              %squeeze3A_301 = vector.extract %slice3A_300[0] : i32 from vector<1xi32>
              %ge3A_302 = arith.constant 16 : i32
              %ge3A_303 = arith.cmpi sge, %squeeze3A_301, %ge3A_302 : i32
              %and3A_304 = arith.andi %lt3A_295, %ge3A_303 : i1
              scf.condition(%and3A_304) %while3A_294 : i32
            } do {
            ^bb0(%while3A_294: i32):
              %add3A_295 = arith.constant 16 : i32
              %add3A_296 = arith.addi %while3A_294, %add3A_295 : i32
              scf.yield %add3A_296 : i32
            }
            %get3A_275 = arith.index_cast %while3A_274 : i32 to index
            %get3A_276 = tpu.vector_load %arg9[%get3A_275] {strides = array<i32>} : memref<136xi32, #tpu.memory_space<vmem>>, vector<16xi32>,
            %ne3A_277 = arith.cmpi ne, %get3A_276, %broadcast_in_dim3A : vector<16xi32>
            %all_reduce_ffs3A = tpu.all_reduce %ne3A_277 {dim = 0 : i64, kind = #tpu.reduction_kind<find_first_set>} : vector<16xi1> -> vector<16xi32>
            %slice3A_278 = vector.extract_strided_slice %all_reduce_ffs3A {offsets = [0], sizes = [1], strides = [1]} : vector<16xi32> to vector<1xi32>
            %squeeze3A_279 = vector.extract %slice3A_278[0] : i32 from vector<1xi32>
            %add3A_280 = arith.addi %while3A_274, %squeeze3A_279 : i32
            %min3A_281 = arith.minsi %add3A_280, %min3A_208 : i32
            %add3A_282 = arith.constant 1 : i32
            %add3A_283 = arith.addi %while3A_268, %add3A_282 : i32
            %max3A = arith.maxsi %min3A_281, %add3A_283 : i32
            %ge3A_284 = arith.constant 0 : i32
            %ge3A_285 = arith.cmpi sge, %sub3A_273, %ge3A_284 : i32
            %convert_element_type3A_286 = arith.extui %ge3A_285 : i1 to i32
            %cond3A_287 = arith.constant 0 : i32
            %cond3A_288 = arith.cmpi ne, %convert_element_type3A_286, %cond3A_287 : i32
            scf.if %cond3A_288 {
              %mul3A_294 = arith.constant 64 : i32
              %mul3A_295 = arith.muli %sub3A_273, %mul3A_294 : i32
              %get3A_296 = arith.index_cast %mul3A_295 : i32 to index
              %get3A_297 = tpu.vector_load %arg12[%get3A_296] {strides = array<i32>} : memref<20480xf32, #tpu.memory_space<vmem>>, vector<16xf32>,
              %add3A_298 = arith.constant 16 : i32
              %add3A_299 = arith.addi %mul3A_295, %add3A_298 : i32
              %get3A_300 = arith.index_cast %add3A_299 : i32 to index
              %get3A_301 = tpu.vector_load %arg12[%get3A_300] {strides = array<i32>} : memref<20480xf32, #tpu.memory_space<vmem>>, vector<16xf32>,
              %add3A_302 = arith.constant 32 : i32
              %add3A_303 = arith.addi %mul3A_295, %add3A_302 : i32
              %get3A_304 = arith.index_cast %add3A_303 : i32 to index
              %get3A_305 = tpu.vector_load %arg12[%get3A_304] {strides = array<i32>} : memref<20480xf32, #tpu.memory_space<vmem>>, vector<16xf32>,
              %add3A_306 = arith.constant 48 : i32
              %add3A_307 = arith.addi %mul3A_295, %add3A_306 : i32
              %get3A_308 = arith.index_cast %add3A_307 : i32 to index
              %get3A_309 = tpu.vector_load %arg12[%get3A_308] {strides = array<i32>} : memref<20480xf32, #tpu.memory_space<vmem>>, vector<16xf32>,
              %while3A_310 = arith.constant 0 : i32
              %while3A_311 = arith.subi %max3A, %while3A_268 : i32
              %while3A_312 = arith.addi %while3A_268, %while3A_311 : i32
              %while3A_313 = arith.constant 1 : i32
              %while3A_314 = arith.divsi %while3A_311, %while3A_313 : i32
              %while3A_315 = arith.muli %while3A_314, %while3A_313 : i32
              %while3A_316 = arith.addi %while3A_268, %while3A_315 : i32
              %while3A_317 = arith.constant 1 : i32
              %while3A_318 = scf.for %while3A_321 = %while3A_268 to %while3A_316 step %while3A_317 iter_args(%while3A_322 = %while3A_310) -> (i32)  : i32 {
                %get3A_323 = arith.index_cast %while3A_321 : i32 to index
                %get3A_324 = arith.constant 0 : index
                %get3A_325 = tpu.vector_load %arg11[%get3A_323, %get3A_324] {strides = array<i32>} : memref<96x64xf32, #tpu.memory_space<vmem>>, vector<16xf32>,
                %swap3A = arith.index_cast %while3A_321 : i32 to index
                %swap3A_326 = arith.constant 0 : index
                %swap3A_327 = tpu.vector_load %arg15[%swap3A, %swap3A_326] {strides = array<i32>} : memref<96x128xf32, #tpu.memory_space<vmem>>, vector<16xf32>,
                tpu.vector_store %arg15[%swap3A, %swap3A_326], %get3A_325 {strides = array<i32>} : memref<96x128xf32, #tpu.memory_space<vmem>>, vector<16xf32>,
                %get3A_328 = arith.index_cast %while3A_321 : i32 to index
                %get3A_329 = arith.constant 16 : index
                %get3A_330 = tpu.vector_load %arg11[%get3A_328, %get3A_329] {strides = array<i32>} : memref<96x64xf32, #tpu.memory_space<vmem>>, vector<16xf32>,
                %swap3A_331 = arith.index_cast %while3A_321 : i32 to index
                %swap3A_332 = arith.constant 16 : index
                %swap3A_333 = tpu.vector_load %arg15[%swap3A_331, %swap3A_332] {strides = array<i32>} : memref<96x128xf32, #tpu.memory_space<vmem>>, vector<16xf32>,
                tpu.vector_store %arg15[%swap3A_331, %swap3A_332], %get3A_330 {strides = array<i32>} : memref<96x128xf32, #tpu.memory_space<vmem>>, vector<16xf32>,
                %get3A_334 = arith.index_cast %while3A_321 : i32 to index
                %get3A_335 = arith.constant 32 : index
                %get3A_336 = tpu.vector_load %arg11[%get3A_334, %get3A_335] {strides = array<i32>} : memref<96x64xf32, #tpu.memory_space<vmem>>, vector<16xf32>,
                %swap3A_337 = arith.index_cast %while3A_321 : i32 to index
                %swap3A_338 = arith.constant 32 : index
                %swap3A_339 = tpu.vector_load %arg15[%swap3A_337, %swap3A_338] {strides = array<i32>} : memref<96x128xf32, #tpu.memory_space<vmem>>, vector<16xf32>,
                tpu.vector_store %arg15[%swap3A_337, %swap3A_338], %get3A_336 {strides = array<i32>} : memref<96x128xf32, #tpu.memory_space<vmem>>, vector<16xf32>,
                %get3A_340 = arith.index_cast %while3A_321 : i32 to index
                %get3A_341 = arith.constant 48 : index
                %get3A_342 = tpu.vector_load %arg11[%get3A_340, %get3A_341] {strides = array<i32>} : memref<96x64xf32, #tpu.memory_space<vmem>>, vector<16xf32>,
                %swap3A_343 = arith.index_cast %while3A_321 : i32 to index
                %swap3A_344 = arith.constant 48 : index
                %swap3A_345 = tpu.vector_load %arg15[%swap3A_343, %swap3A_344] {strides = array<i32>} : memref<96x128xf32, #tpu.memory_space<vmem>>, vector<16xf32>,
                tpu.vector_store %arg15[%swap3A_343, %swap3A_344], %get3A_342 {strides = array<i32>} : memref<96x128xf32, #tpu.memory_space<vmem>>, vector<16xf32>,
                %swap3A_346 = arith.index_cast %while3A_321 : i32 to index
                %swap3A_347 = arith.constant 64 : index
                %swap3A_348 = tpu.vector_load %arg15[%swap3A_346, %swap3A_347] {strides = array<i32>} : memref<96x128xf32, #tpu.memory_space<vmem>>, vector<16xf32>,
                tpu.vector_store %arg15[%swap3A_346, %swap3A_347], %get3A_297 {strides = array<i32>} : memref<96x128xf32, #tpu.memory_space<vmem>>, vector<16xf32>,
                %swap3A_349 = arith.index_cast %while3A_321 : i32 to index
                %swap3A_350 = arith.constant 80 : index
                %swap3A_351 = tpu.vector_load %arg15[%swap3A_349, %swap3A_350] {strides = array<i32>} : memref<96x128xf32, #tpu.memory_space<vmem>>, vector<16xf32>,
                tpu.vector_store %arg15[%swap3A_349, %swap3A_350], %get3A_301 {strides = array<i32>} : memref<96x128xf32, #tpu.memory_space<vmem>>, vector<16xf32>,
                %swap3A_352 = arith.index_cast %while3A_321 : i32 to index
                %swap3A_353 = arith.constant 96 : index
                %swap3A_354 = tpu.vector_load %arg15[%swap3A_352, %swap3A_353] {strides = array<i32>} : memref<96x128xf32, #tpu.memory_space<vmem>>, vector<16xf32>,
                tpu.vector_store %arg15[%swap3A_352, %swap3A_353], %get3A_305 {strides = array<i32>} : memref<96x128xf32, #tpu.memory_space<vmem>>, vector<16xf32>,
                %swap3A_355 = arith.index_cast %while3A_321 : i32 to index
                %swap3A_356 = arith.constant 112 : index
                %swap3A_357 = tpu.vector_load %arg15[%swap3A_355, %swap3A_356] {strides = array<i32>} : memref<96x128xf32, #tpu.memory_space<vmem>>, vector<16xf32>,
                tpu.vector_store %arg15[%swap3A_355, %swap3A_356], %get3A_309 {strides = array<i32>} : memref<96x128xf32, #tpu.memory_space<vmem>>, vector<16xf32>,
                %while3A_358 = arith.constant 0 : i32
                scf.yield %while3A_358 : i32
              }
              %while3A_319 = arith.constant 1 : i32
              %while3A_320 = scf.for %while3A_321 = %while3A_316 to %while3A_312 step %while3A_319 iter_args(%while3A_322 = %while3A_318) -> (i32)  : i32 {
                %get3A_323 = arith.index_cast %while3A_321 : i32 to index
                %get3A_324 = arith.constant 0 : index
                %get3A_325 = tpu.vector_load %arg11[%get3A_323, %get3A_324] {strides = array<i32>} : memref<96x64xf32, #tpu.memory_space<vmem>>, vector<16xf32>,
                %swap3A = arith.index_cast %while3A_321 : i32 to index
                %swap3A_326 = arith.constant 0 : index
                %swap3A_327 = tpu.vector_load %arg15[%swap3A, %swap3A_326] {strides = array<i32>} : memref<96x128xf32, #tpu.memory_space<vmem>>, vector<16xf32>,
                tpu.vector_store %arg15[%swap3A, %swap3A_326], %get3A_325 {strides = array<i32>} : memref<96x128xf32, #tpu.memory_space<vmem>>, vector<16xf32>,
                %get3A_328 = arith.index_cast %while3A_321 : i32 to index
                %get3A_329 = arith.constant 16 : index
                %get3A_330 = tpu.vector_load %arg11[%get3A_328, %get3A_329] {strides = array<i32>} : memref<96x64xf32, #tpu.memory_space<vmem>>, vector<16xf32>,
                %swap3A_331 = arith.index_cast %while3A_321 : i32 to index
                %swap3A_332 = arith.constant 16 : index
                %swap3A_333 = tpu.vector_load %arg15[%swap3A_331, %swap3A_332] {strides = array<i32>} : memref<96x128xf32, #tpu.memory_space<vmem>>, vector<16xf32>,
                tpu.vector_store %arg15[%swap3A_331, %swap3A_332], %get3A_330 {strides = array<i32>} : memref<96x128xf32, #tpu.memory_space<vmem>>, vector<16xf32>,
                %get3A_334 = arith.index_cast %while3A_321 : i32 to index
                %get3A_335 = arith.constant 32 : index
                %get3A_336 = tpu.vector_load %arg11[%get3A_334, %get3A_335] {strides = array<i32>} : memref<96x64xf32, #tpu.memory_space<vmem>>, vector<16xf32>,
                %swap3A_337 = arith.index_cast %while3A_321 : i32 to index
                %swap3A_338 = arith.constant 32 : index
                %swap3A_339 = tpu.vector_load %arg15[%swap3A_337, %swap3A_338] {strides = array<i32>} : memref<96x128xf32, #tpu.memory_space<vmem>>, vector<16xf32>,
                tpu.vector_store %arg15[%swap3A_337, %swap3A_338], %get3A_336 {strides = array<i32>} : memref<96x128xf32, #tpu.memory_space<vmem>>, vector<16xf32>,
                %get3A_340 = arith.index_cast %while3A_321 : i32 to index
                %get3A_341 = arith.constant 48 : index
                %get3A_342 = tpu.vector_load %arg11[%get3A_340, %get3A_341] {strides = array<i32>} : memref<96x64xf32, #tpu.memory_space<vmem>>, vector<16xf32>,
                %swap3A_343 = arith.index_cast %while3A_321 : i32 to index
                %swap3A_344 = arith.constant 48 : index
                %swap3A_345 = tpu.vector_load %arg15[%swap3A_343, %swap3A_344] {strides = array<i32>} : memref<96x128xf32, #tpu.memory_space<vmem>>, vector<16xf32>,
                tpu.vector_store %arg15[%swap3A_343, %swap3A_344], %get3A_342 {strides = array<i32>} : memref<96x128xf32, #tpu.memory_space<vmem>>, vector<16xf32>,
                %swap3A_346 = arith.index_cast %while3A_321 : i32 to index
                %swap3A_347 = arith.constant 64 : index
                %swap3A_348 = tpu.vector_load %arg15[%swap3A_346, %swap3A_347] {strides = array<i32>} : memref<96x128xf32, #tpu.memory_space<vmem>>, vector<16xf32>,
                tpu.vector_store %arg15[%swap3A_346, %swap3A_347], %get3A_297 {strides = array<i32>} : memref<96x128xf32, #tpu.memory_space<vmem>>, vector<16xf32>,
                %swap3A_349 = arith.index_cast %while3A_321 : i32 to index
                %swap3A_350 = arith.constant 80 : index
                %swap3A_351 = tpu.vector_load %arg15[%swap3A_349, %swap3A_350] {strides = array<i32>} : memref<96x128xf32, #tpu.memory_space<vmem>>, vector<16xf32>,
                tpu.vector_store %arg15[%swap3A_349, %swap3A_350], %get3A_301 {strides = array<i32>} : memref<96x128xf32, #tpu.memory_space<vmem>>, vector<16xf32>,
                %swap3A_352 = arith.index_cast %while3A_321 : i32 to index
                %swap3A_353 = arith.constant 96 : index
                %swap3A_354 = tpu.vector_load %arg15[%swap3A_352, %swap3A_353] {strides = array<i32>} : memref<96x128xf32, #tpu.memory_space<vmem>>, vector<16xf32>,
                tpu.vector_store %arg15[%swap3A_352, %swap3A_353], %get3A_305 {strides = array<i32>} : memref<96x128xf32, #tpu.memory_space<vmem>>, vector<16xf32>,
                %swap3A_355 = arith.index_cast %while3A_321 : i32 to index
                %swap3A_356 = arith.constant 112 : index
                %swap3A_357 = tpu.vector_load %arg15[%swap3A_355, %swap3A_356] {strides = array<i32>} : memref<96x128xf32, #tpu.memory_space<vmem>>, vector<16xf32>,
                tpu.vector_store %arg15[%swap3A_355, %swap3A_356], %get3A_309 {strides = array<i32>} : memref<96x128xf32, #tpu.memory_space<vmem>>, vector<16xf32>,
                %while3A_358 = arith.constant 0 : i32
                scf.yield %while3A_358 : i32
              }
            } else {
            }
            %lt3A_289 = arith.constant 0 : i32
            %lt3A_290 = arith.cmpi slt, %sub3A_273, %lt3A_289 : i32
            %convert_element_type3A_291 = arith.extui %lt3A_290 : i1 to i32
            %cond3A_292 = arith.constant 0 : i32
            %cond3A_293 = arith.cmpi ne, %convert_element_type3A_291, %cond3A_292 : i32
            scf.if %cond3A_293 {
              %mul3A_294 = arith.constant 64 : i32
              %mul3A_295 = arith.muli %squeeze3A_272, %mul3A_294 : i32
              "tpu.region"() ({
                %run_scoped3A = tpu.sem_alloc : memref<!tpu.dma_semaphore, #tpu.memory_space<semaphore_mem>>
                %dma_start3A_315 = tpu.memref_slice %arg5[%mul3A_295] : memref<641024xf32, #tpu.memory_space<hbm>> -> memref<64xf32, #tpu.memory_space<hbm>>
                %dma_start3A_316 = tpu.memref_slice %arg5[%mul3A_295] : memref<641024xf32, #tpu.memory_space<hbm>> -> memref<64xf32, #tpu.memory_space<hbm>>
                tpu.enqueue_dma source(%dma_start3A_316 : memref<64xf32, #tpu.memory_space<hbm>>) target(%arg13 : memref<64xf32, #tpu.memory_space<vmem>>) target_semaphore(%run_scoped3A : memref<!tpu.dma_semaphore, #tpu.memory_space<semaphore_mem>>)
                %dma_wait3A_317 = tpu.memref_slice %arg5[%mul3A_295] : memref<641024xf32, #tpu.memory_space<hbm>> -> memref<64xf32, #tpu.memory_space<hbm>>
                %dma_wait3A_318 = tpu.memref_slice %arg5[%mul3A_295] : memref<641024xf32, #tpu.memory_space<hbm>> -> memref<64xf32, #tpu.memory_space<hbm>>
                tpu.wait_dma2 semaphore(%run_scoped3A : memref<!tpu.dma_semaphore, #tpu.memory_space<semaphore_mem>>) src(%dma_wait3A_318 : memref<64xf32, #tpu.memory_space<hbm>>) dst(%arg13 : memref<64xf32, #tpu.memory_space<vmem>>)
                tpu.yield
              }) : () -> ()
              %get3A_296 = arith.constant 0 : index
              %get3A_297 = tpu.vector_load %arg13[%get3A_296] {strides = array<i32>} : memref<64xf32, #tpu.memory_space<vmem>>, vector<16xf32>,
              %get3A_298 = arith.constant 16 : index
              %get3A_299 = tpu.vector_load %arg13[%get3A_298] {strides = array<i32>} : memref<64xf32, #tpu.memory_space<vmem>>, vector<16xf32>,
              %get3A_300 = arith.constant 32 : index
              %get3A_301 = tpu.vector_load %arg13[%get3A_300] {strides = array<i32>} : memref<64xf32, #tpu.memory_space<vmem>>, vector<16xf32>,
              %get3A_302 = arith.constant 48 : index
              %get3A_303 = tpu.vector_load %arg13[%get3A_302] {strides = array<i32>} : memref<64xf32, #tpu.memory_space<vmem>>, vector<16xf32>,
              %while3A_304 = arith.constant 0 : i32
              %while3A_305 = arith.subi %max3A, %while3A_268 : i32
              %while3A_306 = arith.addi %while3A_268, %while3A_305 : i32
              %while3A_307 = arith.constant 1 : i32
              %while3A_308 = arith.divsi %while3A_305, %while3A_307 : i32
              %while3A_309 = arith.muli %while3A_308, %while3A_307 : i32
              %while3A_310 = arith.addi %while3A_268, %while3A_309 : i32
              %while3A_311 = arith.constant 1 : i32
              %while3A_312 = scf.for %while3A_315 = %while3A_268 to %while3A_310 step %while3A_311 iter_args(%while3A_316 = %while3A_304) -> (i32)  : i32 {
                %get3A_317 = arith.index_cast %while3A_315 : i32 to index
                %get3A_318 = arith.constant 0 : index
                %get3A_319 = tpu.vector_load %arg11[%get3A_317, %get3A_318] {strides = array<i32>} : memref<96x64xf32, #tpu.memory_space<vmem>>, vector<16xf32>,
                %swap3A = arith.index_cast %while3A_315 : i32 to index
                %swap3A_320 = arith.constant 0 : index
                %swap3A_321 = tpu.vector_load %arg15[%swap3A, %swap3A_320] {strides = array<i32>} : memref<96x128xf32, #tpu.memory_space<vmem>>, vector<16xf32>,
                tpu.vector_store %arg15[%swap3A, %swap3A_320], %get3A_319 {strides = array<i32>} : memref<96x128xf32, #tpu.memory_space<vmem>>, vector<16xf32>,
                %get3A_322 = arith.index_cast %while3A_315 : i32 to index
                %get3A_323 = arith.constant 16 : index
                %get3A_324 = tpu.vector_load %arg11[%get3A_322, %get3A_323] {strides = array<i32>} : memref<96x64xf32, #tpu.memory_space<vmem>>, vector<16xf32>,
                %swap3A_325 = arith.index_cast %while3A_315 : i32 to index
                %swap3A_326 = arith.constant 16 : index
                %swap3A_327 = tpu.vector_load %arg15[%swap3A_325, %swap3A_326] {strides = array<i32>} : memref<96x128xf32, #tpu.memory_space<vmem>>, vector<16xf32>,
                tpu.vector_store %arg15[%swap3A_325, %swap3A_326], %get3A_324 {strides = array<i32>} : memref<96x128xf32, #tpu.memory_space<vmem>>, vector<16xf32>,
                %get3A_328 = arith.index_cast %while3A_315 : i32 to index
                %get3A_329 = arith.constant 32 : index
                %get3A_330 = tpu.vector_load %arg11[%get3A_328, %get3A_329] {strides = array<i32>} : memref<96x64xf32, #tpu.memory_space<vmem>>, vector<16xf32>,
                %swap3A_331 = arith.index_cast %while3A_315 : i32 to index
                %swap3A_332 = arith.constant 32 : index
                %swap3A_333 = tpu.vector_load %arg15[%swap3A_331, %swap3A_332] {strides = array<i32>} : memref<96x128xf32, #tpu.memory_space<vmem>>, vector<16xf32>,
                tpu.vector_store %arg15[%swap3A_331, %swap3A_332], %get3A_330 {strides = array<i32>} : memref<96x128xf32, #tpu.memory_space<vmem>>, vector<16xf32>,
                %get3A_334 = arith.index_cast %while3A_315 : i32 to index
                %get3A_335 = arith.constant 48 : index
                %get3A_336 = tpu.vector_load %arg11[%get3A_334, %get3A_335] {strides = array<i32>} : memref<96x64xf32, #tpu.memory_space<vmem>>, vector<16xf32>,
                %swap3A_337 = arith.index_cast %while3A_315 : i32 to index
                %swap3A_338 = arith.constant 48 : index
                %swap3A_339 = tpu.vector_load %arg15[%swap3A_337, %swap3A_338] {strides = array<i32>} : memref<96x128xf32, #tpu.memory_space<vmem>>, vector<16xf32>,
                tpu.vector_store %arg15[%swap3A_337, %swap3A_338], %get3A_336 {strides = array<i32>} : memref<96x128xf32, #tpu.memory_space<vmem>>, vector<16xf32>,
                %swap3A_340 = arith.index_cast %while3A_315 : i32 to index
                %swap3A_341 = arith.constant 64 : index
                %swap3A_342 = tpu.vector_load %arg15[%swap3A_340, %swap3A_341] {strides = array<i32>} : memref<96x128xf32, #tpu.memory_space<vmem>>, vector<16xf32>,
                tpu.vector_store %arg15[%swap3A_340, %swap3A_341], %get3A_297 {strides = array<i32>} : memref<96x128xf32, #tpu.memory_space<vmem>>, vector<16xf32>,
                %swap3A_343 = arith.index_cast %while3A_315 : i32 to index
                %swap3A_344 = arith.constant 80 : index
                %swap3A_345 = tpu.vector_load %arg15[%swap3A_343, %swap3A_344] {strides = array<i32>} : memref<96x128xf32, #tpu.memory_space<vmem>>, vector<16xf32>,
                tpu.vector_store %arg15[%swap3A_343, %swap3A_344], %get3A_299 {strides = array<i32>} : memref<96x128xf32, #tpu.memory_space<vmem>>, vector<16xf32>,
                %swap3A_346 = arith.index_cast %while3A_315 : i32 to index
                %swap3A_347 = arith.constant 96 : index
                %swap3A_348 = tpu.vector_load %arg15[%swap3A_346, %swap3A_347] {strides = array<i32>} : memref<96x128xf32, #tpu.memory_space<vmem>>, vector<16xf32>,
                tpu.vector_store %arg15[%swap3A_346, %swap3A_347], %get3A_301 {strides = array<i32>} : memref<96x128xf32, #tpu.memory_space<vmem>>, vector<16xf32>,
                %swap3A_349 = arith.index_cast %while3A_315 : i32 to index
                %swap3A_350 = arith.constant 112 : index
                %swap3A_351 = tpu.vector_load %arg15[%swap3A_349, %swap3A_350] {strides = array<i32>} : memref<96x128xf32, #tpu.memory_space<vmem>>, vector<16xf32>,
                tpu.vector_store %arg15[%swap3A_349, %swap3A_350], %get3A_303 {strides = array<i32>} : memref<96x128xf32, #tpu.memory_space<vmem>>, vector<16xf32>,
                %while3A_352 = arith.constant 0 : i32
                scf.yield %while3A_352 : i32
              }
              %while3A_313 = arith.constant 1 : i32
              %while3A_314 = scf.for %while3A_315 = %while3A_310 to %while3A_306 step %while3A_313 iter_args(%while3A_316 = %while3A_312) -> (i32)  : i32 {
                %get3A_317 = arith.index_cast %while3A_315 : i32 to index
                %get3A_318 = arith.constant 0 : index
                %get3A_319 = tpu.vector_load %arg11[%get3A_317, %get3A_318] {strides = array<i32>} : memref<96x64xf32, #tpu.memory_space<vmem>>, vector<16xf32>,
                %swap3A = arith.index_cast %while3A_315 : i32 to index
                %swap3A_320 = arith.constant 0 : index
                %swap3A_321 = tpu.vector_load %arg15[%swap3A, %swap3A_320] {strides = array<i32>} : memref<96x128xf32, #tpu.memory_space<vmem>>, vector<16xf32>,
                tpu.vector_store %arg15[%swap3A, %swap3A_320], %get3A_319 {strides = array<i32>} : memref<96x128xf32, #tpu.memory_space<vmem>>, vector<16xf32>,
                %get3A_322 = arith.index_cast %while3A_315 : i32 to index
                %get3A_323 = arith.constant 16 : index
                %get3A_324 = tpu.vector_load %arg11[%get3A_322, %get3A_323] {strides = array<i32>} : memref<96x64xf32, #tpu.memory_space<vmem>>, vector<16xf32>,
                %swap3A_325 = arith.index_cast %while3A_315 : i32 to index
                %swap3A_326 = arith.constant 16 : index
                %swap3A_327 = tpu.vector_load %arg15[%swap3A_325, %swap3A_326] {strides = array<i32>} : memref<96x128xf32, #tpu.memory_space<vmem>>, vector<16xf32>,
                tpu.vector_store %arg15[%swap3A_325, %swap3A_326], %get3A_324 {strides = array<i32>} : memref<96x128xf32, #tpu.memory_space<vmem>>, vector<16xf32>,
                %get3A_328 = arith.index_cast %while3A_315 : i32 to index
                %get3A_329 = arith.constant 32 : index
                %get3A_330 = tpu.vector_load %arg11[%get3A_328, %get3A_329] {strides = array<i32>} : memref<96x64xf32, #tpu.memory_space<vmem>>, vector<16xf32>,
                %swap3A_331 = arith.index_cast %while3A_315 : i32 to index
                %swap3A_332 = arith.constant 32 : index
                %swap3A_333 = tpu.vector_load %arg15[%swap3A_331, %swap3A_332] {strides = array<i32>} : memref<96x128xf32, #tpu.memory_space<vmem>>, vector<16xf32>,
                tpu.vector_store %arg15[%swap3A_331, %swap3A_332], %get3A_330 {strides = array<i32>} : memref<96x128xf32, #tpu.memory_space<vmem>>, vector<16xf32>,
                %get3A_334 = arith.index_cast %while3A_315 : i32 to index
                %get3A_335 = arith.constant 48 : index
                %get3A_336 = tpu.vector_load %arg11[%get3A_334, %get3A_335] {strides = array<i32>} : memref<96x64xf32, #tpu.memory_space<vmem>>, vector<16xf32>,
                %swap3A_337 = arith.index_cast %while3A_315 : i32 to index
                %swap3A_338 = arith.constant 48 : index
                %swap3A_339 = tpu.vector_load %arg15[%swap3A_337, %swap3A_338] {strides = array<i32>} : memref<96x128xf32, #tpu.memory_space<vmem>>, vector<16xf32>,
                tpu.vector_store %arg15[%swap3A_337, %swap3A_338], %get3A_336 {strides = array<i32>} : memref<96x128xf32, #tpu.memory_space<vmem>>, vector<16xf32>,
                %swap3A_340 = arith.index_cast %while3A_315 : i32 to index
                %swap3A_341 = arith.constant 64 : index
                %swap3A_342 = tpu.vector_load %arg15[%swap3A_340, %swap3A_341] {strides = array<i32>} : memref<96x128xf32, #tpu.memory_space<vmem>>, vector<16xf32>,
                tpu.vector_store %arg15[%swap3A_340, %swap3A_341], %get3A_297 {strides = array<i32>} : memref<96x128xf32, #tpu.memory_space<vmem>>, vector<16xf32>,
                %swap3A_343 = arith.index_cast %while3A_315 : i32 to index
                %swap3A_344 = arith.constant 80 : index
                %swap3A_345 = tpu.vector_load %arg15[%swap3A_343, %swap3A_344] {strides = array<i32>} : memref<96x128xf32, #tpu.memory_space<vmem>>, vector<16xf32>,
                tpu.vector_store %arg15[%swap3A_343, %swap3A_344], %get3A_299 {strides = array<i32>} : memref<96x128xf32, #tpu.memory_space<vmem>>, vector<16xf32>,
                %swap3A_346 = arith.index_cast %while3A_315 : i32 to index
                %swap3A_347 = arith.constant 96 : index
                %swap3A_348 = tpu.vector_load %arg15[%swap3A_346, %swap3A_347] {strides = array<i32>} : memref<96x128xf32, #tpu.memory_space<vmem>>, vector<16xf32>,
                tpu.vector_store %arg15[%swap3A_346, %swap3A_347], %get3A_301 {strides = array<i32>} : memref<96x128xf32, #tpu.memory_space<vmem>>, vector<16xf32>,
                %swap3A_349 = arith.index_cast %while3A_315 : i32 to index
                %swap3A_350 = arith.constant 112 : index
                %swap3A_351 = tpu.vector_load %arg15[%swap3A_349, %swap3A_350] {strides = array<i32>} : memref<96x128xf32, #tpu.memory_space<vmem>>, vector<16xf32>,
                tpu.vector_store %arg15[%swap3A_349, %swap3A_350], %get3A_303 {strides = array<i32>} : memref<96x128xf32, #tpu.memory_space<vmem>>, vector<16xf32>,
                %while3A_352 = arith.constant 0 : i32
                scf.yield %while3A_352 : i32
              }
            } else {
            }
            scf.yield %max3A : i32
          }
          %and3A_216 = arith.constant 64 : i32
          %and3A_217 = arith.andi %min3A_208, %and3A_216 : i32
          %ne3A_218 = arith.constant 0 : i32
          %ne3A_219 = arith.cmpi ne, %and3A_217, %ne3A_218 : i32
          %convert_element_type3A_220 = arith.extui %ne3A_219 : i1 to i32
          %cond3A_221 = arith.constant 0 : i32
          %cond3A_222 = arith.constant 0 : i32
          %cond3A_223 = arith.cmpi ne, %convert_element_type3A_220, %cond3A_222 : i32
          scf.if %cond3A_223 {
            %add3A_268 = arith.addi %multiple_of3A_204, %cond3A_221 : i32
            %multiple_of3A_269 = tpu.assume_multiple %add3A_268, 8 : i32
            %dma_start3A_270 = arith.constant 0 : i32
            %dma_start3A_271 = tpu.memref_slice %arg15[%cond3A_221, %dma_start3A_270] : memref<96x128xf32, #tpu.memory_space<vmem>> -> memref<64x128xf32, #tpu.memory_space<vmem>>
            %dma_start3A_272 = arith.constant 0 : i32
            %dma_start3A_273 = tpu.memref_slice %arg6[%multiple_of3A_269, %dma_start3A_272] : memref<320000x128xf32, #tpu.memory_space<hbm>> -> memref<64x128xf32, #tpu.memory_space<hbm>>
            %dma_start3A_274 = arith.constant 0 : i32
            %dma_start3A_275 = tpu.memref_slice %arg6[%multiple_of3A_269, %dma_start3A_274] : memref<320000x128xf32, #tpu.memory_space<hbm>> -> memref<64x128xf32, #tpu.memory_space<hbm>>
            %dma_start3A_276 = arith.constant 0 : i32
            %dma_start3A_277 = tpu.memref_slice %arg15[%cond3A_221, %dma_start3A_276] : memref<96x128xf32, #tpu.memory_space<vmem>> -> memref<64x128xf32, #tpu.memory_space<vmem>>
            tpu.enqueue_dma source(%dma_start3A_277 : memref<64x128xf32, #tpu.memory_space<vmem>>) target(%dma_start3A_275 : memref<64x128xf32, #tpu.memory_space<hbm>>) target_semaphore(%arg21 : memref<!tpu.dma_semaphore, #tpu.memory_space<semaphore_mem>>)
          } else {
          }
          %jit3A_224 = arith.constant 64 : i32
          %jit3A_225 = arith.constant 0 : i32
          %select_n3A_226 = arith.select %ne3A_219, %jit3A_224, %jit3A_225 : i32
          %add3A_227 = arith.constant 0 : i32
          %add3A_228 = arith.addi %add3A_227, %select_n3A_226 : i32
          %and3A_229 = arith.constant 32 : i32
          %and3A_230 = arith.andi %min3A_208, %and3A_229 : i32
          %ne3A_231 = arith.constant 0 : i32
          %ne3A_232 = arith.cmpi ne, %and3A_230, %ne3A_231 : i32
          %convert_element_type3A_233 = arith.extui %ne3A_232 : i1 to i32
          %cond3A_234 = arith.constant 0 : i32
          %cond3A_235 = arith.cmpi ne, %convert_element_type3A_233, %cond3A_234 : i32
          scf.if %cond3A_235 {
            %add3A_268 = arith.addi %multiple_of3A_204, %add3A_228 : i32
            %multiple_of3A_269 = tpu.assume_multiple %add3A_268, 8 : i32
            %dma_start3A_270 = arith.constant 0 : i32
            %dma_start3A_271 = tpu.memref_slice %arg15[%add3A_228, %dma_start3A_270] : memref<96x128xf32, #tpu.memory_space<vmem>> -> memref<32x128xf32, #tpu.memory_space<vmem>>
            %dma_start3A_272 = arith.constant 0 : i32
            %dma_start3A_273 = tpu.memref_slice %arg6[%multiple_of3A_269, %dma_start3A_272] : memref<320000x128xf32, #tpu.memory_space<hbm>> -> memref<32x128xf32, #tpu.memory_space<hbm>>
            %dma_start3A_274 = arith.constant 0 : i32
            %dma_start3A_275 = tpu.memref_slice %arg6[%multiple_of3A_269, %dma_start3A_274] : memref<320000x128xf32, #tpu.memory_space<hbm>> -> memref<32x128xf32, #tpu.memory_space<hbm>>
            %dma_start3A_276 = arith.constant 0 : i32
            %dma_start3A_277 = tpu.memref_slice %arg15[%add3A_228, %dma_start3A_276] : memref<96x128xf32, #tpu.memory_space<vmem>> -> memref<32x128xf32, #tpu.memory_space<vmem>>
            tpu.enqueue_dma source(%dma_start3A_277 : memref<32x128xf32, #tpu.memory_space<vmem>>) target(%dma_start3A_275 : memref<32x128xf32, #tpu.memory_space<hbm>>) target_semaphore(%arg21 : memref<!tpu.dma_semaphore, #tpu.memory_space<semaphore_mem>>)
          } else {
          }
          %jit3A_236 = arith.constant 32 : i32
          %jit3A_237 = arith.constant 0 : i32
          %select_n3A_238 = arith.select %ne3A_232, %jit3A_236, %jit3A_237 : i32
          %add3A_239 = arith.addi %add3A_228, %select_n3A_238 : i32
          %and3A_240 = arith.constant 16 : i32
          %and3A_241 = arith.andi %min3A_208, %and3A_240 : i32
          %ne3A_242 = arith.constant 0 : i32
          %ne3A_243 = arith.cmpi ne, %and3A_241, %ne3A_242 : i32
          %convert_element_type3A_244 = arith.extui %ne3A_243 : i1 to i32
          %cond3A_245 = arith.constant 0 : i32
          %cond3A_246 = arith.cmpi ne, %convert_element_type3A_244, %cond3A_245 : i32
          scf.if %cond3A_246 {
            %add3A_268 = arith.addi %multiple_of3A_204, %add3A_239 : i32
            %multiple_of3A_269 = tpu.assume_multiple %add3A_268, 8 : i32
            %dma_start3A_270 = arith.constant 0 : i32
            %dma_start3A_271 = tpu.memref_slice %arg15[%add3A_239, %dma_start3A_270] : memref<96x128xf32, #tpu.memory_space<vmem>> -> memref<16x128xf32, #tpu.memory_space<vmem>>
            %dma_start3A_272 = arith.constant 0 : i32
            %dma_start3A_273 = tpu.memref_slice %arg6[%multiple_of3A_269, %dma_start3A_272] : memref<320000x128xf32, #tpu.memory_space<hbm>> -> memref<16x128xf32, #tpu.memory_space<hbm>>
            %dma_start3A_274 = arith.constant 0 : i32
            %dma_start3A_275 = tpu.memref_slice %arg6[%multiple_of3A_269, %dma_start3A_274] : memref<320000x128xf32, #tpu.memory_space<hbm>> -> memref<16x128xf32, #tpu.memory_space<hbm>>
            %dma_start3A_276 = arith.constant 0 : i32
            %dma_start3A_277 = tpu.memref_slice %arg15[%add3A_239, %dma_start3A_276] : memref<96x128xf32, #tpu.memory_space<vmem>> -> memref<16x128xf32, #tpu.memory_space<vmem>>
            tpu.enqueue_dma source(%dma_start3A_277 : memref<16x128xf32, #tpu.memory_space<vmem>>) target(%dma_start3A_275 : memref<16x128xf32, #tpu.memory_space<hbm>>) target_semaphore(%arg21 : memref<!tpu.dma_semaphore, #tpu.memory_space<semaphore_mem>>)
          } else {
          }
          %jit3A_247 = arith.constant 16 : i32
          %jit3A_248 = arith.constant 0 : i32
          %select_n3A_249 = arith.select %ne3A_243, %jit3A_247, %jit3A_248 : i32
          %add3A_250 = arith.addi %add3A_239, %select_n3A_249 : i32
          %and3A_251 = arith.constant 8 : i32
          %and3A_252 = arith.andi %min3A_208, %and3A_251 : i32
          %ne3A_253 = arith.constant 0 : i32
          %ne3A_254 = arith.cmpi ne, %and3A_252, %ne3A_253 : i32
          %convert_element_type3A_255 = arith.extui %ne3A_254 : i1 to i32
          %cond3A_256 = arith.constant 0 : i32
          %cond3A_257 = arith.cmpi ne, %convert_element_type3A_255, %cond3A_256 : i32
          scf.if %cond3A_257 {
            %add3A_268 = arith.addi %multiple_of3A_204, %add3A_250 : i32
            %multiple_of3A_269 = tpu.assume_multiple %add3A_268, 8 : i32
            %dma_start3A_270 = arith.constant 0 : i32
            %dma_start3A_271 = tpu.memref_slice %arg15[%add3A_250, %dma_start3A_270] : memref<96x128xf32, #tpu.memory_space<vmem>> -> memref<8x128xf32, #tpu.memory_space<vmem>>
            %dma_start3A_272 = arith.constant 0 : i32
            %dma_start3A_273 = tpu.memref_slice %arg6[%multiple_of3A_269, %dma_start3A_272] : memref<320000x128xf32, #tpu.memory_space<hbm>> -> memref<8x128xf32, #tpu.memory_space<hbm>>
            %dma_start3A_274 = arith.constant 0 : i32
            %dma_start3A_275 = tpu.memref_slice %arg6[%multiple_of3A_269, %dma_start3A_274] : memref<320000x128xf32, #tpu.memory_space<hbm>> -> memref<8x128xf32, #tpu.memory_space<hbm>>
            %dma_start3A_276 = arith.constant 0 : i32
            %dma_start3A_277 = tpu.memref_slice %arg15[%add3A_250, %dma_start3A_276] : memref<96x128xf32, #tpu.memory_space<vmem>> -> memref<8x128xf32, #tpu.memory_space<vmem>>
            tpu.enqueue_dma source(%dma_start3A_277 : memref<8x128xf32, #tpu.memory_space<vmem>>) target(%dma_start3A_275 : memref<8x128xf32, #tpu.memory_space<hbm>>) target_semaphore(%arg21 : memref<!tpu.dma_semaphore, #tpu.memory_space<semaphore_mem>>)
          } else {
          }
          %jit3A_258 = arith.constant 8 : i32
          %jit3A_259 = arith.constant 0 : i32
          %select_n3A_260 = arith.select %ne3A_254, %jit3A_258, %jit3A_259 : i32
          %add3A_261 = arith.addi %add3A_250, %select_n3A_260 : i32
          %add3A_262 = arith.constant 2 : i32
          %add3A_263 = arith.addi %add3A_182, %add3A_262 : i32
          %lt3A_264 = arith.cmpi slt, %add3A_263, %select_n3A_54 : i32
          %convert_element_type3A_265 = arith.extui %lt3A_264 : i1 to i32
          %cond3A_266 = arith.constant 0 : i32
          %cond3A_267 = arith.cmpi ne, %convert_element_type3A_265, %cond3A_266 : i32
          scf.if %cond3A_267 {
            %add3A_268 = arith.constant 2 : i32
            %add3A_269 = arith.addi %add3A_182, %add3A_268 : i32
            %mul3A_270 = arith.constant 96 : i32
            %mul3A_271 = arith.muli %add3A_269, %mul3A_270 : i32
            %add3A_272 = arith.addi %squeeze3A, %mul3A_271 : i32
            %multiple_of3A_273 = tpu.assume_multiple %add3A_272, 8 : i32
            %dma_start3A_274 = arith.constant 0 : i32
            %dma_start3A_275 = tpu.memref_slice %arg2[%multiple_of3A_273, %dma_start3A_274] : memref<320256x64xf32, #tpu.memory_space<hbm>> -> memref<96x64xf32, #tpu.memory_space<hbm>>
            %dma_start3A_276 = arith.constant 0 : i32
            %dma_start3A_277 = tpu.memref_slice %arg2[%multiple_of3A_273, %dma_start3A_276] : memref<320256x64xf32, #tpu.memory_space<hbm>> -> memref<96x64xf32, #tpu.memory_space<hbm>>
            tpu.enqueue_dma source(%dma_start3A_277 : memref<96x64xf32, #tpu.memory_space<hbm>>) target(%arg11 : memref<96x64xf32, #tpu.memory_space<vmem>>) target_semaphore(%arg17 : memref<!tpu.dma_semaphore, #tpu.memory_space<semaphore_mem>>)
            %dma_start3A_278 = arith.constant 0 : i32
            %dma_start3A_279 = tpu.memref_slice %arg9[%dma_start3A_278] : memref<136xi32, #tpu.memory_space<vmem>> -> memref<104xi32, #tpu.memory_space<vmem>>
            %dma_start3A_280 = tpu.memref_slice %arg3[%multiple_of3A_273] : memref<320264xi32, #tpu.memory_space<hbm>> -> memref<104xi32, #tpu.memory_space<hbm>>
            %dma_start3A_281 = arith.constant 0 : i32
            %dma_start3A_282 = tpu.memref_slice %arg9[%dma_start3A_281] : memref<136xi32, #tpu.memory_space<vmem>> -> memref<104xi32, #tpu.memory_space<vmem>>
            %dma_start3A_283 = tpu.memref_slice %arg3[%multiple_of3A_273] : memref<320264xi32, #tpu.memory_space<hbm>> -> memref<104xi32, #tpu.memory_space<hbm>>
            tpu.enqueue_dma source(%dma_start3A_283 : memref<104xi32, #tpu.memory_space<hbm>>) target(%dma_start3A_282 : memref<104xi32, #tpu.memory_space<vmem>>) target_semaphore(%arg19 : memref<!tpu.dma_semaphore, #tpu.memory_space<semaphore_mem>>)
          } else {
          }
        } else {
        }
        %while3A_187 = arith.constant 0 : i32
        scf.yield %while3A_187 : i32
      }
      %sub3A_112 = arith.constant 1 : i32
      %sub3A_113 = arith.subi %select_n3A_54, %sub3A_112 : i32
      %jit3A_114 = arith.constant 2 : i32
      %eq3A = arith.constant 0 : i32
      %eq3A_115 = arith.cmpi eq, %jit3A_114, %eq3A : i32
      %jit3A_116 = arith.constant 1 : i32
      %select_n3A_117 = arith.select %eq3A_115, %jit3A_116, %jit3A_114 : i32
      %rem3A_118 = arith.remsi %sub3A_113, %select_n3A_117 : i32
      %ne3A_119 = arith.constant 0 : i32
      %ne3A_120 = arith.cmpi ne, %rem3A_118, %ne3A_119 : i32
      %lt3A = arith.constant 0 : i32
      %lt3A_121 = arith.cmpi slt, %rem3A_118, %lt3A : i32
      %lt3A_122 = arith.constant 0 : i32
      %lt3A_123 = arith.cmpi slt, %select_n3A_117, %lt3A_122 : i32
      %ne3A_124 = arith.xori %lt3A_121, %lt3A_123 : i1
      %and3A_125 = arith.andi %ne3A_124, %ne3A_120 : i1
      %add3A_126 = arith.addi %rem3A_118, %select_n3A_117 : i32
      %select_n3A_127 = arith.select %and3A_125, %add3A_126, %rem3A_118 : i32
      %eq3A_128 = arith.constant 0 : i32
      %eq3A_129 = arith.cmpi eq, %select_n3A_127, %eq3A_128 : i32
      %sub3A_130 = arith.constant 1 : i32
      %sub3A_131 = arith.subi %select_n3A_54, %sub3A_130 : i32
      %sub3A_132 = arith.constant 2 : i32
      %sub3A_133 = arith.subi %select_n3A_54, %sub3A_132 : i32
      %select_n3A_134 = arith.select %eq3A_129, %sub3A_131, %sub3A_133 : i32
      %ge3A = arith.constant 0 : i32
      %ge3A_135 = arith.cmpi sge, %select_n3A_134, %ge3A : i32
      %convert_element_type3A_136 = arith.extui %ge3A_135 : i1 to i32
      %cond3A_137 = arith.constant 0 : i32
      %cond3A_138 = arith.cmpi ne, %convert_element_type3A_136, %cond3A_137 : i32
      scf.if %cond3A_138 {
        %mul3A_169 = arith.constant 96 : i32
        %mul3A_170 = arith.muli %select_n3A_134, %mul3A_169 : i32
        %add3A_171 = arith.addi %squeeze3A, %mul3A_170 : i32
        %multiple_of3A_172 = tpu.assume_multiple %add3A_171, 8 : i32
        %mul3A_173 = arith.constant 96 : i32
        %mul3A_174 = arith.muli %select_n3A_134, %mul3A_173 : i32
        %sub3A_175 = arith.subi %sub3A, %mul3A_174 : i32
        %min3A = arith.constant 96 : i32
        %min3A_176 = arith.minsi %min3A, %sub3A_175 : i32
        %and3A_177 = arith.constant 64 : i32
        %and3A_178 = arith.andi %min3A_176, %and3A_177 : i32
        %ne3A_179 = arith.constant 0 : i32
        %ne3A_180 = arith.cmpi ne, %and3A_178, %ne3A_179 : i32
        %convert_element_type3A_181 = arith.extui %ne3A_180 : i1 to i32
        %cond3A_182 = arith.constant 0 : i32
        %cond3A_183 = arith.constant 0 : i32
        %cond3A_184 = arith.cmpi ne, %convert_element_type3A_181, %cond3A_183 : i32
        scf.if %cond3A_184 {
          %add3A_223 = arith.addi %multiple_of3A_172, %cond3A_182 : i32
          %multiple_of3A_224 = tpu.assume_multiple %add3A_223, 8 : i32
          %dma_wait3A = arith.constant 0 : i32
          %dma_wait3A_225 = tpu.memref_slice %arg14[%cond3A_182, %dma_wait3A] : memref<96x128xf32, #tpu.memory_space<vmem>> -> memref<64x128xf32, #tpu.memory_space<vmem>>
          %dma_wait3A_226 = arith.constant 0 : i32
          %dma_wait3A_227 = tpu.memref_slice %arg6[%multiple_of3A_224, %dma_wait3A_226] : memref<320000x128xf32, #tpu.memory_space<hbm>> -> memref<64x128xf32, #tpu.memory_space<hbm>>
          %dma_wait3A_228 = arith.constant 0 : i32
          %dma_wait3A_229 = tpu.memref_slice %arg6[%multiple_of3A_224, %dma_wait3A_228] : memref<320000x128xf32, #tpu.memory_space<hbm>> -> memref<64x128xf32, #tpu.memory_space<hbm>>
          %dma_wait3A_230 = arith.constant 0 : i32
          %dma_wait3A_231 = tpu.memref_slice %arg14[%cond3A_182, %dma_wait3A_230] : memref<96x128xf32, #tpu.memory_space<vmem>> -> memref<64x128xf32, #tpu.memory_space<vmem>>
          tpu.wait_dma2 semaphore(%arg20 : memref<!tpu.dma_semaphore, #tpu.memory_space<semaphore_mem>>) src(%dma_wait3A_231 : memref<64x128xf32, #tpu.memory_space<vmem>>) dst(%dma_wait3A_229 : memref<64x128xf32, #tpu.memory_space<hbm>>)
        } else {
        }
        %jit3A_185 = arith.constant 64 : i32
        %jit3A_186 = arith.constant 0 : i32
        %select_n3A_187 = arith.select %ne3A_180, %jit3A_185, %jit3A_186 : i32
        %add3A_188 = arith.constant 0 : i32
        %add3A_189 = arith.addi %add3A_188, %select_n3A_187 : i32
        %and3A_190 = arith.constant 32 : i32
        %and3A_191 = arith.andi %min3A_176, %and3A_190 : i32
        %ne3A_192 = arith.constant 0 : i32
        %ne3A_193 = arith.cmpi ne, %and3A_191, %ne3A_192 : i32
        %convert_element_type3A_194 = arith.extui %ne3A_193 : i1 to i32
        %cond3A_195 = arith.constant 0 : i32
        %cond3A_196 = arith.cmpi ne, %convert_element_type3A_194, %cond3A_195 : i32
        scf.if %cond3A_196 {
          %add3A_223 = arith.addi %multiple_of3A_172, %add3A_189 : i32
          %multiple_of3A_224 = tpu.assume_multiple %add3A_223, 8 : i32
          %dma_wait3A = arith.constant 0 : i32
          %dma_wait3A_225 = tpu.memref_slice %arg14[%add3A_189, %dma_wait3A] : memref<96x128xf32, #tpu.memory_space<vmem>> -> memref<32x128xf32, #tpu.memory_space<vmem>>
          %dma_wait3A_226 = arith.constant 0 : i32
          %dma_wait3A_227 = tpu.memref_slice %arg6[%multiple_of3A_224, %dma_wait3A_226] : memref<320000x128xf32, #tpu.memory_space<hbm>> -> memref<32x128xf32, #tpu.memory_space<hbm>>
          %dma_wait3A_228 = arith.constant 0 : i32
          %dma_wait3A_229 = tpu.memref_slice %arg6[%multiple_of3A_224, %dma_wait3A_228] : memref<320000x128xf32, #tpu.memory_space<hbm>> -> memref<32x128xf32, #tpu.memory_space<hbm>>
          %dma_wait3A_230 = arith.constant 0 : i32
          %dma_wait3A_231 = tpu.memref_slice %arg14[%add3A_189, %dma_wait3A_230] : memref<96x128xf32, #tpu.memory_space<vmem>> -> memref<32x128xf32, #tpu.memory_space<vmem>>
          tpu.wait_dma2 semaphore(%arg20 : memref<!tpu.dma_semaphore, #tpu.memory_space<semaphore_mem>>) src(%dma_wait3A_231 : memref<32x128xf32, #tpu.memory_space<vmem>>) dst(%dma_wait3A_229 : memref<32x128xf32, #tpu.memory_space<hbm>>)
        } else {
        }
        %jit3A_197 = arith.constant 32 : i32
        %jit3A_198 = arith.constant 0 : i32
        %select_n3A_199 = arith.select %ne3A_193, %jit3A_197, %jit3A_198 : i32
        %add3A_200 = arith.addi %add3A_189, %select_n3A_199 : i32
        %and3A_201 = arith.constant 16 : i32
        %and3A_202 = arith.andi %min3A_176, %and3A_201 : i32
        %ne3A_203 = arith.constant 0 : i32
        %ne3A_204 = arith.cmpi ne, %and3A_202, %ne3A_203 : i32
        %convert_element_type3A_205 = arith.extui %ne3A_204 : i1 to i32
        %cond3A_206 = arith.constant 0 : i32
        %cond3A_207 = arith.cmpi ne, %convert_element_type3A_205, %cond3A_206 : i32
        scf.if %cond3A_207 {
          %add3A_223 = arith.addi %multiple_of3A_172, %add3A_200 : i32
          %multiple_of3A_224 = tpu.assume_multiple %add3A_223, 8 : i32
          %dma_wait3A = arith.constant 0 : i32
          %dma_wait3A_225 = tpu.memref_slice %arg14[%add3A_200, %dma_wait3A] : memref<96x128xf32, #tpu.memory_space<vmem>> -> memref<16x128xf32, #tpu.memory_space<vmem>>
          %dma_wait3A_226 = arith.constant 0 : i32
          %dma_wait3A_227 = tpu.memref_slice %arg6[%multiple_of3A_224, %dma_wait3A_226] : memref<320000x128xf32, #tpu.memory_space<hbm>> -> memref<16x128xf32, #tpu.memory_space<hbm>>
          %dma_wait3A_228 = arith.constant 0 : i32
          %dma_wait3A_229 = tpu.memref_slice %arg6[%multiple_of3A_224, %dma_wait3A_228] : memref<320000x128xf32, #tpu.memory_space<hbm>> -> memref<16x128xf32, #tpu.memory_space<hbm>>
          %dma_wait3A_230 = arith.constant 0 : i32
          %dma_wait3A_231 = tpu.memref_slice %arg14[%add3A_200, %dma_wait3A_230] : memref<96x128xf32, #tpu.memory_space<vmem>> -> memref<16x128xf32, #tpu.memory_space<vmem>>
          tpu.wait_dma2 semaphore(%arg20 : memref<!tpu.dma_semaphore, #tpu.memory_space<semaphore_mem>>) src(%dma_wait3A_231 : memref<16x128xf32, #tpu.memory_space<vmem>>) dst(%dma_wait3A_229 : memref<16x128xf32, #tpu.memory_space<hbm>>)
        } else {
        }
        %jit3A_208 = arith.constant 16 : i32
        %jit3A_209 = arith.constant 0 : i32
        %select_n3A_210 = arith.select %ne3A_204, %jit3A_208, %jit3A_209 : i32
        %add3A_211 = arith.addi %add3A_200, %select_n3A_210 : i32
        %and3A_212 = arith.constant 8 : i32
        %and3A_213 = arith.andi %min3A_176, %and3A_212 : i32
        %ne3A_214 = arith.constant 0 : i32
        %ne3A_215 = arith.cmpi ne, %and3A_213, %ne3A_214 : i32
        %convert_element_type3A_216 = arith.extui %ne3A_215 : i1 to i32
        %cond3A_217 = arith.constant 0 : i32
        %cond3A_218 = arith.cmpi ne, %convert_element_type3A_216, %cond3A_217 : i32
        scf.if %cond3A_218 {
          %add3A_223 = arith.addi %multiple_of3A_172, %add3A_211 : i32
          %multiple_of3A_224 = tpu.assume_multiple %add3A_223, 8 : i32
          %dma_wait3A = arith.constant 0 : i32
          %dma_wait3A_225 = tpu.memref_slice %arg14[%add3A_211, %dma_wait3A] : memref<96x128xf32, #tpu.memory_space<vmem>> -> memref<8x128xf32, #tpu.memory_space<vmem>>
          %dma_wait3A_226 = arith.constant 0 : i32
          %dma_wait3A_227 = tpu.memref_slice %arg6[%multiple_of3A_224, %dma_wait3A_226] : memref<320000x128xf32, #tpu.memory_space<hbm>> -> memref<8x128xf32, #tpu.memory_space<hbm>>
          %dma_wait3A_228 = arith.constant 0 : i32
          %dma_wait3A_229 = tpu.memref_slice %arg6[%multiple_of3A_224, %dma_wait3A_228] : memref<320000x128xf32, #tpu.memory_space<hbm>> -> memref<8x128xf32, #tpu.memory_space<hbm>>
          %dma_wait3A_230 = arith.constant 0 : i32
          %dma_wait3A_231 = tpu.memref_slice %arg14[%add3A_211, %dma_wait3A_230] : memref<96x128xf32, #tpu.memory_space<vmem>> -> memref<8x128xf32, #tpu.memory_space<vmem>>
          tpu.wait_dma2 semaphore(%arg20 : memref<!tpu.dma_semaphore, #tpu.memory_space<semaphore_mem>>) src(%dma_wait3A_231 : memref<8x128xf32, #tpu.memory_space<vmem>>) dst(%dma_wait3A_229 : memref<8x128xf32, #tpu.memory_space<hbm>>)
        } else {
        }
        %jit3A_219 = arith.constant 8 : i32
        %jit3A_220 = arith.constant 0 : i32
        %select_n3A_221 = arith.select %ne3A_215, %jit3A_219, %jit3A_220 : i32
        %add3A_222 = arith.addi %add3A_211, %select_n3A_221 : i32
      } else {
      }
      %sub3A_139 = arith.constant 1 : i32
      %sub3A_140 = arith.subi %select_n3A_54, %sub3A_139 : i32
      %jit3A_141 = arith.constant 2 : i32
      %eq3A_142 = arith.constant 0 : i32
      %eq3A_143 = arith.cmpi eq, %jit3A_141, %eq3A_142 : i32
      %jit3A_144 = arith.constant 1 : i32
      %select_n3A_145 = arith.select %eq3A_143, %jit3A_144, %jit3A_141 : i32
      %rem3A_146 = arith.remsi %sub3A_140, %select_n3A_145 : i32
      %ne3A_147 = arith.constant 0 : i32
      %ne3A_148 = arith.cmpi ne, %rem3A_146, %ne3A_147 : i32
      %lt3A_149 = arith.constant 0 : i32
      %lt3A_150 = arith.cmpi slt, %rem3A_146, %lt3A_149 : i32
      %lt3A_151 = arith.constant 0 : i32
      %lt3A_152 = arith.cmpi slt, %select_n3A_145, %lt3A_151 : i32
      %ne3A_153 = arith.xori %lt3A_150, %lt3A_152 : i1
      %and3A_154 = arith.andi %ne3A_153, %ne3A_148 : i1
      %add3A_155 = arith.addi %rem3A_146, %select_n3A_145 : i32
      %select_n3A_156 = arith.select %and3A_154, %add3A_155, %rem3A_146 : i32
      %eq3A_157 = arith.constant 1 : i32
      %eq3A_158 = arith.cmpi eq, %select_n3A_156, %eq3A_157 : i32
      %sub3A_159 = arith.constant 1 : i32
      %sub3A_160 = arith.subi %select_n3A_54, %sub3A_159 : i32
      %sub3A_161 = arith.constant 2 : i32
      %sub3A_162 = arith.subi %select_n3A_54, %sub3A_161 : i32
      %select_n3A_163 = arith.select %eq3A_158, %sub3A_160, %sub3A_162 : i32
      %ge3A_164 = arith.constant 0 : i32
      %ge3A_165 = arith.cmpi sge, %select_n3A_163, %ge3A_164 : i32
      %convert_element_type3A_166 = arith.extui %ge3A_165 : i1 to i32
      %cond3A_167 = arith.constant 0 : i32
      %cond3A_168 = arith.cmpi ne, %convert_element_type3A_166, %cond3A_167 : i32
      scf.if %cond3A_168 {
        %mul3A_169 = arith.constant 96 : i32
        %mul3A_170 = arith.muli %select_n3A_163, %mul3A_169 : i32
        %add3A_171 = arith.addi %squeeze3A, %mul3A_170 : i32
        %multiple_of3A_172 = tpu.assume_multiple %add3A_171, 8 : i32
        %mul3A_173 = arith.constant 96 : i32
        %mul3A_174 = arith.muli %select_n3A_163, %mul3A_173 : i32
        %sub3A_175 = arith.subi %sub3A, %mul3A_174 : i32
        %min3A = arith.constant 96 : i32
        %min3A_176 = arith.minsi %min3A, %sub3A_175 : i32
        %and3A_177 = arith.constant 64 : i32
        %and3A_178 = arith.andi %min3A_176, %and3A_177 : i32
        %ne3A_179 = arith.constant 0 : i32
        %ne3A_180 = arith.cmpi ne, %and3A_178, %ne3A_179 : i32
        %convert_element_type3A_181 = arith.extui %ne3A_180 : i1 to i32
        %cond3A_182 = arith.constant 0 : i32
        %cond3A_183 = arith.constant 0 : i32
        %cond3A_184 = arith.cmpi ne, %convert_element_type3A_181, %cond3A_183 : i32
        scf.if %cond3A_184 {
          %add3A_223 = arith.addi %multiple_of3A_172, %cond3A_182 : i32
          %multiple_of3A_224 = tpu.assume_multiple %add3A_223, 8 : i32
          %dma_wait3A = arith.constant 0 : i32
          %dma_wait3A_225 = tpu.memref_slice %arg15[%cond3A_182, %dma_wait3A] : memref<96x128xf32, #tpu.memory_space<vmem>> -> memref<64x128xf32, #tpu.memory_space<vmem>>
          %dma_wait3A_226 = arith.constant 0 : i32
          %dma_wait3A_227 = tpu.memref_slice %arg6[%multiple_of3A_224, %dma_wait3A_226] : memref<320000x128xf32, #tpu.memory_space<hbm>> -> memref<64x128xf32, #tpu.memory_space<hbm>>
          %dma_wait3A_228 = arith.constant 0 : i32
          %dma_wait3A_229 = tpu.memref_slice %arg6[%multiple_of3A_224, %dma_wait3A_228] : memref<320000x128xf32, #tpu.memory_space<hbm>> -> memref<64x128xf32, #tpu.memory_space<hbm>>
          %dma_wait3A_230 = arith.constant 0 : i32
          %dma_wait3A_231 = tpu.memref_slice %arg15[%cond3A_182, %dma_wait3A_230] : memref<96x128xf32, #tpu.memory_space<vmem>> -> memref<64x128xf32, #tpu.memory_space<vmem>>
          tpu.wait_dma2 semaphore(%arg21 : memref<!tpu.dma_semaphore, #tpu.memory_space<semaphore_mem>>) src(%dma_wait3A_231 : memref<64x128xf32, #tpu.memory_space<vmem>>) dst(%dma_wait3A_229 : memref<64x128xf32, #tpu.memory_space<hbm>>)
        } else {
        }
        %jit3A_185 = arith.constant 64 : i32
        %jit3A_186 = arith.constant 0 : i32
        %select_n3A_187 = arith.select %ne3A_180, %jit3A_185, %jit3A_186 : i32
        %add3A_188 = arith.constant 0 : i32
        %add3A_189 = arith.addi %add3A_188, %select_n3A_187 : i32
        %and3A_190 = arith.constant 32 : i32
        %and3A_191 = arith.andi %min3A_176, %and3A_190 : i32
        %ne3A_192 = arith.constant 0 : i32
        %ne3A_193 = arith.cmpi ne, %and3A_191, %ne3A_192 : i32
        %convert_element_type3A_194 = arith.extui %ne3A_193 : i1 to i32
        %cond3A_195 = arith.constant 0 : i32
        %cond3A_196 = arith.cmpi ne, %convert_element_type3A_194, %cond3A_195 : i32
        scf.if %cond3A_196 {
          %add3A_223 = arith.addi %multiple_of3A_172, %add3A_189 : i32
          %multiple_of3A_224 = tpu.assume_multiple %add3A_223, 8 : i32
          %dma_wait3A = arith.constant 0 : i32
          %dma_wait3A_225 = tpu.memref_slice %arg15[%add3A_189, %dma_wait3A] : memref<96x128xf32, #tpu.memory_space<vmem>> -> memref<32x128xf32, #tpu.memory_space<vmem>>
          %dma_wait3A_226 = arith.constant 0 : i32
          %dma_wait3A_227 = tpu.memref_slice %arg6[%multiple_of3A_224, %dma_wait3A_226] : memref<320000x128xf32, #tpu.memory_space<hbm>> -> memref<32x128xf32, #tpu.memory_space<hbm>>
          %dma_wait3A_228 = arith.constant 0 : i32
          %dma_wait3A_229 = tpu.memref_slice %arg6[%multiple_of3A_224, %dma_wait3A_228] : memref<320000x128xf32, #tpu.memory_space<hbm>> -> memref<32x128xf32, #tpu.memory_space<hbm>>
          %dma_wait3A_230 = arith.constant 0 : i32
          %dma_wait3A_231 = tpu.memref_slice %arg15[%add3A_189, %dma_wait3A_230] : memref<96x128xf32, #tpu.memory_space<vmem>> -> memref<32x128xf32, #tpu.memory_space<vmem>>
          tpu.wait_dma2 semaphore(%arg21 : memref<!tpu.dma_semaphore, #tpu.memory_space<semaphore_mem>>) src(%dma_wait3A_231 : memref<32x128xf32, #tpu.memory_space<vmem>>) dst(%dma_wait3A_229 : memref<32x128xf32, #tpu.memory_space<hbm>>)
        } else {
        }
        %jit3A_197 = arith.constant 32 : i32
        %jit3A_198 = arith.constant 0 : i32
        %select_n3A_199 = arith.select %ne3A_193, %jit3A_197, %jit3A_198 : i32
        %add3A_200 = arith.addi %add3A_189, %select_n3A_199 : i32
        %and3A_201 = arith.constant 16 : i32
        %and3A_202 = arith.andi %min3A_176, %and3A_201 : i32
        %ne3A_203 = arith.constant 0 : i32
        %ne3A_204 = arith.cmpi ne, %and3A_202, %ne3A_203 : i32
        %convert_element_type3A_205 = arith.extui %ne3A_204 : i1 to i32
        %cond3A_206 = arith.constant 0 : i32
        %cond3A_207 = arith.cmpi ne, %convert_element_type3A_205, %cond3A_206 : i32
        scf.if %cond3A_207 {
          %add3A_223 = arith.addi %multiple_of3A_172, %add3A_200 : i32
          %multiple_of3A_224 = tpu.assume_multiple %add3A_223, 8 : i32
          %dma_wait3A = arith.constant 0 : i32
          %dma_wait3A_225 = tpu.memref_slice %arg15[%add3A_200, %dma_wait3A] : memref<96x128xf32, #tpu.memory_space<vmem>> -> memref<16x128xf32, #tpu.memory_space<vmem>>
          %dma_wait3A_226 = arith.constant 0 : i32
          %dma_wait3A_227 = tpu.memref_slice %arg6[%multiple_of3A_224, %dma_wait3A_226] : memref<320000x128xf32, #tpu.memory_space<hbm>> -> memref<16x128xf32, #tpu.memory_space<hbm>>
          %dma_wait3A_228 = arith.constant 0 : i32
          %dma_wait3A_229 = tpu.memref_slice %arg6[%multiple_of3A_224, %dma_wait3A_228] : memref<320000x128xf32, #tpu.memory_space<hbm>> -> memref<16x128xf32, #tpu.memory_space<hbm>>
          %dma_wait3A_230 = arith.constant 0 : i32
          %dma_wait3A_231 = tpu.memref_slice %arg15[%add3A_200, %dma_wait3A_230] : memref<96x128xf32, #tpu.memory_space<vmem>> -> memref<16x128xf32, #tpu.memory_space<vmem>>
          tpu.wait_dma2 semaphore(%arg21 : memref<!tpu.dma_semaphore, #tpu.memory_space<semaphore_mem>>) src(%dma_wait3A_231 : memref<16x128xf32, #tpu.memory_space<vmem>>) dst(%dma_wait3A_229 : memref<16x128xf32, #tpu.memory_space<hbm>>)
        } else {
        }
        %jit3A_208 = arith.constant 16 : i32
        %jit3A_209 = arith.constant 0 : i32
        %select_n3A_210 = arith.select %ne3A_204, %jit3A_208, %jit3A_209 : i32
        %add3A_211 = arith.addi %add3A_200, %select_n3A_210 : i32
        %and3A_212 = arith.constant 8 : i32
        %and3A_213 = arith.andi %min3A_176, %and3A_212 : i32
        %ne3A_214 = arith.constant 0 : i32
        %ne3A_215 = arith.cmpi ne, %and3A_213, %ne3A_214 : i32
        %convert_element_type3A_216 = arith.extui %ne3A_215 : i1 to i32
        %cond3A_217 = arith.constant 0 : i32
        %cond3A_218 = arith.cmpi ne, %convert_element_type3A_216, %cond3A_217 : i32
        scf.if %cond3A_218 {
          %add3A_223 = arith.addi %multiple_of3A_172, %add3A_211 : i32
          %multiple_of3A_224 = tpu.assume_multiple %add3A_223, 8 : i32
          %dma_wait3A = arith.constant 0 : i32
          %dma_wait3A_225 = tpu.memref_slice %arg15[%add3A_211, %dma_wait3A] : memref<96x128xf32, #tpu.memory_space<vmem>> -> memref<8x128xf32, #tpu.memory_space<vmem>>
          %dma_wait3A_226 = arith.constant 0 : i32
          %dma_wait3A_227 = tpu.memref_slice %arg6[%multiple_of3A_224, %dma_wait3A_226] : memref<320000x128xf32, #tpu.memory_space<hbm>> -> memref<8x128xf32, #tpu.memory_space<hbm>>
          %dma_wait3A_228 = arith.constant 0 : i32
          %dma_wait3A_229 = tpu.memref_slice %arg6[%multiple_of3A_224, %dma_wait3A_228] : memref<320000x128xf32, #tpu.memory_space<hbm>> -> memref<8x128xf32, #tpu.memory_space<hbm>>
          %dma_wait3A_230 = arith.constant 0 : i32
          %dma_wait3A_231 = tpu.memref_slice %arg15[%add3A_211, %dma_wait3A_230] : memref<96x128xf32, #tpu.memory_space<vmem>> -> memref<8x128xf32, #tpu.memory_space<vmem>>
          tpu.wait_dma2 semaphore(%arg21 : memref<!tpu.dma_semaphore, #tpu.memory_space<semaphore_mem>>) src(%dma_wait3A_231 : memref<8x128xf32, #tpu.memory_space<vmem>>) dst(%dma_wait3A_229 : memref<8x128xf32, #tpu.memory_space<hbm>>)
        } else {
        }
        %jit3A_219 = arith.constant 8 : i32
        %jit3A_220 = arith.constant 0 : i32
        %select_n3A_221 = arith.select %ne3A_215, %jit3A_219, %jit3A_220 : i32
        %add3A_222 = arith.addi %add3A_211, %select_n3A_221 : i32
      } else {
      }
    } else {
    }
    return
  }
}

#map = affine_map<(d0, d1) -> (0, 0)>
#map1 = affine_map<(d0, d1) -> (0)>
module attributes {stable_mosaic.version = 14 : i64} {
  func.func @_sc1_body(%arg0: i32, %arg1: i32, %arg2: memref<320256x64xf32, #tpu.memory_space<hbm>>, %arg3: memref<320264xi32, #tpu.memory_space<hbm>>, %arg4: memref<40xi32, #tpu.memory_space<hbm>>, %arg5: memref<641024xf32, #tpu.memory_space<hbm>>, %arg6: memref<56xi32, #tpu.memory_space<vmem>>, %arg7: memref<296xi32, #tpu.memory_space<vmem>>, %arg8: memref<296xi32, #tpu.memory_space<vmem>>, %arg9: memref<264x64xf32, #tpu.memory_space<vmem>>, %arg10: memref<264x64xf32, #tpu.memory_space<vmem>>, %arg11: memref<20288xf32, #tpu.memory_space<vmem>>, %arg12: memref<!tpu.dma_semaphore, #tpu.memory_space<semaphore_mem>>, %arg13: memref<!tpu.dma_semaphore, #tpu.memory_space<semaphore_mem>>, %arg14: memref<!tpu.dma_semaphore, #tpu.memory_space<semaphore_mem>>, %arg15: memref<!tpu.dma_semaphore, #tpu.memory_space<semaphore_mem>>) attributes {dimension_semantics = [#tpu.dimension_semantics<core_parallel>, #tpu.dimension_semantics<subcore_parallel>], iteration_bounds = array<i64: 2, 16>, scalar_prefetch = 0 : i64, scratch_operands = 10 : i64, tpu.core_type = #tpu.core_type<sc_vector_subcore>, window_params = [{transform_indices = #map}, {transform_indices = #map1}, {transform_indices = #map1}, {transform_indices = #map1}]} {
    %mul3A = arith.constant 16 : i32
    %mul3A_0 = arith.muli %arg0, %mul3A : i32
    %add3A = arith.addi %mul3A_0, %arg1 : i32
    "tpu.region"() ({
      %run_scoped3A = tpu.sem_alloc : memref<!tpu.dma_semaphore, #tpu.memory_space<semaphore_mem>>
      %dma_start3A = arith.constant 0 : i32
      %dma_start3A_87 = tpu.memref_slice %arg6[%dma_start3A] : memref<56xi32, #tpu.memory_space<vmem>> -> memref<40xi32, #tpu.memory_space<vmem>>
      %dma_start3A_88 = arith.constant 0 : i32
      %dma_start3A_89 = tpu.memref_slice %arg6[%dma_start3A_88] : memref<56xi32, #tpu.memory_space<vmem>> -> memref<40xi32, #tpu.memory_space<vmem>>
      tpu.enqueue_dma source(%arg4 : memref<40xi32, #tpu.memory_space<hbm>>) target(%dma_start3A_89 : memref<40xi32, #tpu.memory_space<vmem>>) target_semaphore(%run_scoped3A : memref<!tpu.dma_semaphore, #tpu.memory_space<semaphore_mem>>)
      %dma_wait3A = arith.constant 0 : i32
      %dma_wait3A_90 = tpu.memref_slice %arg6[%dma_wait3A] : memref<56xi32, #tpu.memory_space<vmem>> -> memref<40xi32, #tpu.memory_space<vmem>>
      %dma_wait3A_91 = arith.constant 0 : i32
      %dma_wait3A_92 = tpu.memref_slice %arg6[%dma_wait3A_91] : memref<56xi32, #tpu.memory_space<vmem>> -> memref<40xi32, #tpu.memory_space<vmem>>
      tpu.wait_dma2 semaphore(%run_scoped3A : memref<!tpu.dma_semaphore, #tpu.memory_space<semaphore_mem>>) src(%arg4 : memref<40xi32, #tpu.memory_space<hbm>>) dst(%dma_wait3A_92 : memref<40xi32, #tpu.memory_space<vmem>>)
      tpu.yield
    }) : () -> ()
    %get3A = arith.index_cast %add3A : i32 to index
    %get3A_1 = tpu.vector_load %arg6[%get3A] {strides = array<i32>} : memref<56xi32, #tpu.memory_space<vmem>>, vector<16xi32>,
    %slice3A = vector.extract_strided_slice %get3A_1 {offsets = [0], sizes = [1], strides = [1]} : vector<16xi32> to vector<1xi32>
    %squeeze3A = vector.extract %slice3A[0] : i32 from vector<1xi32>
    %add3A_2 = arith.constant 1 : i32
    %add3A_3 = arith.addi %add3A, %add3A_2 : i32
    %get3A_4 = arith.index_cast %add3A_3 : i32 to index
    %get3A_5 = tpu.vector_load %arg6[%get3A_4] {strides = array<i32>} : memref<56xi32, #tpu.memory_space<vmem>>, vector<16xi32>,
    %slice3A_6 = vector.extract_strided_slice %get3A_5 {offsets = [0], sizes = [1], strides = [1]} : vector<16xi32> to vector<1xi32>
    %squeeze3A_7 = vector.extract %slice3A_6[0] : i32 from vector<1xi32>
    %sub3A = arith.subi %squeeze3A_7, %squeeze3A : i32
    %mul3A_8 = arith.constant 10000 : i32
    %mul3A_9 = arith.muli %add3A, %mul3A_8 : i32
    %jit3A = arith.constant 32 : i32
    %div3A = arith.divsi %mul3A_9, %jit3A : i32
    %sign3A = arith.constant 0 : i32
    %sign3A_10 = arith.cmpi sgt, %mul3A_9, %sign3A : i32
    %sign3A_11 = arith.extui %sign3A_10 : i1 to i32
    %sign3A_12 = arith.constant 0 : i32
    %sign3A_13 = arith.cmpi slt, %mul3A_9, %sign3A_12 : i32
    %sign3A_14 = arith.extui %sign3A_13 : i1 to i32
    %sign3A_15 = arith.subi %sign3A_11, %sign3A_14 : i32
    %sign3A_16 = arith.constant 0 : i32
    %sign3A_17 = arith.cmpi sgt, %jit3A, %sign3A_16 : i32
    %sign3A_18 = arith.extui %sign3A_17 : i1 to i32
    %sign3A_19 = arith.constant 0 : i32
    %sign3A_20 = arith.cmpi slt, %jit3A, %sign3A_19 : i32
    %sign3A_21 = arith.extui %sign3A_20 : i1 to i32
    %sign3A_22 = arith.subi %sign3A_18, %sign3A_21 : i32
    %ne3A = arith.cmpi ne, %sign3A_15, %sign3A_22 : i32
    %rem3A = arith.remsi %mul3A_9, %jit3A : i32
    %ne3A_23 = arith.constant 0 : i32
    %ne3A_24 = arith.cmpi ne, %rem3A, %ne3A_23 : i32
    %and3A = arith.andi %ne3A, %ne3A_24 : i1
    %sub3A_25 = arith.constant 1 : i32
    %sub3A_26 = arith.subi %div3A, %sub3A_25 : i32
    %select_n3A = arith.select %and3A, %sub3A_26, %div3A : i32
    %add3A_27 = arith.constant 1 : i32
    %add3A_28 = arith.addi %add3A, %add3A_27 : i32
    %mul3A_29 = arith.constant 10000 : i32
    %mul3A_30 = arith.muli %add3A_28, %mul3A_29 : i32
    %jit3A_31 = arith.constant 32 : i32
    %div3A_32 = arith.divsi %mul3A_30, %jit3A_31 : i32
    %sign3A_33 = arith.constant 0 : i32
    %sign3A_34 = arith.cmpi sgt, %mul3A_30, %sign3A_33 : i32
    %sign3A_35 = arith.extui %sign3A_34 : i1 to i32
    %sign3A_36 = arith.constant 0 : i32
    %sign3A_37 = arith.cmpi slt, %mul3A_30, %sign3A_36 : i32
    %sign3A_38 = arith.extui %sign3A_37 : i1 to i32
    %sign3A_39 = arith.subi %sign3A_35, %sign3A_38 : i32
    %sign3A_40 = arith.constant 0 : i32
    %sign3A_41 = arith.cmpi sgt, %jit3A_31, %sign3A_40 : i32
    %sign3A_42 = arith.extui %sign3A_41 : i1 to i32
    %sign3A_43 = arith.constant 0 : i32
    %sign3A_44 = arith.cmpi slt, %jit3A_31, %sign3A_43 : i32
    %sign3A_45 = arith.extui %sign3A_44 : i1 to i32
    %sign3A_46 = arith.subi %sign3A_42, %sign3A_45 : i32
    %ne3A_47 = arith.cmpi ne, %sign3A_39, %sign3A_46 : i32
    %rem3A_48 = arith.remsi %mul3A_30, %jit3A_31 : i32
    %ne3A_49 = arith.constant 0 : i32
    %ne3A_50 = arith.cmpi ne, %rem3A_48, %ne3A_49 : i32
    %and3A_51 = arith.andi %ne3A_47, %ne3A_50 : i1
    %sub3A_52 = arith.constant 1 : i32
    %sub3A_53 = arith.subi %div3A_32, %sub3A_52 : i32
    %select_n3A_54 = arith.select %and3A_51, %sub3A_53, %div3A_32 : i32
    %sub3A_55 = arith.subi %select_n3A_54, %select_n3A : i32
    %add3A_56 = arith.constant 256 : i32
    %add3A_57 = arith.addi %sub3A, %add3A_56 : i32
    %sub3A_58 = arith.constant 1 : i32
    %sub3A_59 = arith.subi %add3A_57, %sub3A_58 : i32
    %jit3A_60 = arith.constant 256 : i32
    %div3A_61 = arith.divsi %sub3A_59, %jit3A_60 : i32
    %sign3A_62 = arith.constant 0 : i32
    %sign3A_63 = arith.cmpi sgt, %sub3A_59, %sign3A_62 : i32
    %sign3A_64 = arith.extui %sign3A_63 : i1 to i32
    %sign3A_65 = arith.constant 0 : i32
    %sign3A_66 = arith.cmpi slt, %sub3A_59, %sign3A_65 : i32
    %sign3A_67 = arith.extui %sign3A_66 : i1 to i32
    %sign3A_68 = arith.subi %sign3A_64, %sign3A_67 : i32
    %sign3A_69 = arith.constant 0 : i32
    %sign3A_70 = arith.cmpi sgt, %jit3A_60, %sign3A_69 : i32
    %sign3A_71 = arith.extui %sign3A_70 : i1 to i32
    %sign3A_72 = arith.constant 0 : i32
    %sign3A_73 = arith.cmpi slt, %jit3A_60, %sign3A_72 : i32
    %sign3A_74 = arith.extui %sign3A_73 : i1 to i32
    %sign3A_75 = arith.subi %sign3A_71, %sign3A_74 : i32
    %ne3A_76 = arith.cmpi ne, %sign3A_68, %sign3A_75 : i32
    %rem3A_77 = arith.remsi %sub3A_59, %jit3A_60 : i32
    %ne3A_78 = arith.constant 0 : i32
    %ne3A_79 = arith.cmpi ne, %rem3A_77, %ne3A_78 : i32
    %and3A_80 = arith.andi %ne3A_76, %ne3A_79 : i1
    %sub3A_81 = arith.constant 1 : i32
    %sub3A_82 = arith.subi %div3A_61, %sub3A_81 : i32
    %select_n3A_83 = arith.select %and3A_80, %sub3A_82, %div3A_61 : i32
    %broadcast_in_dim3A = arith.constant 0xFF800000 : f32
    %broadcast_in_dim3A_84 = vector.broadcast %broadcast_in_dim3A : f32 to vector<16xf32>
    %gt3A = arith.constant 0 : i32
    %gt3A_85 = arith.cmpi sgt, %sub3A, %gt3A : i32
    %convert_element_type3A = arith.extui %gt3A_85 : i1 to i32
    %cond3A = arith.constant 0 : i32
    %cond3A_86 = arith.cmpi ne, %convert_element_type3A, %cond3A : i32
    scf.if %cond3A_86 {
      %add3A_87 = arith.constant 0 : i32
      %add3A_88 = arith.addi %squeeze3A, %add3A_87 : i32
      %jit3A_89 = arith.constant 8 : i32
      %div3A_90 = arith.divsi %add3A_88, %jit3A_89 : i32
      %sign3A_91 = arith.constant 0 : i32
      %sign3A_92 = arith.cmpi sgt, %add3A_88, %sign3A_91 : i32
      %sign3A_93 = arith.extui %sign3A_92 : i1 to i32
      %sign3A_94 = arith.constant 0 : i32
      %sign3A_95 = arith.cmpi slt, %add3A_88, %sign3A_94 : i32
      %sign3A_96 = arith.extui %sign3A_95 : i1 to i32
      %sign3A_97 = arith.subi %sign3A_93, %sign3A_96 : i32
      %sign3A_98 = arith.constant 0 : i32
      %sign3A_99 = arith.cmpi sgt, %jit3A_89, %sign3A_98 : i32
      %sign3A_100 = arith.extui %sign3A_99 : i1 to i32
      %sign3A_101 = arith.constant 0 : i32
      %sign3A_102 = arith.cmpi slt, %jit3A_89, %sign3A_101 : i32
      %sign3A_103 = arith.extui %sign3A_102 : i1 to i32
      %sign3A_104 = arith.subi %sign3A_100, %sign3A_103 : i32
      %ne3A_105 = arith.cmpi ne, %sign3A_97, %sign3A_104 : i32
      %rem3A_106 = arith.remsi %add3A_88, %jit3A_89 : i32
      %ne3A_107 = arith.constant 0 : i32
      %ne3A_108 = arith.cmpi ne, %rem3A_106, %ne3A_107 : i32
      %and3A_109 = arith.andi %ne3A_105, %ne3A_108 : i1
      %sub3A_110 = arith.constant 1 : i32
      %sub3A_111 = arith.subi %div3A_90, %sub3A_110 : i32
      %select_n3A_112 = arith.select %and3A_109, %sub3A_111, %div3A_90 : i32
      %mul3A_113 = arith.constant 8 : i32
      %mul3A_114 = arith.muli %select_n3A_112, %mul3A_113 : i32
      %multiple_of3A = tpu.assume_multiple %mul3A_114, 8 : i32
      %dma_start3A = arith.constant 0 : i32
      %dma_start3A_115 = tpu.memref_slice %arg2[%multiple_of3A, %dma_start3A] : memref<320256x64xf32, #tpu.memory_space<hbm>> -> memref<264x64xf32, #tpu.memory_space<hbm>>
      %dma_start3A_116 = arith.constant 0 : i32
      %dma_start3A_117 = tpu.memref_slice %arg2[%multiple_of3A, %dma_start3A_116] : memref<320256x64xf32, #tpu.memory_space<hbm>> -> memref<264x64xf32, #tpu.memory_space<hbm>>
      tpu.enqueue_dma source(%dma_start3A_117 : memref<264x64xf32, #tpu.memory_space<hbm>>) target(%arg9 : memref<264x64xf32, #tpu.memory_space<vmem>>) target_semaphore(%arg12 : memref<!tpu.dma_semaphore, #tpu.memory_space<semaphore_mem>>)
      %dma_start3A_118 = arith.constant 0 : i32
      %dma_start3A_119 = tpu.memref_slice %arg7[%dma_start3A_118] : memref<296xi32, #tpu.memory_space<vmem>> -> memref<264xi32, #tpu.memory_space<vmem>>
      %dma_start3A_120 = tpu.memref_slice %arg3[%multiple_of3A] : memref<320264xi32, #tpu.memory_space<hbm>> -> memref<264xi32, #tpu.memory_space<hbm>>
      %dma_start3A_121 = arith.constant 0 : i32
      %dma_start3A_122 = tpu.memref_slice %arg7[%dma_start3A_121] : memref<296xi32, #tpu.memory_space<vmem>> -> memref<264xi32, #tpu.memory_space<vmem>>
      %dma_start3A_123 = tpu.memref_slice %arg3[%multiple_of3A] : memref<320264xi32, #tpu.memory_space<hbm>> -> memref<264xi32, #tpu.memory_space<hbm>>
      tpu.enqueue_dma source(%dma_start3A_123 : memref<264xi32, #tpu.memory_space<hbm>>) target(%dma_start3A_122 : memref<264xi32, #tpu.memory_space<vmem>>) target_semaphore(%arg14 : memref<!tpu.dma_semaphore, #tpu.memory_space<semaphore_mem>>)
      %gt3A_124 = arith.constant 1 : i32
      %gt3A_125 = arith.cmpi sgt, %select_n3A_83, %gt3A_124 : i32
      %convert_element_type3A_126 = arith.extui %gt3A_125 : i1 to i32
      %cond3A_127 = arith.constant 0 : i32
      %cond3A_128 = arith.cmpi ne, %convert_element_type3A_126, %cond3A_127 : i32
      scf.if %cond3A_128 {
        %add3A_189 = arith.constant 256 : i32
        %add3A_190 = arith.addi %squeeze3A, %add3A_189 : i32
        %jit3A_191 = arith.constant 8 : i32
        %div3A_192 = arith.divsi %add3A_190, %jit3A_191 : i32
        %sign3A_193 = arith.constant 0 : i32
        %sign3A_194 = arith.cmpi sgt, %add3A_190, %sign3A_193 : i32
        %sign3A_195 = arith.extui %sign3A_194 : i1 to i32
        %sign3A_196 = arith.constant 0 : i32
        %sign3A_197 = arith.cmpi slt, %add3A_190, %sign3A_196 : i32
        %sign3A_198 = arith.extui %sign3A_197 : i1 to i32
        %sign3A_199 = arith.subi %sign3A_195, %sign3A_198 : i32
        %sign3A_200 = arith.constant 0 : i32
        %sign3A_201 = arith.cmpi sgt, %jit3A_191, %sign3A_200 : i32
        %sign3A_202 = arith.extui %sign3A_201 : i1 to i32
        %sign3A_203 = arith.constant 0 : i32
        %sign3A_204 = arith.cmpi slt, %jit3A_191, %sign3A_203 : i32
        %sign3A_205 = arith.extui %sign3A_204 : i1 to i32
        %sign3A_206 = arith.subi %sign3A_202, %sign3A_205 : i32
        %ne3A_207 = arith.cmpi ne, %sign3A_199, %sign3A_206 : i32
        %rem3A_208 = arith.remsi %add3A_190, %jit3A_191 : i32
        %ne3A_209 = arith.constant 0 : i32
        %ne3A_210 = arith.cmpi ne, %rem3A_208, %ne3A_209 : i32
        %and3A_211 = arith.andi %ne3A_207, %ne3A_210 : i1
        %sub3A_212 = arith.constant 1 : i32
        %sub3A_213 = arith.subi %div3A_192, %sub3A_212 : i32
        %select_n3A_214 = arith.select %and3A_211, %sub3A_213, %div3A_192 : i32
        %mul3A_215 = arith.constant 8 : i32
        %mul3A_216 = arith.muli %select_n3A_214, %mul3A_215 : i32
        %multiple_of3A_217 = tpu.assume_multiple %mul3A_216, 8 : i32
        %dma_start3A_218 = arith.constant 0 : i32
        %dma_start3A_219 = tpu.memref_slice %arg2[%multiple_of3A_217, %dma_start3A_218] : memref<320256x64xf32, #tpu.memory_space<hbm>> -> memref<264x64xf32, #tpu.memory_space<hbm>>
        %dma_start3A_220 = arith.constant 0 : i32
        %dma_start3A_221 = tpu.memref_slice %arg2[%multiple_of3A_217, %dma_start3A_220] : memref<320256x64xf32, #tpu.memory_space<hbm>> -> memref<264x64xf32, #tpu.memory_space<hbm>>
        tpu.enqueue_dma source(%dma_start3A_221 : memref<264x64xf32, #tpu.memory_space<hbm>>) target(%arg10 : memref<264x64xf32, #tpu.memory_space<vmem>>) target_semaphore(%arg13 : memref<!tpu.dma_semaphore, #tpu.memory_space<semaphore_mem>>)
        %dma_start3A_222 = arith.constant 0 : i32
        %dma_start3A_223 = tpu.memref_slice %arg8[%dma_start3A_222] : memref<296xi32, #tpu.memory_space<vmem>> -> memref<264xi32, #tpu.memory_space<vmem>>
        %dma_start3A_224 = tpu.memref_slice %arg3[%multiple_of3A_217] : memref<320264xi32, #tpu.memory_space<hbm>> -> memref<264xi32, #tpu.memory_space<hbm>>
        %dma_start3A_225 = arith.constant 0 : i32
        %dma_start3A_226 = tpu.memref_slice %arg8[%dma_start3A_225] : memref<296xi32, #tpu.memory_space<vmem>> -> memref<264xi32, #tpu.memory_space<vmem>>
        %dma_start3A_227 = tpu.memref_slice %arg3[%multiple_of3A_217] : memref<320264xi32, #tpu.memory_space<hbm>> -> memref<264xi32, #tpu.memory_space<hbm>>
        tpu.enqueue_dma source(%dma_start3A_227 : memref<264xi32, #tpu.memory_space<hbm>>) target(%dma_start3A_226 : memref<264xi32, #tpu.memory_space<vmem>>) target_semaphore(%arg15 : memref<!tpu.dma_semaphore, #tpu.memory_space<semaphore_mem>>)
      } else {
      }
      %add3A_129 = arith.constant 1 : i32
      %add3A_130 = arith.addi %select_n3A_83, %add3A_129 : i32
      %jit3A_131 = arith.constant 2 : i32
      %div3A_132 = arith.divsi %add3A_130, %jit3A_131 : i32
      %sign3A_133 = arith.constant 0 : i32
      %sign3A_134 = arith.cmpi sgt, %add3A_130, %sign3A_133 : i32
      %sign3A_135 = arith.extui %sign3A_134 : i1 to i32
      %sign3A_136 = arith.constant 0 : i32
      %sign3A_137 = arith.cmpi slt, %add3A_130, %sign3A_136 : i32
      %sign3A_138 = arith.extui %sign3A_137 : i1 to i32
      %sign3A_139 = arith.subi %sign3A_135, %sign3A_138 : i32
      %sign3A_140 = arith.constant 0 : i32
      %sign3A_141 = arith.cmpi sgt, %jit3A_131, %sign3A_140 : i32
      %sign3A_142 = arith.extui %sign3A_141 : i1 to i32
      %sign3A_143 = arith.constant 0 : i32
      %sign3A_144 = arith.cmpi slt, %jit3A_131, %sign3A_143 : i32
      %sign3A_145 = arith.extui %sign3A_144 : i1 to i32
      %sign3A_146 = arith.subi %sign3A_142, %sign3A_145 : i32
      %ne3A_147 = arith.cmpi ne, %sign3A_139, %sign3A_146 : i32
      %rem3A_148 = arith.remsi %add3A_130, %jit3A_131 : i32
      %ne3A_149 = arith.constant 0 : i32
      %ne3A_150 = arith.cmpi ne, %rem3A_148, %ne3A_149 : i32
      %and3A_151 = arith.andi %ne3A_147, %ne3A_150 : i1
      %sub3A_152 = arith.constant 1 : i32
      %sub3A_153 = arith.subi %div3A_132, %sub3A_152 : i32
      %select_n3A_154 = arith.select %and3A_151, %sub3A_153, %div3A_132 : i32
      %while3A = arith.constant 0 : i32
      %while3A_155 = arith.constant 0 : i32
      %while3A_156 = arith.subi %select_n3A_154, %while3A : i32
      %while3A_157 = arith.addi %while3A, %while3A_156 : i32
      %while3A_158 = arith.constant 1 : i32
      %while3A_159 = arith.divsi %while3A_156, %while3A_158 : i32
      %while3A_160 = arith.muli %while3A_159, %while3A_158 : i32
      %while3A_161 = arith.addi %while3A, %while3A_160 : i32
      %while3A_162 = arith.constant 1 : i32
      %while3A_163:6 = scf.for %while3A_189 = %while3A to %while3A_161 step %while3A_162 iter_args(%while3A_190 = %while3A_155, %while3A_191 = %broadcast_in_dim3A_84, %while3A_192 = %broadcast_in_dim3A_84, %while3A_193 = %broadcast_in_dim3A_84, %while3A_194 = %broadcast_in_dim3A_84, %while3A_195 = %select_n3A) -> (i32, vector<16xf32>, vector<16xf32>, vector<16xf32>, vector<16xf32>, i32)  : i32 {
        %mul3A_196 = arith.constant 2 : i32
        %mul3A_197 = arith.muli %while3A_189, %mul3A_196 : i32
        %add3A_198 = arith.constant 0 : i32
        %add3A_199 = arith.addi %mul3A_197, %add3A_198 : i32
        %lt3A = arith.cmpi slt, %add3A_199, %select_n3A_83 : i32
        %convert_element_type3A_200 = arith.extui %lt3A : i1 to i32
        %cond3A_201 = arith.constant 0 : i32
        %cond3A_202 = arith.cmpi ne, %convert_element_type3A_200, %cond3A_201 : i32
        %cond3A_203:6 = scf.if %cond3A_202 -> (i32, vector<16xf32>, vector<16xf32>, vector<16xf32>, vector<16xf32>, i32) {
          %mul3A_213 = arith.constant 256 : i32
          %mul3A_214 = arith.muli %add3A_199, %mul3A_213 : i32
          %add3A_215 = arith.addi %squeeze3A, %mul3A_214 : i32
          %jit3A_216 = arith.constant 8 : i32
          %div3A_217 = arith.divsi %add3A_215, %jit3A_216 : i32
          %sign3A_218 = arith.constant 0 : i32
          %sign3A_219 = arith.cmpi sgt, %add3A_215, %sign3A_218 : i32
          %sign3A_220 = arith.extui %sign3A_219 : i1 to i32
          %sign3A_221 = arith.constant 0 : i32
          %sign3A_222 = arith.cmpi slt, %add3A_215, %sign3A_221 : i32
          %sign3A_223 = arith.extui %sign3A_222 : i1 to i32
          %sign3A_224 = arith.subi %sign3A_220, %sign3A_223 : i32
          %sign3A_225 = arith.constant 0 : i32
          %sign3A_226 = arith.cmpi sgt, %jit3A_216, %sign3A_225 : i32
          %sign3A_227 = arith.extui %sign3A_226 : i1 to i32
          %sign3A_228 = arith.constant 0 : i32
          %sign3A_229 = arith.cmpi slt, %jit3A_216, %sign3A_228 : i32
          %sign3A_230 = arith.extui %sign3A_229 : i1 to i32
          %sign3A_231 = arith.subi %sign3A_227, %sign3A_230 : i32
          %ne3A_232 = arith.cmpi ne, %sign3A_224, %sign3A_231 : i32
          %rem3A_233 = arith.remsi %add3A_215, %jit3A_216 : i32
          %ne3A_234 = arith.constant 0 : i32
          %ne3A_235 = arith.cmpi ne, %rem3A_233, %ne3A_234 : i32
          %and3A_236 = arith.andi %ne3A_232, %ne3A_235 : i1
          %sub3A_237 = arith.constant 1 : i32
          %sub3A_238 = arith.subi %div3A_217, %sub3A_237 : i32
          %select_n3A_239 = arith.select %and3A_236, %sub3A_238, %div3A_217 : i32
          %mul3A_240 = arith.constant 8 : i32
          %mul3A_241 = arith.muli %select_n3A_239, %mul3A_240 : i32
          %multiple_of3A_242 = tpu.assume_multiple %mul3A_241, 8 : i32
          %dma_wait3A = arith.constant 0 : i32
          %dma_wait3A_243 = tpu.memref_slice %arg2[%multiple_of3A_242, %dma_wait3A] : memref<320256x64xf32, #tpu.memory_space<hbm>> -> memref<264x64xf32, #tpu.memory_space<hbm>>
          %dma_wait3A_244 = arith.constant 0 : i32
          %dma_wait3A_245 = tpu.memref_slice %arg2[%multiple_of3A_242, %dma_wait3A_244] : memref<320256x64xf32, #tpu.memory_space<hbm>> -> memref<264x64xf32, #tpu.memory_space<hbm>>
          tpu.wait_dma2 semaphore(%arg12 : memref<!tpu.dma_semaphore, #tpu.memory_space<semaphore_mem>>) src(%dma_wait3A_245 : memref<264x64xf32, #tpu.memory_space<hbm>>) dst(%arg9 : memref<264x64xf32, #tpu.memory_space<vmem>>)
          %dma_wait3A_246 = arith.constant 0 : i32
          %dma_wait3A_247 = tpu.memref_slice %arg7[%dma_wait3A_246] : memref<296xi32, #tpu.memory_space<vmem>> -> memref<264xi32, #tpu.memory_space<vmem>>
          %dma_wait3A_248 = tpu.memref_slice %arg3[%multiple_of3A_242] : memref<320264xi32, #tpu.memory_space<hbm>> -> memref<264xi32, #tpu.memory_space<hbm>>
          %dma_wait3A_249 = arith.constant 0 : i32
          %dma_wait3A_250 = tpu.memref_slice %arg7[%dma_wait3A_249] : memref<296xi32, #tpu.memory_space<vmem>> -> memref<264xi32, #tpu.memory_space<vmem>>
          %dma_wait3A_251 = tpu.memref_slice %arg3[%multiple_of3A_242] : memref<320264xi32, #tpu.memory_space<hbm>> -> memref<264xi32, #tpu.memory_space<hbm>>
          tpu.wait_dma2 semaphore(%arg14 : memref<!tpu.dma_semaphore, #tpu.memory_space<semaphore_mem>>) src(%dma_wait3A_251 : memref<264xi32, #tpu.memory_space<hbm>>) dst(%dma_wait3A_250 : memref<264xi32, #tpu.memory_space<vmem>>)
          %mul3A_252 = arith.constant 256 : i32
          %mul3A_253 = arith.muli %add3A_199, %mul3A_252 : i32
          %add3A_254 = arith.addi %squeeze3A, %mul3A_253 : i32
          %mul3A_255 = arith.constant 256 : i32
          %mul3A_256 = arith.muli %add3A_199, %mul3A_255 : i32
          %sub3A_257 = arith.subi %sub3A, %mul3A_256 : i32
          %min3A = arith.constant 256 : i32
          %min3A_258 = arith.minsi %min3A, %sub3A_257 : i32
          %jit3A_259 = arith.constant 8 : i32
          %div3A_260 = arith.divsi %add3A_254, %jit3A_259 : i32
          %sign3A_261 = arith.constant 0 : i32
          %sign3A_262 = arith.cmpi sgt, %add3A_254, %sign3A_261 : i32
          %sign3A_263 = arith.extui %sign3A_262 : i1 to i32
          %sign3A_264 = arith.constant 0 : i32
          %sign3A_265 = arith.cmpi slt, %add3A_254, %sign3A_264 : i32
          %sign3A_266 = arith.extui %sign3A_265 : i1 to i32
          %sign3A_267 = arith.subi %sign3A_263, %sign3A_266 : i32
          %sign3A_268 = arith.constant 0 : i32
          %sign3A_269 = arith.cmpi sgt, %jit3A_259, %sign3A_268 : i32
          %sign3A_270 = arith.extui %sign3A_269 : i1 to i32
          %sign3A_271 = arith.constant 0 : i32
          %sign3A_272 = arith.cmpi slt, %jit3A_259, %sign3A_271 : i32
          %sign3A_273 = arith.extui %sign3A_272 : i1 to i32
          %sign3A_274 = arith.subi %sign3A_270, %sign3A_273 : i32
          %ne3A_275 = arith.cmpi ne, %sign3A_267, %sign3A_274 : i32
          %rem3A_276 = arith.remsi %add3A_254, %jit3A_259 : i32
          %ne3A_277 = arith.constant 0 : i32
          %ne3A_278 = arith.cmpi ne, %rem3A_276, %ne3A_277 : i32
          %and3A_279 = arith.andi %ne3A_275, %ne3A_278 : i1
          %sub3A_280 = arith.constant 1 : i32
          %sub3A_281 = arith.subi %div3A_260, %sub3A_280 : i32
          %select_n3A_282 = arith.select %and3A_279, %sub3A_281, %div3A_260 : i32
          %mul3A_283 = arith.constant 8 : i32
          %mul3A_284 = arith.muli %select_n3A_282, %mul3A_283 : i32
          %sub3A_285 = arith.subi %add3A_254, %mul3A_284 : i32
          %while3A_286:6 = scf.while (%while3A_294 = %while3A_190, %while3A_295 = %while3A_191, %while3A_296 = %while3A_192, %while3A_297 = %while3A_193, %while3A_298 = %while3A_194, %while3A_299 = %while3A_195) : (i32, vector<16xf32>, vector<16xf32>, vector<16xf32>, vector<16xf32>, i32) -> (i32, vector<16xf32>, vector<16xf32>, vector<16xf32>, vector<16xf32>, i32) {
            %lt3A_300 = arith.cmpi slt, %while3A_294, %min3A_258 : i32
            scf.condition(%lt3A_300) %while3A_294, %while3A_295, %while3A_296, %while3A_297, %while3A_298, %while3A_299 : i32, vector<16xf32>, vector<16xf32>, vector<16xf32>, vector<16xf32>, i32
          } do {
          ^bb0(%while3A_294: i32, %while3A_295: vector<16xf32>, %while3A_296: vector<16xf32>, %while3A_297: vector<16xf32>, %while3A_298: vector<16xf32>, %while3A_299: i32):
            %add3A_300 = arith.addi %sub3A_285, %while3A_294 : i32
            %get3A_301 = arith.index_cast %add3A_300 : i32 to index
            %get3A_302 = tpu.vector_load %arg7[%get3A_301] {strides = array<i32>} : memref<296xi32, #tpu.memory_space<vmem>>, vector<16xi32>,
            %slice3A_303 = vector.extract_strided_slice %get3A_302 {offsets = [0], sizes = [1], strides = [1]} : vector<16xi32> to vector<1xi32>
            %squeeze3A_304 = vector.extract %slice3A_303[0] : i32 from vector<1xi32>
            %ne3A_305 = arith.cmpi ne, %squeeze3A_304, %while3A_299 : i32
            %convert_element_type3A_306 = arith.extui %ne3A_305 : i1 to i32
            %cond3A_307 = arith.constant 0 : i32
            %cond3A_308 = arith.cmpi ne, %convert_element_type3A_306, %cond3A_307 : i32
            scf.if %cond3A_308 {
              %sub3A_354 = arith.subi %while3A_299, %select_n3A : i32
              %mul3A_355 = arith.constant 64 : i32
              %mul3A_356 = arith.muli %sub3A_354, %mul3A_355 : i32
              %swap3A_357 = arith.index_cast %mul3A_356 : i32 to index
              %swap3A_358 = tpu.vector_load %arg11[%swap3A_357] {strides = array<i32>} : memref<20288xf32, #tpu.memory_space<vmem>>, vector<16xf32>,
              tpu.vector_store %arg11[%swap3A_357], %while3A_295 {strides = array<i32>} : memref<20288xf32, #tpu.memory_space<vmem>>, vector<16xf32>,
              %add3A_359 = arith.constant 16 : i32
              %add3A_360 = arith.addi %mul3A_356, %add3A_359 : i32
              %swap3A_361 = arith.index_cast %add3A_360 : i32 to index
              %swap3A_362 = tpu.vector_load %arg11[%swap3A_361] {strides = array<i32>} : memref<20288xf32, #tpu.memory_space<vmem>>, vector<16xf32>,
              tpu.vector_store %arg11[%swap3A_361], %while3A_296 {strides = array<i32>} : memref<20288xf32, #tpu.memory_space<vmem>>, vector<16xf32>,
              %add3A_363 = arith.constant 32 : i32
              %add3A_364 = arith.addi %mul3A_356, %add3A_363 : i32
              %swap3A_365 = arith.index_cast %add3A_364 : i32 to index
              %swap3A_366 = tpu.vector_load %arg11[%swap3A_365] {strides = array<i32>} : memref<20288xf32, #tpu.memory_space<vmem>>, vector<16xf32>,
              tpu.vector_store %arg11[%swap3A_365], %while3A_297 {strides = array<i32>} : memref<20288xf32, #tpu.memory_space<vmem>>, vector<16xf32>,
              %add3A_367 = arith.constant 48 : i32
              %add3A_368 = arith.addi %mul3A_356, %add3A_367 : i32
              %swap3A_369 = arith.index_cast %add3A_368 : i32 to index
              %swap3A_370 = tpu.vector_load %arg11[%swap3A_369] {strides = array<i32>} : memref<20288xf32, #tpu.memory_space<vmem>>, vector<16xf32>,
              tpu.vector_store %arg11[%swap3A_369], %while3A_298 {strides = array<i32>} : memref<20288xf32, #tpu.memory_space<vmem>>, vector<16xf32>,
            } else {
            }
            %add3A_309 = arith.addi %sub3A_285, %min3A_258 : i32
            %broadcast_in_dim3A_310 = vector.broadcast %squeeze3A_304 : i32 to vector<16xi32>
            %while3A_311 = scf.while (%while3A_354 = %add3A_300) : (i32) -> i32 {
              %lt3A_355 = arith.cmpi slt, %while3A_354, %add3A_309 : i32
              %get3A_356 = arith.index_cast %while3A_354 : i32 to index
              %get3A_357 = tpu.vector_load %arg7[%get3A_356] {strides = array<i32>} : memref<296xi32, #tpu.memory_space<vmem>>, vector<16xi32>,
              %ne3A_358 = arith.cmpi ne, %get3A_357, %broadcast_in_dim3A_310 : vector<16xi32>
              %all_reduce_ffs3A_359 = tpu.all_reduce %ne3A_358 {dim = 0 : i64, kind = #tpu.reduction_kind<find_first_set>} : vector<16xi1> -> vector<16xi32>
              %slice3A_360 = vector.extract_strided_slice %all_reduce_ffs3A_359 {offsets = [0], sizes = [1], strides = [1]} : vector<16xi32> to vector<1xi32>
              %squeeze3A_361 = vector.extract %slice3A_360[0] : i32 from vector<1xi32>
              %ge3A = arith.constant 16 : i32
              %ge3A_362 = arith.cmpi sge, %squeeze3A_361, %ge3A : i32
              %and3A_363 = arith.andi %lt3A_355, %ge3A_362 : i1
              scf.condition(%and3A_363) %while3A_354 : i32
            } do {
            ^bb0(%while3A_354: i32):
              %add3A_355 = arith.constant 16 : i32
              %add3A_356 = arith.addi %while3A_354, %add3A_355 : i32
              scf.yield %add3A_356 : i32
            }
            %get3A_312 = arith.index_cast %while3A_311 : i32 to index
            %get3A_313 = tpu.vector_load %arg7[%get3A_312] {strides = array<i32>} : memref<296xi32, #tpu.memory_space<vmem>>, vector<16xi32>,
            %ne3A_314 = arith.cmpi ne, %get3A_313, %broadcast_in_dim3A_310 : vector<16xi32>
            %all_reduce_ffs3A = tpu.all_reduce %ne3A_314 {dim = 0 : i64, kind = #tpu.reduction_kind<find_first_set>} : vector<16xi1> -> vector<16xi32>
            %slice3A_315 = vector.extract_strided_slice %all_reduce_ffs3A {offsets = [0], sizes = [1], strides = [1]} : vector<16xi32> to vector<1xi32>
            %squeeze3A_316 = vector.extract %slice3A_315[0] : i32 from vector<1xi32>
            %add3A_317 = arith.addi %while3A_311, %squeeze3A_316 : i32
            %min3A_318 = arith.minsi %add3A_317, %add3A_309 : i32
            %add3A_319 = arith.constant 1 : i32
            %add3A_320 = arith.addi %add3A_300, %add3A_319 : i32
            %max3A = arith.maxsi %min3A_318, %add3A_320 : i32
            %sub3A_321 = arith.subi %max3A, %sub3A_285 : i32
            %get3A_322 = arith.index_cast %add3A_300 : i32 to index
            %get3A_323 = arith.constant 0 : index
            %get3A_324 = tpu.vector_load %arg9[%get3A_322, %get3A_323] {strides = array<i32>} : memref<264x64xf32, #tpu.memory_space<vmem>>, vector<16xf32>,
            %get3A_325 = arith.index_cast %add3A_300 : i32 to index
            %get3A_326 = arith.constant 16 : index
            %get3A_327 = tpu.vector_load %arg9[%get3A_325, %get3A_326] {strides = array<i32>} : memref<264x64xf32, #tpu.memory_space<vmem>>, vector<16xf32>,
            %get3A_328 = arith.index_cast %add3A_300 : i32 to index
            %get3A_329 = arith.constant 32 : index
            %get3A_330 = tpu.vector_load %arg9[%get3A_328, %get3A_329] {strides = array<i32>} : memref<264x64xf32, #tpu.memory_space<vmem>>, vector<16xf32>,
            %get3A_331 = arith.index_cast %add3A_300 : i32 to index
            %get3A_332 = arith.constant 48 : index
            %get3A_333 = tpu.vector_load %arg9[%get3A_331, %get3A_332] {strides = array<i32>} : memref<264x64xf32, #tpu.memory_space<vmem>>, vector<16xf32>,
            %max3A_334 = arith.maximumf %while3A_295, %get3A_324 : vector<16xf32>
            %select_n3A_335 = arith.select %ne3A_305, %get3A_324, %max3A_334 : vector<16xf32>
            %max3A_336 = arith.maximumf %while3A_296, %get3A_327 : vector<16xf32>
            %select_n3A_337 = arith.select %ne3A_305, %get3A_327, %max3A_336 : vector<16xf32>
            %max3A_338 = arith.maximumf %while3A_297, %get3A_330 : vector<16xf32>
            %select_n3A_339 = arith.select %ne3A_305, %get3A_330, %max3A_338 : vector<16xf32>
            %max3A_340 = arith.maximumf %while3A_298, %get3A_333 : vector<16xf32>
            %select_n3A_341 = arith.select %ne3A_305, %get3A_333, %max3A_340 : vector<16xf32>
            %add3A_342 = arith.constant 1 : i32
            %add3A_343 = arith.addi %while3A_294, %add3A_342 : i32
            %while3A_344 = arith.subi %sub3A_321, %add3A_343 : i32
            %while3A_345 = arith.addi %add3A_343, %while3A_344 : i32
            %while3A_346 = arith.constant 1 : i32
            %while3A_347 = arith.divsi %while3A_344, %while3A_346 : i32
            %while3A_348 = arith.muli %while3A_347, %while3A_346 : i32
            %while3A_349 = arith.addi %add3A_343, %while3A_348 : i32
            %while3A_350 = arith.constant 1 : i32
            %while3A_351:4 = scf.for %while3A_354 = %add3A_343 to %while3A_349 step %while3A_350 iter_args(%while3A_355 = %select_n3A_335, %while3A_356 = %select_n3A_337, %while3A_357 = %select_n3A_339, %while3A_358 = %select_n3A_341) -> (vector<16xf32>, vector<16xf32>, vector<16xf32>, vector<16xf32>)  : i32 {
              %add3A_359 = arith.addi %sub3A_285, %while3A_354 : i32
              %get3A_360 = arith.index_cast %add3A_359 : i32 to index
              %get3A_361 = arith.constant 0 : index
              %get3A_362 = tpu.vector_load %arg9[%get3A_360, %get3A_361] {strides = array<i32>} : memref<264x64xf32, #tpu.memory_space<vmem>>, vector<16xf32>,
              %max3A_363 = arith.maximumf %while3A_355, %get3A_362 : vector<16xf32>
              %get3A_364 = arith.index_cast %add3A_359 : i32 to index
              %get3A_365 = arith.constant 16 : index
              %get3A_366 = tpu.vector_load %arg9[%get3A_364, %get3A_365] {strides = array<i32>} : memref<264x64xf32, #tpu.memory_space<vmem>>, vector<16xf32>,
              %max3A_367 = arith.maximumf %while3A_356, %get3A_366 : vector<16xf32>
              %get3A_368 = arith.index_cast %add3A_359 : i32 to index
              %get3A_369 = arith.constant 32 : index
              %get3A_370 = tpu.vector_load %arg9[%get3A_368, %get3A_369] {strides = array<i32>} : memref<264x64xf32, #tpu.memory_space<vmem>>, vector<16xf32>,
              %max3A_371 = arith.maximumf %while3A_357, %get3A_370 : vector<16xf32>
              %get3A_372 = arith.index_cast %add3A_359 : i32 to index
              %get3A_373 = arith.constant 48 : index
              %get3A_374 = tpu.vector_load %arg9[%get3A_372, %get3A_373] {strides = array<i32>} : memref<264x64xf32, #tpu.memory_space<vmem>>, vector<16xf32>,
              %max3A_375 = arith.maximumf %while3A_358, %get3A_374 : vector<16xf32>
              scf.yield %max3A_363, %max3A_367, %max3A_371, %max3A_375 : vector<16xf32>, vector<16xf32>, vector<16xf32>, vector<16xf32>
            }
            %while3A_352 = arith.constant 1 : i32
            %while3A_353:4 = scf.for %while3A_354 = %while3A_349 to %while3A_345 step %while3A_352 iter_args(%while3A_355 = %while3A_351#0, %while3A_356 = %while3A_351#1, %while3A_357 = %while3A_351#2, %while3A_358 = %while3A_351#3) -> (vector<16xf32>, vector<16xf32>, vector<16xf32>, vector<16xf32>)  : i32 {
              %add3A_359 = arith.addi %sub3A_285, %while3A_354 : i32
              %get3A_360 = arith.index_cast %add3A_359 : i32 to index
              %get3A_361 = arith.constant 0 : index
              %get3A_362 = tpu.vector_load %arg9[%get3A_360, %get3A_361] {strides = array<i32>} : memref<264x64xf32, #tpu.memory_space<vmem>>, vector<16xf32>,
              %max3A_363 = arith.maximumf %while3A_355, %get3A_362 : vector<16xf32>
              %get3A_364 = arith.index_cast %add3A_359 : i32 to index
              %get3A_365 = arith.constant 16 : index
              %get3A_366 = tpu.vector_load %arg9[%get3A_364, %get3A_365] {strides = array<i32>} : memref<264x64xf32, #tpu.memory_space<vmem>>, vector<16xf32>,
              %max3A_367 = arith.maximumf %while3A_356, %get3A_366 : vector<16xf32>
              %get3A_368 = arith.index_cast %add3A_359 : i32 to index
              %get3A_369 = arith.constant 32 : index
              %get3A_370 = tpu.vector_load %arg9[%get3A_368, %get3A_369] {strides = array<i32>} : memref<264x64xf32, #tpu.memory_space<vmem>>, vector<16xf32>,
              %max3A_371 = arith.maximumf %while3A_357, %get3A_370 : vector<16xf32>
              %get3A_372 = arith.index_cast %add3A_359 : i32 to index
              %get3A_373 = arith.constant 48 : index
              %get3A_374 = tpu.vector_load %arg9[%get3A_372, %get3A_373] {strides = array<i32>} : memref<264x64xf32, #tpu.memory_space<vmem>>, vector<16xf32>,
              %max3A_375 = arith.maximumf %while3A_358, %get3A_374 : vector<16xf32>
              scf.yield %max3A_363, %max3A_367, %max3A_371, %max3A_375 : vector<16xf32>, vector<16xf32>, vector<16xf32>, vector<16xf32>
            }
            scf.yield %sub3A_321, %while3A_353#0, %while3A_353#1, %while3A_353#2, %while3A_353#3, %squeeze3A_304 : i32, vector<16xf32>, vector<16xf32>, vector<16xf32>, vector<16xf32>, i32
          }
          %add3A_287 = arith.constant 2 : i32
          %add3A_288 = arith.addi %add3A_199, %add3A_287 : i32
          %lt3A_289 = arith.cmpi slt, %add3A_288, %select_n3A_83 : i32
          %convert_element_type3A_290 = arith.extui %lt3A_289 : i1 to i32
          %cond3A_291 = arith.constant 0 : i32
          %cond3A_292 = arith.cmpi ne, %convert_element_type3A_290, %cond3A_291 : i32
          scf.if %cond3A_292 {
            %add3A_294 = arith.constant 2 : i32
            %add3A_295 = arith.addi %add3A_199, %add3A_294 : i32
            %mul3A_296 = arith.constant 256 : i32
            %mul3A_297 = arith.muli %add3A_295, %mul3A_296 : i32
            %add3A_298 = arith.addi %squeeze3A, %mul3A_297 : i32
            %jit3A_299 = arith.constant 8 : i32
            %div3A_300 = arith.divsi %add3A_298, %jit3A_299 : i32
            %sign3A_301 = arith.constant 0 : i32
            %sign3A_302 = arith.cmpi sgt, %add3A_298, %sign3A_301 : i32
            %sign3A_303 = arith.extui %sign3A_302 : i1 to i32
            %sign3A_304 = arith.constant 0 : i32
            %sign3A_305 = arith.cmpi slt, %add3A_298, %sign3A_304 : i32
            %sign3A_306 = arith.extui %sign3A_305 : i1 to i32
            %sign3A_307 = arith.subi %sign3A_303, %sign3A_306 : i32
            %sign3A_308 = arith.constant 0 : i32
            %sign3A_309 = arith.cmpi sgt, %jit3A_299, %sign3A_308 : i32
            %sign3A_310 = arith.extui %sign3A_309 : i1 to i32
            %sign3A_311 = arith.constant 0 : i32
            %sign3A_312 = arith.cmpi slt, %jit3A_299, %sign3A_311 : i32
            %sign3A_313 = arith.extui %sign3A_312 : i1 to i32
            %sign3A_314 = arith.subi %sign3A_310, %sign3A_313 : i32
            %ne3A_315 = arith.cmpi ne, %sign3A_307, %sign3A_314 : i32
            %rem3A_316 = arith.remsi %add3A_298, %jit3A_299 : i32
            %ne3A_317 = arith.constant 0 : i32
            %ne3A_318 = arith.cmpi ne, %rem3A_316, %ne3A_317 : i32
            %and3A_319 = arith.andi %ne3A_315, %ne3A_318 : i1
            %sub3A_320 = arith.constant 1 : i32
            %sub3A_321 = arith.subi %div3A_300, %sub3A_320 : i32
            %select_n3A_322 = arith.select %and3A_319, %sub3A_321, %div3A_300 : i32
            %mul3A_323 = arith.constant 8 : i32
            %mul3A_324 = arith.muli %select_n3A_322, %mul3A_323 : i32
            %multiple_of3A_325 = tpu.assume_multiple %mul3A_324, 8 : i32
            %dma_start3A_326 = arith.constant 0 : i32
            %dma_start3A_327 = tpu.memref_slice %arg2[%multiple_of3A_325, %dma_start3A_326] : memref<320256x64xf32, #tpu.memory_space<hbm>> -> memref<264x64xf32, #tpu.memory_space<hbm>>
            %dma_start3A_328 = arith.constant 0 : i32
            %dma_start3A_329 = tpu.memref_slice %arg2[%multiple_of3A_325, %dma_start3A_328] : memref<320256x64xf32, #tpu.memory_space<hbm>> -> memref<264x64xf32, #tpu.memory_space<hbm>>
            tpu.enqueue_dma source(%dma_start3A_329 : memref<264x64xf32, #tpu.memory_space<hbm>>) target(%arg9 : memref<264x64xf32, #tpu.memory_space<vmem>>) target_semaphore(%arg12 : memref<!tpu.dma_semaphore, #tpu.memory_space<semaphore_mem>>)
            %dma_start3A_330 = arith.constant 0 : i32
            %dma_start3A_331 = tpu.memref_slice %arg7[%dma_start3A_330] : memref<296xi32, #tpu.memory_space<vmem>> -> memref<264xi32, #tpu.memory_space<vmem>>
            %dma_start3A_332 = tpu.memref_slice %arg3[%multiple_of3A_325] : memref<320264xi32, #tpu.memory_space<hbm>> -> memref<264xi32, #tpu.memory_space<hbm>>
            %dma_start3A_333 = arith.constant 0 : i32
            %dma_start3A_334 = tpu.memref_slice %arg7[%dma_start3A_333] : memref<296xi32, #tpu.memory_space<vmem>> -> memref<264xi32, #tpu.memory_space<vmem>>
            %dma_start3A_335 = tpu.memref_slice %arg3[%multiple_of3A_325] : memref<320264xi32, #tpu.memory_space<hbm>> -> memref<264xi32, #tpu.memory_space<hbm>>
            tpu.enqueue_dma source(%dma_start3A_335 : memref<264xi32, #tpu.memory_space<hbm>>) target(%dma_start3A_334 : memref<264xi32, #tpu.memory_space<vmem>>) target_semaphore(%arg14 : memref<!tpu.dma_semaphore, #tpu.memory_space<semaphore_mem>>)
          } else {
          }
          %cond3A_293 = arith.constant 0 : i32
          scf.yield %cond3A_293, %while3A_286#1, %while3A_286#2, %while3A_286#3, %while3A_286#4, %while3A_286#5 : i32, vector<16xf32>, vector<16xf32>, vector<16xf32>, vector<16xf32>, i32
        } else {
          scf.yield %while3A_190, %while3A_191, %while3A_192, %while3A_193, %while3A_194, %while3A_195 : i32, vector<16xf32>, vector<16xf32>, vector<16xf32>, vector<16xf32>, i32
        }
        %mul3A_204 = arith.constant 2 : i32
        %mul3A_205 = arith.muli %while3A_189, %mul3A_204 : i32
        %add3A_206 = arith.constant 1 : i32
        %add3A_207 = arith.addi %mul3A_205, %add3A_206 : i32
        %lt3A_208 = arith.cmpi slt, %add3A_207, %select_n3A_83 : i32
        %convert_element_type3A_209 = arith.extui %lt3A_208 : i1 to i32
        %cond3A_210 = arith.constant 0 : i32
        %cond3A_211 = arith.cmpi ne, %convert_element_type3A_209, %cond3A_210 : i32
        %cond3A_212:6 = scf.if %cond3A_211 -> (i32, vector<16xf32>, vector<16xf32>, vector<16xf32>, vector<16xf32>, i32) {
          %mul3A_213 = arith.constant 256 : i32
          %mul3A_214 = arith.muli %add3A_207, %mul3A_213 : i32
          %add3A_215 = arith.addi %squeeze3A, %mul3A_214 : i32
          %jit3A_216 = arith.constant 8 : i32
          %div3A_217 = arith.divsi %add3A_215, %jit3A_216 : i32
          %sign3A_218 = arith.constant 0 : i32
          %sign3A_219 = arith.cmpi sgt, %add3A_215, %sign3A_218 : i32
          %sign3A_220 = arith.extui %sign3A_219 : i1 to i32
          %sign3A_221 = arith.constant 0 : i32
          %sign3A_222 = arith.cmpi slt, %add3A_215, %sign3A_221 : i32
          %sign3A_223 = arith.extui %sign3A_222 : i1 to i32
          %sign3A_224 = arith.subi %sign3A_220, %sign3A_223 : i32
          %sign3A_225 = arith.constant 0 : i32
          %sign3A_226 = arith.cmpi sgt, %jit3A_216, %sign3A_225 : i32
          %sign3A_227 = arith.extui %sign3A_226 : i1 to i32
          %sign3A_228 = arith.constant 0 : i32
          %sign3A_229 = arith.cmpi slt, %jit3A_216, %sign3A_228 : i32
          %sign3A_230 = arith.extui %sign3A_229 : i1 to i32
          %sign3A_231 = arith.subi %sign3A_227, %sign3A_230 : i32
          %ne3A_232 = arith.cmpi ne, %sign3A_224, %sign3A_231 : i32
          %rem3A_233 = arith.remsi %add3A_215, %jit3A_216 : i32
          %ne3A_234 = arith.constant 0 : i32
          %ne3A_235 = arith.cmpi ne, %rem3A_233, %ne3A_234 : i32
          %and3A_236 = arith.andi %ne3A_232, %ne3A_235 : i1
          %sub3A_237 = arith.constant 1 : i32
          %sub3A_238 = arith.subi %div3A_217, %sub3A_237 : i32
          %select_n3A_239 = arith.select %and3A_236, %sub3A_238, %div3A_217 : i32
          %mul3A_240 = arith.constant 8 : i32
          %mul3A_241 = arith.muli %select_n3A_239, %mul3A_240 : i32
          %multiple_of3A_242 = tpu.assume_multiple %mul3A_241, 8 : i32
          %dma_wait3A = arith.constant 0 : i32
          %dma_wait3A_243 = tpu.memref_slice %arg2[%multiple_of3A_242, %dma_wait3A] : memref<320256x64xf32, #tpu.memory_space<hbm>> -> memref<264x64xf32, #tpu.memory_space<hbm>>
          %dma_wait3A_244 = arith.constant 0 : i32
          %dma_wait3A_245 = tpu.memref_slice %arg2[%multiple_of3A_242, %dma_wait3A_244] : memref<320256x64xf32, #tpu.memory_space<hbm>> -> memref<264x64xf32, #tpu.memory_space<hbm>>
          tpu.wait_dma2 semaphore(%arg13 : memref<!tpu.dma_semaphore, #tpu.memory_space<semaphore_mem>>) src(%dma_wait3A_245 : memref<264x64xf32, #tpu.memory_space<hbm>>) dst(%arg10 : memref<264x64xf32, #tpu.memory_space<vmem>>)
          %dma_wait3A_246 = arith.constant 0 : i32
          %dma_wait3A_247 = tpu.memref_slice %arg8[%dma_wait3A_246] : memref<296xi32, #tpu.memory_space<vmem>> -> memref<264xi32, #tpu.memory_space<vmem>>
          %dma_wait3A_248 = tpu.memref_slice %arg3[%multiple_of3A_242] : memref<320264xi32, #tpu.memory_space<hbm>> -> memref<264xi32, #tpu.memory_space<hbm>>
          %dma_wait3A_249 = arith.constant 0 : i32
          %dma_wait3A_250 = tpu.memref_slice %arg8[%dma_wait3A_249] : memref<296xi32, #tpu.memory_space<vmem>> -> memref<264xi32, #tpu.memory_space<vmem>>
          %dma_wait3A_251 = tpu.memref_slice %arg3[%multiple_of3A_242] : memref<320264xi32, #tpu.memory_space<hbm>> -> memref<264xi32, #tpu.memory_space<hbm>>
          tpu.wait_dma2 semaphore(%arg15 : memref<!tpu.dma_semaphore, #tpu.memory_space<semaphore_mem>>) src(%dma_wait3A_251 : memref<264xi32, #tpu.memory_space<hbm>>) dst(%dma_wait3A_250 : memref<264xi32, #tpu.memory_space<vmem>>)
          %mul3A_252 = arith.constant 256 : i32
          %mul3A_253 = arith.muli %add3A_207, %mul3A_252 : i32
          %add3A_254 = arith.addi %squeeze3A, %mul3A_253 : i32
          %mul3A_255 = arith.constant 256 : i32
          %mul3A_256 = arith.muli %add3A_207, %mul3A_255 : i32
          %sub3A_257 = arith.subi %sub3A, %mul3A_256 : i32
          %min3A = arith.constant 256 : i32
          %min3A_258 = arith.minsi %min3A, %sub3A_257 : i32
          %jit3A_259 = arith.constant 8 : i32
          %div3A_260 = arith.divsi %add3A_254, %jit3A_259 : i32
          %sign3A_261 = arith.constant 0 : i32
          %sign3A_262 = arith.cmpi sgt, %add3A_254, %sign3A_261 : i32
          %sign3A_263 = arith.extui %sign3A_262 : i1 to i32
          %sign3A_264 = arith.constant 0 : i32
          %sign3A_265 = arith.cmpi slt, %add3A_254, %sign3A_264 : i32
          %sign3A_266 = arith.extui %sign3A_265 : i1 to i32
          %sign3A_267 = arith.subi %sign3A_263, %sign3A_266 : i32
          %sign3A_268 = arith.constant 0 : i32
          %sign3A_269 = arith.cmpi sgt, %jit3A_259, %sign3A_268 : i32
          %sign3A_270 = arith.extui %sign3A_269 : i1 to i32
          %sign3A_271 = arith.constant 0 : i32
          %sign3A_272 = arith.cmpi slt, %jit3A_259, %sign3A_271 : i32
          %sign3A_273 = arith.extui %sign3A_272 : i1 to i32
          %sign3A_274 = arith.subi %sign3A_270, %sign3A_273 : i32
          %ne3A_275 = arith.cmpi ne, %sign3A_267, %sign3A_274 : i32
          %rem3A_276 = arith.remsi %add3A_254, %jit3A_259 : i32
          %ne3A_277 = arith.constant 0 : i32
          %ne3A_278 = arith.cmpi ne, %rem3A_276, %ne3A_277 : i32
          %and3A_279 = arith.andi %ne3A_275, %ne3A_278 : i1
          %sub3A_280 = arith.constant 1 : i32
          %sub3A_281 = arith.subi %div3A_260, %sub3A_280 : i32
          %select_n3A_282 = arith.select %and3A_279, %sub3A_281, %div3A_260 : i32
          %mul3A_283 = arith.constant 8 : i32
          %mul3A_284 = arith.muli %select_n3A_282, %mul3A_283 : i32
          %sub3A_285 = arith.subi %add3A_254, %mul3A_284 : i32
          %while3A_286:6 = scf.while (%while3A_294 = %cond3A_203#0, %while3A_295 = %cond3A_203#1, %while3A_296 = %cond3A_203#2, %while3A_297 = %cond3A_203#3, %while3A_298 = %cond3A_203#4, %while3A_299 = %cond3A_203#5) : (i32, vector<16xf32>, vector<16xf32>, vector<16xf32>, vector<16xf32>, i32) -> (i32, vector<16xf32>, vector<16xf32>, vector<16xf32>, vector<16xf32>, i32) {
            %lt3A_300 = arith.cmpi slt, %while3A_294, %min3A_258 : i32
            scf.condition(%lt3A_300) %while3A_294, %while3A_295, %while3A_296, %while3A_297, %while3A_298, %while3A_299 : i32, vector<16xf32>, vector<16xf32>, vector<16xf32>, vector<16xf32>, i32
          } do {
          ^bb0(%while3A_294: i32, %while3A_295: vector<16xf32>, %while3A_296: vector<16xf32>, %while3A_297: vector<16xf32>, %while3A_298: vector<16xf32>, %while3A_299: i32):
            %add3A_300 = arith.addi %sub3A_285, %while3A_294 : i32
            %get3A_301 = arith.index_cast %add3A_300 : i32 to index
            %get3A_302 = tpu.vector_load %arg8[%get3A_301] {strides = array<i32>} : memref<296xi32, #tpu.memory_space<vmem>>, vector<16xi32>,
            %slice3A_303 = vector.extract_strided_slice %get3A_302 {offsets = [0], sizes = [1], strides = [1]} : vector<16xi32> to vector<1xi32>
            %squeeze3A_304 = vector.extract %slice3A_303[0] : i32 from vector<1xi32>
            %ne3A_305 = arith.cmpi ne, %squeeze3A_304, %while3A_299 : i32
            %convert_element_type3A_306 = arith.extui %ne3A_305 : i1 to i32
            %cond3A_307 = arith.constant 0 : i32
            %cond3A_308 = arith.cmpi ne, %convert_element_type3A_306, %cond3A_307 : i32
            scf.if %cond3A_308 {
              %sub3A_354 = arith.subi %while3A_299, %select_n3A : i32
              %mul3A_355 = arith.constant 64 : i32
              %mul3A_356 = arith.muli %sub3A_354, %mul3A_355 : i32
              %swap3A_357 = arith.index_cast %mul3A_356 : i32 to index
              %swap3A_358 = tpu.vector_load %arg11[%swap3A_357] {strides = array<i32>} : memref<20288xf32, #tpu.memory_space<vmem>>, vector<16xf32>,
              tpu.vector_store %arg11[%swap3A_357], %while3A_295 {strides = array<i32>} : memref<20288xf32, #tpu.memory_space<vmem>>, vector<16xf32>,
              %add3A_359 = arith.constant 16 : i32
              %add3A_360 = arith.addi %mul3A_356, %add3A_359 : i32
              %swap3A_361 = arith.index_cast %add3A_360 : i32 to index
              %swap3A_362 = tpu.vector_load %arg11[%swap3A_361] {strides = array<i32>} : memref<20288xf32, #tpu.memory_space<vmem>>, vector<16xf32>,
              tpu.vector_store %arg11[%swap3A_361], %while3A_296 {strides = array<i32>} : memref<20288xf32, #tpu.memory_space<vmem>>, vector<16xf32>,
              %add3A_363 = arith.constant 32 : i32
              %add3A_364 = arith.addi %mul3A_356, %add3A_363 : i32
              %swap3A_365 = arith.index_cast %add3A_364 : i32 to index
              %swap3A_366 = tpu.vector_load %arg11[%swap3A_365] {strides = array<i32>} : memref<20288xf32, #tpu.memory_space<vmem>>, vector<16xf32>,
              tpu.vector_store %arg11[%swap3A_365], %while3A_297 {strides = array<i32>} : memref<20288xf32, #tpu.memory_space<vmem>>, vector<16xf32>,
              %add3A_367 = arith.constant 48 : i32
              %add3A_368 = arith.addi %mul3A_356, %add3A_367 : i32
              %swap3A_369 = arith.index_cast %add3A_368 : i32 to index
              %swap3A_370 = tpu.vector_load %arg11[%swap3A_369] {strides = array<i32>} : memref<20288xf32, #tpu.memory_space<vmem>>, vector<16xf32>,
              tpu.vector_store %arg11[%swap3A_369], %while3A_298 {strides = array<i32>} : memref<20288xf32, #tpu.memory_space<vmem>>, vector<16xf32>,
            } else {
            }
            %add3A_309 = arith.addi %sub3A_285, %min3A_258 : i32
            %broadcast_in_dim3A_310 = vector.broadcast %squeeze3A_304 : i32 to vector<16xi32>
            %while3A_311 = scf.while (%while3A_354 = %add3A_300) : (i32) -> i32 {
              %lt3A_355 = arith.cmpi slt, %while3A_354, %add3A_309 : i32
              %get3A_356 = arith.index_cast %while3A_354 : i32 to index
              %get3A_357 = tpu.vector_load %arg8[%get3A_356] {strides = array<i32>} : memref<296xi32, #tpu.memory_space<vmem>>, vector<16xi32>,
              %ne3A_358 = arith.cmpi ne, %get3A_357, %broadcast_in_dim3A_310 : vector<16xi32>
              %all_reduce_ffs3A_359 = tpu.all_reduce %ne3A_358 {dim = 0 : i64, kind = #tpu.reduction_kind<find_first_set>} : vector<16xi1> -> vector<16xi32>
              %slice3A_360 = vector.extract_strided_slice %all_reduce_ffs3A_359 {offsets = [0], sizes = [1], strides = [1]} : vector<16xi32> to vector<1xi32>
              %squeeze3A_361 = vector.extract %slice3A_360[0] : i32 from vector<1xi32>
              %ge3A = arith.constant 16 : i32
              %ge3A_362 = arith.cmpi sge, %squeeze3A_361, %ge3A : i32
              %and3A_363 = arith.andi %lt3A_355, %ge3A_362 : i1
              scf.condition(%and3A_363) %while3A_354 : i32
            } do {
            ^bb0(%while3A_354: i32):
              %add3A_355 = arith.constant 16 : i32
              %add3A_356 = arith.addi %while3A_354, %add3A_355 : i32
              scf.yield %add3A_356 : i32
            }
            %get3A_312 = arith.index_cast %while3A_311 : i32 to index
            %get3A_313 = tpu.vector_load %arg8[%get3A_312] {strides = array<i32>} : memref<296xi32, #tpu.memory_space<vmem>>, vector<16xi32>,
            %ne3A_314 = arith.cmpi ne, %get3A_313, %broadcast_in_dim3A_310 : vector<16xi32>
            %all_reduce_ffs3A = tpu.all_reduce %ne3A_314 {dim = 0 : i64, kind = #tpu.reduction_kind<find_first_set>} : vector<16xi1> -> vector<16xi32>
            %slice3A_315 = vector.extract_strided_slice %all_reduce_ffs3A {offsets = [0], sizes = [1], strides = [1]} : vector<16xi32> to vector<1xi32>
            %squeeze3A_316 = vector.extract %slice3A_315[0] : i32 from vector<1xi32>
            %add3A_317 = arith.addi %while3A_311, %squeeze3A_316 : i32
            %min3A_318 = arith.minsi %add3A_317, %add3A_309 : i32
            %add3A_319 = arith.constant 1 : i32
            %add3A_320 = arith.addi %add3A_300, %add3A_319 : i32
            %max3A = arith.maxsi %min3A_318, %add3A_320 : i32
            %sub3A_321 = arith.subi %max3A, %sub3A_285 : i32
            %get3A_322 = arith.index_cast %add3A_300 : i32 to index
            %get3A_323 = arith.constant 0 : index
            %get3A_324 = tpu.vector_load %arg10[%get3A_322, %get3A_323] {strides = array<i32>} : memref<264x64xf32, #tpu.memory_space<vmem>>, vector<16xf32>,
            %get3A_325 = arith.index_cast %add3A_300 : i32 to index
            %get3A_326 = arith.constant 16 : index
            %get3A_327 = tpu.vector_load %arg10[%get3A_325, %get3A_326] {strides = array<i32>} : memref<264x64xf32, #tpu.memory_space<vmem>>, vector<16xf32>,
            %get3A_328 = arith.index_cast %add3A_300 : i32 to index
            %get3A_329 = arith.constant 32 : index
            %get3A_330 = tpu.vector_load %arg10[%get3A_328, %get3A_329] {strides = array<i32>} : memref<264x64xf32, #tpu.memory_space<vmem>>, vector<16xf32>,
            %get3A_331 = arith.index_cast %add3A_300 : i32 to index
            %get3A_332 = arith.constant 48 : index
            %get3A_333 = tpu.vector_load %arg10[%get3A_331, %get3A_332] {strides = array<i32>} : memref<264x64xf32, #tpu.memory_space<vmem>>, vector<16xf32>,
            %max3A_334 = arith.maximumf %while3A_295, %get3A_324 : vector<16xf32>
            %select_n3A_335 = arith.select %ne3A_305, %get3A_324, %max3A_334 : vector<16xf32>
            %max3A_336 = arith.maximumf %while3A_296, %get3A_327 : vector<16xf32>
            %select_n3A_337 = arith.select %ne3A_305, %get3A_327, %max3A_336 : vector<16xf32>
            %max3A_338 = arith.maximumf %while3A_297, %get3A_330 : vector<16xf32>
            %select_n3A_339 = arith.select %ne3A_305, %get3A_330, %max3A_338 : vector<16xf32>
            %max3A_340 = arith.maximumf %while3A_298, %get3A_333 : vector<16xf32>
            %select_n3A_341 = arith.select %ne3A_305, %get3A_333, %max3A_340 : vector<16xf32>
            %add3A_342 = arith.constant 1 : i32
            %add3A_343 = arith.addi %while3A_294, %add3A_342 : i32
            %while3A_344 = arith.subi %sub3A_321, %add3A_343 : i32
            %while3A_345 = arith.addi %add3A_343, %while3A_344 : i32
            %while3A_346 = arith.constant 1 : i32
            %while3A_347 = arith.divsi %while3A_344, %while3A_346 : i32
            %while3A_348 = arith.muli %while3A_347, %while3A_346 : i32
            %while3A_349 = arith.addi %add3A_343, %while3A_348 : i32
            %while3A_350 = arith.constant 1 : i32
            %while3A_351:4 = scf.for %while3A_354 = %add3A_343 to %while3A_349 step %while3A_350 iter_args(%while3A_355 = %select_n3A_335, %while3A_356 = %select_n3A_337, %while3A_357 = %select_n3A_339, %while3A_358 = %select_n3A_341) -> (vector<16xf32>, vector<16xf32>, vector<16xf32>, vector<16xf32>)  : i32 {
              %add3A_359 = arith.addi %sub3A_285, %while3A_354 : i32
              %get3A_360 = arith.index_cast %add3A_359 : i32 to index
              %get3A_361 = arith.constant 0 : index
              %get3A_362 = tpu.vector_load %arg10[%get3A_360, %get3A_361] {strides = array<i32>} : memref<264x64xf32, #tpu.memory_space<vmem>>, vector<16xf32>,
              %max3A_363 = arith.maximumf %while3A_355, %get3A_362 : vector<16xf32>
              %get3A_364 = arith.index_cast %add3A_359 : i32 to index
              %get3A_365 = arith.constant 16 : index
              %get3A_366 = tpu.vector_load %arg10[%get3A_364, %get3A_365] {strides = array<i32>} : memref<264x64xf32, #tpu.memory_space<vmem>>, vector<16xf32>,
              %max3A_367 = arith.maximumf %while3A_356, %get3A_366 : vector<16xf32>
              %get3A_368 = arith.index_cast %add3A_359 : i32 to index
              %get3A_369 = arith.constant 32 : index
              %get3A_370 = tpu.vector_load %arg10[%get3A_368, %get3A_369] {strides = array<i32>} : memref<264x64xf32, #tpu.memory_space<vmem>>, vector<16xf32>,
              %max3A_371 = arith.maximumf %while3A_357, %get3A_370 : vector<16xf32>
              %get3A_372 = arith.index_cast %add3A_359 : i32 to index
              %get3A_373 = arith.constant 48 : index
              %get3A_374 = tpu.vector_load %arg10[%get3A_372, %get3A_373] {strides = array<i32>} : memref<264x64xf32, #tpu.memory_space<vmem>>, vector<16xf32>,
              %max3A_375 = arith.maximumf %while3A_358, %get3A_374 : vector<16xf32>
              scf.yield %max3A_363, %max3A_367, %max3A_371, %max3A_375 : vector<16xf32>, vector<16xf32>, vector<16xf32>, vector<16xf32>
            }
            %while3A_352 = arith.constant 1 : i32
            %while3A_353:4 = scf.for %while3A_354 = %while3A_349 to %while3A_345 step %while3A_352 iter_args(%while3A_355 = %while3A_351#0, %while3A_356 = %while3A_351#1, %while3A_357 = %while3A_351#2, %while3A_358 = %while3A_351#3) -> (vector<16xf32>, vector<16xf32>, vector<16xf32>, vector<16xf32>)  : i32 {
              %add3A_359 = arith.addi %sub3A_285, %while3A_354 : i32
              %get3A_360 = arith.index_cast %add3A_359 : i32 to index
              %get3A_361 = arith.constant 0 : index
              %get3A_362 = tpu.vector_load %arg10[%get3A_360, %get3A_361] {strides = array<i32>} : memref<264x64xf32, #tpu.memory_space<vmem>>, vector<16xf32>,
              %max3A_363 = arith.maximumf %while3A_355, %get3A_362 : vector<16xf32>
              %get3A_364 = arith.index_cast %add3A_359 : i32 to index
              %get3A_365 = arith.constant 16 : index
              %get3A_366 = tpu.vector_load %arg10[%get3A_364, %get3A_365] {strides = array<i32>} : memref<264x64xf32, #tpu.memory_space<vmem>>, vector<16xf32>,
              %max3A_367 = arith.maximumf %while3A_356, %get3A_366 : vector<16xf32>
              %get3A_368 = arith.index_cast %add3A_359 : i32 to index
              %get3A_369 = arith.constant 32 : index
              %get3A_370 = tpu.vector_load %arg10[%get3A_368, %get3A_369] {strides = array<i32>} : memref<264x64xf32, #tpu.memory_space<vmem>>, vector<16xf32>,
              %max3A_371 = arith.maximumf %while3A_357, %get3A_370 : vector<16xf32>
              %get3A_372 = arith.index_cast %add3A_359 : i32 to index
              %get3A_373 = arith.constant 48 : index
              %get3A_374 = tpu.vector_load %arg10[%get3A_372, %get3A_373] {strides = array<i32>} : memref<264x64xf32, #tpu.memory_space<vmem>>, vector<16xf32>,
              %max3A_375 = arith.maximumf %while3A_358, %get3A_374 : vector<16xf32>
              scf.yield %max3A_363, %max3A_367, %max3A_371, %max3A_375 : vector<16xf32>, vector<16xf32>, vector<16xf32>, vector<16xf32>
            }
            scf.yield %sub3A_321, %while3A_353#0, %while3A_353#1, %while3A_353#2, %while3A_353#3, %squeeze3A_304 : i32, vector<16xf32>, vector<16xf32>, vector<16xf32>, vector<16xf32>, i32
          }
          %add3A_287 = arith.constant 2 : i32
          %add3A_288 = arith.addi %add3A_207, %add3A_287 : i32
          %lt3A_289 = arith.cmpi slt, %add3A_288, %select_n3A_83 : i32
          %convert_element_type3A_290 = arith.extui %lt3A_289 : i1 to i32
          %cond3A_291 = arith.constant 0 : i32
          %cond3A_292 = arith.cmpi ne, %convert_element_type3A_290, %cond3A_291 : i32
          scf.if %cond3A_292 {
            %add3A_294 = arith.constant 2 : i32
            %add3A_295 = arith.addi %add3A_207, %add3A_294 : i32
            %mul3A_296 = arith.constant 256 : i32
            %mul3A_297 = arith.muli %add3A_295, %mul3A_296 : i32
            %add3A_298 = arith.addi %squeeze3A, %mul3A_297 : i32
            %jit3A_299 = arith.constant 8 : i32
            %div3A_300 = arith.divsi %add3A_298, %jit3A_299 : i32
            %sign3A_301 = arith.constant 0 : i32
            %sign3A_302 = arith.cmpi sgt, %add3A_298, %sign3A_301 : i32
            %sign3A_303 = arith.extui %sign3A_302 : i1 to i32
            %sign3A_304 = arith.constant 0 : i32
            %sign3A_305 = arith.cmpi slt, %add3A_298, %sign3A_304 : i32
            %sign3A_306 = arith.extui %sign3A_305 : i1 to i32
            %sign3A_307 = arith.subi %sign3A_303, %sign3A_306 : i32
            %sign3A_308 = arith.constant 0 : i32
            %sign3A_309 = arith.cmpi sgt, %jit3A_299, %sign3A_308 : i32
            %sign3A_310 = arith.extui %sign3A_309 : i1 to i32
            %sign3A_311 = arith.constant 0 : i32
            %sign3A_312 = arith.cmpi slt, %jit3A_299, %sign3A_311 : i32
            %sign3A_313 = arith.extui %sign3A_312 : i1 to i32
            %sign3A_314 = arith.subi %sign3A_310, %sign3A_313 : i32
            %ne3A_315 = arith.cmpi ne, %sign3A_307, %sign3A_314 : i32
            %rem3A_316 = arith.remsi %add3A_298, %jit3A_299 : i32
            %ne3A_317 = arith.constant 0 : i32
            %ne3A_318 = arith.cmpi ne, %rem3A_316, %ne3A_317 : i32
            %and3A_319 = arith.andi %ne3A_315, %ne3A_318 : i1
            %sub3A_320 = arith.constant 1 : i32
            %sub3A_321 = arith.subi %div3A_300, %sub3A_320 : i32
            %select_n3A_322 = arith.select %and3A_319, %sub3A_321, %div3A_300 : i32
            %mul3A_323 = arith.constant 8 : i32
            %mul3A_324 = arith.muli %select_n3A_322, %mul3A_323 : i32
            %multiple_of3A_325 = tpu.assume_multiple %mul3A_324, 8 : i32
            %dma_start3A_326 = arith.constant 0 : i32
            %dma_start3A_327 = tpu.memref_slice %arg2[%multiple_of3A_325, %dma_start3A_326] : memref<320256x64xf32, #tpu.memory_space<hbm>> -> memref<264x64xf32, #tpu.memory_space<hbm>>
            %dma_start3A_328 = arith.constant 0 : i32
            %dma_start3A_329 = tpu.memref_slice %arg2[%multiple_of3A_325, %dma_start3A_328] : memref<320256x64xf32, #tpu.memory_space<hbm>> -> memref<264x64xf32, #tpu.memory_space<hbm>>
            tpu.enqueue_dma source(%dma_start3A_329 : memref<264x64xf32, #tpu.memory_space<hbm>>) target(%arg10 : memref<264x64xf32, #tpu.memory_space<vmem>>) target_semaphore(%arg13 : memref<!tpu.dma_semaphore, #tpu.memory_space<semaphore_mem>>)
            %dma_start3A_330 = arith.constant 0 : i32
            %dma_start3A_331 = tpu.memref_slice %arg8[%dma_start3A_330] : memref<296xi32, #tpu.memory_space<vmem>> -> memref<264xi32, #tpu.memory_space<vmem>>
            %dma_start3A_332 = tpu.memref_slice %arg3[%multiple_of3A_325] : memref<320264xi32, #tpu.memory_space<hbm>> -> memref<264xi32, #tpu.memory_space<hbm>>
            %dma_start3A_333 = arith.constant 0 : i32
            %dma_start3A_334 = tpu.memref_slice %arg8[%dma_start3A_333] : memref<296xi32, #tpu.memory_space<vmem>> -> memref<264xi32, #tpu.memory_space<vmem>>
            %dma_start3A_335 = tpu.memref_slice %arg3[%multiple_of3A_325] : memref<320264xi32, #tpu.memory_space<hbm>> -> memref<264xi32, #tpu.memory_space<hbm>>
            tpu.enqueue_dma source(%dma_start3A_335 : memref<264xi32, #tpu.memory_space<hbm>>) target(%dma_start3A_334 : memref<264xi32, #tpu.memory_space<vmem>>) target_semaphore(%arg15 : memref<!tpu.dma_semaphore, #tpu.memory_space<semaphore_mem>>)
          } else {
          }
          %cond3A_293 = arith.constant 0 : i32
          scf.yield %cond3A_293, %while3A_286#1, %while3A_286#2, %while3A_286#3, %while3A_286#4, %while3A_286#5 : i32, vector<16xf32>, vector<16xf32>, vector<16xf32>, vector<16xf32>, i32
        } else {
          scf.yield %cond3A_203#0, %cond3A_203#1, %cond3A_203#2, %cond3A_203#3, %cond3A_203#4, %cond3A_203#5 : i32, vector<16xf32>, vector<16xf32>, vector<16xf32>, vector<16xf32>, i32
        }
        scf.yield %cond3A_212#0, %cond3A_212#1, %cond3A_212#2, %cond3A_212#3, %cond3A_212#4, %cond3A_212#5 : i32, vector<16xf32>, vector<16xf32>, vector<16xf32>, vector<16xf32>, i32
      }
      %while3A_164 = arith.constant 1 : i32
      %while3A_165:6 = scf.for %while3A_189 = %while3A_161 to %while3A_157 step %while3A_164 iter_args(%while3A_190 = %while3A_163#0, %while3A_191 = %while3A_163#1, %while3A_192 = %while3A_163#2, %while3A_193 = %while3A_163#3, %while3A_194 = %while3A_163#4, %while3A_195 = %while3A_163#5) -> (i32, vector<16xf32>, vector<16xf32>, vector<16xf32>, vector<16xf32>, i32)  : i32 {
        %mul3A_196 = arith.constant 2 : i32
        %mul3A_197 = arith.muli %while3A_189, %mul3A_196 : i32
        %add3A_198 = arith.constant 0 : i32
        %add3A_199 = arith.addi %mul3A_197, %add3A_198 : i32
        %lt3A = arith.cmpi slt, %add3A_199, %select_n3A_83 : i32
        %convert_element_type3A_200 = arith.extui %lt3A : i1 to i32
        %cond3A_201 = arith.constant 0 : i32
        %cond3A_202 = arith.cmpi ne, %convert_element_type3A_200, %cond3A_201 : i32
        %cond3A_203:6 = scf.if %cond3A_202 -> (i32, vector<16xf32>, vector<16xf32>, vector<16xf32>, vector<16xf32>, i32) {
          %mul3A_213 = arith.constant 256 : i32
          %mul3A_214 = arith.muli %add3A_199, %mul3A_213 : i32
          %add3A_215 = arith.addi %squeeze3A, %mul3A_214 : i32
          %jit3A_216 = arith.constant 8 : i32
          %div3A_217 = arith.divsi %add3A_215, %jit3A_216 : i32
          %sign3A_218 = arith.constant 0 : i32
          %sign3A_219 = arith.cmpi sgt, %add3A_215, %sign3A_218 : i32
          %sign3A_220 = arith.extui %sign3A_219 : i1 to i32
          %sign3A_221 = arith.constant 0 : i32
          %sign3A_222 = arith.cmpi slt, %add3A_215, %sign3A_221 : i32
          %sign3A_223 = arith.extui %sign3A_222 : i1 to i32
          %sign3A_224 = arith.subi %sign3A_220, %sign3A_223 : i32
          %sign3A_225 = arith.constant 0 : i32
          %sign3A_226 = arith.cmpi sgt, %jit3A_216, %sign3A_225 : i32
          %sign3A_227 = arith.extui %sign3A_226 : i1 to i32
          %sign3A_228 = arith.constant 0 : i32
          %sign3A_229 = arith.cmpi slt, %jit3A_216, %sign3A_228 : i32
          %sign3A_230 = arith.extui %sign3A_229 : i1 to i32
          %sign3A_231 = arith.subi %sign3A_227, %sign3A_230 : i32
          %ne3A_232 = arith.cmpi ne, %sign3A_224, %sign3A_231 : i32
          %rem3A_233 = arith.remsi %add3A_215, %jit3A_216 : i32
          %ne3A_234 = arith.constant 0 : i32
          %ne3A_235 = arith.cmpi ne, %rem3A_233, %ne3A_234 : i32
          %and3A_236 = arith.andi %ne3A_232, %ne3A_235 : i1
          %sub3A_237 = arith.constant 1 : i32
          %sub3A_238 = arith.subi %div3A_217, %sub3A_237 : i32
          %select_n3A_239 = arith.select %and3A_236, %sub3A_238, %div3A_217 : i32
          %mul3A_240 = arith.constant 8 : i32
          %mul3A_241 = arith.muli %select_n3A_239, %mul3A_240 : i32
          %multiple_of3A_242 = tpu.assume_multiple %mul3A_241, 8 : i32
          %dma_wait3A = arith.constant 0 : i32
          %dma_wait3A_243 = tpu.memref_slice %arg2[%multiple_of3A_242, %dma_wait3A] : memref<320256x64xf32, #tpu.memory_space<hbm>> -> memref<264x64xf32, #tpu.memory_space<hbm>>
          %dma_wait3A_244 = arith.constant 0 : i32
          %dma_wait3A_245 = tpu.memref_slice %arg2[%multiple_of3A_242, %dma_wait3A_244] : memref<320256x64xf32, #tpu.memory_space<hbm>> -> memref<264x64xf32, #tpu.memory_space<hbm>>
          tpu.wait_dma2 semaphore(%arg12 : memref<!tpu.dma_semaphore, #tpu.memory_space<semaphore_mem>>) src(%dma_wait3A_245 : memref<264x64xf32, #tpu.memory_space<hbm>>) dst(%arg9 : memref<264x64xf32, #tpu.memory_space<vmem>>)
          %dma_wait3A_246 = arith.constant 0 : i32
          %dma_wait3A_247 = tpu.memref_slice %arg7[%dma_wait3A_246] : memref<296xi32, #tpu.memory_space<vmem>> -> memref<264xi32, #tpu.memory_space<vmem>>
          %dma_wait3A_248 = tpu.memref_slice %arg3[%multiple_of3A_242] : memref<320264xi32, #tpu.memory_space<hbm>> -> memref<264xi32, #tpu.memory_space<hbm>>
          %dma_wait3A_249 = arith.constant 0 : i32
          %dma_wait3A_250 = tpu.memref_slice %arg7[%dma_wait3A_249] : memref<296xi32, #tpu.memory_space<vmem>> -> memref<264xi32, #tpu.memory_space<vmem>>
          %dma_wait3A_251 = tpu.memref_slice %arg3[%multiple_of3A_242] : memref<320264xi32, #tpu.memory_space<hbm>> -> memref<264xi32, #tpu.memory_space<hbm>>
          tpu.wait_dma2 semaphore(%arg14 : memref<!tpu.dma_semaphore, #tpu.memory_space<semaphore_mem>>) src(%dma_wait3A_251 : memref<264xi32, #tpu.memory_space<hbm>>) dst(%dma_wait3A_250 : memref<264xi32, #tpu.memory_space<vmem>>)
          %mul3A_252 = arith.constant 256 : i32
          %mul3A_253 = arith.muli %add3A_199, %mul3A_252 : i32
          %add3A_254 = arith.addi %squeeze3A, %mul3A_253 : i32
          %mul3A_255 = arith.constant 256 : i32
          %mul3A_256 = arith.muli %add3A_199, %mul3A_255 : i32
          %sub3A_257 = arith.subi %sub3A, %mul3A_256 : i32
          %min3A = arith.constant 256 : i32
          %min3A_258 = arith.minsi %min3A, %sub3A_257 : i32
          %jit3A_259 = arith.constant 8 : i32
          %div3A_260 = arith.divsi %add3A_254, %jit3A_259 : i32
          %sign3A_261 = arith.constant 0 : i32
          %sign3A_262 = arith.cmpi sgt, %add3A_254, %sign3A_261 : i32
          %sign3A_263 = arith.extui %sign3A_262 : i1 to i32
          %sign3A_264 = arith.constant 0 : i32
          %sign3A_265 = arith.cmpi slt, %add3A_254, %sign3A_264 : i32
          %sign3A_266 = arith.extui %sign3A_265 : i1 to i32
          %sign3A_267 = arith.subi %sign3A_263, %sign3A_266 : i32
          %sign3A_268 = arith.constant 0 : i32
          %sign3A_269 = arith.cmpi sgt, %jit3A_259, %sign3A_268 : i32
          %sign3A_270 = arith.extui %sign3A_269 : i1 to i32
          %sign3A_271 = arith.constant 0 : i32
          %sign3A_272 = arith.cmpi slt, %jit3A_259, %sign3A_271 : i32
          %sign3A_273 = arith.extui %sign3A_272 : i1 to i32
          %sign3A_274 = arith.subi %sign3A_270, %sign3A_273 : i32
          %ne3A_275 = arith.cmpi ne, %sign3A_267, %sign3A_274 : i32
          %rem3A_276 = arith.remsi %add3A_254, %jit3A_259 : i32
          %ne3A_277 = arith.constant 0 : i32
          %ne3A_278 = arith.cmpi ne, %rem3A_276, %ne3A_277 : i32
          %and3A_279 = arith.andi %ne3A_275, %ne3A_278 : i1
          %sub3A_280 = arith.constant 1 : i32
          %sub3A_281 = arith.subi %div3A_260, %sub3A_280 : i32
          %select_n3A_282 = arith.select %and3A_279, %sub3A_281, %div3A_260 : i32
          %mul3A_283 = arith.constant 8 : i32
          %mul3A_284 = arith.muli %select_n3A_282, %mul3A_283 : i32
          %sub3A_285 = arith.subi %add3A_254, %mul3A_284 : i32
          %while3A_286:6 = scf.while (%while3A_294 = %while3A_190, %while3A_295 = %while3A_191, %while3A_296 = %while3A_192, %while3A_297 = %while3A_193, %while3A_298 = %while3A_194, %while3A_299 = %while3A_195) : (i32, vector<16xf32>, vector<16xf32>, vector<16xf32>, vector<16xf32>, i32) -> (i32, vector<16xf32>, vector<16xf32>, vector<16xf32>, vector<16xf32>, i32) {
            %lt3A_300 = arith.cmpi slt, %while3A_294, %min3A_258 : i32
            scf.condition(%lt3A_300) %while3A_294, %while3A_295, %while3A_296, %while3A_297, %while3A_298, %while3A_299 : i32, vector<16xf32>, vector<16xf32>, vector<16xf32>, vector<16xf32>, i32
          } do {
          ^bb0(%while3A_294: i32, %while3A_295: vector<16xf32>, %while3A_296: vector<16xf32>, %while3A_297: vector<16xf32>, %while3A_298: vector<16xf32>, %while3A_299: i32):
            %add3A_300 = arith.addi %sub3A_285, %while3A_294 : i32
            %get3A_301 = arith.index_cast %add3A_300 : i32 to index
            %get3A_302 = tpu.vector_load %arg7[%get3A_301] {strides = array<i32>} : memref<296xi32, #tpu.memory_space<vmem>>, vector<16xi32>,
            %slice3A_303 = vector.extract_strided_slice %get3A_302 {offsets = [0], sizes = [1], strides = [1]} : vector<16xi32> to vector<1xi32>
            %squeeze3A_304 = vector.extract %slice3A_303[0] : i32 from vector<1xi32>
            %ne3A_305 = arith.cmpi ne, %squeeze3A_304, %while3A_299 : i32
            %convert_element_type3A_306 = arith.extui %ne3A_305 : i1 to i32
            %cond3A_307 = arith.constant 0 : i32
            %cond3A_308 = arith.cmpi ne, %convert_element_type3A_306, %cond3A_307 : i32
            scf.if %cond3A_308 {
              %sub3A_354 = arith.subi %while3A_299, %select_n3A : i32
              %mul3A_355 = arith.constant 64 : i32
              %mul3A_356 = arith.muli %sub3A_354, %mul3A_355 : i32
              %swap3A_357 = arith.index_cast %mul3A_356 : i32 to index
              %swap3A_358 = tpu.vector_load %arg11[%swap3A_357] {strides = array<i32>} : memref<20288xf32, #tpu.memory_space<vmem>>, vector<16xf32>,
              tpu.vector_store %arg11[%swap3A_357], %while3A_295 {strides = array<i32>} : memref<20288xf32, #tpu.memory_space<vmem>>, vector<16xf32>,
              %add3A_359 = arith.constant 16 : i32
              %add3A_360 = arith.addi %mul3A_356, %add3A_359 : i32
              %swap3A_361 = arith.index_cast %add3A_360 : i32 to index
              %swap3A_362 = tpu.vector_load %arg11[%swap3A_361] {strides = array<i32>} : memref<20288xf32, #tpu.memory_space<vmem>>, vector<16xf32>,
              tpu.vector_store %arg11[%swap3A_361], %while3A_296 {strides = array<i32>} : memref<20288xf32, #tpu.memory_space<vmem>>, vector<16xf32>,
              %add3A_363 = arith.constant 32 : i32
              %add3A_364 = arith.addi %mul3A_356, %add3A_363 : i32
              %swap3A_365 = arith.index_cast %add3A_364 : i32 to index
              %swap3A_366 = tpu.vector_load %arg11[%swap3A_365] {strides = array<i32>} : memref<20288xf32, #tpu.memory_space<vmem>>, vector<16xf32>,
              tpu.vector_store %arg11[%swap3A_365], %while3A_297 {strides = array<i32>} : memref<20288xf32, #tpu.memory_space<vmem>>, vector<16xf32>,
              %add3A_367 = arith.constant 48 : i32
              %add3A_368 = arith.addi %mul3A_356, %add3A_367 : i32
              %swap3A_369 = arith.index_cast %add3A_368 : i32 to index
              %swap3A_370 = tpu.vector_load %arg11[%swap3A_369] {strides = array<i32>} : memref<20288xf32, #tpu.memory_space<vmem>>, vector<16xf32>,
              tpu.vector_store %arg11[%swap3A_369], %while3A_298 {strides = array<i32>} : memref<20288xf32, #tpu.memory_space<vmem>>, vector<16xf32>,
            } else {
            }
            %add3A_309 = arith.addi %sub3A_285, %min3A_258 : i32
            %broadcast_in_dim3A_310 = vector.broadcast %squeeze3A_304 : i32 to vector<16xi32>
            %while3A_311 = scf.while (%while3A_354 = %add3A_300) : (i32) -> i32 {
              %lt3A_355 = arith.cmpi slt, %while3A_354, %add3A_309 : i32
              %get3A_356 = arith.index_cast %while3A_354 : i32 to index
              %get3A_357 = tpu.vector_load %arg7[%get3A_356] {strides = array<i32>} : memref<296xi32, #tpu.memory_space<vmem>>, vector<16xi32>,
              %ne3A_358 = arith.cmpi ne, %get3A_357, %broadcast_in_dim3A_310 : vector<16xi32>
              %all_reduce_ffs3A_359 = tpu.all_reduce %ne3A_358 {dim = 0 : i64, kind = #tpu.reduction_kind<find_first_set>} : vector<16xi1> -> vector<16xi32>
              %slice3A_360 = vector.extract_strided_slice %all_reduce_ffs3A_359 {offsets = [0], sizes = [1], strides = [1]} : vector<16xi32> to vector<1xi32>
              %squeeze3A_361 = vector.extract %slice3A_360[0] : i32 from vector<1xi32>
              %ge3A = arith.constant 16 : i32
              %ge3A_362 = arith.cmpi sge, %squeeze3A_361, %ge3A : i32
              %and3A_363 = arith.andi %lt3A_355, %ge3A_362 : i1
              scf.condition(%and3A_363) %while3A_354 : i32
            } do {
            ^bb0(%while3A_354: i32):
              %add3A_355 = arith.constant 16 : i32
              %add3A_356 = arith.addi %while3A_354, %add3A_355 : i32
              scf.yield %add3A_356 : i32
            }
            %get3A_312 = arith.index_cast %while3A_311 : i32 to index
            %get3A_313 = tpu.vector_load %arg7[%get3A_312] {strides = array<i32>} : memref<296xi32, #tpu.memory_space<vmem>>, vector<16xi32>,
            %ne3A_314 = arith.cmpi ne, %get3A_313, %broadcast_in_dim3A_310 : vector<16xi32>
            %all_reduce_ffs3A = tpu.all_reduce %ne3A_314 {dim = 0 : i64, kind = #tpu.reduction_kind<find_first_set>} : vector<16xi1> -> vector<16xi32>
            %slice3A_315 = vector.extract_strided_slice %all_reduce_ffs3A {offsets = [0], sizes = [1], strides = [1]} : vector<16xi32> to vector<1xi32>
            %squeeze3A_316 = vector.extract %slice3A_315[0] : i32 from vector<1xi32>
            %add3A_317 = arith.addi %while3A_311, %squeeze3A_316 : i32
            %min3A_318 = arith.minsi %add3A_317, %add3A_309 : i32
            %add3A_319 = arith.constant 1 : i32
            %add3A_320 = arith.addi %add3A_300, %add3A_319 : i32
            %max3A = arith.maxsi %min3A_318, %add3A_320 : i32
            %sub3A_321 = arith.subi %max3A, %sub3A_285 : i32
            %get3A_322 = arith.index_cast %add3A_300 : i32 to index
            %get3A_323 = arith.constant 0 : index
            %get3A_324 = tpu.vector_load %arg9[%get3A_322, %get3A_323] {strides = array<i32>} : memref<264x64xf32, #tpu.memory_space<vmem>>, vector<16xf32>,
            %get3A_325 = arith.index_cast %add3A_300 : i32 to index
            %get3A_326 = arith.constant 16 : index
            %get3A_327 = tpu.vector_load %arg9[%get3A_325, %get3A_326] {strides = array<i32>} : memref<264x64xf32, #tpu.memory_space<vmem>>, vector<16xf32>,
            %get3A_328 = arith.index_cast %add3A_300 : i32 to index
            %get3A_329 = arith.constant 32 : index
            %get3A_330 = tpu.vector_load %arg9[%get3A_328, %get3A_329] {strides = array<i32>} : memref<264x64xf32, #tpu.memory_space<vmem>>, vector<16xf32>,
            %get3A_331 = arith.index_cast %add3A_300 : i32 to index
            %get3A_332 = arith.constant 48 : index
            %get3A_333 = tpu.vector_load %arg9[%get3A_331, %get3A_332] {strides = array<i32>} : memref<264x64xf32, #tpu.memory_space<vmem>>, vector<16xf32>,
            %max3A_334 = arith.maximumf %while3A_295, %get3A_324 : vector<16xf32>
            %select_n3A_335 = arith.select %ne3A_305, %get3A_324, %max3A_334 : vector<16xf32>
            %max3A_336 = arith.maximumf %while3A_296, %get3A_327 : vector<16xf32>
            %select_n3A_337 = arith.select %ne3A_305, %get3A_327, %max3A_336 : vector<16xf32>
            %max3A_338 = arith.maximumf %while3A_297, %get3A_330 : vector<16xf32>
            %select_n3A_339 = arith.select %ne3A_305, %get3A_330, %max3A_338 : vector<16xf32>
            %max3A_340 = arith.maximumf %while3A_298, %get3A_333 : vector<16xf32>
            %select_n3A_341 = arith.select %ne3A_305, %get3A_333, %max3A_340 : vector<16xf32>
            %add3A_342 = arith.constant 1 : i32
            %add3A_343 = arith.addi %while3A_294, %add3A_342 : i32
            %while3A_344 = arith.subi %sub3A_321, %add3A_343 : i32
            %while3A_345 = arith.addi %add3A_343, %while3A_344 : i32
            %while3A_346 = arith.constant 1 : i32
            %while3A_347 = arith.divsi %while3A_344, %while3A_346 : i32
            %while3A_348 = arith.muli %while3A_347, %while3A_346 : i32
            %while3A_349 = arith.addi %add3A_343, %while3A_348 : i32
            %while3A_350 = arith.constant 1 : i32
            %while3A_351:4 = scf.for %while3A_354 = %add3A_343 to %while3A_349 step %while3A_350 iter_args(%while3A_355 = %select_n3A_335, %while3A_356 = %select_n3A_337, %while3A_357 = %select_n3A_339, %while3A_358 = %select_n3A_341) -> (vector<16xf32>, vector<16xf32>, vector<16xf32>, vector<16xf32>)  : i32 {
              %add3A_359 = arith.addi %sub3A_285, %while3A_354 : i32
              %get3A_360 = arith.index_cast %add3A_359 : i32 to index
              %get3A_361 = arith.constant 0 : index
              %get3A_362 = tpu.vector_load %arg9[%get3A_360, %get3A_361] {strides = array<i32>} : memref<264x64xf32, #tpu.memory_space<vmem>>, vector<16xf32>,
              %max3A_363 = arith.maximumf %while3A_355, %get3A_362 : vector<16xf32>
              %get3A_364 = arith.index_cast %add3A_359 : i32 to index
              %get3A_365 = arith.constant 16 : index
              %get3A_366 = tpu.vector_load %arg9[%get3A_364, %get3A_365] {strides = array<i32>} : memref<264x64xf32, #tpu.memory_space<vmem>>, vector<16xf32>,
              %max3A_367 = arith.maximumf %while3A_356, %get3A_366 : vector<16xf32>
              %get3A_368 = arith.index_cast %add3A_359 : i32 to index
              %get3A_369 = arith.constant 32 : index
              %get3A_370 = tpu.vector_load %arg9[%get3A_368, %get3A_369] {strides = array<i32>} : memref<264x64xf32, #tpu.memory_space<vmem>>, vector<16xf32>,
              %max3A_371 = arith.maximumf %while3A_357, %get3A_370 : vector<16xf32>
              %get3A_372 = arith.index_cast %add3A_359 : i32 to index
              %get3A_373 = arith.constant 48 : index
              %get3A_374 = tpu.vector_load %arg9[%get3A_372, %get3A_373] {strides = array<i32>} : memref<264x64xf32, #tpu.memory_space<vmem>>, vector<16xf32>,
              %max3A_375 = arith.maximumf %while3A_358, %get3A_374 : vector<16xf32>
              scf.yield %max3A_363, %max3A_367, %max3A_371, %max3A_375 : vector<16xf32>, vector<16xf32>, vector<16xf32>, vector<16xf32>
            }
            %while3A_352 = arith.constant 1 : i32
            %while3A_353:4 = scf.for %while3A_354 = %while3A_349 to %while3A_345 step %while3A_352 iter_args(%while3A_355 = %while3A_351#0, %while3A_356 = %while3A_351#1, %while3A_357 = %while3A_351#2, %while3A_358 = %while3A_351#3) -> (vector<16xf32>, vector<16xf32>, vector<16xf32>, vector<16xf32>)  : i32 {
              %add3A_359 = arith.addi %sub3A_285, %while3A_354 : i32
              %get3A_360 = arith.index_cast %add3A_359 : i32 to index
              %get3A_361 = arith.constant 0 : index
              %get3A_362 = tpu.vector_load %arg9[%get3A_360, %get3A_361] {strides = array<i32>} : memref<264x64xf32, #tpu.memory_space<vmem>>, vector<16xf32>,
              %max3A_363 = arith.maximumf %while3A_355, %get3A_362 : vector<16xf32>
              %get3A_364 = arith.index_cast %add3A_359 : i32 to index
              %get3A_365 = arith.constant 16 : index
              %get3A_366 = tpu.vector_load %arg9[%get3A_364, %get3A_365] {strides = array<i32>} : memref<264x64xf32, #tpu.memory_space<vmem>>, vector<16xf32>,
              %max3A_367 = arith.maximumf %while3A_356, %get3A_366 : vector<16xf32>
              %get3A_368 = arith.index_cast %add3A_359 : i32 to index
              %get3A_369 = arith.constant 32 : index
              %get3A_370 = tpu.vector_load %arg9[%get3A_368, %get3A_369] {strides = array<i32>} : memref<264x64xf32, #tpu.memory_space<vmem>>, vector<16xf32>,
              %max3A_371 = arith.maximumf %while3A_357, %get3A_370 : vector<16xf32>
              %get3A_372 = arith.index_cast %add3A_359 : i32 to index
              %get3A_373 = arith.constant 48 : index
              %get3A_374 = tpu.vector_load %arg9[%get3A_372, %get3A_373] {strides = array<i32>} : memref<264x64xf32, #tpu.memory_space<vmem>>, vector<16xf32>,
              %max3A_375 = arith.maximumf %while3A_358, %get3A_374 : vector<16xf32>
              scf.yield %max3A_363, %max3A_367, %max3A_371, %max3A_375 : vector<16xf32>, vector<16xf32>, vector<16xf32>, vector<16xf32>
            }
            scf.yield %sub3A_321, %while3A_353#0, %while3A_353#1, %while3A_353#2, %while3A_353#3, %squeeze3A_304 : i32, vector<16xf32>, vector<16xf32>, vector<16xf32>, vector<16xf32>, i32
          }
          %add3A_287 = arith.constant 2 : i32
          %add3A_288 = arith.addi %add3A_199, %add3A_287 : i32
          %lt3A_289 = arith.cmpi slt, %add3A_288, %select_n3A_83 : i32
          %convert_element_type3A_290 = arith.extui %lt3A_289 : i1 to i32
          %cond3A_291 = arith.constant 0 : i32
          %cond3A_292 = arith.cmpi ne, %convert_element_type3A_290, %cond3A_291 : i32
          scf.if %cond3A_292 {
            %add3A_294 = arith.constant 2 : i32
            %add3A_295 = arith.addi %add3A_199, %add3A_294 : i32
            %mul3A_296 = arith.constant 256 : i32
            %mul3A_297 = arith.muli %add3A_295, %mul3A_296 : i32
            %add3A_298 = arith.addi %squeeze3A, %mul3A_297 : i32
            %jit3A_299 = arith.constant 8 : i32
            %div3A_300 = arith.divsi %add3A_298, %jit3A_299 : i32
            %sign3A_301 = arith.constant 0 : i32
            %sign3A_302 = arith.cmpi sgt, %add3A_298, %sign3A_301 : i32
            %sign3A_303 = arith.extui %sign3A_302 : i1 to i32
            %sign3A_304 = arith.constant 0 : i32
            %sign3A_305 = arith.cmpi slt, %add3A_298, %sign3A_304 : i32
            %sign3A_306 = arith.extui %sign3A_305 : i1 to i32
            %sign3A_307 = arith.subi %sign3A_303, %sign3A_306 : i32
            %sign3A_308 = arith.constant 0 : i32
            %sign3A_309 = arith.cmpi sgt, %jit3A_299, %sign3A_308 : i32
            %sign3A_310 = arith.extui %sign3A_309 : i1 to i32
            %sign3A_311 = arith.constant 0 : i32
            %sign3A_312 = arith.cmpi slt, %jit3A_299, %sign3A_311 : i32
            %sign3A_313 = arith.extui %sign3A_312 : i1 to i32
            %sign3A_314 = arith.subi %sign3A_310, %sign3A_313 : i32
            %ne3A_315 = arith.cmpi ne, %sign3A_307, %sign3A_314 : i32
            %rem3A_316 = arith.remsi %add3A_298, %jit3A_299 : i32
            %ne3A_317 = arith.constant 0 : i32
            %ne3A_318 = arith.cmpi ne, %rem3A_316, %ne3A_317 : i32
            %and3A_319 = arith.andi %ne3A_315, %ne3A_318 : i1
            %sub3A_320 = arith.constant 1 : i32
            %sub3A_321 = arith.subi %div3A_300, %sub3A_320 : i32
            %select_n3A_322 = arith.select %and3A_319, %sub3A_321, %div3A_300 : i32
            %mul3A_323 = arith.constant 8 : i32
            %mul3A_324 = arith.muli %select_n3A_322, %mul3A_323 : i32
            %multiple_of3A_325 = tpu.assume_multiple %mul3A_324, 8 : i32
            %dma_start3A_326 = arith.constant 0 : i32
            %dma_start3A_327 = tpu.memref_slice %arg2[%multiple_of3A_325, %dma_start3A_326] : memref<320256x64xf32, #tpu.memory_space<hbm>> -> memref<264x64xf32, #tpu.memory_space<hbm>>
            %dma_start3A_328 = arith.constant 0 : i32
            %dma_start3A_329 = tpu.memref_slice %arg2[%multiple_of3A_325, %dma_start3A_328] : memref<320256x64xf32, #tpu.memory_space<hbm>> -> memref<264x64xf32, #tpu.memory_space<hbm>>
            tpu.enqueue_dma source(%dma_start3A_329 : memref<264x64xf32, #tpu.memory_space<hbm>>) target(%arg9 : memref<264x64xf32, #tpu.memory_space<vmem>>) target_semaphore(%arg12 : memref<!tpu.dma_semaphore, #tpu.memory_space<semaphore_mem>>)
            %dma_start3A_330 = arith.constant 0 : i32
            %dma_start3A_331 = tpu.memref_slice %arg7[%dma_start3A_330] : memref<296xi32, #tpu.memory_space<vmem>> -> memref<264xi32, #tpu.memory_space<vmem>>
            %dma_start3A_332 = tpu.memref_slice %arg3[%multiple_of3A_325] : memref<320264xi32, #tpu.memory_space<hbm>> -> memref<264xi32, #tpu.memory_space<hbm>>
            %dma_start3A_333 = arith.constant 0 : i32
            %dma_start3A_334 = tpu.memref_slice %arg7[%dma_start3A_333] : memref<296xi32, #tpu.memory_space<vmem>> -> memref<264xi32, #tpu.memory_space<vmem>>
            %dma_start3A_335 = tpu.memref_slice %arg3[%multiple_of3A_325] : memref<320264xi32, #tpu.memory_space<hbm>> -> memref<264xi32, #tpu.memory_space<hbm>>
            tpu.enqueue_dma source(%dma_start3A_335 : memref<264xi32, #tpu.memory_space<hbm>>) target(%dma_start3A_334 : memref<264xi32, #tpu.memory_space<vmem>>) target_semaphore(%arg14 : memref<!tpu.dma_semaphore, #tpu.memory_space<semaphore_mem>>)
          } else {
          }
          %cond3A_293 = arith.constant 0 : i32
          scf.yield %cond3A_293, %while3A_286#1, %while3A_286#2, %while3A_286#3, %while3A_286#4, %while3A_286#5 : i32, vector<16xf32>, vector<16xf32>, vector<16xf32>, vector<16xf32>, i32
        } else {
          scf.yield %while3A_190, %while3A_191, %while3A_192, %while3A_193, %while3A_194, %while3A_195 : i32, vector<16xf32>, vector<16xf32>, vector<16xf32>, vector<16xf32>, i32
        }
        %mul3A_204 = arith.constant 2 : i32
        %mul3A_205 = arith.muli %while3A_189, %mul3A_204 : i32
        %add3A_206 = arith.constant 1 : i32
        %add3A_207 = arith.addi %mul3A_205, %add3A_206 : i32
        %lt3A_208 = arith.cmpi slt, %add3A_207, %select_n3A_83 : i32
        %convert_element_type3A_209 = arith.extui %lt3A_208 : i1 to i32
        %cond3A_210 = arith.constant 0 : i32
        %cond3A_211 = arith.cmpi ne, %convert_element_type3A_209, %cond3A_210 : i32
        %cond3A_212:6 = scf.if %cond3A_211 -> (i32, vector<16xf32>, vector<16xf32>, vector<16xf32>, vector<16xf32>, i32) {
          %mul3A_213 = arith.constant 256 : i32
          %mul3A_214 = arith.muli %add3A_207, %mul3A_213 : i32
          %add3A_215 = arith.addi %squeeze3A, %mul3A_214 : i32
          %jit3A_216 = arith.constant 8 : i32
          %div3A_217 = arith.divsi %add3A_215, %jit3A_216 : i32
          %sign3A_218 = arith.constant 0 : i32
          %sign3A_219 = arith.cmpi sgt, %add3A_215, %sign3A_218 : i32
          %sign3A_220 = arith.extui %sign3A_219 : i1 to i32
          %sign3A_221 = arith.constant 0 : i32
          %sign3A_222 = arith.cmpi slt, %add3A_215, %sign3A_221 : i32
          %sign3A_223 = arith.extui %sign3A_222 : i1 to i32
          %sign3A_224 = arith.subi %sign3A_220, %sign3A_223 : i32
          %sign3A_225 = arith.constant 0 : i32
          %sign3A_226 = arith.cmpi sgt, %jit3A_216, %sign3A_225 : i32
          %sign3A_227 = arith.extui %sign3A_226 : i1 to i32
          %sign3A_228 = arith.constant 0 : i32
          %sign3A_229 = arith.cmpi slt, %jit3A_216, %sign3A_228 : i32
          %sign3A_230 = arith.extui %sign3A_229 : i1 to i32
          %sign3A_231 = arith.subi %sign3A_227, %sign3A_230 : i32
          %ne3A_232 = arith.cmpi ne, %sign3A_224, %sign3A_231 : i32
          %rem3A_233 = arith.remsi %add3A_215, %jit3A_216 : i32
          %ne3A_234 = arith.constant 0 : i32
          %ne3A_235 = arith.cmpi ne, %rem3A_233, %ne3A_234 : i32
          %and3A_236 = arith.andi %ne3A_232, %ne3A_235 : i1
          %sub3A_237 = arith.constant 1 : i32
          %sub3A_238 = arith.subi %div3A_217, %sub3A_237 : i32
          %select_n3A_239 = arith.select %and3A_236, %sub3A_238, %div3A_217 : i32
          %mul3A_240 = arith.constant 8 : i32
          %mul3A_241 = arith.muli %select_n3A_239, %mul3A_240 : i32
          %multiple_of3A_242 = tpu.assume_multiple %mul3A_241, 8 : i32
          %dma_wait3A = arith.constant 0 : i32
          %dma_wait3A_243 = tpu.memref_slice %arg2[%multiple_of3A_242, %dma_wait3A] : memref<320256x64xf32, #tpu.memory_space<hbm>> -> memref<264x64xf32, #tpu.memory_space<hbm>>
          %dma_wait3A_244 = arith.constant 0 : i32
          %dma_wait3A_245 = tpu.memref_slice %arg2[%multiple_of3A_242, %dma_wait3A_244] : memref<320256x64xf32, #tpu.memory_space<hbm>> -> memref<264x64xf32, #tpu.memory_space<hbm>>
          tpu.wait_dma2 semaphore(%arg13 : memref<!tpu.dma_semaphore, #tpu.memory_space<semaphore_mem>>) src(%dma_wait3A_245 : memref<264x64xf32, #tpu.memory_space<hbm>>) dst(%arg10 : memref<264x64xf32, #tpu.memory_space<vmem>>)
          %dma_wait3A_246 = arith.constant 0 : i32
          %dma_wait3A_247 = tpu.memref_slice %arg8[%dma_wait3A_246] : memref<296xi32, #tpu.memory_space<vmem>> -> memref<264xi32, #tpu.memory_space<vmem>>
          %dma_wait3A_248 = tpu.memref_slice %arg3[%multiple_of3A_242] : memref<320264xi32, #tpu.memory_space<hbm>> -> memref<264xi32, #tpu.memory_space<hbm>>
          %dma_wait3A_249 = arith.constant 0 : i32
          %dma_wait3A_250 = tpu.memref_slice %arg8[%dma_wait3A_249] : memref<296xi32, #tpu.memory_space<vmem>> -> memref<264xi32, #tpu.memory_space<vmem>>
          %dma_wait3A_251 = tpu.memref_slice %arg3[%multiple_of3A_242] : memref<320264xi32, #tpu.memory_space<hbm>> -> memref<264xi32, #tpu.memory_space<hbm>>
          tpu.wait_dma2 semaphore(%arg15 : memref<!tpu.dma_semaphore, #tpu.memory_space<semaphore_mem>>) src(%dma_wait3A_251 : memref<264xi32, #tpu.memory_space<hbm>>) dst(%dma_wait3A_250 : memref<264xi32, #tpu.memory_space<vmem>>)
          %mul3A_252 = arith.constant 256 : i32
          %mul3A_253 = arith.muli %add3A_207, %mul3A_252 : i32
          %add3A_254 = arith.addi %squeeze3A, %mul3A_253 : i32
          %mul3A_255 = arith.constant 256 : i32
          %mul3A_256 = arith.muli %add3A_207, %mul3A_255 : i32
          %sub3A_257 = arith.subi %sub3A, %mul3A_256 : i32
          %min3A = arith.constant 256 : i32
          %min3A_258 = arith.minsi %min3A, %sub3A_257 : i32
          %jit3A_259 = arith.constant 8 : i32
          %div3A_260 = arith.divsi %add3A_254, %jit3A_259 : i32
          %sign3A_261 = arith.constant 0 : i32
          %sign3A_262 = arith.cmpi sgt, %add3A_254, %sign3A_261 : i32
          %sign3A_263 = arith.extui %sign3A_262 : i1 to i32
          %sign3A_264 = arith.constant 0 : i32
          %sign3A_265 = arith.cmpi slt, %add3A_254, %sign3A_264 : i32
          %sign3A_266 = arith.extui %sign3A_265 : i1 to i32
          %sign3A_267 = arith.subi %sign3A_263, %sign3A_266 : i32
          %sign3A_268 = arith.constant 0 : i32
          %sign3A_269 = arith.cmpi sgt, %jit3A_259, %sign3A_268 : i32
          %sign3A_270 = arith.extui %sign3A_269 : i1 to i32
          %sign3A_271 = arith.constant 0 : i32
          %sign3A_272 = arith.cmpi slt, %jit3A_259, %sign3A_271 : i32
          %sign3A_273 = arith.extui %sign3A_272 : i1 to i32
          %sign3A_274 = arith.subi %sign3A_270, %sign3A_273 : i32
          %ne3A_275 = arith.cmpi ne, %sign3A_267, %sign3A_274 : i32
          %rem3A_276 = arith.remsi %add3A_254, %jit3A_259 : i32
          %ne3A_277 = arith.constant 0 : i32
          %ne3A_278 = arith.cmpi ne, %rem3A_276, %ne3A_277 : i32
          %and3A_279 = arith.andi %ne3A_275, %ne3A_278 : i1
          %sub3A_280 = arith.constant 1 : i32
          %sub3A_281 = arith.subi %div3A_260, %sub3A_280 : i32
          %select_n3A_282 = arith.select %and3A_279, %sub3A_281, %div3A_260 : i32
          %mul3A_283 = arith.constant 8 : i32
          %mul3A_284 = arith.muli %select_n3A_282, %mul3A_283 : i32
          %sub3A_285 = arith.subi %add3A_254, %mul3A_284 : i32
          %while3A_286:6 = scf.while (%while3A_294 = %cond3A_203#0, %while3A_295 = %cond3A_203#1, %while3A_296 = %cond3A_203#2, %while3A_297 = %cond3A_203#3, %while3A_298 = %cond3A_203#4, %while3A_299 = %cond3A_203#5) : (i32, vector<16xf32>, vector<16xf32>, vector<16xf32>, vector<16xf32>, i32) -> (i32, vector<16xf32>, vector<16xf32>, vector<16xf32>, vector<16xf32>, i32) {
            %lt3A_300 = arith.cmpi slt, %while3A_294, %min3A_258 : i32
            scf.condition(%lt3A_300) %while3A_294, %while3A_295, %while3A_296, %while3A_297, %while3A_298, %while3A_299 : i32, vector<16xf32>, vector<16xf32>, vector<16xf32>, vector<16xf32>, i32
          } do {
          ^bb0(%while3A_294: i32, %while3A_295: vector<16xf32>, %while3A_296: vector<16xf32>, %while3A_297: vector<16xf32>, %while3A_298: vector<16xf32>, %while3A_299: i32):
            %add3A_300 = arith.addi %sub3A_285, %while3A_294 : i32
            %get3A_301 = arith.index_cast %add3A_300 : i32 to index
            %get3A_302 = tpu.vector_load %arg8[%get3A_301] {strides = array<i32>} : memref<296xi32, #tpu.memory_space<vmem>>, vector<16xi32>,
            %slice3A_303 = vector.extract_strided_slice %get3A_302 {offsets = [0], sizes = [1], strides = [1]} : vector<16xi32> to vector<1xi32>
            %squeeze3A_304 = vector.extract %slice3A_303[0] : i32 from vector<1xi32>
            %ne3A_305 = arith.cmpi ne, %squeeze3A_304, %while3A_299 : i32
            %convert_element_type3A_306 = arith.extui %ne3A_305 : i1 to i32
            %cond3A_307 = arith.constant 0 : i32
            %cond3A_308 = arith.cmpi ne, %convert_element_type3A_306, %cond3A_307 : i32
            scf.if %cond3A_308 {
              %sub3A_354 = arith.subi %while3A_299, %select_n3A : i32
              %mul3A_355 = arith.constant 64 : i32
              %mul3A_356 = arith.muli %sub3A_354, %mul3A_355 : i32
              %swap3A_357 = arith.index_cast %mul3A_356 : i32 to index
              %swap3A_358 = tpu.vector_load %arg11[%swap3A_357] {strides = array<i32>} : memref<20288xf32, #tpu.memory_space<vmem>>, vector<16xf32>,
              tpu.vector_store %arg11[%swap3A_357], %while3A_295 {strides = array<i32>} : memref<20288xf32, #tpu.memory_space<vmem>>, vector<16xf32>,
              %add3A_359 = arith.constant 16 : i32
              %add3A_360 = arith.addi %mul3A_356, %add3A_359 : i32
              %swap3A_361 = arith.index_cast %add3A_360 : i32 to index
              %swap3A_362 = tpu.vector_load %arg11[%swap3A_361] {strides = array<i32>} : memref<20288xf32, #tpu.memory_space<vmem>>, vector<16xf32>,
              tpu.vector_store %arg11[%swap3A_361], %while3A_296 {strides = array<i32>} : memref<20288xf32, #tpu.memory_space<vmem>>, vector<16xf32>,
              %add3A_363 = arith.constant 32 : i32
              %add3A_364 = arith.addi %mul3A_356, %add3A_363 : i32
              %swap3A_365 = arith.index_cast %add3A_364 : i32 to index
              %swap3A_366 = tpu.vector_load %arg11[%swap3A_365] {strides = array<i32>} : memref<20288xf32, #tpu.memory_space<vmem>>, vector<16xf32>,
              tpu.vector_store %arg11[%swap3A_365], %while3A_297 {strides = array<i32>} : memref<20288xf32, #tpu.memory_space<vmem>>, vector<16xf32>,
              %add3A_367 = arith.constant 48 : i32
              %add3A_368 = arith.addi %mul3A_356, %add3A_367 : i32
              %swap3A_369 = arith.index_cast %add3A_368 : i32 to index
              %swap3A_370 = tpu.vector_load %arg11[%swap3A_369] {strides = array<i32>} : memref<20288xf32, #tpu.memory_space<vmem>>, vector<16xf32>,
              tpu.vector_store %arg11[%swap3A_369], %while3A_298 {strides = array<i32>} : memref<20288xf32, #tpu.memory_space<vmem>>, vector<16xf32>,
            } else {
            }
            %add3A_309 = arith.addi %sub3A_285, %min3A_258 : i32
            %broadcast_in_dim3A_310 = vector.broadcast %squeeze3A_304 : i32 to vector<16xi32>
            %while3A_311 = scf.while (%while3A_354 = %add3A_300) : (i32) -> i32 {
              %lt3A_355 = arith.cmpi slt, %while3A_354, %add3A_309 : i32
              %get3A_356 = arith.index_cast %while3A_354 : i32 to index
              %get3A_357 = tpu.vector_load %arg8[%get3A_356] {strides = array<i32>} : memref<296xi32, #tpu.memory_space<vmem>>, vector<16xi32>,
              %ne3A_358 = arith.cmpi ne, %get3A_357, %broadcast_in_dim3A_310 : vector<16xi32>
              %all_reduce_ffs3A_359 = tpu.all_reduce %ne3A_358 {dim = 0 : i64, kind = #tpu.reduction_kind<find_first_set>} : vector<16xi1> -> vector<16xi32>
              %slice3A_360 = vector.extract_strided_slice %all_reduce_ffs3A_359 {offsets = [0], sizes = [1], strides = [1]} : vector<16xi32> to vector<1xi32>
              %squeeze3A_361 = vector.extract %slice3A_360[0] : i32 from vector<1xi32>
              %ge3A = arith.constant 16 : i32
              %ge3A_362 = arith.cmpi sge, %squeeze3A_361, %ge3A : i32
              %and3A_363 = arith.andi %lt3A_355, %ge3A_362 : i1
              scf.condition(%and3A_363) %while3A_354 : i32
            } do {
            ^bb0(%while3A_354: i32):
              %add3A_355 = arith.constant 16 : i32
              %add3A_356 = arith.addi %while3A_354, %add3A_355 : i32
              scf.yield %add3A_356 : i32
            }
            %get3A_312 = arith.index_cast %while3A_311 : i32 to index
            %get3A_313 = tpu.vector_load %arg8[%get3A_312] {strides = array<i32>} : memref<296xi32, #tpu.memory_space<vmem>>, vector<16xi32>,
            %ne3A_314 = arith.cmpi ne, %get3A_313, %broadcast_in_dim3A_310 : vector<16xi32>
            %all_reduce_ffs3A = tpu.all_reduce %ne3A_314 {dim = 0 : i64, kind = #tpu.reduction_kind<find_first_set>} : vector<16xi1> -> vector<16xi32>
            %slice3A_315 = vector.extract_strided_slice %all_reduce_ffs3A {offsets = [0], sizes = [1], strides = [1]} : vector<16xi32> to vector<1xi32>
            %squeeze3A_316 = vector.extract %slice3A_315[0] : i32 from vector<1xi32>
            %add3A_317 = arith.addi %while3A_311, %squeeze3A_316 : i32
            %min3A_318 = arith.minsi %add3A_317, %add3A_309 : i32
            %add3A_319 = arith.constant 1 : i32
            %add3A_320 = arith.addi %add3A_300, %add3A_319 : i32
            %max3A = arith.maxsi %min3A_318, %add3A_320 : i32
            %sub3A_321 = arith.subi %max3A, %sub3A_285 : i32
            %get3A_322 = arith.index_cast %add3A_300 : i32 to index
            %get3A_323 = arith.constant 0 : index
            %get3A_324 = tpu.vector_load %arg10[%get3A_322, %get3A_323] {strides = array<i32>} : memref<264x64xf32, #tpu.memory_space<vmem>>, vector<16xf32>,
            %get3A_325 = arith.index_cast %add3A_300 : i32 to index
            %get3A_326 = arith.constant 16 : index
            %get3A_327 = tpu.vector_load %arg10[%get3A_325, %get3A_326] {strides = array<i32>} : memref<264x64xf32, #tpu.memory_space<vmem>>, vector<16xf32>,
            %get3A_328 = arith.index_cast %add3A_300 : i32 to index
            %get3A_329 = arith.constant 32 : index
            %get3A_330 = tpu.vector_load %arg10[%get3A_328, %get3A_329] {strides = array<i32>} : memref<264x64xf32, #tpu.memory_space<vmem>>, vector<16xf32>,
            %get3A_331 = arith.index_cast %add3A_300 : i32 to index
            %get3A_332 = arith.constant 48 : index
            %get3A_333 = tpu.vector_load %arg10[%get3A_331, %get3A_332] {strides = array<i32>} : memref<264x64xf32, #tpu.memory_space<vmem>>, vector<16xf32>,
            %max3A_334 = arith.maximumf %while3A_295, %get3A_324 : vector<16xf32>
            %select_n3A_335 = arith.select %ne3A_305, %get3A_324, %max3A_334 : vector<16xf32>
            %max3A_336 = arith.maximumf %while3A_296, %get3A_327 : vector<16xf32>
            %select_n3A_337 = arith.select %ne3A_305, %get3A_327, %max3A_336 : vector<16xf32>
            %max3A_338 = arith.maximumf %while3A_297, %get3A_330 : vector<16xf32>
            %select_n3A_339 = arith.select %ne3A_305, %get3A_330, %max3A_338 : vector<16xf32>
            %max3A_340 = arith.maximumf %while3A_298, %get3A_333 : vector<16xf32>
            %select_n3A_341 = arith.select %ne3A_305, %get3A_333, %max3A_340 : vector<16xf32>
            %add3A_342 = arith.constant 1 : i32
            %add3A_343 = arith.addi %while3A_294, %add3A_342 : i32
            %while3A_344 = arith.subi %sub3A_321, %add3A_343 : i32
            %while3A_345 = arith.addi %add3A_343, %while3A_344 : i32
            %while3A_346 = arith.constant 1 : i32
            %while3A_347 = arith.divsi %while3A_344, %while3A_346 : i32
            %while3A_348 = arith.muli %while3A_347, %while3A_346 : i32
            %while3A_349 = arith.addi %add3A_343, %while3A_348 : i32
            %while3A_350 = arith.constant 1 : i32
            %while3A_351:4 = scf.for %while3A_354 = %add3A_343 to %while3A_349 step %while3A_350 iter_args(%while3A_355 = %select_n3A_335, %while3A_356 = %select_n3A_337, %while3A_357 = %select_n3A_339, %while3A_358 = %select_n3A_341) -> (vector<16xf32>, vector<16xf32>, vector<16xf32>, vector<16xf32>)  : i32 {
              %add3A_359 = arith.addi %sub3A_285, %while3A_354 : i32
              %get3A_360 = arith.index_cast %add3A_359 : i32 to index
              %get3A_361 = arith.constant 0 : index
              %get3A_362 = tpu.vector_load %arg10[%get3A_360, %get3A_361] {strides = array<i32>} : memref<264x64xf32, #tpu.memory_space<vmem>>, vector<16xf32>,
              %max3A_363 = arith.maximumf %while3A_355, %get3A_362 : vector<16xf32>
              %get3A_364 = arith.index_cast %add3A_359 : i32 to index
              %get3A_365 = arith.constant 16 : index
              %get3A_366 = tpu.vector_load %arg10[%get3A_364, %get3A_365] {strides = array<i32>} : memref<264x64xf32, #tpu.memory_space<vmem>>, vector<16xf32>,
              %max3A_367 = arith.maximumf %while3A_356, %get3A_366 : vector<16xf32>
              %get3A_368 = arith.index_cast %add3A_359 : i32 to index
              %get3A_369 = arith.constant 32 : index
              %get3A_370 = tpu.vector_load %arg10[%get3A_368, %get3A_369] {strides = array<i32>} : memref<264x64xf32, #tpu.memory_space<vmem>>, vector<16xf32>,
              %max3A_371 = arith.maximumf %while3A_357, %get3A_370 : vector<16xf32>
              %get3A_372 = arith.index_cast %add3A_359 : i32 to index
              %get3A_373 = arith.constant 48 : index
              %get3A_374 = tpu.vector_load %arg10[%get3A_372, %get3A_373] {strides = array<i32>} : memref<264x64xf32, #tpu.memory_space<vmem>>, vector<16xf32>,
              %max3A_375 = arith.maximumf %while3A_358, %get3A_374 : vector<16xf32>
              scf.yield %max3A_363, %max3A_367, %max3A_371, %max3A_375 : vector<16xf32>, vector<16xf32>, vector<16xf32>, vector<16xf32>
            }
            %while3A_352 = arith.constant 1 : i32
            %while3A_353:4 = scf.for %while3A_354 = %while3A_349 to %while3A_345 step %while3A_352 iter_args(%while3A_355 = %while3A_351#0, %while3A_356 = %while3A_351#1, %while3A_357 = %while3A_351#2, %while3A_358 = %while3A_351#3) -> (vector<16xf32>, vector<16xf32>, vector<16xf32>, vector<16xf32>)  : i32 {
              %add3A_359 = arith.addi %sub3A_285, %while3A_354 : i32
              %get3A_360 = arith.index_cast %add3A_359 : i32 to index
              %get3A_361 = arith.constant 0 : index
              %get3A_362 = tpu.vector_load %arg10[%get3A_360, %get3A_361] {strides = array<i32>} : memref<264x64xf32, #tpu.memory_space<vmem>>, vector<16xf32>,
              %max3A_363 = arith.maximumf %while3A_355, %get3A_362 : vector<16xf32>
              %get3A_364 = arith.index_cast %add3A_359 : i32 to index
              %get3A_365 = arith.constant 16 : index
              %get3A_366 = tpu.vector_load %arg10[%get3A_364, %get3A_365] {strides = array<i32>} : memref<264x64xf32, #tpu.memory_space<vmem>>, vector<16xf32>,
              %max3A_367 = arith.maximumf %while3A_356, %get3A_366 : vector<16xf32>
              %get3A_368 = arith.index_cast %add3A_359 : i32 to index
              %get3A_369 = arith.constant 32 : index
              %get3A_370 = tpu.vector_load %arg10[%get3A_368, %get3A_369] {strides = array<i32>} : memref<264x64xf32, #tpu.memory_space<vmem>>, vector<16xf32>,
              %max3A_371 = arith.maximumf %while3A_357, %get3A_370 : vector<16xf32>
              %get3A_372 = arith.index_cast %add3A_359 : i32 to index
              %get3A_373 = arith.constant 48 : index
              %get3A_374 = tpu.vector_load %arg10[%get3A_372, %get3A_373] {strides = array<i32>} : memref<264x64xf32, #tpu.memory_space<vmem>>, vector<16xf32>,
              %max3A_375 = arith.maximumf %while3A_358, %get3A_374 : vector<16xf32>
              scf.yield %max3A_363, %max3A_367, %max3A_371, %max3A_375 : vector<16xf32>, vector<16xf32>, vector<16xf32>, vector<16xf32>
            }
            scf.yield %sub3A_321, %while3A_353#0, %while3A_353#1, %while3A_353#2, %while3A_353#3, %squeeze3A_304 : i32, vector<16xf32>, vector<16xf32>, vector<16xf32>, vector<16xf32>, i32
          }
          %add3A_287 = arith.constant 2 : i32
          %add3A_288 = arith.addi %add3A_207, %add3A_287 : i32
          %lt3A_289 = arith.cmpi slt, %add3A_288, %select_n3A_83 : i32
          %convert_element_type3A_290 = arith.extui %lt3A_289 : i1 to i32
          %cond3A_291 = arith.constant 0 : i32
          %cond3A_292 = arith.cmpi ne, %convert_element_type3A_290, %cond3A_291 : i32
          scf.if %cond3A_292 {
            %add3A_294 = arith.constant 2 : i32
            %add3A_295 = arith.addi %add3A_207, %add3A_294 : i32
            %mul3A_296 = arith.constant 256 : i32
            %mul3A_297 = arith.muli %add3A_295, %mul3A_296 : i32
            %add3A_298 = arith.addi %squeeze3A, %mul3A_297 : i32
            %jit3A_299 = arith.constant 8 : i32
            %div3A_300 = arith.divsi %add3A_298, %jit3A_299 : i32
            %sign3A_301 = arith.constant 0 : i32
            %sign3A_302 = arith.cmpi sgt, %add3A_298, %sign3A_301 : i32
            %sign3A_303 = arith.extui %sign3A_302 : i1 to i32
            %sign3A_304 = arith.constant 0 : i32
            %sign3A_305 = arith.cmpi slt, %add3A_298, %sign3A_304 : i32
            %sign3A_306 = arith.extui %sign3A_305 : i1 to i32
            %sign3A_307 = arith.subi %sign3A_303, %sign3A_306 : i32
            %sign3A_308 = arith.constant 0 : i32
            %sign3A_309 = arith.cmpi sgt, %jit3A_299, %sign3A_308 : i32
            %sign3A_310 = arith.extui %sign3A_309 : i1 to i32
            %sign3A_311 = arith.constant 0 : i32
            %sign3A_312 = arith.cmpi slt, %jit3A_299, %sign3A_311 : i32
            %sign3A_313 = arith.extui %sign3A_312 : i1 to i32
            %sign3A_314 = arith.subi %sign3A_310, %sign3A_313 : i32
            %ne3A_315 = arith.cmpi ne, %sign3A_307, %sign3A_314 : i32
            %rem3A_316 = arith.remsi %add3A_298, %jit3A_299 : i32
            %ne3A_317 = arith.constant 0 : i32
            %ne3A_318 = arith.cmpi ne, %rem3A_316, %ne3A_317 : i32
            %and3A_319 = arith.andi %ne3A_315, %ne3A_318 : i1
            %sub3A_320 = arith.constant 1 : i32
            %sub3A_321 = arith.subi %div3A_300, %sub3A_320 : i32
            %select_n3A_322 = arith.select %and3A_319, %sub3A_321, %div3A_300 : i32
            %mul3A_323 = arith.constant 8 : i32
            %mul3A_324 = arith.muli %select_n3A_322, %mul3A_323 : i32
            %multiple_of3A_325 = tpu.assume_multiple %mul3A_324, 8 : i32
            %dma_start3A_326 = arith.constant 0 : i32
            %dma_start3A_327 = tpu.memref_slice %arg2[%multiple_of3A_325, %dma_start3A_326] : memref<320256x64xf32, #tpu.memory_space<hbm>> -> memref<264x64xf32, #tpu.memory_space<hbm>>
            %dma_start3A_328 = arith.constant 0 : i32
            %dma_start3A_329 = tpu.memref_slice %arg2[%multiple_of3A_325, %dma_start3A_328] : memref<320256x64xf32, #tpu.memory_space<hbm>> -> memref<264x64xf32, #tpu.memory_space<hbm>>
            tpu.enqueue_dma source(%dma_start3A_329 : memref<264x64xf32, #tpu.memory_space<hbm>>) target(%arg10 : memref<264x64xf32, #tpu.memory_space<vmem>>) target_semaphore(%arg13 : memref<!tpu.dma_semaphore, #tpu.memory_space<semaphore_mem>>)
            %dma_start3A_330 = arith.constant 0 : i32
            %dma_start3A_331 = tpu.memref_slice %arg8[%dma_start3A_330] : memref<296xi32, #tpu.memory_space<vmem>> -> memref<264xi32, #tpu.memory_space<vmem>>
            %dma_start3A_332 = tpu.memref_slice %arg3[%multiple_of3A_325] : memref<320264xi32, #tpu.memory_space<hbm>> -> memref<264xi32, #tpu.memory_space<hbm>>
            %dma_start3A_333 = arith.constant 0 : i32
            %dma_start3A_334 = tpu.memref_slice %arg8[%dma_start3A_333] : memref<296xi32, #tpu.memory_space<vmem>> -> memref<264xi32, #tpu.memory_space<vmem>>
            %dma_start3A_335 = tpu.memref_slice %arg3[%multiple_of3A_325] : memref<320264xi32, #tpu.memory_space<hbm>> -> memref<264xi32, #tpu.memory_space<hbm>>
            tpu.enqueue_dma source(%dma_start3A_335 : memref<264xi32, #tpu.memory_space<hbm>>) target(%dma_start3A_334 : memref<264xi32, #tpu.memory_space<vmem>>) target_semaphore(%arg15 : memref<!tpu.dma_semaphore, #tpu.memory_space<semaphore_mem>>)
          } else {
          }
          %cond3A_293 = arith.constant 0 : i32
          scf.yield %cond3A_293, %while3A_286#1, %while3A_286#2, %while3A_286#3, %while3A_286#4, %while3A_286#5 : i32, vector<16xf32>, vector<16xf32>, vector<16xf32>, vector<16xf32>, i32
        } else {
          scf.yield %cond3A_203#0, %cond3A_203#1, %cond3A_203#2, %cond3A_203#3, %cond3A_203#4, %cond3A_203#5 : i32, vector<16xf32>, vector<16xf32>, vector<16xf32>, vector<16xf32>, i32
        }
        scf.yield %cond3A_212#0, %cond3A_212#1, %cond3A_212#2, %cond3A_212#3, %cond3A_212#4, %cond3A_212#5 : i32, vector<16xf32>, vector<16xf32>, vector<16xf32>, vector<16xf32>, i32
      }
      %sub3A_166 = arith.subi %while3A_165#5, %select_n3A : i32
      %mul3A_167 = arith.constant 64 : i32
      %mul3A_168 = arith.muli %sub3A_166, %mul3A_167 : i32
      %swap3A = arith.index_cast %mul3A_168 : i32 to index
      %swap3A_169 = tpu.vector_load %arg11[%swap3A] {strides = array<i32>} : memref<20288xf32, #tpu.memory_space<vmem>>, vector<16xf32>,
      tpu.vector_store %arg11[%swap3A], %while3A_165#1 {strides = array<i32>} : memref<20288xf32, #tpu.memory_space<vmem>>, vector<16xf32>,
      %add3A_170 = arith.constant 16 : i32
      %add3A_171 = arith.addi %mul3A_168, %add3A_170 : i32
      %swap3A_172 = arith.index_cast %add3A_171 : i32 to index
      %swap3A_173 = tpu.vector_load %arg11[%swap3A_172] {strides = array<i32>} : memref<20288xf32, #tpu.memory_space<vmem>>, vector<16xf32>,
      tpu.vector_store %arg11[%swap3A_172], %while3A_165#2 {strides = array<i32>} : memref<20288xf32, #tpu.memory_space<vmem>>, vector<16xf32>,
      %add3A_174 = arith.constant 32 : i32
      %add3A_175 = arith.addi %mul3A_168, %add3A_174 : i32
      %swap3A_176 = arith.index_cast %add3A_175 : i32 to index
      %swap3A_177 = tpu.vector_load %arg11[%swap3A_176] {strides = array<i32>} : memref<20288xf32, #tpu.memory_space<vmem>>, vector<16xf32>,
      tpu.vector_store %arg11[%swap3A_176], %while3A_165#3 {strides = array<i32>} : memref<20288xf32, #tpu.memory_space<vmem>>, vector<16xf32>,
      %add3A_178 = arith.constant 48 : i32
      %add3A_179 = arith.addi %mul3A_168, %add3A_178 : i32
      %swap3A_180 = arith.index_cast %add3A_179 : i32 to index
      %swap3A_181 = tpu.vector_load %arg11[%swap3A_180] {strides = array<i32>} : memref<20288xf32, #tpu.memory_space<vmem>>, vector<16xf32>,
      tpu.vector_store %arg11[%swap3A_180], %while3A_165#4 {strides = array<i32>} : memref<20288xf32, #tpu.memory_space<vmem>>, vector<16xf32>,
      %mul3A_182 = arith.constant 64 : i32
      %mul3A_183 = arith.muli %select_n3A, %mul3A_182 : i32
      "tpu.region"() ({
        %run_scoped3A = tpu.sem_alloc : memref<!tpu.dma_semaphore, #tpu.memory_space<semaphore_mem>>
        %dma_start3A_189 = arith.constant 0 : i32
        %dma_start3A_190 = tpu.memref_slice %arg11[%dma_start3A_189] : memref<20288xf32, #tpu.memory_space<vmem>> -> memref<19968xf32, #tpu.memory_space<vmem>>
        %dma_start3A_191 = tpu.memref_slice %arg5[%mul3A_183] : memref<641024xf32, #tpu.memory_space<hbm>> -> memref<19968xf32, #tpu.memory_space<hbm>>
        %dma_start3A_192 = tpu.memref_slice %arg5[%mul3A_183] : memref<641024xf32, #tpu.memory_space<hbm>> -> memref<19968xf32, #tpu.memory_space<hbm>>
        %dma_start3A_193 = arith.constant 0 : i32
        %dma_start3A_194 = tpu.memref_slice %arg11[%dma_start3A_193] : memref<20288xf32, #tpu.memory_space<vmem>> -> memref<19968xf32, #tpu.memory_space<vmem>>
        tpu.enqueue_dma source(%dma_start3A_194 : memref<19968xf32, #tpu.memory_space<vmem>>) target(%dma_start3A_192 : memref<19968xf32, #tpu.memory_space<hbm>>) target_semaphore(%run_scoped3A : memref<!tpu.dma_semaphore, #tpu.memory_space<semaphore_mem>>)
        %dma_wait3A = arith.constant 0 : i32
        %dma_wait3A_195 = tpu.memref_slice %arg11[%dma_wait3A] : memref<20288xf32, #tpu.memory_space<vmem>> -> memref<19968xf32, #tpu.memory_space<vmem>>
        %dma_wait3A_196 = tpu.memref_slice %arg5[%mul3A_183] : memref<641024xf32, #tpu.memory_space<hbm>> -> memref<19968xf32, #tpu.memory_space<hbm>>
        %dma_wait3A_197 = tpu.memref_slice %arg5[%mul3A_183] : memref<641024xf32, #tpu.memory_space<hbm>> -> memref<19968xf32, #tpu.memory_space<hbm>>
        %dma_wait3A_198 = arith.constant 0 : i32
        %dma_wait3A_199 = tpu.memref_slice %arg11[%dma_wait3A_198] : memref<20288xf32, #tpu.memory_space<vmem>> -> memref<19968xf32, #tpu.memory_space<vmem>>
        tpu.wait_dma2 semaphore(%run_scoped3A : memref<!tpu.dma_semaphore, #tpu.memory_space<semaphore_mem>>) src(%dma_wait3A_199 : memref<19968xf32, #tpu.memory_space<vmem>>) dst(%dma_wait3A_197 : memref<19968xf32, #tpu.memory_space<hbm>>)
        tpu.yield
      }) : () -> ()
      %gt3A_184 = arith.constant 312 : i32
      %gt3A_185 = arith.cmpi sgt, %sub3A_55, %gt3A_184 : i32
      %convert_element_type3A_186 = arith.extui %gt3A_185 : i1 to i32
      %cond3A_187 = arith.constant 0 : i32
      %cond3A_188 = arith.cmpi ne, %convert_element_type3A_186, %cond3A_187 : i32
      scf.if %cond3A_188 {
        %add3A_189 = arith.constant 312 : i32
        %add3A_190 = arith.addi %select_n3A, %add3A_189 : i32
        %mul3A_191 = arith.constant 64 : i32
        %mul3A_192 = arith.muli %add3A_190, %mul3A_191 : i32
        "tpu.region"() ({
          %run_scoped3A = tpu.sem_alloc : memref<!tpu.dma_semaphore, #tpu.memory_space<semaphore_mem>>
          %dma_start3A_193 = arith.constant 19968 : i32
          %dma_start3A_194 = tpu.memref_slice %arg11[%dma_start3A_193] : memref<20288xf32, #tpu.memory_space<vmem>> -> memref<64xf32, #tpu.memory_space<vmem>>
          %dma_start3A_195 = tpu.memref_slice %arg5[%mul3A_192] : memref<641024xf32, #tpu.memory_space<hbm>> -> memref<64xf32, #tpu.memory_space<hbm>>
          %dma_start3A_196 = tpu.memref_slice %arg5[%mul3A_192] : memref<641024xf32, #tpu.memory_space<hbm>> -> memref<64xf32, #tpu.memory_space<hbm>>
          %dma_start3A_197 = arith.constant 19968 : i32
          %dma_start3A_198 = tpu.memref_slice %arg11[%dma_start3A_197] : memref<20288xf32, #tpu.memory_space<vmem>> -> memref<64xf32, #tpu.memory_space<vmem>>
          tpu.enqueue_dma source(%dma_start3A_198 : memref<64xf32, #tpu.memory_space<vmem>>) target(%dma_start3A_196 : memref<64xf32, #tpu.memory_space<hbm>>) target_semaphore(%run_scoped3A : memref<!tpu.dma_semaphore, #tpu.memory_space<semaphore_mem>>)
          %dma_wait3A = arith.constant 19968 : i32
          %dma_wait3A_199 = tpu.memref_slice %arg11[%dma_wait3A] : memref<20288xf32, #tpu.memory_space<vmem>> -> memref<64xf32, #tpu.memory_space<vmem>>
          %dma_wait3A_200 = tpu.memref_slice %arg5[%mul3A_192] : memref<641024xf32, #tpu.memory_space<hbm>> -> memref<64xf32, #tpu.memory_space<hbm>>
          %dma_wait3A_201 = tpu.memref_slice %arg5[%mul3A_192] : memref<641024xf32, #tpu.memory_space<hbm>> -> memref<64xf32, #tpu.memory_space<hbm>>
          %dma_wait3A_202 = arith.constant 19968 : i32
          %dma_wait3A_203 = tpu.memref_slice %arg11[%dma_wait3A_202] : memref<20288xf32, #tpu.memory_space<vmem>> -> memref<64xf32, #tpu.memory_space<vmem>>
          tpu.wait_dma2 semaphore(%run_scoped3A : memref<!tpu.dma_semaphore, #tpu.memory_space<semaphore_mem>>) src(%dma_wait3A_203 : memref<64xf32, #tpu.memory_space<vmem>>) dst(%dma_wait3A_201 : memref<64xf32, #tpu.memory_space<hbm>>)
          tpu.yield
        }) : () -> ()
      } else {
      }
    } else {
    }
    return
  }
}

module attributes {stable_mosaic.version = 14 : i64} {
  func.func @_mm_stats_body(%arg0: i32, %arg1: memref<6400x128xf32, #tpu.memory_space<vmem>>, %arg2: memref<1x1x6400xi32, #tpu.memory_space<vmem>>, %arg3: memref<64x128xf32, #tpu.memory_space<vmem>>, %arg4: memref<6400x64xbf16, #tpu.memory_space<vmem>>, %arg5: memref<8x64xf32, #tpu.memory_space<vmem>>, %arg6: memref<64x1xi32, #tpu.memory_space<vmem>>, %arg7: memref<64x6400xi32, #tpu.memory_space<vmem>>) attributes {dimension_semantics = [#tpu.dimension_semantics<arbitrary>], iteration_bounds = array<i64: 50>, scalar_prefetch = 0 : i64, scratch_operands = 1 : i64, tpu.core_type = #tpu.core_type<tc>, window_params = [{transform_indices = @transform_0, window_bounds = array<i64: 6400, 128>}, {transform_indices = @transform_1, window_bounds = array<i64: 1, 1, 6400>}, {pipeline_mode = #tpu.pipeline_mode<synchronous>, transform_indices = @transform_2, window_bounds = array<i64: 64, 128>}, {transform_indices = @transform_3, window_bounds = array<i64: 6400, 64>}, {pipeline_mode = #tpu.pipeline_mode<synchronous>, transform_indices = @transform_4, window_bounds = array<i64: 8, 64>}, {pipeline_mode = #tpu.pipeline_mode<synchronous>, transform_indices = @transform_5, window_bounds = array<i64: 64, 1>}]} {
    %eq3A = arith.constant 0 : i32
    %eq3A_0 = arith.cmpi eq, %arg0, %eq3A : i32
    %convert_element_type3A = arith.extui %eq3A_0 : i1 to i32
    %cond3A = arith.constant 0 : i32
    %cond3A_1 = arith.cmpi ne, %convert_element_type3A, %cond3A : i32
    scf.if %cond3A_1 {
      %broadcast_in_dim3A_78 = arith.constant 0.000000e+00 : f32
      %broadcast_in_dim3A_79 = vector.broadcast %broadcast_in_dim3A_78 : f32 to vector<8x64xf32>
      %swap3A_80 = arith.constant 0 : index
      %swap3A_81 = arith.constant 0 : index
      %swap3A_82 = vector.load %arg5[%swap3A_80, %swap3A_81] : memref<8x64xf32, #tpu.memory_space<vmem>>, vector<8x64xf32>
      tpu.vector_store %arg5[%swap3A_80, %swap3A_81], %broadcast_in_dim3A_79 {strides = array<i32>} : memref<8x64xf32, #tpu.memory_space<vmem>>, vector<8x64xf32>,
      %broadcast_in_dim3A_83 = arith.constant 0 : i32
      %broadcast_in_dim3A_84 = vector.broadcast %broadcast_in_dim3A_83 : i32 to vector<64x6400xi32>
      %swap3A_85 = arith.constant 0 : index
      %swap3A_86 = arith.constant 0 : index
      %swap3A_87 = vector.load %arg7[%swap3A_85, %swap3A_86] : memref<64x6400xi32, #tpu.memory_space<vmem>>, vector<64x6400xi32>
      tpu.vector_store %arg7[%swap3A_85, %swap3A_86], %broadcast_in_dim3A_84 {strides = array<i32>} : memref<64x6400xi32, #tpu.memory_space<vmem>>, vector<64x6400xi32>,
    } else {
    }
    %get3A = arith.constant 0 : index
    %get3A_2 = arith.constant 0 : index
    %get3A_3 = vector.load %arg1[%get3A, %get3A_2] : memref<6400x128xf32, #tpu.memory_space<vmem>>, vector<6400x128xf32>
    %get3A_4 = arith.constant 0 : index
    %get3A_5 = arith.constant 0 : index
    %get3A_6 = vector.load %arg3[%get3A_4, %get3A_5] : memref<64x128xf32, #tpu.memory_space<vmem>>, vector<64x128xf32>
    %dot_general3A = arith.constant dense<0.000000e+00> : vector<6400x64xf32>
    %dot_general3A_7 = tpu.matmul %get3A_3, %get3A_6, %dot_general3A {dimension_numbers = #tpu.dot_dimension_numbers<[1], [1], [0], [0], [0, 0, 1, 0], [], []>, transpose_lhs_hint = false} : vector<6400x128xf32>, vector<64x128xf32>, vector<6400x64xf32> -> vector<6400x64xf32>
    %convert_element_type3A_8 = arith.truncf %dot_general3A_7 : vector<6400x64xf32> to vector<6400x64xbf16>
    %swap3A = arith.constant 0 : index
    %swap3A_9 = arith.constant 0 : index
    %swap3A_10 = vector.load %arg4[%swap3A, %swap3A_9] : memref<6400x64xbf16, #tpu.memory_space<vmem>>, vector<6400x64xbf16>
    tpu.vector_store %arg4[%swap3A, %swap3A_9], %convert_element_type3A_8 {strides = array<i32>} : memref<6400x64xbf16, #tpu.memory_space<vmem>>, vector<6400x64xbf16>,
    %reduce_sum3A = arith.constant dense<0.000000e+00> : vector<64xf32>
    %reduce_sum3A_11 = vector.multi_reduction <add>, %dot_general3A_7, %reduce_sum3A [0] : vector<6400x64xf32> to vector<64xf32>
    %broadcast_in_dim3A = vector.shape_cast %reduce_sum3A_11 : vector<64xf32> to vector<1x64xf32>
    %mul3A = arith.mulf %dot_general3A_7, %dot_general3A_7 : vector<6400x64xf32>
    %reduce_sum3A_12 = arith.constant dense<0.000000e+00> : vector<64xf32>
    %reduce_sum3A_13 = vector.multi_reduction <add>, %mul3A, %reduce_sum3A_12 [0] : vector<6400x64xf32> to vector<64xf32>
    %broadcast_in_dim3A_14 = vector.shape_cast %reduce_sum3A_13 : vector<64xf32> to vector<1x64xf32>
    %get3A_15 = arith.constant 0 : index
    %get3A_16 = arith.constant 0 : index
    %get3A_17 = vector.load %arg5[%get3A_15, %get3A_16] : memref<8x64xf32, #tpu.memory_space<vmem>>, vector<1x64xf32>
    %add3A = arith.addf %get3A_17, %broadcast_in_dim3A : vector<1x64xf32>
    %swap3A_18 = arith.constant 0 : index
    %swap3A_19 = arith.constant 0 : index
    %swap3A_20 = vector.load %arg5[%swap3A_18, %swap3A_19] : memref<8x64xf32, #tpu.memory_space<vmem>>, vector<1x64xf32>
    tpu.vector_store %arg5[%swap3A_18, %swap3A_19], %add3A {strides = array<i32>} : memref<8x64xf32, #tpu.memory_space<vmem>>, vector<1x64xf32>,
    %get3A_21 = arith.constant 1 : index
    %get3A_22 = arith.constant 0 : index
    %get3A_23 = vector.load %arg5[%get3A_21, %get3A_22] : memref<8x64xf32, #tpu.memory_space<vmem>>, vector<1x64xf32>
    %add3A_24 = arith.addf %get3A_23, %broadcast_in_dim3A_14 : vector<1x64xf32>
    %swap3A_25 = arith.constant 1 : index
    %swap3A_26 = arith.constant 0 : index
    %swap3A_27 = vector.load %arg5[%swap3A_25, %swap3A_26] : memref<8x64xf32, #tpu.memory_space<vmem>>, vector<1x64xf32>
    tpu.vector_store %arg5[%swap3A_25, %swap3A_26], %add3A_24 {strides = array<i32>} : memref<8x64xf32, #tpu.memory_space<vmem>>, vector<1x64xf32>,
    %get3A_28 = arith.constant 0 : index
    %get3A_29 = arith.constant 0 : index
    %get3A_30 = arith.constant 0 : index
    %get3A_31 = vector.load %arg2[%get3A_28, %get3A_29, %get3A_30] : memref<1x1x6400xi32, #tpu.memory_space<vmem>>, vector<1x1x6400xi32>
    %get3A_32 = vector.shape_cast %get3A_31 : vector<1x1x6400xi32> to vector<6400xi32>
    %iota3A = tpu.iota {dimensions = array<i32: 0>} : vector<64x1xi32>
    %add3A_33 = arith.constant 1 : i32
    %add3A_34 = vector.broadcast %add3A_33 : i32 to vector<64x1xi32>
    %add3A_35 = arith.addi %iota3A, %add3A_34 : vector<64x1xi32>
    %mul3A_36 = arith.constant 10000 : i32
    %mul3A_37 = vector.broadcast %mul3A_36 : i32 to vector<64x1xi32>
    %mul3A_38 = arith.muli %add3A_35, %mul3A_37 : vector<64x1xi32>
    %jit3A = arith.constant 32 : i32
    %div3A = vector.broadcast %jit3A : i32 to vector<64x1xi32>
    %div3A_39 = arith.divsi %mul3A_38, %div3A : vector<64x1xi32>
    %sign3A = arith.constant 0 : i32
    %sign3A_40 = vector.broadcast %sign3A : i32 to vector<64x1xi32>
    %sign3A_41 = arith.cmpi sgt, %mul3A_38, %sign3A_40 : vector<64x1xi32>
    %sign3A_42 = arith.extui %sign3A_41 : vector<64x1xi1> to vector<64x1xi32>
    %sign3A_43 = arith.constant 0 : i32
    %sign3A_44 = vector.broadcast %sign3A_43 : i32 to vector<64x1xi32>
    %sign3A_45 = arith.cmpi slt, %mul3A_38, %sign3A_44 : vector<64x1xi32>
    %sign3A_46 = arith.extui %sign3A_45 : vector<64x1xi1> to vector<64x1xi32>
    %sign3A_47 = arith.subi %sign3A_42, %sign3A_46 : vector<64x1xi32>
    %sign3A_48 = arith.constant 0 : i32
    %sign3A_49 = arith.cmpi sgt, %jit3A, %sign3A_48 : i32
    %sign3A_50 = arith.extui %sign3A_49 : i1 to i32
    %sign3A_51 = arith.constant 0 : i32
    %sign3A_52 = arith.cmpi slt, %jit3A, %sign3A_51 : i32
    %sign3A_53 = arith.extui %sign3A_52 : i1 to i32
    %sign3A_54 = arith.subi %sign3A_50, %sign3A_53 : i32
    %ne3A = vector.broadcast %sign3A_54 : i32 to vector<64x1xi32>
    %ne3A_55 = arith.cmpi ne, %sign3A_47, %ne3A : vector<64x1xi32>
    %rem3A = vector.broadcast %jit3A : i32 to vector<64x1xi32>
    %rem3A_56 = arith.remsi %mul3A_38, %rem3A : vector<64x1xi32>
    %ne3A_57 = arith.constant 0 : i32
    %ne3A_58 = vector.broadcast %ne3A_57 : i32 to vector<64x1xi32>
    %ne3A_59 = arith.cmpi ne, %rem3A_56, %ne3A_58 : vector<64x1xi32>
    %and3A = arith.andi %ne3A_55, %ne3A_59 : vector<64x1xi1>
    %sub3A = arith.constant 1 : i32
    %sub3A_60 = vector.broadcast %sub3A : i32 to vector<64x1xi32>
    %sub3A_61 = arith.subi %div3A_39, %sub3A_60 : vector<64x1xi32>
    %select_n3A = arith.select %and3A, %sub3A_61, %div3A_39 : vector<64x1xi1>, vector<64x1xi32>
    %get3A_62 = arith.constant 0 : index
    %get3A_63 = arith.constant 0 : index
    %get3A_64 = vector.load %arg7[%get3A_62, %get3A_63] : memref<64x6400xi32, #tpu.memory_space<vmem>>, vector<64x6400xi32>
    %broadcast_in_dim3A_65 = vector.shape_cast %get3A_32 : vector<6400xi32> to vector<1x6400xi32>
    %lt3A = vector.broadcast %broadcast_in_dim3A_65 : vector<1x6400xi32> to vector<64x6400xi32>
    %lt3A_66 = vector.broadcast %select_n3A : vector<64x1xi32> to vector<64x6400xi32>
    %lt3A_67 = arith.cmpi slt, %lt3A, %lt3A_66 : vector<64x6400xi32>
    %convert_element_type3A_68 = arith.extui %lt3A_67 : vector<64x6400xi1> to vector<64x6400xi32>
    %add3A_69 = arith.addi %get3A_64, %convert_element_type3A_68 : vector<64x6400xi32>
    %swap3A_70 = arith.constant 0 : index
    %swap3A_71 = arith.constant 0 : index
    %swap3A_72 = vector.load %arg7[%swap3A_70, %swap3A_71] : memref<64x6400xi32, #tpu.memory_space<vmem>>, vector<64x6400xi32>
    tpu.vector_store %arg7[%swap3A_70, %swap3A_71], %add3A_69 {strides = array<i32>} : memref<64x6400xi32, #tpu.memory_space<vmem>>, vector<64x6400xi32>,
    %eq3A_73 = arith.constant 49 : i32
    %eq3A_74 = arith.cmpi eq, %arg0, %eq3A_73 : i32
    %convert_element_type3A_75 = arith.extui %eq3A_74 : i1 to i32
    %cond3A_76 = arith.constant 0 : i32
    %cond3A_77 = arith.cmpi ne, %convert_element_type3A_75, %cond3A_76 : i32
    scf.if %cond3A_77 {
      %get3A_78 = arith.constant 0 : index
      %get3A_79 = arith.constant 0 : index
      %get3A_80 = vector.load %arg7[%get3A_78, %get3A_79] : memref<64x6400xi32, #tpu.memory_space<vmem>>, vector<64x6400xi32>
      %reduce_sum3A_81 = arith.constant dense<0> : vector<64xi32>
      %reduce_sum3A_82 = vector.multi_reduction <add>, %get3A_80, %reduce_sum3A_81 [1] : vector<64x6400xi32> to vector<64xi32>
      %broadcast_in_dim3A_83 = vector.shape_cast %reduce_sum3A_82 : vector<64xi32> to vector<64x1xi32>
      %swap3A_84 = arith.constant 0 : index
      %swap3A_85 = arith.constant 0 : index
      %swap3A_86 = vector.load %arg6[%swap3A_84, %swap3A_85] : memref<64x1xi32, #tpu.memory_space<vmem>>, vector<64x1xi32>
      tpu.vector_store %arg6[%swap3A_84, %swap3A_85], %broadcast_in_dim3A_83 {strides = array<i32>} : memref<64x1xi32, #tpu.memory_space<vmem>>, vector<64x1xi32>,
    } else {
    }
    return
  }
  func.func @transform_0(%arg0: i32) -> (i32, i32) {
    %c0_i32 = arith.constant 0 : i32
    %c0_i32_0 = arith.constant 0 : i32
    return %arg0, %c0_i32 : i32, i32
  }
  func.func @transform_1(%arg0: i32) -> (i32, i32, i32) {
    %c0_i32 = arith.constant 0 : i32
    %c0_i32_0 = arith.constant 0 : i32
    %c0_i32_1 = arith.constant 0 : i32
    return %arg0, %c0_i32, %c0_i32_0 : i32, i32, i32
  }
  func.func @transform_2(%arg0: i32) -> (i32, i32) {
    %c0_i32 = arith.constant 0 : i32
    %c0_i32_0 = arith.constant 0 : i32
    %c0_i32_1 = arith.constant 0 : i32
    return %c0_i32, %c0_i32_0 : i32, i32
  }
  func.func @transform_3(%arg0: i32) -> (i32, i32) {
    %c0_i32 = arith.constant 0 : i32
    %c0_i32_0 = arith.constant 0 : i32
    return %arg0, %c0_i32 : i32, i32
  }
  func.func @transform_4(%arg0: i32) -> (i32, i32) {
    %c0_i32 = arith.constant 0 : i32
    %c0_i32_0 = arith.constant 0 : i32
    %c0_i32_1 = arith.constant 0 : i32
    return %c0_i32, %c0_i32_0 : i32, i32
  }
  func.func @transform_5(%arg0: i32) -> (i32, i32) {
    %c0_i32 = arith.constant 0 : i32
    %c0_i32_0 = arith.constant 0 : i32
    %c0_i32_1 = arith.constant 0 : i32
    return %c0_i32, %c0_i32_0 : i32, i32
  }
}

module attributes {stable_mosaic.version = 14 : i64} {
  func.func @_bn_swish_body(%arg0: i32, %arg1: memref<6400x64xbf16, #tpu.memory_space<vmem>>, %arg2: memref<8x64xf32, #tpu.memory_space<vmem>>, %arg3: memref<1x64xf32, #tpu.memory_space<vmem>>, %arg4: memref<1x64xf32, #tpu.memory_space<vmem>>, %arg5: memref<6400x64xf32, #tpu.memory_space<vmem>>) attributes {dimension_semantics = [#tpu.dimension_semantics<arbitrary>], iteration_bounds = array<i64: 50>, scalar_prefetch = 0 : i64, scratch_operands = 0 : i64, tpu.core_type = #tpu.core_type<tc>, window_params = [{transform_indices = @transform_0, window_bounds = array<i64: 6400, 64>}, {pipeline_mode = #tpu.pipeline_mode<synchronous>, transform_indices = @transform_1, window_bounds = array<i64: 8, 64>}, {pipeline_mode = #tpu.pipeline_mode<synchronous>, transform_indices = @transform_2, window_bounds = array<i64: 1, 64>}, {pipeline_mode = #tpu.pipeline_mode<synchronous>, transform_indices = @transform_3, window_bounds = array<i64: 1, 64>}, {transform_indices = @transform_4, window_bounds = array<i64: 6400, 64>}]} {
    %get3A = arith.constant 0 : index
    %get3A_0 = arith.constant 0 : index
    %get3A_1 = vector.load %arg2[%get3A, %get3A_0] : memref<8x64xf32, #tpu.memory_space<vmem>>, vector<1x64xf32>
    %div3A = arith.constant 3.200000e+05 : f32
    %div3A_2 = vector.broadcast %div3A : f32 to vector<1x64xf32>
    %div3A_3 = arith.divf %get3A_1, %div3A_2 : vector<1x64xf32>
    %get3A_4 = arith.constant 1 : index
    %get3A_5 = arith.constant 0 : index
    %get3A_6 = vector.load %arg2[%get3A_4, %get3A_5] : memref<8x64xf32, #tpu.memory_space<vmem>>, vector<1x64xf32>
    %div3A_7 = arith.constant 3.200000e+05 : f32
    %div3A_8 = vector.broadcast %div3A_7 : f32 to vector<1x64xf32>
    %div3A_9 = arith.divf %get3A_6, %div3A_8 : vector<1x64xf32>
    %mul3A = arith.mulf %div3A_3, %div3A_3 : vector<1x64xf32>
    %sub3A = arith.subf %div3A_9, %mul3A : vector<1x64xf32>
    %add3A = arith.constant 1.000000e-03 : f32
    %add3A_10 = vector.broadcast %add3A : f32 to vector<1x64xf32>
    %add3A_11 = arith.addf %sub3A, %add3A_10 : vector<1x64xf32>
    %rsqrt3A = math.rsqrt %add3A_11 : vector<1x64xf32>
    %get3A_12 = arith.constant 0 : index
    %get3A_13 = arith.constant 0 : index
    %get3A_14 = vector.load %arg3[%get3A_12, %get3A_13] : memref<1x64xf32, #tpu.memory_space<vmem>>, vector<1x64xf32>
    %mul3A_15 = arith.mulf %get3A_14, %rsqrt3A : vector<1x64xf32>
    %get3A_16 = arith.constant 0 : index
    %get3A_17 = arith.constant 0 : index
    %get3A_18 = vector.load %arg4[%get3A_16, %get3A_17] : memref<1x64xf32, #tpu.memory_space<vmem>>, vector<1x64xf32>
    %mul3A_19 = arith.mulf %div3A_3, %mul3A_15 : vector<1x64xf32>
    %sub3A_20 = arith.subf %get3A_18, %mul3A_19 : vector<1x64xf32>
    %get3A_21 = arith.constant 0 : index
    %get3A_22 = arith.constant 0 : index
    %get3A_23 = vector.load %arg1[%get3A_21, %get3A_22] : memref<6400x64xbf16, #tpu.memory_space<vmem>>, vector<6400x64xbf16>
    %convert_element_type3A = arith.extf %get3A_23 : vector<6400x64xbf16> to vector<6400x64xf32>
    %mul3A_24 = vector.broadcast %mul3A_15 : vector<1x64xf32> to vector<6400x64xf32>
    %mul3A_25 = arith.mulf %convert_element_type3A, %mul3A_24 : vector<6400x64xf32>
    %add3A_26 = vector.broadcast %sub3A_20 : vector<1x64xf32> to vector<6400x64xf32>
    %add3A_27 = arith.addf %mul3A_25, %add3A_26 : vector<6400x64xf32>
    %neg3A = arith.constant 0.000000e+00 : f32
    %neg3A_28 = vector.broadcast %neg3A : f32 to vector<6400x64xf32>
    %neg3A_29 = arith.subf %neg3A_28, %add3A_27 : vector<6400x64xf32>
    %exp3A = math.exp %neg3A_29 : vector<6400x64xf32>
    %add3A_30 = arith.constant 1.000000e+00 : f32
    %add3A_31 = vector.broadcast %add3A_30 : f32 to vector<6400x64xf32>
    %add3A_32 = arith.addf %add3A_31, %exp3A : vector<6400x64xf32>
    %div3A_33 = arith.constant 1.000000e+00 : f32
    %div3A_34 = vector.broadcast %div3A_33 : f32 to vector<6400x64xf32>
    %div3A_35 = arith.divf %div3A_34, %add3A_32 : vector<6400x64xf32>
    %mul3A_36 = arith.mulf %add3A_27, %div3A_35 : vector<6400x64xf32>
    %swap3A = arith.constant 0 : index
    %swap3A_37 = arith.constant 0 : index
    %swap3A_38 = vector.load %arg5[%swap3A, %swap3A_37] : memref<6400x64xf32, #tpu.memory_space<vmem>>, vector<6400x64xf32>
    tpu.vector_store %arg5[%swap3A, %swap3A_37], %mul3A_36 {strides = array<i32>} : memref<6400x64xf32, #tpu.memory_space<vmem>>, vector<6400x64xf32>,
    return
  }
  func.func @transform_0(%arg0: i32) -> (i32, i32) {
    %c0_i32 = arith.constant 0 : i32
    %c0_i32_0 = arith.constant 0 : i32
    return %arg0, %c0_i32 : i32, i32
  }
  func.func @transform_1(%arg0: i32) -> (i32, i32) {
    %c0_i32 = arith.constant 0 : i32
    %c0_i32_0 = arith.constant 0 : i32
    %c0_i32_1 = arith.constant 0 : i32
    return %c0_i32, %c0_i32_0 : i32, i32
  }
  func.func @transform_2(%arg0: i32) -> (i32, i32) {
    %c0_i32 = arith.constant 0 : i32
    %c0_i32_0 = arith.constant 0 : i32
    %c0_i32_1 = arith.constant 0 : i32
    return %c0_i32, %c0_i32_0 : i32, i32
  }
  func.func @transform_3(%arg0: i32) -> (i32, i32) {
    %c0_i32 = arith.constant 0 : i32
    %c0_i32_0 = arith.constant 0 : i32
    %c0_i32_1 = arith.constant 0 : i32
    return %c0_i32, %c0_i32_0 : i32, i32
  }
  func.func @transform_4(%arg0: i32) -> (i32, i32) {
    %c0_i32 = arith.constant 0 : i32
    %c0_i32_0 = arith.constant 0 : i32
    return %arg0, %c0_i32 : i32, i32
  }
}

</mosaic_0001>

<sc_bundles>
// kernel: kernel.6.cloned.1.call-start
scs
__scs_entry_jumppad:
0x0: {  	(pc) =	sbr.rel $0x88, $3  }
0x1: {  	(tag) =	ssettag $0x0;
	lr =	simm.s32 $0x1  }
0x2: {  	[smem:$0x3F9C] =	sst lr;
	_ =	strace $0xD0000000  }
0x3: {  	_ = 	snop  }
0x4: {  	_ = 	snop  }
0x5: {  	_ = 	snop  }
0x6: {  	_ = 	snop  }
0x7: {  	_ = 	snop  }
__scs_overlays_trampoline_lowered:
0x8: {  	[smem:$0x3FAB] =	sst s0  }
0x9: {  	[smem:$0x3FAC] =	sst s1  }
0xa: {  	[smem:$0x3FAD] =	sst s2  }
0xb: {  	[smem:$0x3FAE] =	sst s3  }
0xc: {  	[smem:$0x3FAF] =	sst s4  }
0xd: {  	[smem:$0x3FB0] =	sst s5  }
0xe: {  	[smem:$0x3FB1] =	sst s6  }
0xf: {  	[smem:$0x3FB2] =	sst s7  }
0x10: {  	[smem:$0x3FB3] =	sst s8  }
0x11: {  	[smem:$0x3FB4] =	sst s9;
	s0 =	simm.s32 @!p0 $0x0  }
0x12: {  	s1 =	sld [smem:$0x3F9A];
	s0 =	simm.s32 @p0 $0x1  }
0x13: {  	[smem:$0x3FB5] =	sst s0;
	s0 =	simm.s32 @!p1 $0x0  }
0x14: {  	s2 =	sld [smem:$0x3F99];
	s0 =	simm.s32 @p1 $0x1  }
0x15: {  	[smem:$0x3FB6] =	sst s0;
	s0 =	simm.s32 @!p2 $0x0  }
0x16: {  	s3 =	sld [smem:$0x3FDB];
	s0 =	simm.s32 @p2 $0x1  }
0x17: {  	s4 =	simm.s32 $0x1BF5;
	[smem:$0x3FB8] =	sst s0  }
0x18: {  	s0 =	sld [smem:$0x3F9B];
	_ =	swait.ge [sflag:s4], $0x0  }
0x19: {  	s7 =	sld [smem:$0x3F9C]  }
0x1a: {  	s8 =	sadd.s32 $0xFFFFE003, lr  }
0x1b: {  	s9 =	sadd.s32 $0xFFFFFEF7, lr;
	s5 =	simm.s32 $0xFFFFFFFF;
	p2 =	slt.u32 s8, $0xFFFFF086  }
0x1c: {  	p1 =	slt.u32 s9, $0xF7A;
	s5 =	simm.s32 @!p2 $0x0  }
0x1d: {  	s5 =	simm.s32 @p1 $0x1;
	p0 =	seq.s32 s7, s2  }
0x1e: {  	s7 =	smul.u32 @!p0 $0xF7A, s2;
	p2 =	seq.s32 @!p0 s5, $0x0  }
0x1f: {  	s9 =	smul.u32 $0xF7A, s1;
	s8 =	simm.s32 @!p0 $0x1BF5;
	p2 =	por !p2, p0  }
0x20: {  	[sflag:s8] =	ssyncset.s32 @!p0 $0xFFFFF086;
	s6 =	sadd.s32 @!p0 s3, s7;
	s7 =	simm.s32 @!p0 $0x108  }
0x21: {  	s3 =	sadd.s32 s3, s9;
	s6 =	sadd.s32 @!p0 $0x88, s6;
	s7 =	simm.s32 @p2 $0x1082  }
0x22: {  	[simem:s7], [sflag:s8] =	dma.local @!p0 [hbm:s6], $0xF7A  }
0x23: {  	s9 =	sor.u32 $0xD0000000, s2;
	s6 =	simm.s32 $0x108;
	_ =	swait.ge @!p0 [sflag:s8], $0x0  }
0x24: {  	s3 =	sadd.s32 $0x88, s3;
	s6 =	simm.s32 @!p1 $0x1082;
	[sflag:s4] =	ssyncset.s32 $0xFFFFF086  }
0x25: {  	[simem:s6], [sflag:s4] =	dma.local [hbm:s3], $0xF7A  }
0x26: {  	[smem:$0x3F9C] =	sst s1;
	(tag) =	ssettag s2;
	_ =	strace s9  }
0x27: {  	s1 =	sld [smem:$0x3FAC]  }
0x28: {  	s2 =	sld [smem:$0x3FAD]  }
0x29: {  	s4 =	sld [smem:$0x3FAF]  }
0x2a: {  	p0 =	seq.s32 s5, $0x0;
	s5 =	sld [smem:$0x3FB0]  }
0x2b: {  	s6 =	sld [smem:$0x3FB1]  }
0x2c: {  	s7 =	sld [smem:$0x3FB2]  }
0x2d: {  	s3 =	simm.s32 $0x108;
	s8 =	sld [smem:$0x3FB3]  }
0x2e: {  	s3 =	simm.s32 @!p0 $0x1082;
	s9 =	sld [smem:$0x3FB4]  }
0x2f: {  	lr =	sadd.s32 s0, s3;
	s0 =	sld [smem:$0x3FAB]  }
0x30: {  	s3 =	sld [smem:$0x3FAE]  }
0x31: {  	[smem:$0x3FB7] =	sst s10  }
0x32: {  	s10 =	sld [smem:$0x3FB5];
	_ =	sdelay $0x3  }
0x33: {  	p0 =	seq.s32 s10, $0x1;
	s10 =	sld [smem:$0x3FB7];
	_ =	sdelay $0x3  }
0x34: {  	[smem:$0x3FB7] =	sst s10  }
0x35: {  	s10 =	sld [smem:$0x3FB6];
	_ =	sdelay $0x3  }
0x36: {  	p1 =	seq.s32 s10, $0x1;
	s10 =	sld [smem:$0x3FB7];
	_ =	sdelay $0x3  }
0x37: {  	[smem:$0x3FB7] =	sst s10  }
0x38: {  	s10 =	sld [smem:$0x3FB8]  }
0x39: {  	_ = 	snop;
	(pc) =	sbr.ind lr, $3  }
0x3a: {  	_ = 	snop  }
0x3b: {  	_ = 	snop  }
0x3c: {  	p2 =	seq.s32 s10, $0x1;
	s10 =	sld [smem:$0x3FB7]  }
0x3d: {  	_ =	shalt  }
0x3e: {  	_ =	shalt  }
0x3f: {  	_ =	shalt  }
0x40: {  	_ =	shalt  }
0x41: {  	_ =	shalt  }
0x42: {  	_ =	shalt  }
0x43: {  	_ =	shalt  }
0x44: {  	_ =	shalt  }
0x45: {  	_ =	shalt  }
0x46: {  	_ =	shalt  }
0x47: {  	_ =	shalt  }
0x48: {  	_ =	shalt  }
0x49: {  	_ =	shalt  }
0x4a: {  	_ =	shalt  }
0x4b: {  	_ =	shalt  }
0x4c: {  	_ =	shalt  }
0x4d: {  	_ =	shalt  }
0x4e: {  	_ =	shalt  }
0x4f: {  	_ =	shalt  }
0x50: {  	_ =	shalt  }
0x51: {  	_ =	shalt  }
0x52: {  	_ =	shalt  }
0x53: {  	_ =	shalt  }
0x54: {  	_ =	shalt  }
0x55: {  	_ =	shalt  }
0x56: {  	_ =	shalt  }
0x57: {  	_ =	shalt  }
0x58: {  	_ =	shalt  }
0x59: {  	_ =	shalt  }
0x5a: {  	_ =	shalt  }
0x5b: {  	_ =	shalt  }
0x5c: {  	_ =	shalt  }
0x5d: {  	_ =	shalt  }
0x5e: {  	_ =	shalt  }
0x5f: {  	_ =	shalt  }
0x60: {  	_ =	shalt  }
0x61: {  	_ =	shalt  }
0x62: {  	_ =	shalt  }
0x63: {  	_ =	shalt  }
0x64: {  	_ =	shalt  }
0x65: {  	_ =	shalt  }
0x66: {  	_ =	shalt  }
0x67: {  	_ =	shalt  }
0x68: {  	_ =	shalt  }
0x69: {  	_ =	shalt  }
0x6a: {  	_ =	shalt  }
0x6b: {  	_ =	shalt  }
0x6c: {  	_ =	shalt  }
0x6d: {  	_ =	shalt  }
0x6e: {  	_ =	shalt  }
0x6f: {  	_ =	shalt  }
0x70: {  	_ =	shalt  }
0x71: {  	_ =	shalt  }
0x72: {  	_ =	shalt  }
0x73: {  	_ =	shalt  }
0x74: {  	_ =	shalt  }
0x75: {  	_ =	shalt  }
0x76: {  	_ =	shalt  }
0x77: {  	_ =	shalt  }
0x78: {  	_ =	shalt  }
0x79: {  	_ =	shalt  }
0x7a: {  	_ =	shalt  }
0x7b: {  	_ =	shalt  }
0x7c: {  	_ =	shalt  }
0x7d: {  	_ =	shalt  }
0x7e: {  	_ =	shalt  }
0x7f: {  	_ =	shalt  }
0x80: {  	_ =	shalt  }
0x81: {  	_ =	shalt  }
0x82: {  	_ =	shalt  }
0x83: {  	_ =	shalt  }
0x84: {  	_ =	shalt  }
0x85: {  	_ =	shalt  }
0x86: {  	_ =	shalt  }
0x87: {  	_ =	shalt  }
.Lfunc_end0:
.L_simem_size_0:
called_computation_lowered:
.L_overlay_start_0:
0x88: {  	s2 =	sld [smem:$0x3FD9]  }
0x89: {  	s3 =	sld [smem:$0x3FFE];
	_ =	sdelay $0x1  }
0x8a: {  	s1 =	srdreg.scid  }
0x8b: {  	s0 =	sand.u32 $0x1, s1  }
0x8c: {  	s17 =	sshll.u32 s0, $0xA;
	s2 =	sadd.s32 s3, s2  }
0x8d: {  	s2 =	sadd.s32 s2, s17  }
0x8e: {  	[smem:$0x3FC3] =	sst s2  }
0x8f: {  	_ = 	snop  }
0x90: {  	s2 =	sld [smem:$0x3FD0];
	(tm) =	ssettm $0x1  }
0x91: {  	s18 =	sld [smem:$0x3FFB];
	_ =	sdelay $0x3  }
0x92: {  	_ =	strace s18  }
0x93: {  	s3 =	sld [smem:$0x3FFC];
	_ =	sdelay $0x3  }
0x94: {  	_ =	strace s3  }
0x95: {  	s3 =	sld [smem:$0x3FFD];
	_ =	sdelay $0x3  }
0x96: {  	_ =	strace s3  }
0x97: {  	_ =	strace $0x8FFFFFFF  }
0x98: {  	s19 =	sld [smem:$0x3FDB];
	_ =	sdelay $0x1  }
0x99: {  	s4 =	simm.s32 $_scs_section_size  }
0x9a: {  	s5 =	simm.s32 $_size__tile_overlayer_lowered;
	s6 =	simm.s32 $_tile_overlayer_lowered  }
0x9b: {  	s22 =	simm.s32 $0x1BFF;
	s21 =	sshll.u32 s6, $0x1;
	s3 =	sadd.s32 s4, s19  }
0x9c: {  	s7 =	simm.s32 $0x0;
	s20 =	sshll.u32 s5, $0x1;
	s5 =	sadd.s32 s21, s3  }
0x9d: {  	[timem:s7], [sflag:s22] =	dma.local [hbm:s5], s20  }
0x9e: {  	_ =	swait.ge [sflag:s22], s20  }
0x9f: {  	s4 =	ssub.s32 $0x0, s20;
	[sflag:s22] =	ssyncset.done $0x0  }
0xa0: {  	[sflag:s22] =	ssyncadd.s32 s4;
	_ =	sdelay $0x1  }
0xa1: {  	s23 =	simm.s32 $0x1B8B  }
0xa2: {  	_ =	swait.ge [sflag:s23], $0x1  }
0xa3: {  	[sflag:s23] =	ssyncset.done $0x0  }
0xa4: {  	s25 =	simm.s32 $0x1B8E;
	s24 =	sld [smem:$0x3FFE];
	[sflag:s23] =	ssyncadd.s32 $0xFFFFFFFF  }
0xa5: {  	s26 =	simm.s32 $execute0_lowered;
	[smem:$0x3FD2] =	sst s25  }
0xa6: {  	s5 =	sshll.u32 s26, $0x1;
	_ =	strace $0x80000046;
	[dreg:$0x1] =	wrdreg $0xFFFFFFFF  }
0xa7: {  	s28 =	simm.s32 $_size_execute0_lowered;
	s3 =	sadd.s32 s3, s5;
	[dreg:$0x0] =	wrdreg $0x0  }
0xa8: {  	s5 =	sshll.u32 s28, $0x1;
	[dreg:$0x2] =	wrdreg s3  }
0xa9: {  	[dreg:$0x3] =	wrdreg s5  }
0xaa: {  	[dreg:$0x4] =	wrdreg $0xC0  }
0xab: {  	_ =	task [dreg:s7], $0x5FFFF  }
0xac: {  	[dreg:$0x1] =	wrdreg $0xFFFFFFFF  }
0xad: {  	[dreg:$0x0] =	wrdreg $0x60  }
0xae: {  	[dreg:$0x2] =	wrdreg s24  }
0xaf: {  	[dreg:$0x3] =	wrdreg s2  }
0xb0: {  	[dreg:$0x4] =	wrdreg $0x9  }
0xb1: {  	_ =	task.clear_ibuf [dreg:s7], $0x5FFFF;
	_ =	strace $0x90000046  }
0xb2: {  	s29 =	simm.s32 $0x9;
	_ =	strace $0x80000048  }
0xb3: {  	_ =	swait.ge [sflag:s29], $0x1  }
0xb4: {  	[sflag:s29] =	ssyncadd.s32 $0xFFFFFFFF  }
0xb5: {  	_ =	strace $0x90000048  }
0xb6: {  	_ =	sfence  }
0xb7: {  	s30 =	sld [smem:$0x0];
	_ =	sdelay $0x2  }
0xb8: {  	s31 =	sshll.u32 s1, $0xD;
	s1 =	sshrl.u32 s1, $0x2  }
0xb9: {  	s3 =	sand.u32 $0x4000, s31;
	s1 =	sadd.s32 s1, s30  }
0xba: {  	s0 =	sor.u32 s3, s0;
	s1 =	sshll.u32 s1, $0x11  }
0xbb: {  	s0 =	sor.u32 s1, s0  }
0xbc: {  	s0 =	sadd.s32 $0x8F2B, s0  }
0xbd: {  	[sflag:s0] =	ssyncadd.remote.s32 $0x1  }
0xbe: {  	_ =	sfence.sel $0xFFFF  }
0xbf: {  	[dreg:$0x0] =	wrdreg $0xFFFFFFFF;
	(pc) =	sbr.abs _section_cstart, $3  }
0xc0: {  	[dreg:$0x1] =	wrdreg $0xFFFFFFFF  }
0xc1: {  	_ =	task.clear_ibuf [dreg:s7], $0x2FFFF;
	_ =	strace $0x9FFFFFFF  }
0xc2: {  	(tm) =	ssettm $0x7FFFFFFF  }
0xc3: {  	_ =	shalt  }
tec
execute0_lowered:
.L_overlay_start_1:
0x0: {  	(tag) =	ssettag $0x1  }
0x1: {  	s0 =	srdreg.scid  }
0x2: {  	s1 =	rddreg [dreg:$0x0];
	s3 =	stileid.u32  }
0x3: {  	s8 =	simm.s32 $0x0;
	s12 =	simm.s32 $0x1;
	s2 =	sand.u32 $0x1, s0  }
0x4: {  	s15 =	simm.s32 $0x3;
	s16 =	simm.s32 $0x2;
	s0 =	sshll.u32 s2, $0x4  }
0x5: {  	s17 =	simm.s32 $0x4;
	[smem:$0x7FF] =	sst s8;
	s0 =	sor.u32 s3, s0  }
0x6: {  	s5 =	sadd.s32 $0xA800, s1;
	s2 =	ssub.s32 $0x2, s2;
	s3 =	smul.u32 $0x2710, s0  }
0x7: {  	s6 =	sadd.s32 $0xA00, s1;
	s29 =	sshrl.u32 s2, $0x1;
	[dreg:$0x3] =	wrdreg s0  }
0x8: {  	s2 =	ssub.s32 s2, s29;
	_ =	strace $0x80000047;
	s0 =	sshrl.u32 s3, $0x5  }
.Ltmp0:
0x9: {  	s31 =	smax.u32 s2, $0x1;
	s4 =	sshll.u32 s0, $0x3;
	(pc) =	sbr.rel .LBB2_1-.Ltmp0, $4  }
0xa: {  	s2 =	simm.s32 $0x0;
	s3 =	sadd.s32 $0x2710, s3;
	s1 =	sadd.s32 s4, s1  }
0xb: {  	[dreg:$0x6] =	wrdreg s31;
	s3 =	sshrl.u32 s3, $0x5;
	s30 =	sadd.s32 $0x4EDA00, s1  }
0xc: {  	s3 =	ssub.s32 s3, s0;
	s1 =	sadd.s32 $0x4EE3C0, s1;
	[dreg:$0x4] =	wrdreg s30  }
0xd: {  	s4 =	simm.s32 $0x5;
	p0 =	slt.s32 s3, $0x139;
	[dreg:$0x5] =	wrdreg s1  }
.LBB2_3:
0xe: {  	v1 =	vimm.f32 $-Inf  }
0xf: {  	v3 =	vimm.f32 $-Inf;
	v2 =	vimm.f32 $-Inf;
	v0 =	vimm.f32 $-Inf;
	s7 =	smov.u32 s0  }
.LBB2_28:
0x10: {  	s1 =	ssub.s32 s7, s0  }
0x11: {  	s1 =	sshll.u32 s1, $0x8  }
0x12: {  	s1 =	sshra.s32 s1, $0x2  }
0x13: {  	[tilespmem:s1+$0x10B80] =	vst v1  }
0x14: {  	[tilespmem:s1+$0x10B90] =	vst v3  }
0x15: {  	s8 =	simm.s32 $0x0;
	[tilespmem:s1+$0x10BA0] =	vst v2  }
0x16: {  	s31 =	rddreg [dreg:$0x4];
	s2 =	simm.s32 $0x10B80;
	s4 =	simm.s32 $0x5;
	[tilespmem:s1+$0x10BB0] =	vst v0  }
0x17: {  	[hbm4b:s31+s8] =	stream.linear.scatter [tilespmem:s2], [sflag:$0x5], $0x4E00, $0x38;
	[tilespmem:$0x15B00] =	vst v63  }
0x18: {  	_ =	swait.ge [sflag:s4], $0x4E00  }
0x19: {  	s1 =	simm.s32 @!p0 $0x0;
	[sflag:s4] =	ssyncset.done $0x0  }
0x1a: {  	s2 =	simm.s32 @!p0 $0x15980;
	s3 =	rddreg [dreg:$0x5];
	[sflag:s4] =	ssyncadd.s32 $0xFFFFB200  }
0x1b: {  	[hbm4b:s3+s1] =	stream.linear.scatter @!p0 [tilespmem:s2], [sflag:$0x5], $0x40, $0x38;
	[tilespmem:$0x15B00] =	vst v63  }
0x1c: {  	s1 =	simm.s32 @!p0 $0x5  }
0x1d: {  	_ =	swait.ge @!p0 [sflag:s1], $0x40  }
0x1e: {  	[sflag:s1] =	ssyncset.done @!p0 $0x0  }
0x1f: {  	s2 =	rddreg [dreg:$0x7];
	[sflag:s1] =	ssyncadd.s32 @!p0 $0xFFFFFFC0  }
.LBB2_29:
0x20: {  	s2 =	sadd.s32 $0x1, s2;
	s1 =	rddreg [dreg:$0x6]  }
0x21: {  	p1 =	sne.s32 s2, s1  }
.Ltmp1:
0x22: {  	_ = 	snop;
	(pc) =	sbr.rel @!p1 .LBB2_30-.Ltmp1, $1  }
0x23: {  	_ =	sdelay $0x3  }
.LBB2_1:
0x24: {  	s1 =	rddreg [dreg:$0x1]  }
0x25: {  	[tilespmem:s8], [sflag:$0x5] =	stream.linear.gather [hbm4b:s1+s8], $0x28, $0x38;
	[tilespmem:$0x15B00] =	vst v63  }
0x26: {  	_ =	swait.ge [sflag:s4], $0x28  }
0x27: {  	[sflag:s4] =	ssyncset.done $0x0  }
0x28: {  	s30 =	rddreg [dreg:$0x3];
	[sflag:s4] =	ssyncadd.s32 $0xFFFFFFD8  }
0x29: {  	v0 =	vld [tilespmem:s30+$0x0]  }
0x2a: {  	v1 =	vld [tilespmem:s30+$0x1];
	_ =	sdelay $0x3  }
0x2b: {  	(v2sf) =	vpush v0, $0x0  }
0x2c: {  	(v2sf) =	vpush v1, $0x0;
	_ =	sdelay $0xd  }
0x2d: {  	s20 =	spop (v2sf)  }
0x2e: {  	s31 =	spop (v2sf)  }
0x2f: {  	s21 =	ssub.s32 s31, s20  }
0x30: {  	p1 =	slt.s32 s21, $0x1  }
.Ltmp2:
0x31: {  	_ = 	snop;
	(pc) =	sbr.rel @p1 .LBB2_29-.Ltmp2, $1  }
0x32: {  	_ =	sdelay $0x3  }
0x33: {  	[dreg:$0x7] =	wrdreg s2  }
0x34: {  	s1 =	sadd.s32 $0xFF, s21;
	s22 =	sand.u32 $0x7, s20;
	s3 =	sshra.s32 s20, $0x1F  }
0x35: {  	p2 =	slt.s32 s20, $0x1;
	s4 =	simm.s32 $0x1;
	s26 =	simm.s32 $0x380  }
0x36: {  	s24 =	sshra.s32 s1, $0x1F;
	p1 =	sne.s32 s22, $0x0;
	s3 =	sshrl.u32 s3, $0x1D  }
0x37: {  	s7 =	sand.u32 $0xFF, s1;
	p4 =	slt.s32 s1, $0x1;
	p2 =	por !p2, !p1  }
0x38: {  	s2 =	sshrl.u32 s24, $0x18;
	s3 =	sadd.s32 s3, s20;
	p2 =	por !p2, !p2  }
0x39: {  	p3 =	sne.s32 s7, $0x0;
	s3 =	sshra.s32 s3, $0x3;
	s4 =	simm.s32 @!p2 $0x0  }
0x3a: {  	s2 =	sadd.s32 s2, s1;
	p2 =	por !p4, !p3;
	s25 =	ssub.s32 s3, s4  }
0x3b: {  	p2 =	por !p2, !p2;
	s4 =	simm.s32 $0x1;
	s3 =	sshll.u32 s25, $0x7  }
0x3c: {  	s2 =	sshra.s32 s2, $0x8;
	s4 =	simm.s32 @!p2 $0x0;
	s3 =	sand.u32 $0x1FFFFF80, s3  }
0x3d: {  	s1 =	sand.u32 $0x1FFFFFFF, s25;
	s23 =	ssub.s32 s2, s4;
	s3 =	sadd.s32 s5, s3  }
0x3e: {  	[tilespmem:s26], [sflag:$0x1] =	stream.linear.gather [hbm4b:s3+s8], $0x8400, $0x38;
	[tilespmem:$0x15B00] =	vst v63  }
0x3f: {  	s28 =	simm.s32 $0x80;
	s1 =	sadd.s32 s6, s1;
	p2 =	slt.s32 s23, $0x2  }
0x40: {  	[tilespmem:s28], [sflag:$0x3] =	stream.linear.gather [hbm4b:s1+s8], $0x108, $0x38;
	[tilespmem:$0x15B00] =	vst v63  }
0x41: {  	s1 =	sadd.s32 @!p2 $0x100, s20  }
0x42: {  	p3 =	sne.s32 @!p2 s22, $0x0;
	p4 =	slt.s32 @!p2 s1, $0x1  }
0x43: {  	s2 =	sshra.s32 @!p2 s1, $0x1F;
	p3 =	por @!p2 !p4, !p3  }
0x44: {  	s2 =	sshrl.u32 @!p2 s2, $0x1D;
	p3 =	por @!p2 !p3, !p3  }
0x45: {  	s1 =	sadd.s32 @!p2 s2, s1;
	s2 =	simm.s32 @!p2 $0x1;
	p3 =	por !p3, p2  }
0x46: {  	s1 =	sshra.s32 @!p2 s1, $0x3;
	s2 =	simm.s32 @p3 $0x0  }
0x47: {  	s1 =	ssub.s32 @!p2 s1, s2  }
0x48: {  	s29 =	sadd.s32 $0x1, s23;
	p5 =	slt.s32 s23, $0x0;
	s2 =	sshll.u32 @!p2 s1, $0x7  }
0x49: {  	s3 =	simm.s32 @!p2 $0x0;
	s4 =	simm.s32 @!p2 $0x8780;
	s2 =	sand.u32 @!p2 $0x1FFFFF80, s2  }
0x4a: {  	s30 =	sand.u32 $0x1, s29;
	s1 =	sand.u32 @!p2 $0x1FFFFFFF, s1;
	s2 =	sadd.s32 @!p2 s5, s2  }
0x4b: {  	[tilespmem:s4], [sflag:$0x2] =	stream.linear.gather @!p2 [hbm4b:s2+s3], $0x8400, $0x38;
	[tilespmem:$0x15B00] =	vst v63  }
0x4c: {  	p6 =	seq.s32 s30, $0x1;
	s1 =	sadd.s32 @!p2 s6, s1;
	s2 =	simm.s32 @!p2 $0x200  }
0x4d: {  	[tilespmem:s2], [sflag:$0x4] =	stream.linear.gather @!p2 [hbm4b:s1+s3], $0x108, $0x38;
	[tilespmem:$0x15B00] =	vst v63  }
0x4e: {  	s31 =	sshrl.u32 s29, $0x1F;
	p2 =	por !p5, !p6  }
0x4f: {  	s1 =	sadd.s32 s31, s29;
	s2 =	simm.s32 $0x1;
	p2 =	por !p2, !p2  }
0x50: {  	s1 =	sshra.s32 s1, $0x1;
	s2 =	simm.s32 @!p2 $0x0  }
0x51: {  	s24 =	ssub.s32 s1, s2  }
0x52: {  	p2 =	slt.s32 s24, $0x1  }
.Ltmp3:
0x53: {  	_ = 	snop;
	(pc) =	sbr.rel @p2 .LBB2_3-.Ltmp3, $1  }
0x54: {  	_ =	sdelay $0x3  }
.Ltmp4:
0x55: {  	(pc) =	sbr.rel .LBB2_5-.Ltmp4, $4  }
0x56: {  	_ = 	snop  }
0x57: {  	s25 =	sadd.s32 $0x1, s20  }
0x58: {  	s26 =	sadd.s32 $0xF0, s20;
	v0 =	vimm.f32 $-Inf;
	s28 =	sadd.s32 $0x100, s20;
	s29 =	sadd.s32 $0x101, s20  }
0x59: {  	s30 =	simm.s32 $0x0;
	s31 =	smov.u32 s20;
	s7 =	smov.u32 s0;
	v2 =	vimm.f32 $-Inf;
	v3 =	vimm.f32 $-Inf;
	v1 =	vimm.f32 $-Inf  }
.LBB2_26:
0x5a: {  	s1 =	sadd.s32 $0x3, s1  }
0x5b: {  	p2 =	sge.s32 s1, s23  }
0x5c: {  	s1 =	sshll.u32 @!p2 s1, $0x8  }
0x5d: {  	s1 =	sadd.s32 @!p2 s20, s1  }
0x5e: {  	p3 =	sne.s32 @!p2 s22, $0x0;
	p4 =	slt.s32 @!p2 s1, $0x1  }
0x5f: {  	s2 =	sshra.s32 @!p2 s1, $0x1F;
	p3 =	por @!p2 !p3, !p4  }
0x60: {  	s2 =	sshrl.u32 @!p2 s2, $0x1D;
	p3 =	por @!p2 !p3, !p3  }
0x61: {  	s1 =	sadd.s32 @!p2 s2, s1;
	s2 =	simm.s32 @!p2 $0x1;
	p3 =	por !p3, p2  }
0x62: {  	s1 =	sshra.s32 @!p2 s1, $0x3;
	s2 =	simm.s32 @p3 $0x0  }
0x63: {  	s1 =	ssub.s32 @!p2 s1, s2  }
0x64: {  	s2 =	sshll.u32 @!p2 s1, $0x7  }
0x65: {  	s3 =	simm.s32 @!p2 $0x0;
	s2 =	sand.u32 @!p2 $0x1FFFFF80, s2  }
0x66: {  	s4 =	simm.s32 @!p2 $0x8780;
	s1 =	sand.u32 @!p2 $0x1FFFFFFF, s1;
	s2 =	sadd.s32 @!p2 s5, s2  }
0x67: {  	[tilespmem:s4], [sflag:$0x2] =	stream.linear.gather @!p2 [hbm4b:s2+s3], $0x8400, $0x38;
	[tilespmem:$0x15B00] =	vst v63  }
0x68: {  	s1 =	sadd.s32 @!p2 s6, s1;
	s2 =	simm.s32 @!p2 $0x200  }
0x69: {  	[tilespmem:s2], [sflag:$0x4] =	stream.linear.gather @!p2 [hbm4b:s1+s3], $0x108, $0x38;
	[tilespmem:$0x15B00] =	vst v63  }
.LBB2_27:
0x6a: {  	s30 =	sadd.s32 $0x1, s30  }
0x6b: {  	p2 =	sne.s32 s30, s24  }
.Ltmp5:
0x6c: {  	_ = 	snop;
	(pc) =	sbr.rel @!p2 .LBB2_28-.Ltmp5, $3  }
0x6d: {  	_ =	sdelay $0x1  }
0x6e: {  	s31 =	sadd.s32 $0x200, s31;
	s25 =	sadd.s32 $0x200, s25  }
0x6f: {  	s26 =	sadd.s32 $0x200, s26;
	s28 =	sadd.s32 $0x200, s28;
	s29 =	sadd.s32 $0x200, s29  }
.LBB2_5:
0x70: {  	s1 =	sshll.u32 s30, $0x1  }
0x71: {  	p2 =	sge.s32 s1, s23  }
.Ltmp6:
0x72: {  	_ = 	snop;
	(pc) =	sbr.rel @p2 .LBB2_16-.Ltmp6, $1  }
0x73: {  	_ =	sdelay $0x3  }
0x74: {  	s2 =	sshll.u32 s30, $0x9  }
0x75: {  	s13 =	ssub.s32 s21, s2  }
0x76: {  	_ =	swait.ge [sflag:s12], $0x8400;
	p2 =	slt.s32 s13, $0x1  }
.Ltmp7:
0x77: {  	[sflag:s12] =	ssyncset.done $0x0;
	(pc) =	sbr.rel @p2 .LBB2_15-.Ltmp7, $4  }
0x78: {  	[sflag:s12] =	ssyncadd.s32 $0xFFFF7C00  }
0x79: {  	_ =	swait.ge [sflag:s15], $0x108  }
0x7a: {  	[sflag:s15] =	ssyncset.done $0x0  }
0x7b: {  	[sflag:s15] =	ssyncadd.s32 $0xFFFFFEF8  }
0x7c: {  	s2 =	sadd.s32 s20, s2  }
0x7d: {  	s3 =	sshra.s32 s2, $0x1F;
	p2 =	slt.s32 s2, $0x1  }
0x7e: {  	s3 =	sshrl.u32 s3, $0x1D;
	p2 =	por !p1, !p2  }
0x7f: {  	s4 =	simm.s32 $0x1;
	s3 =	sadd.s32 s3, s2;
	p2 =	por !p2, !p2  }
.Ltmp8:
0x80: {  	s3 =	sshrl.u32 s3, $0x3;
	s4 =	simm.s32 @!p2 $0x0;
	(pc) =	sbr.rel .LBB2_9-.Ltmp8, $4  }
0x81: {  	s3 =	ssub.s32 s4, s3  }
0x82: {  	p2 =	slt.s32 s13, $0x100;
	s14 =	sshll.u32 s3, $0x3  }
0x83: {  	s10 =	simm.s32 $0x0;
	s13 =	simm.s32 @!p2 $0x100;
	s18 =	sadd.s32 s2, s14  }
0x84: {  	s8 =	sadd.s32 s14, s31;
	s9 =	sadd.s32 s14, s25;
	s2 =	sadd.s32 s13, s18;
	v4 =	vmov s18  }
.LBB2_14:
0x85: {  	v1 =	vmax.f32 v1, v5;
	v3 =	vmax.f32 v3, v6;
	v0 =	vmax.f32 v0, v7  }
.LBB2_8:
0x86: {  	p2 =	sge.s32 s10, s13  }
.Ltmp9:
0x87: {  	_ = 	snop;
	(pc) =	sbr.rel @p2 .LBB2_15-.Ltmp9, $1  }
0x88: {  	_ =	sdelay $0x3  }
.LBB2_9:
0x89: {  	_ =	sdelay $0x3  }
0x8a: {  	v5 =	vld.idx.msk [tilespmem:v4+s10+$0x80 ss:$0x1], $0xffff;
	_ =	sdelay $0x4  }
0x8b: {  	(v2sf) =	vpush v5, $0x0;
	_ =	sdelay $0xe  }
0x8c: {  	s4 =	smov.u32 s7;
	s7 =	spop (v2sf)  }
0x8d: {  	p2 =	seq.s32 s7, s4  }
0x8e: {  	s4 =	ssub.s32 @!p2 s4, s0  }
0x8f: {  	s4 =	sshll.u32 @!p2 s4, $0x8  }
0x90: {  	s4 =	sshra.s32 @!p2 s4, $0x2  }
0x91: {  	s19 =	sadd.s32 s10, s8;
	[tilespmem:s4+$0x10B80] =	vst @!p2 v1  }
0x92: {  	s3 =	smov.u32 s10;
	s10 =	sshll.u32 s19, $0x2;
	[tilespmem:s4+$0x10B90] =	vst @!p2 v3  }
0x93: {  	s11 =	sshra.s32 s10, $0x2;
	[tilespmem:s4+$0x10BA0] =	vst @!p2 v2  }
0x94: {  	s10 =	sadd.s32 s18, s3;
	s11 =	sadd.s32 $0x80, s11;
	v5 =	vbroadcast v5, $0x0;
	[tilespmem:s4+$0x10BB0] =	vst @!p2 v0;
	s4 =	sadd.s32 s3, s14  }
.LBB2_10:
0x95: {  	v6 =	vld [tilespmem:s11+$0x0];
	_ =	sdelay $0x4  }
0x96: {  	vm0 =	vne.s32 v6, v5  }
0x97: {  	v6 =	vmctz.xlane vm0;
	_ =	sdelay $0x1  }
0x98: {  	(v2sf) =	vpush v6, $0x0;
	_ =	sdelay $0xd  }
0x99: {  	s19 =	sadd.s32 s4, s31  }
0x9a: {  	p3 =	sge.s32 s19, s2;
	s19 =	spop (v2sf)  }
0x9b: {  	p4 =	sgt.s32 @!p3 s19, $0xF  }
0x9c: {  	p3 =	por p3, !p4  }
.Ltmp10:
0x9d: {  	_ = 	snop;
	(pc) =	sbr.rel @!p3 .LBB2_10-.Ltmp10, $2  }
0x9e: {  	_ =	sdelay $0x2  }
0x9f: {  	s4 =	sadd.s32 $0x10, s4;
	s11 =	sadd.s32 $0x10, s11  }
0xa0: {  	s11 =	sshll.u32 s10, $0x9  }
0xa1: {  	s11 =	sshra.s32 s11, $0x2  }
0xa2: {  	s19 =	sadd.s32 s19, s31;
	v5 =	vld [tilespmem:s11+$0x380]  }
0xa3: {  	s4 =	sadd.s32 s4, s19;
	v6 =	vld [tilespmem:s11+$0x390]  }
0xa4: {  	s4 =	sadd.s32 $0xFFFFFFF0, s4;
	v7 =	vld [tilespmem:s11+$0x3A0]  }
0xa5: {  	v8 =	vld [tilespmem:s11+$0x3B0];
	s11 =	smov.u32 s2;
	p3 =	slt.s32 s4, s2  }
0xa6: {  	s11 =	smov.u32 @p3 s4;
	s4 =	sadd.s32 $0x1, s10  }
0xa7: {  	p3 =	sgt.s32 s11, s4  }
0xa8: {  	s4 =	smov.u32 @p3 s11  }
0xa9: {  	s10 =	ssub.s32 s4, s18;
	s4 =	sadd.s32 $0x1, s3  }
0xaa: {  	p3 =	sge.s32 s4, s10  }
.Ltmp11:
0xab: {  	_ = 	snop;
	(pc) =	sbr.rel @p3 .LBB2_8-.Ltmp11, $4  }
0xac: {  	_ = 	snop  }
0xad: {  	v1 =	vmax.f32 v1, v5;
	v3 =	vmax.f32 v3, v6  }
0xae: {  	v2 =	vmax.f32 v2, v7;
	v0 =	vmax.f32 v0, v8;
	v1 =	vpsel p2, v1, v5  }
0xaf: {  	v3 =	vpsel p2, v3, v6;
	v2 =	vpsel p2, v2, v7;
	v0 =	vpsel p2, v0, v8  }
0xb0: {  	s3 =	sadd.s32 s3, s9  }
0xb1: {  	s3 =	sshll.u32 s3, $0x9  }
0xb2: {  	s3 =	sshra.s32 s3, $0x2  }
0xb3: {  	s11 =	sadd.s32 $0x3A0, s3  }
0xb4: {  	v8 =	vld [tilespmem:s11+$0x0]  }
0xb5: {  	s3 =	sadd.s32 $0x1, s4;
	v5 =	vld [tilespmem:s11+$0xFFFFFFE0]  }
0xb6: {  	p2 =	slt.s32 s3, s10;
	v6 =	vld [tilespmem:s11+$0xFFFFFFF0]  }
.Ltmp12:
0xb7: {  	v7 =	vld [tilespmem:s11+$0x10];
	(pc) =	sbr.rel @!p2 .LBB2_14-.Ltmp12, $2  }
0xb8: {  	_ =	sdelay $0x2  }
0xb9: {  	s4 =	sadd.s32 $0x80, s11;
	v2 =	vmax.f32 v2, v8  }
.LBB2_13:
0xba: {  	s3 =	sadd.s32 $0x1, s3  }
0xbb: {  	v8 =	vld [tilespmem:s4+$0x0];
	v1 =	vmax.f32 v1, v5;
	p2 =	slt.s32 s3, s10  }
.Ltmp13:
0xbc: {  	v3 =	vmax.f32 v3, v6;
	v5 =	vld [tilespmem:s4+$0xFFFFFFE0];
	(pc) =	sbr.rel @p2 .LBB2_13-.Ltmp13, $3  }
0xbd: {  	v0 =	vmax.f32 v0, v7;
	v6 =	vld [tilespmem:s4+$0xFFFFFFF0]  }
0xbe: {  	v7 =	vld [tilespmem:s4+$0x10];
	_ =	sdelay $0x1  }
0xbf: {  	s4 =	sadd.s32 $0x80, s4;
	v2 =	vmax.f32 v2, v8  }
.Ltmp14:
0xc0: {  	_ = 	snop;
	(pc) =	sbr.rel .LBB2_14-.Ltmp14, $1  }
0xc1: {  	_ =	sdelay $0x3  }
.LBB2_15:
0xc2: {  	s2 =	sadd.s32 $0x2, s1  }
0xc3: {  	p2 =	sge.s32 s2, s23  }
0xc4: {  	s2 =	sshll.u32 @!p2 s2, $0x8  }
0xc5: {  	s2 =	sadd.s32 @!p2 s20, s2  }
0xc6: {  	p3 =	sne.s32 @!p2 s22, $0x0;
	p4 =	slt.s32 @!p2 s2, $0x1  }
0xc7: {  	s3 =	sshra.s32 @!p2 s2, $0x1F;
	p3 =	por @!p2 !p3, !p4  }
0xc8: {  	s3 =	sshrl.u32 @!p2 s3, $0x1D;
	p3 =	por @!p2 !p3, !p3  }
0xc9: {  	s2 =	sadd.s32 @!p2 s3, s2;
	s3 =	simm.s32 @!p2 $0x1;
	p3 =	por !p3, p2  }
0xca: {  	s2 =	sshra.s32 @!p2 s2, $0x3;
	s3 =	simm.s32 @p3 $0x0  }
0xcb: {  	s2 =	ssub.s32 @!p2 s2, s3  }
0xcc: {  	s3 =	sshll.u32 @!p2 s2, $0x7  }
0xcd: {  	s4 =	simm.s32 @!p2 $0x0;
	s3 =	sand.u32 @!p2 $0x1FFFFF80, s3  }
0xce: {  	s8 =	simm.s32 @!p2 $0x380;
	s2 =	sand.u32 @!p2 $0x1FFFFFFF, s2;
	s3 =	sadd.s32 @!p2 s5, s3  }
0xcf: {  	[tilespmem:s8], [sflag:$0x1] =	stream.linear.gather @!p2 [hbm4b:s3+s4], $0x8400, $0x38;
	[tilespmem:$0x15B00] =	vst v63  }
0xd0: {  	s2 =	sadd.s32 @!p2 s6, s2;
	s3 =	simm.s32 @!p2 $0x80  }
0xd1: {  	[tilespmem:s3], [sflag:$0x3] =	stream.linear.gather @!p2 [hbm4b:s2+s4], $0x108, $0x38;
	[tilespmem:$0x15B00] =	vst v63  }
.LBB2_16:
0xd2: {  	s2 =	sor.u32 $0x1, s1  }
0xd3: {  	p2 =	sge.s32 s2, s23  }
.Ltmp15:
0xd4: {  	_ = 	snop;
	(pc) =	sbr.rel @p2 .LBB2_27-.Ltmp15, $1  }
0xd5: {  	_ =	sdelay $0x3  }
0xd6: {  	s2 =	sshll.u32 s2, $0x8  }
0xd7: {  	s13 =	ssub.s32 s21, s2  }
0xd8: {  	_ =	swait.ge [sflag:s16], $0x8400;
	p2 =	slt.s32 s13, $0x1  }
.Ltmp16:
0xd9: {  	[sflag:s16] =	ssyncset.done $0x0;
	(pc) =	sbr.rel @p2 .LBB2_26-.Ltmp16, $4  }
0xda: {  	[sflag:s16] =	ssyncadd.s32 $0xFFFF7C00  }
0xdb: {  	_ =	swait.ge [sflag:s17], $0x108  }
0xdc: {  	[sflag:s17] =	ssyncset.done $0x0  }
0xdd: {  	[sflag:s17] =	ssyncadd.s32 $0xFFFFFEF8  }
0xde: {  	s2 =	sadd.s32 s20, s2  }
0xdf: {  	s3 =	sshra.s32 s2, $0x1F;
	p2 =	slt.s32 s2, $0x1  }
0xe0: {  	s3 =	sshrl.u32 s3, $0x1D;
	p2 =	por !p1, !p2  }
0xe1: {  	s4 =	simm.s32 $0x1;
	s3 =	sadd.s32 s3, s2;
	p2 =	por !p2, !p2  }
.Ltmp17:
0xe2: {  	s3 =	sshrl.u32 s3, $0x3;
	s4 =	simm.s32 @!p2 $0x0;
	(pc) =	sbr.rel .LBB2_20-.Ltmp17, $4  }
0xe3: {  	s3 =	ssub.s32 s4, s3  }
0xe4: {  	p2 =	slt.s32 s13, $0x100;
	s14 =	sshll.u32 s3, $0x3  }
0xe5: {  	s13 =	simm.s32 @!p2 $0x100;
	s3 =	simm.s32 $0x0;
	s2 =	sadd.s32 s2, s14  }
0xe6: {  	s9 =	sadd.s32 s14, s28;
	s18 =	sadd.s32 s14, s29;
	s8 =	sadd.s32 s13, s2;
	v4 =	vmov s2  }
.LBB2_25:
0xe7: {  	v1 =	vmax.f32 v1, v5;
	v3 =	vmax.f32 v3, v6;
	v0 =	vmax.f32 v0, v7  }
.LBB2_19:
0xe8: {  	p2 =	sge.s32 s3, s13  }
.Ltmp18:
0xe9: {  	_ = 	snop;
	(pc) =	sbr.rel @p2 .LBB2_26-.Ltmp18, $1  }
0xea: {  	_ =	sdelay $0x3  }
.LBB2_20:
0xeb: {  	_ =	sdelay $0x3  }
0xec: {  	v5 =	vld.idx.msk [tilespmem:v4+s3+$0x200 ss:$0x1], $0xffff;
	_ =	sdelay $0x4  }
0xed: {  	(v2sf) =	vpush v5, $0x0;
	_ =	sdelay $0xe  }
0xee: {  	s10 =	smov.u32 s3;
	s3 =	smov.u32 s7;
	s7 =	spop (v2sf)  }
0xef: {  	p2 =	seq.s32 s7, s3  }
0xf0: {  	s3 =	ssub.s32 @!p2 s3, s0  }
0xf1: {  	s3 =	sshll.u32 @!p2 s3, $0x8  }
0xf2: {  	s4 =	sshra.s32 @!p2 s3, $0x2  }
0xf3: {  	s19 =	sadd.s32 s10, s9;
	[tilespmem:s4+$0x10B80] =	vst @!p2 v1  }
0xf4: {  	s3 =	sshll.u32 s19, $0x2;
	[tilespmem:s4+$0x10B90] =	vst @!p2 v3  }
0xf5: {  	[tilespmem:s4+$0x10BA0] =	vst @!p2 v2;
	s11 =	sshra.s32 s3, $0x2  }
0xf6: {  	v5 =	vbroadcast v5, $0x0;
	s3 =	sadd.s32 s2, s10;
	[tilespmem:s4+$0x10BB0] =	vst @!p2 v0;
	s4 =	sadd.s32 s10, s26;
	s11 =	sadd.s32 $0x200, s11  }
.LBB2_21:
0xf7: {  	v6 =	vld [tilespmem:s11+$0x0];
	_ =	sdelay $0x4  }
0xf8: {  	vm0 =	vne.s32 v6, v5  }
0xf9: {  	v6 =	vmctz.xlane vm0;
	_ =	sdelay $0x1  }
0xfa: {  	(v2sf) =	vpush v6, $0x0;
	_ =	sdelay $0xc  }
0xfb: {  	s4 =	sadd.s32 $0x10, s4  }
0xfc: {  	s19 =	sadd.s32 s14, s4  }
0xfd: {  	p3 =	sge.s32 s19, s8;
	s19 =	spop (v2sf)  }
0xfe: {  	p4 =	sgt.s32 @!p3 s19, $0xF  }
0xff: {  	p3 =	por p3, !p4  }
.Ltmp19:
0x100: {  	_ = 	snop;
	(pc) =	sbr.rel @!p3 .LBB2_21-.Ltmp19, $2  }
0x101: {  	_ =	sdelay $0x2  }
0x102: {  	s11 =	sadd.s32 $0x10, s11  }
0x103: {  	s11 =	sshll.u32 s3, $0x9  }
0x104: {  	s11 =	sshra.s32 s11, $0x2  }
0x105: {  	v5 =	vld [tilespmem:s11+$0x8780]  }
0x106: {  	s19 =	sadd.s32 s19, s14;
	v6 =	vld [tilespmem:s11+$0x8790]  }
0x107: {  	s4 =	sadd.s32 s4, s19;
	v7 =	vld [tilespmem:s11+$0x87A0]  }
0x108: {  	p3 =	slt.s32 s4, s8;
	v8 =	vld [tilespmem:s11+$0x87B0];
	s11 =	smov.u32 s8  }
0x109: {  	s3 =	sadd.s32 $0x1, s3;
	s11 =	smov.u32 @p3 s4  }
0x10a: {  	p3 =	sgt.s32 s11, s3  }
0x10b: {  	s3 =	smov.u32 @p3 s11  }
0x10c: {  	s4 =	sadd.s32 $0x1, s10;
	s3 =	ssub.s32 s3, s2  }
0x10d: {  	p3 =	sge.s32 s4, s3  }
.Ltmp20:
0x10e: {  	_ = 	snop;
	(pc) =	sbr.rel @p3 .LBB2_19-.Ltmp20, $4  }
0x10f: {  	_ = 	snop  }
0x110: {  	v1 =	vmax.f32 v1, v5;
	v3 =	vmax.f32 v3, v6  }
0x111: {  	v2 =	vmax.f32 v2, v7;
	v0 =	vmax.f32 v0, v8;
	v1 =	vpsel p2, v1, v5  }
0x112: {  	v3 =	vpsel p2, v3, v6;
	v2 =	vpsel p2, v2, v7;
	v0 =	vpsel p2, v0, v8  }
0x113: {  	s10 =	sadd.s32 s10, s18  }
0x114: {  	s10 =	sshll.u32 s10, $0x9  }
0x115: {  	s10 =	sshra.s32 s10, $0x2  }
0x116: {  	s11 =	sadd.s32 $0x87A0, s10  }
0x117: {  	v8 =	vld [tilespmem:s11+$0x0]  }
0x118: {  	s10 =	sadd.s32 $0x1, s4;
	v5 =	vld [tilespmem:s11+$0xFFFFFFE0]  }
0x119: {  	p2 =	slt.s32 s10, s3;
	v6 =	vld [tilespmem:s11+$0xFFFFFFF0]  }
.Ltmp21:
0x11a: {  	v7 =	vld [tilespmem:s11+$0x10];
	(pc) =	sbr.rel @!p2 .LBB2_25-.Ltmp21, $2  }
0x11b: {  	_ =	sdelay $0x2  }
0x11c: {  	s4 =	sadd.s32 $0x80, s11;
	v2 =	vmax.f32 v2, v8  }
.LBB2_24:
0x11d: {  	s10 =	sadd.s32 $0x1, s10  }
0x11e: {  	v8 =	vld [tilespmem:s4+$0x0];
	v1 =	vmax.f32 v1, v5;
	p2 =	slt.s32 s10, s3  }
.Ltmp22:
0x11f: {  	v3 =	vmax.f32 v3, v6;
	v5 =	vld [tilespmem:s4+$0xFFFFFFE0];
	(pc) =	sbr.rel @p2 .LBB2_24-.Ltmp22, $3  }
0x120: {  	v0 =	vmax.f32 v0, v7;
	v6 =	vld [tilespmem:s4+$0xFFFFFFF0]  }
0x121: {  	v7 =	vld [tilespmem:s4+$0x10];
	_ =	sdelay $0x1  }
0x122: {  	s4 =	sadd.s32 $0x80, s4;
	v2 =	vmax.f32 v2, v8  }
.Ltmp23:
0x123: {  	_ = 	snop;
	(pc) =	sbr.rel .LBB2_25-.Ltmp23, $1  }
0x124: {  	_ =	sdelay $0x3  }
.LBB2_30:
0x125: {  	_ =	sfence.sel $0x180000  }
0x126: {  	[bflag:$0x0] =	sbarrier.arrive $0xFFFF  }
0x127: {  	_ =	strace $0x90000047  }
0x128: {  	s0 =	stileid.u32;
	[bflag:$0x2] =	sbarrier.arrive $0xFFFF  }
0x129: {  	p0 =	sne.s32 s0, $0x0;
	s0 =	rddreg [dreg:$0x2]  }
0x12a: {  	s0 =	sadd.s32 @!p0 $0x100000, s0  }
0x12b: {  	[sflag:s0] =	ssyncadd.tile.s32 @!p0 $0x1;
	_ =	shalt  }
.Lfunc_end2:
_tile_overlayer_lowered:
.L_overlay_start_2:
0x12c: {  	(tag) =	ssettag $0x2  }
0x12d: {  	s0 =	rddreg [dreg:$0x0];
	s2 =	stileid.u32  }
0x12e: {  	s1 =	rddreg [dreg:$0x1];
	p0 =	sne.s32 s2, $0x0  }
0x12f: {  	s3 =	rddreg [dreg:$0x2];
	[bflag:$0x3] =	sbarrier.arrive $0xFFFF;
	s2 =	simm.s32 @!p0 $0x1C05  }
0x130: {  	[timem:s3], [sflag:s2] =	dma.local @!p0 [hbm:s0], s1  }
0x131: {  	s0 =	simm.s32 @!p0 $0x5  }
0x132: {  	_ =	swait.ge @!p0 [sflag:s0], s1  }
0x133: {  	s1 =	ssub.s32 @!p0 $0x0, s1;
	[sflag:s0] =	ssyncset.done @!p0 $0x0  }
0x134: {  	[sflag:s0] =	ssyncadd.s32 @!p0 s1  }
0x135: {  	[bflag:$0x3] =	sbarrier.arrive $0xFFFF  }
0x136: {  	_ =	shalt  }

// kernel: kernel.9.cloned.1.call-start
scs
__scs_entry_jumppad:
0x0: {  	(pc) =	sbr.rel $0x88, $3  }
0x1: {  	(tag) =	ssettag $0x0;
	lr =	simm.s32 $0x1  }
0x2: {  	[smem:$0x3F9C] =	sst lr;
	_ =	strace $0xD0000000  }
0x3: {  	_ = 	snop  }
0x4: {  	_ = 	snop  }
0x5: {  	_ = 	snop  }
0x6: {  	_ = 	snop  }
0x7: {  	_ = 	snop  }
__scs_overlays_trampoline_lowered:
0x8: {  	[smem:$0x3FAB] =	sst s0  }
0x9: {  	[smem:$0x3FAC] =	sst s1  }
0xa: {  	[smem:$0x3FAD] =	sst s2  }
0xb: {  	[smem:$0x3FAE] =	sst s3  }
0xc: {  	[smem:$0x3FAF] =	sst s4  }
0xd: {  	[smem:$0x3FB0] =	sst s5  }
0xe: {  	[smem:$0x3FB1] =	sst s6  }
0xf: {  	[smem:$0x3FB2] =	sst s7  }
0x10: {  	[smem:$0x3FB3] =	sst s8  }
0x11: {  	[smem:$0x3FB4] =	sst s9;
	s0 =	simm.s32 @!p0 $0x0  }
0x12: {  	s1 =	sld [smem:$0x3F9A];
	s0 =	simm.s32 @p0 $0x1  }
0x13: {  	[smem:$0x3FB5] =	sst s0;
	s0 =	simm.s32 @!p1 $0x0  }
0x14: {  	s2 =	sld [smem:$0x3F99];
	s0 =	simm.s32 @p1 $0x1  }
0x15: {  	[smem:$0x3FB6] =	sst s0;
	s0 =	simm.s32 @!p2 $0x0  }
0x16: {  	s3 =	sld [smem:$0x3FDB];
	s0 =	simm.s32 @p2 $0x1  }
0x17: {  	s4 =	simm.s32 $0x1BF5;
	[smem:$0x3FB8] =	sst s0  }
0x18: {  	s0 =	sld [smem:$0x3F9B];
	_ =	swait.ge [sflag:s4], $0x0  }
0x19: {  	s7 =	sld [smem:$0x3F9C]  }
0x1a: {  	s8 =	sadd.s32 $0xFFFFE003, lr  }
0x1b: {  	s9 =	sadd.s32 $0xFFFFFEF7, lr;
	s5 =	simm.s32 $0xFFFFFFFF;
	p2 =	slt.u32 s8, $0xFFFFF086  }
0x1c: {  	p1 =	slt.u32 s9, $0xF7A;
	s5 =	simm.s32 @!p2 $0x0  }
0x1d: {  	s5 =	simm.s32 @p1 $0x1;
	p0 =	seq.s32 s7, s2  }
0x1e: {  	s7 =	smul.u32 @!p0 $0xF7A, s2;
	p2 =	seq.s32 @!p0 s5, $0x0  }
0x1f: {  	s9 =	smul.u32 $0xF7A, s1;
	s8 =	simm.s32 @!p0 $0x1BF5;
	p2 =	por !p2, p0  }
0x20: {  	[sflag:s8] =	ssyncset.s32 @!p0 $0xFFFFF086;
	s6 =	sadd.s32 @!p0 s3, s7;
	s7 =	simm.s32 @!p0 $0x108  }
0x21: {  	s3 =	sadd.s32 s3, s9;
	s6 =	sadd.s32 @!p0 $0x88, s6;
	s7 =	simm.s32 @p2 $0x1082  }
0x22: {  	[simem:s7], [sflag:s8] =	dma.local @!p0 [hbm:s6], $0xF7A  }
0x23: {  	s9 =	sor.u32 $0xD0000000, s2;
	s6 =	simm.s32 $0x108;
	_ =	swait.ge @!p0 [sflag:s8], $0x0  }
0x24: {  	s3 =	sadd.s32 $0x88, s3;
	s6 =	simm.s32 @!p1 $0x1082;
	[sflag:s4] =	ssyncset.s32 $0xFFFFF086  }
0x25: {  	[simem:s6], [sflag:s4] =	dma.local [hbm:s3], $0xF7A  }
0x26: {  	[smem:$0x3F9C] =	sst s1;
	(tag) =	ssettag s2;
	_ =	strace s9  }
0x27: {  	s1 =	sld [smem:$0x3FAC]  }
0x28: {  	s2 =	sld [smem:$0x3FAD]  }
0x29: {  	s4 =	sld [smem:$0x3FAF]  }
0x2a: {  	p0 =	seq.s32 s5, $0x0;
	s5 =	sld [smem:$0x3FB0]  }
0x2b: {  	s6 =	sld [smem:$0x3FB1]  }
0x2c: {  	s7 =	sld [smem:$0x3FB2]  }
0x2d: {  	s3 =	simm.s32 $0x108;
	s8 =	sld [smem:$0x3FB3]  }
0x2e: {  	s3 =	simm.s32 @!p0 $0x1082;
	s9 =	sld [smem:$0x3FB4]  }
0x2f: {  	lr =	sadd.s32 s0, s3;
	s0 =	sld [smem:$0x3FAB]  }
0x30: {  	s3 =	sld [smem:$0x3FAE]  }
0x31: {  	[smem:$0x3FB7] =	sst s10  }
0x32: {  	s10 =	sld [smem:$0x3FB5];
	_ =	sdelay $0x3  }
0x33: {  	p0 =	seq.s32 s10, $0x1;
	s10 =	sld [smem:$0x3FB7];
	_ =	sdelay $0x3  }
0x34: {  	[smem:$0x3FB7] =	sst s10  }
0x35: {  	s10 =	sld [smem:$0x3FB6];
	_ =	sdelay $0x3  }
0x36: {  	p1 =	seq.s32 s10, $0x1;
	s10 =	sld [smem:$0x3FB7];
	_ =	sdelay $0x3  }
0x37: {  	[smem:$0x3FB7] =	sst s10  }
0x38: {  	s10 =	sld [smem:$0x3FB8]  }
0x39: {  	_ = 	snop;
	(pc) =	sbr.ind lr, $3  }
0x3a: {  	_ = 	snop  }
0x3b: {  	_ = 	snop  }
0x3c: {  	p2 =	seq.s32 s10, $0x1;
	s10 =	sld [smem:$0x3FB7]  }
0x3d: {  	_ =	shalt  }
0x3e: {  	_ =	shalt  }
0x3f: {  	_ =	shalt  }
0x40: {  	_ =	shalt  }
0x41: {  	_ =	shalt  }
0x42: {  	_ =	shalt  }
0x43: {  	_ =	shalt  }
0x44: {  	_ =	shalt  }
0x45: {  	_ =	shalt  }
0x46: {  	_ =	shalt  }
0x47: {  	_ =	shalt  }
0x48: {  	_ =	shalt  }
0x49: {  	_ =	shalt  }
0x4a: {  	_ =	shalt  }
0x4b: {  	_ =	shalt  }
0x4c: {  	_ =	shalt  }
0x4d: {  	_ =	shalt  }
0x4e: {  	_ =	shalt  }
0x4f: {  	_ =	shalt  }
0x50: {  	_ =	shalt  }
0x51: {  	_ =	shalt  }
0x52: {  	_ =	shalt  }
0x53: {  	_ =	shalt  }
0x54: {  	_ =	shalt  }
0x55: {  	_ =	shalt  }
0x56: {  	_ =	shalt  }
0x57: {  	_ =	shalt  }
0x58: {  	_ =	shalt  }
0x59: {  	_ =	shalt  }
0x5a: {  	_ =	shalt  }
0x5b: {  	_ =	shalt  }
0x5c: {  	_ =	shalt  }
0x5d: {  	_ =	shalt  }
0x5e: {  	_ =	shalt  }
0x5f: {  	_ =	shalt  }
0x60: {  	_ =	shalt  }
0x61: {  	_ =	shalt  }
0x62: {  	_ =	shalt  }
0x63: {  	_ =	shalt  }
0x64: {  	_ =	shalt  }
0x65: {  	_ =	shalt  }
0x66: {  	_ =	shalt  }
0x67: {  	_ =	shalt  }
0x68: {  	_ =	shalt  }
0x69: {  	_ =	shalt  }
0x6a: {  	_ =	shalt  }
0x6b: {  	_ =	shalt  }
0x6c: {  	_ =	shalt  }
0x6d: {  	_ =	shalt  }
0x6e: {  	_ =	shalt  }
0x6f: {  	_ =	shalt  }
0x70: {  	_ =	shalt  }
0x71: {  	_ =	shalt  }
0x72: {  	_ =	shalt  }
0x73: {  	_ =	shalt  }
0x74: {  	_ =	shalt  }
0x75: {  	_ =	shalt  }
0x76: {  	_ =	shalt  }
0x77: {  	_ =	shalt  }
0x78: {  	_ =	shalt  }
0x79: {  	_ =	shalt  }
0x7a: {  	_ =	shalt  }
0x7b: {  	_ =	shalt  }
0x7c: {  	_ =	shalt  }
0x7d: {  	_ =	shalt  }
0x7e: {  	_ =	shalt  }
0x7f: {  	_ =	shalt  }
0x80: {  	_ =	shalt  }
0x81: {  	_ =	shalt  }
0x82: {  	_ =	shalt  }
0x83: {  	_ =	shalt  }
0x84: {  	_ =	shalt  }
0x85: {  	_ =	shalt  }
0x86: {  	_ =	shalt  }
0x87: {  	_ =	shalt  }
.Lfunc_end0:
.L_simem_size_0:
called_computation.1_lowered:
.L_overlay_start_0:
0x88: {  	s2 =	sld [smem:$0x3FD9]  }
0x89: {  	s3 =	sld [smem:$0x3FFE];
	_ =	sdelay $0x1  }
0x8a: {  	s1 =	srdreg.scid  }
0x8b: {  	s0 =	sand.u32 $0x1, s1  }
0x8c: {  	s17 =	sshll.u32 s0, $0xA;
	s2 =	sadd.s32 s3, s2  }
0x8d: {  	s2 =	sadd.s32 s2, s17  }
0x8e: {  	[smem:$0x3FC3] =	sst s2  }
0x8f: {  	_ = 	snop  }
0x90: {  	s2 =	sld [smem:$0x3FD0];
	(tm) =	ssettm $0x1  }
0x91: {  	s18 =	sld [smem:$0x3FFB];
	_ =	sdelay $0x3  }
0x92: {  	_ =	strace s18  }
0x93: {  	s3 =	sld [smem:$0x3FFC];
	_ =	sdelay $0x3  }
0x94: {  	_ =	strace s3  }
0x95: {  	s3 =	sld [smem:$0x3FFD];
	_ =	sdelay $0x3  }
0x96: {  	_ =	strace s3  }
0x97: {  	_ =	strace $0x8FFFFFFF  }
0x98: {  	s19 =	sld [smem:$0x3FDB];
	_ =	sdelay $0x1  }
0x99: {  	s4 =	simm.s32 $_scs_section_size  }
0x9a: {  	s5 =	simm.s32 $_size__tile_overlayer_lowered;
	s6 =	simm.s32 $_tile_overlayer_lowered  }
0x9b: {  	s22 =	simm.s32 $0x1BFF;
	s21 =	sshll.u32 s6, $0x1;
	s3 =	sadd.s32 s4, s19  }
0x9c: {  	s7 =	simm.s32 $0x0;
	s20 =	sshll.u32 s5, $0x1;
	s5 =	sadd.s32 s21, s3  }
0x9d: {  	[timem:s7], [sflag:s22] =	dma.local [hbm:s5], s20  }
0x9e: {  	_ =	swait.ge [sflag:s22], s20  }
0x9f: {  	s4 =	ssub.s32 $0x0, s20;
	[sflag:s22] =	ssyncset.done $0x0  }
0xa0: {  	[sflag:s22] =	ssyncadd.s32 s4;
	_ =	sdelay $0x1  }
0xa1: {  	s23 =	simm.s32 $0x1B8B  }
0xa2: {  	_ =	swait.ge [sflag:s23], $0x1  }
0xa3: {  	[sflag:s23] =	ssyncset.done $0x0  }
0xa4: {  	s25 =	simm.s32 $0x1B8E;
	s24 =	sld [smem:$0x3FFE];
	[sflag:s23] =	ssyncadd.s32 $0xFFFFFFFF  }
0xa5: {  	s26 =	simm.s32 $execute0_lowered;
	[smem:$0x3FD2] =	sst s25  }
0xa6: {  	s5 =	sshll.u32 s26, $0x1;
	_ =	strace $0x80000049;
	[dreg:$0x1] =	wrdreg $0xFFFFFFFF  }
0xa7: {  	s28 =	simm.s32 $_size_execute0_lowered;
	s3 =	sadd.s32 s3, s5;
	[dreg:$0x0] =	wrdreg $0x0  }
0xa8: {  	s5 =	sshll.u32 s28, $0x1;
	[dreg:$0x2] =	wrdreg s3  }
0xa9: {  	[dreg:$0x3] =	wrdreg s5  }
0xaa: {  	[dreg:$0x4] =	wrdreg $0xC0  }
0xab: {  	_ =	task [dreg:s7], $0x5FFFF  }
0xac: {  	[dreg:$0x1] =	wrdreg $0xFFFFFFFF  }
0xad: {  	[dreg:$0x0] =	wrdreg $0x60  }
0xae: {  	[dreg:$0x2] =	wrdreg s24  }
0xaf: {  	[dreg:$0x3] =	wrdreg s2  }
0xb0: {  	[dreg:$0x4] =	wrdreg $0x9  }
0xb1: {  	_ =	task.clear_ibuf [dreg:s7], $0x5FFFF;
	_ =	strace $0x90000049  }
0xb2: {  	s29 =	simm.s32 $0x9;
	_ =	strace $0x8000004B  }
0xb3: {  	_ =	swait.ge [sflag:s29], $0x1  }
0xb4: {  	[sflag:s29] =	ssyncadd.s32 $0xFFFFFFFF  }
0xb5: {  	_ =	strace $0x9000004B  }
0xb6: {  	_ =	sfence  }
0xb7: {  	s30 =	sld [smem:$0x0];
	_ =	sdelay $0x2  }
0xb8: {  	s31 =	sshll.u32 s1, $0xD;
	s1 =	sshrl.u32 s1, $0x2  }
0xb9: {  	s3 =	sand.u32 $0x4000, s31;
	s1 =	sadd.s32 s1, s30  }
0xba: {  	s0 =	sor.u32 s3, s0;
	s1 =	sshll.u32 s1, $0x11  }
0xbb: {  	s0 =	sor.u32 s1, s0  }
0xbc: {  	s0 =	sadd.s32 $0x8F2B, s0  }
0xbd: {  	[sflag:s0] =	ssyncadd.remote.s32 $0x1  }
0xbe: {  	_ =	sfence.sel $0xFFFF  }
0xbf: {  	[dreg:$0x0] =	wrdreg $0xFFFFFFFF;
	(pc) =	sbr.abs _section_cstart, $3  }
0xc0: {  	[dreg:$0x1] =	wrdreg $0xFFFFFFFF  }
0xc1: {  	_ =	task.clear_ibuf [dreg:s7], $0x2FFFF;
	_ =	strace $0x9FFFFFFF  }
0xc2: {  	(tm) =	ssettm $0x7FFFFFFF  }
0xc3: {  	_ =	shalt  }
tec
execute0_lowered:
.L_overlay_start_1:
0x0: {  	(tag) =	ssettag $0x1  }
0x1: {  	s0 =	srdreg.scid;
	s1 =	rddreg [dreg:$0x0]  }
0x2: {  	s2 =	rddreg [dreg:$0x1];
	s10 =	stileid.u32  }
0x3: {  	s3 =	simm.s32 $0x0;
	s13 =	simm.s32 $0x7;
	s18 =	simm.s32 $0x3  }
0x4: {  	s19 =	simm.s32 $0xB280;
	s20 =	simm.s32 $0x2;
	s0 =	sand.u32 $0x1, s0  }
0x5: {  	[smem:$0x7FF] =	sst s3;
	s5 =	sadd.s32 $0xA800, s1;
	s4 =	sshll.u32 s0, $0x4  }
0x6: {  	s6 =	sadd.s32 $0xA00, s1;
	s8 =	sadd.s32 $0x4EDA00, s1;
	s4 =	sor.u32 s10, s4  }
0x7: {  	s0 =	ssub.s32 $0x2, s0;
	[dreg:$0x3] =	wrdreg s4;
	s4 =	smul.u32 $0x2710, s4  }
.Ltmp0:
0x8: {  	s1 =	sadd.s32 $0x4ED800, s1;
	s30 =	sshrl.u32 s0, $0x1;
	(pc) =	sbr.rel .LBB2_1-.Ltmp0, $4  }
0x9: {  	s0 =	ssub.s32 s0, s30;
	_ =	strace $0x8000004A;
	s7 =	sshrl.u32 s4, $0x5  }
0xa: {  	[dreg:$0x4] =	wrdreg s1;
	s0 =	smax.u32 s0, $0x1;
	s9 =	sshll.u32 s7, $0x3  }
0xb: {  	s21 =	simm.s32 $0x4;
	[dreg:$0x6] =	wrdreg s0;
	s31 =	sadd.s32 s8, s9  }
0xc: {  	s11 =	sadd.s32 $0x3FEA, s10;
	s9 =	simm.s32 $0x0;
	[dreg:$0x5] =	wrdreg s31  }
.LBB2_35:
0xd: {  	s0 =	sadd.s32 $0xFFFFFFFF, s26  }
0xe: {  	s9 =	sadd.s32 $0xFFFFFFFE, s26;
	s4 =	sand.u32 $0x1, s0  }
0xf: {  	p0 =	seq.s32 s4, $0x0;
	s4 =	smov.u32 s9  }
0x10: {  	s4 =	smov.u32 @p0 s0  }
0x11: {  	p1 =	slt.s32 s4, $0x0  }
0x12: {  	s4 =	smul.u32 @!p1 $0xFFFFFFA0, s4;
	_ =	sdelay $0x1  }
0x13: {  	s4 =	sadd.s32 @!p1 s1, s4  }
0x14: {  	p2 =	slt.s32 @!p1 s4, $0x60  }
0x15: {  	p2 =	por !p2, p1  }
0x16: {  	s4 =	simm.s32 @p2 $0x60  }
0x17: {  	s10 =	sand.u32 @!p1 $0x40, s4  }
0x18: {  	p2 =	seq.s32 @!p1 s10, $0x0  }
0x19: {  	p2 =	por p2, p1  }
0x1a: {  	s0 =	smov.u32 @p0 s9;
	s12 =	sand.u32 @!p1 $0x20, s4;
	s10 =	simm.s32 @!p2 $0x5  }
0x1b: {  	p0 =	slt.s32 s0, $0x0;
	p3 =	seq.s32 @!p1 s12, $0x0;
	_ =	swait.ge @!p2 [sflag:s10], $0x2000  }
0x1c: {  	s0 =	smul.u32 @!p0 $0xFFFFFFA0, s0;
	p3 =	por p3, p1;
	[sflag:s10] =	ssyncset.done @!p2 $0x0  }
0x1d: {  	s9 =	simm.s32 @!p3 $0x5;
	[sflag:s10] =	ssyncadd.s32 @!p2 $0xFFFFE000;
	s10 =	sand.u32 @!p1 $0x10, s4  }
0x1e: {  	s0 =	sadd.s32 @!p0 s1, s0;
	_ =	swait.ge @!p3 [sflag:s9], $0x1000;
	p2 =	seq.s32 @!p1 s10, $0x0  }
0x1f: {  	s4 =	sand.u32 @!p1 $0x8, s4;
	[sflag:s9] =	ssyncset.done @!p3 $0x0;
	p2 =	por p2, p1  }
0x20: {  	[sflag:s9] =	ssyncadd.s32 @!p3 $0xFFFFF000;
	s1 =	simm.s32 @!p2 $0x5;
	p3 =	slt.s32 @!p0 s0, $0x60  }
0x21: {  	p4 =	seq.s32 @!p1 s4, $0x0;
	_ =	swait.ge @!p2 [sflag:s1], $0x800;
	p3 =	por !p3, p0  }
0x22: {  	p1 =	por p4, p1;
	s0 =	simm.s32 @p3 $0x60;
	[sflag:s1] =	ssyncset.done @!p2 $0x0  }
0x23: {  	[sflag:s1] =	ssyncadd.s32 @!p2 $0xFFFFF800;
	s1 =	simm.s32 @!p1 $0x5;
	s4 =	sand.u32 @!p0 $0x40, s0  }
0x24: {  	_ =	swait.ge @!p1 [sflag:s1], $0x400;
	p2 =	seq.s32 @!p0 s4, $0x0  }
0x25: {  	[sflag:s1] =	ssyncset.done @!p1 $0x0;
	p2 =	por p2, p0  }
0x26: {  	s4 =	sand.u32 @!p0 $0x20, s0;
	[sflag:s1] =	ssyncadd.s32 @!p1 $0xFFFFFC00;
	s1 =	simm.s32 @!p2 $0x6  }
0x27: {  	p1 =	seq.s32 @!p0 s4, $0x0;
	_ =	swait.ge @!p2 [sflag:s1], $0x2000  }
0x28: {  	p1 =	por p1, p0;
	[sflag:s1] =	ssyncset.done @!p2 $0x0  }
0x29: {  	s4 =	sand.u32 @!p0 $0x10, s0;
	[sflag:s1] =	ssyncadd.s32 @!p2 $0xFFFFE000;
	s1 =	simm.s32 @!p1 $0x6  }
0x2a: {  	p2 =	seq.s32 @!p0 s4, $0x0;
	_ =	swait.ge @!p1 [sflag:s1], $0x1000  }
0x2b: {  	p2 =	por p2, p0;
	[sflag:s1] =	ssyncset.done @!p1 $0x0  }
0x2c: {  	s0 =	sand.u32 @!p0 $0x8, s0;
	[sflag:s1] =	ssyncadd.s32 @!p1 $0xFFFFF000;
	s1 =	simm.s32 @!p2 $0x6  }
0x2d: {  	p1 =	seq.s32 @!p0 s0, $0x0;
	_ =	swait.ge @!p2 [sflag:s1], $0x800  }
0x2e: {  	p0 =	por p1, p0;
	[sflag:s1] =	ssyncset.done @!p2 $0x0  }
0x2f: {  	s0 =	simm.s32 @!p0 $0x6;
	[sflag:s1] =	ssyncadd.s32 @!p2 $0xFFFFF800  }
0x30: {  	_ =	swait.ge @!p0 [sflag:s0], $0x400  }
0x31: {  	[sflag:s0] =	ssyncset.done @!p0 $0x0  }
0x32: {  	s9 =	rddreg [dreg:$0x7];
	[sflag:s0] =	ssyncadd.s32 @!p0 $0xFFFFFC00  }
.LBB2_36:
0x33: {  	s9 =	sadd.s32 $0x1, s9;
	s0 =	rddreg [dreg:$0x6]  }
0x34: {  	p0 =	sne.s32 s9, s0  }
.Ltmp1:
0x35: {  	_ = 	snop;
	(pc) =	sbr.rel @!p0 .LBB2_37-.Ltmp1, $1  }
0x36: {  	_ =	sdelay $0x3  }
.LBB2_1:
0x37: {  	s0 =	rddreg [dreg:$0x4]  }
0x38: {  	[tilespmem:s3], [sflag:$0x7] =	stream.linear.gather [hbm4b:s0+s3], $0x28, $0x38;
	[tilespmem:$0x11300] =	vst v63  }
0x39: {  	_ =	swait.ge [sflag:s13], $0x28  }
0x3a: {  	[sflag:s13] =	ssyncset.done $0x0  }
0x3b: {  	s30 =	rddreg [dreg:$0x3];
	[sflag:s13] =	ssyncadd.s32 $0xFFFFFFD8  }
0x3c: {  	v0 =	vld [tilespmem:s30+$0x0]  }
0x3d: {  	v1 =	vld [tilespmem:s30+$0x1];
	_ =	sdelay $0x3  }
0x3e: {  	(v2sf) =	vpush v0, $0x0  }
0x3f: {  	(v2sf) =	vpush v1, $0x0;
	_ =	sdelay $0xb  }
0x40: {  	s4 =	simm.s32 $0x6280;
	s1 =	rddreg [dreg:$0x5]  }
0x41: {  	[tilespmem:s4], [sflag:$0x7] =	stream.linear.gather [hbm4b:s1+s3], $0x5000, $0x38;
	[tilespmem:$0x11300] =	vst v63  }
0x42: {  	s24 =	spop (v2sf)  }
0x43: {  	s31 =	spop (v2sf)  }
0x44: {  	s1 =	ssub.s32 s31, s24  }
0x45: {  	p0 =	slt.s32 s1, $0x1  }
.Ltmp2:
0x46: {  	_ = 	snop;
	(pc) =	sbr.rel @p0 .LBB2_36-.Ltmp2, $4  }
0x47: {  	_ = 	snop  }
0x48: {  	_ =	swait.ge [sflag:s13], $0x5000  }
0x49: {  	[sflag:s13] =	ssyncset.done $0x0  }
0x4a: {  	[sflag:s13] =	ssyncadd.s32 $0xFFFFB000  }
0x4b: {  	s0 =	sadd.s32 $0x5F, s1  }
0x4c: {  	s14 =	sshll.u32 s24, $0x4;
	s4 =	smulhi.u32 $0x2AAAAAAB, s0  }
0x4d: {  	[dreg:$0x7] =	wrdreg s9;
	s10 =	sshra.s32 s0, $0x1F;
	s9 =	sand.u32 $0xFFFFF80, s14  }
0x4e: {  	s12 =	simm.s32 $0x280;
	s10 =	smul.u32 $0x2AAAAAAB, s10;
	s9 =	sadd.s32 s5, s9  }
0x4f: {  	[tilespmem:s12], [sflag:$0x1] =	stream.linear.gather [hbm4b:s9+s3], $0x3000, $0x38;
	[tilespmem:$0x11300] =	vst v63  }
0x50: {  	s9 =	sld [smem:$0x7FF]  }
0x51: {  	s25 =	sand.u32 $0x7, s24;
	s4 =	sadd.s32 s10, s4  }
0x52: {  	p0 =	seq.s32 s25, $0x0;
	s10 =	sshrl.u32 s4, $0x1F;
	s4 =	sshra.s32 s4, $0x4  }
0x53: {  	s4 =	sadd.s32 s10, s4;
	p1 =	sne.s32 @!p0 s9, $0x1  }
0x54: {  	s16 =	ssub.s32 $0xFFFFFFA1, s1;
	s15 =	smul.u32 $0xFFFFFFA0, s4;
	p0 =	por !p1, p0  }
0x55: {  	s17 =	sshrl.u32 s24, $0x3;
	p4 =	slt.s32 s0, $0x1;
	s10 =	sor.u32 @!p0 $0x100000, s11  }
0x56: {  	s0 =	simm.s32 @!p0 $0x0;
	p2 =	sne.s32 s15, s16;
	[smem:s10], [sflag:$0x0] =	smem.add.s32 @!p0 $0x7A  }
0x57: {  	s9 =	simm.s32 @!p0 $0x1;
	p1 =	por !p4, !p2;
	_ =	swait.done @!p0 [sflag:s0]  }
0x58: {  	s10 =	simm.s32 $0x1;
	p1 =	por !p1, !p1;
	[smem:$0x7FF] =	sst @!p0 s9  }
0x59: {  	s23 =	simm.s32 $0x80;
	s10 =	simm.s32 @!p1 $0x0;
	_ =	sint @!p0 $0x2  }
0x5a: {  	s22 =	sadd.s32 s6, s17;
	s26 =	ssub.s32 s4, s10;
	_ =	swait.notdone @!p0 [sflag:s0]  }
0x5b: {  	[tilespmem:s23], [sflag:$0x3] =	stream.linear.gather [hbm4b:s22+s3], $0x68, $0x38;
	[tilespmem:$0x11300] =	vst v63  }
0x5c: {  	p0 =	slt.s32 s26, $0x2  }
0x5d: {  	s0 =	sadd.s32 @!p0 $0x60, s24  }
0x5e: {  	s4 =	sshll.u32 @!p0 s0, $0x4  }
0x5f: {  	s4 =	sand.u32 @!p0 $0xFFFFF80, s4  }
0x60: {  	s9 =	simm.s32 @!p0 $0x0;
	s10 =	simm.s32 @!p0 $0x3280;
	s4 =	sadd.s32 @!p0 s5, s4  }
0x61: {  	[tilespmem:s10], [sflag:$0x2] =	stream.linear.gather @!p0 [hbm4b:s4+s9], $0x3000, $0x38;
	[tilespmem:$0x11300] =	vst v63  }
0x62: {  	s4 =	sld @!p0 [smem:$0x7FF]  }
0x63: {  	p1 =	seq.s32 @!p0 s25, $0x0  }
0x64: {  	p2 =	por p1, p0  }
0x65: {  	p2 =	sne.s32 @!p2 s4, $0x1  }
0x66: {  	p1 =	por @!p0 !p2, p1  }
0x67: {  	p1 =	por p1, p0  }
0x68: {  	s4 =	sor.u32 @!p1 $0x100000, s11  }
0x69: {  	[smem:s4], [sflag:$0x0] =	smem.add.s32 @!p1 $0x82;
	s4 =	simm.s32 @!p1 $0x0  }
0x6a: {  	s29 =	sadd.s32 $0x1, s26;
	s10 =	simm.s32 @!p1 $0x1;
	_ =	swait.done @!p1 [sflag:s4]  }
0x6b: {  	p5 =	slt.s32 s26, $0x0;
	s30 =	sand.u32 $0x1, s29;
	[smem:$0x7FF] =	sst @!p1 s10  }
0x6c: {  	s0 =	sshrl.u32 @!p0 s0, $0x3;
	p6 =	seq.s32 s30, $0x1;
	_ =	sint @!p1 $0x2  }
0x6d: {  	s0 =	sadd.s32 @!p0 s6, s0;
	_ =	swait.notdone @!p1 [sflag:s4];
	s4 =	simm.s32 @!p0 $0x180  }
0x6e: {  	[tilespmem:s4], [sflag:$0x4] =	stream.linear.gather @!p0 [hbm4b:s0+s9], $0x68, $0x38;
	[tilespmem:$0x11300] =	vst v63  }
0x6f: {  	s31 =	sshrl.u32 s29, $0x1F;
	p0 =	por !p5, !p6  }
0x70: {  	s0 =	sadd.s32 s31, s29;
	s4 =	simm.s32 $0x1;
	p0 =	por !p0, !p0  }
0x71: {  	s0 =	sshra.s32 s0, $0x1;
	s4 =	simm.s32 @!p0 $0x0  }
0x72: {  	s28 =	ssub.s32 s0, s4  }
0x73: {  	p0 =	slt.s32 s28, $0x1  }
.Ltmp3:
0x74: {  	_ = 	snop;
	(pc) =	sbr.rel @p0 .LBB2_35-.Ltmp3, $1  }
0x75: {  	_ =	sdelay $0x3  }
.Ltmp4:
0x76: {  	(pc) =	sbr.rel .LBB2_4-.Ltmp4, $4  }
0x77: {  	_ = 	snop  }
0x78: {  	s0 =	sadd.s32 $0xC0, s1  }
0x79: {  	s30 =	sadd.s32 $0x60, s1;
	s31 =	sadd.s32 $0xFFFFFFA0, s1;
	[dreg:$0x8] =	wrdreg s0  }
0x7a: {  	s23 =	smov.u32 s1;
	[dreg:$0x9] =	wrdreg s30;
	s0 =	simm.s32 $0x0  }
.LBB2_33:
0x7b: {  	s4 =	sand.u32 $0x40, s15  }
0x7c: {  	s9 =	sadd.s32 s24, s9;
	p0 =	seq.s32 s4, $0x0  }
0x7d: {  	s10 =	sshll.u32 @!p0 s9, $0x4  }
0x7e: {  	s22 =	sand.u32 $0x20, s15;
	s10 =	sand.u32 @!p0 $0xFFFFF80, s10  }
0x7f: {  	s12 =	simm.s32 @!p0 $0x0;
	s14 =	simm.s32 @!p0 $0xE300;
	s10 =	sadd.s32 @!p0 s2, s10  }
0x80: {  	[hbm4b:s10+s12] =	stream.linear.scatter @!p0 [tilespmem:s14], [sflag:$0x6], $0x2000, $0x38;
	[tilespmem:$0x11300] =	vst v63  }
0x81: {  	p0 =	seq.s32 s22, $0x0  }
0x82: {  	s10 =	sadd.s32 @!p0 s9, s4  }
0x83: {  	s10 =	sshll.u32 @!p0 s10, $0x4  }
0x84: {  	s29 =	sand.u32 $0x10, s15;
	s4 =	sshll.u32 @!p0 s4, $0x7;
	s10 =	sand.u32 @!p0 $0xFFFFF80, s10  }
0x85: {  	s12 =	simm.s32 @!p0 $0x0;
	s4 =	sadd.s32 @!p0 $0xE300, s4;
	s10 =	sadd.s32 @!p0 s2, s10  }
0x86: {  	[hbm4b:s10+s12] =	stream.linear.scatter @!p0 [tilespmem:s4], [sflag:$0x6], $0x1000, $0x38;
	[tilespmem:$0x11300] =	vst v63  }
0x87: {  	p0 =	seq.s32 s29, $0x0  }
0x88: {  	s4 =	sand.u32 @!p0 $0x60, s15  }
0x89: {  	s10 =	sadd.s32 @!p0 s9, s4  }
0x8a: {  	s30 =	sand.u32 $0x8, s15;
	s10 =	sshll.u32 @!p0 s10, $0x4  }
0x8b: {  	p1 =	seq.s32 s30, $0x0;
	s4 =	sshll.u32 @!p0 s4, $0x7;
	s10 =	sand.u32 @!p0 $0xFFFFF80, s10  }
0x8c: {  	s12 =	simm.s32 @!p0 $0x0;
	s4 =	sadd.s32 @!p0 $0xE300, s4;
	s10 =	sadd.s32 @!p0 s2, s10  }
0x8d: {  	[hbm4b:s10+s12] =	stream.linear.scatter @!p0 [tilespmem:s4], [sflag:$0x6], $0x800, $0x38;
	[tilespmem:$0x11300] =	vst v63  }
0x8e: {  	s4 =	sand.u32 @!p1 $0x70, s15  }
0x8f: {  	s10 =	sadd.s32 $0x3, s16;
	s9 =	sadd.s32 @!p1 s9, s4  }
0x90: {  	s12 =	simm.s32 @!p1 $0x0;
	s4 =	sshll.u32 @!p1 s4, $0x7;
	s9 =	sshll.u32 @!p1 s9, $0x4  }
0x91: {  	p0 =	sge.s32 s10, s26;
	s4 =	sadd.s32 @!p1 $0xE300, s4;
	s9 =	sand.u32 @!p1 $0xFFFFF80, s9  }
0x92: {  	s10 =	smul.u32 @!p0 $0x60, s10;
	s14 =	sld @!p0 [smem:$0x7FF];
	s9 =	sadd.s32 @!p1 s2, s9  }
0x93: {  	[hbm4b:s9+s12] =	stream.linear.scatter @!p1 [tilespmem:s4], [sflag:$0x6], $0x400, $0x38;
	[tilespmem:$0x11300] =	vst v63  }
0x94: {  	s4 =	sadd.s32 @!p0 s24, s10;
	p1 =	seq.s32 @!p0 s25, $0x0  }
0x95: {  	s9 =	sshll.u32 @!p0 s4, $0x4;
	p2 =	por p1, p0  }
0x96: {  	s10 =	simm.s32 @!p0 $0x0;
	s9 =	sand.u32 @!p0 $0xFFFFF80, s9;
	p2 =	sne.s32 @!p2 s14, $0x1  }
0x97: {  	s12 =	simm.s32 @!p0 $0x3280;
	s9 =	sadd.s32 @!p0 s5, s9;
	p1 =	por @!p0 !p2, p1  }
0x98: {  	[tilespmem:s12], [sflag:$0x2] =	stream.linear.gather @!p0 [hbm4b:s9+s10], $0x3000, $0x38;
	[tilespmem:$0x11300] =	vst v63  }
0x99: {  	p1 =	por p1, p0  }
0x9a: {  	s9 =	sor.u32 @!p1 $0x100000, s11  }
0x9b: {  	[smem:s9], [sflag:$0x0] =	smem.add.s32 @!p1 $0x28A;
	s9 =	simm.s32 @!p1 $0x0  }
0x9c: {  	s12 =	simm.s32 @!p1 $0x1;
	_ =	swait.done @!p1 [sflag:s9]  }
0x9d: {  	[smem:$0x7FF] =	sst @!p1 s12  }
0x9e: {  	s4 =	sshrl.u32 @!p0 s4, $0x3;
	_ =	sint @!p1 $0x2  }
0x9f: {  	s4 =	sadd.s32 @!p0 s6, s4;
	_ =	swait.notdone @!p1 [sflag:s9];
	s9 =	simm.s32 @!p0 $0x180  }
0xa0: {  	[tilespmem:s9], [sflag:$0x4] =	stream.linear.gather @!p0 [hbm4b:s4+s10], $0x68, $0x38;
	[tilespmem:$0x11300] =	vst v63  }
.LBB2_34:
0xa1: {  	s0 =	sadd.s32 $0x1, s0  }
0xa2: {  	p0 =	sne.s32 s0, s28  }
.Ltmp5:
0xa3: {  	_ = 	snop;
	(pc) =	sbr.rel @!p0 .LBB2_35-.Ltmp5, $2  }
0xa4: {  	_ =	sdelay $0x2  }
0xa5: {  	s23 =	sadd.s32 $0xFFFFFF40, s23;
	s31 =	sadd.s32 $0xFFFFFF40, s31  }
.LBB2_4:
0xa6: {  	s16 =	sshll.u32 s0, $0x1  }
0xa7: {  	p0 =	sge.s32 s16, s26  }
.Ltmp6:
0xa8: {  	_ = 	snop;
	(pc) =	sbr.rel @p0 .LBB2_23-.Ltmp6, $1  }
0xa9: {  	_ =	sdelay $0x3  }
0xaa: {  	p0 =	seq.s32 s0, $0x0  }
0xab: {  	s4 =	smul.u32 @!p0 $0xFFFFFF40, s0  }
0xac: {  	s9 =	rddreg [dreg:$0x8]  }
0xad: {  	s4 =	sadd.s32 @!p0 s4, s9  }
0xae: {  	s29 =	simm.s32 $0x1;
	p1 =	slt.s32 @!p0 s4, $0x60  }
0xaf: {  	_ =	swait.ge [sflag:s29], $0x3000;
	p1 =	por !p1, p0  }
0xb0: {  	[sflag:s29] =	ssyncset.done $0x0;
	s4 =	simm.s32 @p1 $0x60  }
0xb1: {  	[sflag:s29] =	ssyncadd.s32 $0xFFFFD000;
	s9 =	sand.u32 @!p0 $0x40, s4  }
0xb2: {  	_ =	swait.ge [sflag:s18], $0x68;
	p1 =	seq.s32 @!p0 s9, $0x0  }
0xb3: {  	[sflag:s18] =	ssyncset.done $0x0;
	p1 =	por p1, p0  }
0xb4: {  	[sflag:s18] =	ssyncadd.s32 $0xFFFFFF98;
	s10 =	sand.u32 @!p0 $0x20, s4;
	s9 =	simm.s32 @!p1 $0x5  }
0xb5: {  	p2 =	seq.s32 @!p0 s10, $0x0;
	_ =	swait.ge @!p1 [sflag:s9], $0x2000  }
0xb6: {  	s15 =	smul.u32 $0xC0, s0;
	p2 =	por p2, p0;
	[sflag:s9] =	ssyncset.done @!p1 $0x0  }
0xb7: {  	s10 =	sand.u32 @!p0 $0x10, s4;
	[sflag:s9] =	ssyncadd.s32 @!p1 $0xFFFFE000;
	s9 =	simm.s32 @!p2 $0x5  }
0xb8: {  	s30 =	ssub.s32 s1, s15;
	p1 =	seq.s32 @!p0 s10, $0x0;
	_ =	swait.ge @!p2 [sflag:s9], $0x1000  }
0xb9: {  	s4 =	sand.u32 @!p0 $0x8, s4;
	p1 =	por p1, p0;
	[sflag:s9] =	ssyncset.done @!p2 $0x0  }
0xba: {  	[sflag:s9] =	ssyncadd.s32 @!p2 $0xFFFFF000;
	s9 =	simm.s32 @!p1 $0x5;
	p2 =	seq.s32 @!p0 s4, $0x0  }
0xbb: {  	_ =	swait.ge @!p1 [sflag:s9], $0x800;
	p0 =	por p2, p0;
	p2 =	slt.s32 s30, $0x1  }
.Ltmp7:
0xbc: {  	[sflag:s9] =	ssyncset.done @!p1 $0x0;
	(pc) =	sbr.rel @!p2 .LBB2_6-.Ltmp7, $4  }
0xbd: {  	s4 =	simm.s32 @!p0 $0x5;
	[sflag:s9] =	ssyncadd.s32 @!p1 $0xFFFFF800  }
0xbe: {  	_ =	swait.ge @!p0 [sflag:s4], $0x400  }
0xbf: {  	s17 =	smov.u32 s30;
	p1 =	slt.s32 s30, $0x60;
	[sflag:s4] =	ssyncset.done @!p0 $0x0  }
0xc0: {  	s17 =	simm.s32 @!p1 $0x60;
	[sflag:s4] =	ssyncadd.s32 @!p0 $0xFFFFFC00;
	s4 =	simm.s32 $0x0  }
.LBB2_22:
0xc1: {  	s4 =	sand.u32 $0x40, s17  }
0xc2: {  	s9 =	sadd.s32 s24, s15;
	p0 =	seq.s32 s4, $0x0  }
0xc3: {  	s10 =	sshll.u32 @!p0 s9, $0x4  }
0xc4: {  	s22 =	sand.u32 $0x20, s17;
	s10 =	sand.u32 @!p0 $0xFFFFF80, s10  }
0xc5: {  	s12 =	simm.s32 @!p0 $0x0;
	s15 =	simm.s32 @!p0 $0xB300;
	s10 =	sadd.s32 @!p0 s2, s10  }
0xc6: {  	[hbm4b:s10+s12] =	stream.linear.scatter @!p0 [tilespmem:s15], [sflag:$0x5], $0x2000, $0x38;
	[tilespmem:$0x11300] =	vst v63  }
0xc7: {  	p0 =	seq.s32 s22, $0x0  }
0xc8: {  	s10 =	sadd.s32 @!p0 s9, s4  }
0xc9: {  	s10 =	sshll.u32 @!p0 s10, $0x4  }
0xca: {  	s29 =	sand.u32 $0x10, s17;
	s4 =	sshll.u32 @!p0 s4, $0x7;
	s10 =	sand.u32 @!p0 $0xFFFFF80, s10  }
0xcb: {  	s12 =	simm.s32 @!p0 $0x0;
	s4 =	sadd.s32 @!p0 $0xB300, s4;
	s10 =	sadd.s32 @!p0 s2, s10  }
0xcc: {  	[hbm4b:s10+s12] =	stream.linear.scatter @!p0 [tilespmem:s4], [sflag:$0x5], $0x1000, $0x38;
	[tilespmem:$0x11300] =	vst v63  }
0xcd: {  	p0 =	seq.s32 s29, $0x0  }
0xce: {  	s4 =	sand.u32 @!p0 $0x60, s17  }
0xcf: {  	s10 =	sadd.s32 @!p0 s9, s4  }
0xd0: {  	s30 =	sand.u32 $0x8, s17;
	s10 =	sshll.u32 @!p0 s10, $0x4  }
0xd1: {  	p1 =	seq.s32 s30, $0x0;
	s4 =	sshll.u32 @!p0 s4, $0x7;
	s10 =	sand.u32 @!p0 $0xFFFFF80, s10  }
0xd2: {  	s12 =	simm.s32 @!p0 $0x0;
	s4 =	sadd.s32 @!p0 $0xB300, s4;
	s10 =	sadd.s32 @!p0 s2, s10  }
0xd3: {  	[hbm4b:s10+s12] =	stream.linear.scatter @!p0 [tilespmem:s4], [sflag:$0x5], $0x800, $0x38;
	[tilespmem:$0x11300] =	vst v63  }
0xd4: {  	s4 =	sand.u32 @!p1 $0x70, s17  }
0xd5: {  	s10 =	sadd.s32 $0x2, s16;
	s9 =	sadd.s32 @!p1 s9, s4  }
0xd6: {  	s12 =	simm.s32 @!p1 $0x0;
	s4 =	sshll.u32 @!p1 s4, $0x7;
	s9 =	sshll.u32 @!p1 s9, $0x4  }
0xd7: {  	p0 =	sge.s32 s10, s26;
	s4 =	sadd.s32 @!p1 $0xB300, s4;
	s9 =	sand.u32 @!p1 $0xFFFFF80, s9  }
0xd8: {  	s10 =	smul.u32 @!p0 $0x60, s10;
	s15 =	sld @!p0 [smem:$0x7FF];
	s9 =	sadd.s32 @!p1 s2, s9  }
0xd9: {  	[hbm4b:s9+s12] =	stream.linear.scatter @!p1 [tilespmem:s4], [sflag:$0x5], $0x400, $0x38;
	[tilespmem:$0x11300] =	vst v63  }
0xda: {  	s4 =	sadd.s32 @!p0 s24, s10;
	p1 =	seq.s32 @!p0 s25, $0x0  }
0xdb: {  	s9 =	sshll.u32 @!p0 s4, $0x4;
	p2 =	por p1, p0  }
0xdc: {  	s10 =	simm.s32 @!p0 $0x0;
	s9 =	sand.u32 @!p0 $0xFFFFF80, s9;
	p2 =	sne.s32 @!p2 s15, $0x1  }
0xdd: {  	s12 =	simm.s32 @!p0 $0x280;
	s9 =	sadd.s32 @!p0 s5, s9;
	p1 =	por @!p0 !p2, p1  }
0xde: {  	[tilespmem:s12], [sflag:$0x1] =	stream.linear.gather @!p0 [hbm4b:s9+s10], $0x3000, $0x38;
	[tilespmem:$0x11300] =	vst v63  }
0xdf: {  	p1 =	por p1, p0  }
0xe0: {  	s9 =	sor.u32 @!p1 $0x100000, s11  }
0xe1: {  	[smem:s9], [sflag:$0x0] =	smem.add.s32 @!p1 $0x192;
	s9 =	simm.s32 @!p1 $0x0  }
0xe2: {  	s12 =	simm.s32 @!p1 $0x1;
	_ =	swait.done @!p1 [sflag:s9]  }
0xe3: {  	[smem:$0x7FF] =	sst @!p1 s12  }
0xe4: {  	s4 =	sshrl.u32 @!p0 s4, $0x3;
	_ =	sint @!p1 $0x2  }
0xe5: {  	s4 =	sadd.s32 @!p0 s6, s4;
	_ =	swait.notdone @!p1 [sflag:s9];
	s9 =	simm.s32 @!p0 $0x80  }
0xe6: {  	[tilespmem:s9], [sflag:$0x3] =	stream.linear.gather @!p0 [hbm4b:s4+s10], $0x68, $0x38;
	[tilespmem:$0x11300] =	vst v63  }
.LBB2_23:
0xe7: {  	s4 =	sor.u32 $0x1, s16  }
0xe8: {  	p0 =	sge.s32 s4, s26  }
.Ltmp8:
0xe9: {  	_ = 	snop;
	(pc) =	sbr.rel @p0 .LBB2_34-.Ltmp8, $1  }
0xea: {  	_ =	sdelay $0x3  }
0xeb: {  	p0 =	seq.s32 s0, $0x0  }
0xec: {  	s9 =	smul.u32 @!p0 $0xFFFFFF40, s0  }
0xed: {  	s10 =	rddreg [dreg:$0x9]  }
0xee: {  	s9 =	sadd.s32 @!p0 s9, s10  }
0xef: {  	p1 =	slt.s32 @!p0 s9, $0x60  }
0xf0: {  	_ =	swait.ge [sflag:s20], $0x3000;
	p1 =	por !p1, p0  }
0xf1: {  	[sflag:s20] =	ssyncset.done $0x0;
	s9 =	simm.s32 @p1 $0x60  }
0xf2: {  	[sflag:s20] =	ssyncadd.s32 $0xFFFFD000;
	s10 =	sand.u32 @!p0 $0x40, s9  }
0xf3: {  	_ =	swait.ge [sflag:s21], $0x68;
	p1 =	seq.s32 @!p0 s10, $0x0  }
0xf4: {  	[sflag:s21] =	ssyncset.done $0x0;
	p1 =	por p1, p0  }
0xf5: {  	[sflag:s21] =	ssyncadd.s32 $0xFFFFFF98;
	s12 =	sand.u32 @!p0 $0x20, s9;
	s10 =	simm.s32 @!p1 $0x6  }
0xf6: {  	p2 =	seq.s32 @!p0 s12, $0x0;
	_ =	swait.ge @!p1 [sflag:s10], $0x2000  }
0xf7: {  	p2 =	por p2, p0;
	[sflag:s10] =	ssyncset.done @!p1 $0x0  }
0xf8: {  	[sflag:s10] =	ssyncadd.s32 @!p1 $0xFFFFE000;
	s10 =	simm.s32 @!p2 $0x6  }
0xf9: {  	s12 =	sand.u32 @!p0 $0x10, s9;
	_ =	swait.ge @!p2 [sflag:s10], $0x1000  }
0xfa: {  	s9 =	sand.u32 @!p0 $0x8, s9;
	p1 =	seq.s32 @!p0 s12, $0x0;
	[sflag:s10] =	ssyncset.done @!p2 $0x0  }
0xfb: {  	[sflag:s10] =	ssyncadd.s32 @!p2 $0xFFFFF000;
	p2 =	seq.s32 @!p0 s9, $0x0;
	s9 =	smul.u32 $0x60, s4  }
0xfc: {  	p1 =	por p1, p0  }
0xfd: {  	s10 =	simm.s32 @!p1 $0x6;
	s30 =	ssub.s32 s1, s9  }
0xfe: {  	_ =	swait.ge @!p1 [sflag:s10], $0x800;
	p0 =	por p2, p0;
	p2 =	slt.s32 s30, $0x1  }
.Ltmp9:
0xff: {  	[sflag:s10] =	ssyncset.done @!p1 $0x0;
	(pc) =	sbr.rel @!p2 .LBB2_25-.Ltmp9, $4  }
.Ltmp10:
0x100: {  	s4 =	simm.s32 @!p0 $0x6;
	[sflag:s10] =	ssyncadd.s32 @!p1 $0xFFFFF800;
	(pc) =	sbr.rel @p2 .LBB2_33-.Ltmp10, $4  }
0x101: {  	_ =	swait.ge @!p0 [sflag:s4], $0x400  }
0x102: {  	p1 =	slt.s32 s30, $0x60;
	s15 =	smov.u32 s30;
	[sflag:s4] =	ssyncset.done @!p0 $0x0  }
0x103: {  	s17 =	simm.s32 $0x0;
	s15 =	simm.s32 @!p1 $0x60;
	[sflag:s4] =	ssyncadd.s32 @!p0 $0xFFFFFC00  }
0x104: {  	_ = 	snop  }
.LBB2_32:
0x105: {  	s10 =	sadd.s32 s10, s12  }
0x106: {  	s12 =	smov.u32 s15;
	p0 =	slt.s32 s10, s15  }
0x107: {  	s12 =	smov.u32 @p0 s10  }
0x108: {  	p0 =	sgt.s32 s12, s4  }
0x109: {  	s4 =	smov.u32 @p0 s12  }
0x10a: {  	p0 =	slt.s32 s4, s15  }
.Ltmp11:
0x10b: {  	_ = 	snop;
	(pc) =	sbr.rel @!p0 .LBB2_33-.Ltmp11, $2  }
0x10c: {  	_ =	sdelay $0x2  }
0x10d: {  	s17 =	smov.u32 s4  }
.LBB2_25:
0x10e: {  	v0 =	vld [tilespmem:s17+$0x180];
	_ =	sdelay $0x2  }
0x10f: {  	s4 =	sshll.u32 s17, $0x2  }
0x110: {  	s4 =	sshra.s32 s4, $0x2  }
0x111: {  	s10 =	sadd.s32 $0xFFFFFFF0, s17;
	s22 =	smov.u32 s17;
	s4 =	sadd.s32 $0x180, s4;
	v1 =	vbroadcast v0, $0x0  }
.LBB2_26:
0x112: {  	v2 =	vld [tilespmem:s4+$0x0];
	_ =	sdelay $0x4  }
0x113: {  	vm0 =	vne.s32 v2, v1  }
0x114: {  	v2 =	vmctz.xlane vm0;
	_ =	sdelay $0x1  }
0x115: {  	(v2sf) =	vpush v2, $0x0;
	_ =	sdelay $0xd  }
0x116: {  	s10 =	sadd.s32 $0x10, s10  }
0x117: {  	p0 =	sge.s32 s10, s15;
	s12 =	spop (v2sf)  }
0x118: {  	p1 =	sgt.s32 @!p0 s12, $0xF  }
0x119: {  	p0 =	por p0, !p1  }
.Ltmp12:
0x11a: {  	_ = 	snop;
	(pc) =	sbr.rel @!p0 .LBB2_26-.Ltmp12, $2  }
0x11b: {  	_ =	sdelay $0x2  }
0x11c: {  	s29 =	smov.u32 s22;
	s4 =	sadd.s32 $0x10, s4;
	s22 =	sadd.s32 $0x10, s22  }
0x11d: {  	(v2sf) =	vpush v0, $0x0;
	_ =	sdelay $0xe  }
0x11e: {  	s30 =	spop (v2sf)  }
0x11f: {  	s22 =	ssub.s32 s30, s7  }
0x120: {  	p0 =	slt.s32 s22, $0x0  }
.Ltmp13:
0x121: {  	_ = 	snop;
	(pc) =	sbr.rel @p0 .LBB2_30-.Ltmp13, $2  }
0x122: {  	_ =	sdelay $0x2  }
0x123: {  	s4 =	sadd.s32 $0x1, s17  }
0x124: {  	s30 =	sshll.u32 s17, $0x9  }
0x125: {  	s30 =	sshra.s32 s30, $0x2  }
0x126: {  	s22 =	sshll.u32 s22, $0x8;
	s14 =	sadd.s32 $0x32A0, s30  }
0x127: {  	s22 =	sshra.s32 s22, $0x2;
	v4 =	vld [tilespmem:s14+$0xFFFFFFE0]  }
0x128: {  	v0 =	vld [tilespmem:s22+$0x6280]  }
0x129: {  	v1 =	vld [tilespmem:s22+$0x6290]  }
0x12a: {  	v2 =	vld [tilespmem:s22+$0x62A0]  }
0x12b: {  	v3 =	vld [tilespmem:s22+$0x62B0];
	s22 =	sadd.s32 $0xE340, s30  }
0x12c: {  	[tilespmem:s22+$0xFFFFFFC0] =	vst v4  }
0x12d: {  	v4 =	vld [tilespmem:s14+$0xFFFFFFF0];
	_ =	sdelay $0x2  }
0x12e: {  	s29 =	sadd.s32 s29, s12  }
0x12f: {  	p0 =	slt.s32 s31, s29  }
0x130: {  	s29 =	smov.u32 @p0 s31;
	[tilespmem:s22+$0xFFFFFFD0] =	vst v4  }
0x131: {  	p0 =	slt.s32 s29, $0x60;
	v4 =	vld [tilespmem:s14+$0x0]  }
0x132: {  	s29 =	simm.s32 @!p0 $0x60  }
0x133: {  	s30 =	smov.u32 s4;
	p0 =	sgt.s32 s29, s4  }
0x134: {  	s30 =	smov.u32 @p0 s29  }
0x135: {  	s30 =	ssub.s32 s17, s30  }
0x136: {  	s17 =	sadd.s32 $0x1, s30;
	[tilespmem:s22+$0xFFFFFFE0] =	vst v4  }
0x137: {  	p0 =	seq.s32 s17, $0x0;
	v4 =	vld [tilespmem:s14+$0x10]  }
.Ltmp14:
0x138: {  	[tilespmem:s22+$0x0] =	vst v0;
	(pc) =	sbr.rel @p0 .LBB2_32-.Ltmp14, $4  }
0x139: {  	[tilespmem:s22+$0x10] =	vst v1  }
0x13a: {  	[tilespmem:s22+$0x20] =	vst v2  }
0x13b: {  	[tilespmem:s22+$0x30] =	vst v3  }
0x13c: {  	s29 =	sadd.s32 $0x80, s14;
	[tilespmem:s22+$0xFFFFFFF0] =	vst v4  }
.LBB2_29:
0x13d: {  	v4 =	vld [tilespmem:s29+$0xFFFFFFE0];
	s17 =	sadd.s32 $0x1, s17  }
0x13e: {  	p0 =	seq.s32 s17, $0x0;
	_ =	sdelay $0x2  }
0x13f: {  	s22 =	sadd.s32 $0x80, s22  }
0x140: {  	[tilespmem:s22+$0xFFFFFFC0] =	vst v4  }
0x141: {  	v4 =	vld [tilespmem:s29+$0xFFFFFFF0];
	_ =	sdelay $0x4  }
0x142: {  	[tilespmem:s22+$0xFFFFFFD0] =	vst v4  }
0x143: {  	v4 =	vld [tilespmem:s29+$0x0];
	_ =	sdelay $0x4  }
0x144: {  	[tilespmem:s22+$0xFFFFFFE0] =	vst v4  }
0x145: {  	v4 =	vld [tilespmem:s29+$0x10];
	[tilespmem:s22+$0x0] =	vst v0  }
.Ltmp15:
0x146: {  	[tilespmem:s22+$0x10] =	vst v1;
	(pc) =	sbr.rel @!p0 .LBB2_29-.Ltmp15, $3  }
0x147: {  	[tilespmem:s22+$0x20] =	vst v2  }
0x148: {  	[tilespmem:s22+$0x30] =	vst v3;
	_ =	sdelay $0x1  }
0x149: {  	s29 =	sadd.s32 $0x80, s29;
	[tilespmem:s22+$0xFFFFFFF0] =	vst v4  }
.Ltmp16:
0x14a: {  	_ = 	snop;
	(pc) =	sbr.rel .LBB2_32-.Ltmp16, $1  }
0x14b: {  	_ =	sdelay $0x3  }
.LBB2_30:
0x14c: {  	s14 =	sshll.u32 s30, $0x3  }
0x14d: {  	s14 =	sand.u32 $0x1FFFFFF8, s14  }
0x14e: {  	s14 =	sadd.s32 s8, s14  }
0x14f: {  	[tilespmem:s19], [sflag:$0x7] =	stream.linear.gather [hbm4b:s14+s3], $0x40, $0x38;
	[tilespmem:$0x11300] =	vst v63  }
0x150: {  	s30 =	sshll.u32 s17, $0x9;
	_ =	swait.ge [sflag:s13], $0x40  }
0x151: {  	s14 =	sshra.s32 s30, $0x2;
	[sflag:s13] =	ssyncset.done $0x0  }
0x152: {  	s30 =	sadd.s32 $0x32A0, s14;
	[sflag:s13] =	ssyncadd.s32 $0xFFFFFFC0  }
0x153: {  	v4 =	vld [tilespmem:s30+$0xFFFFFFE0];
	_ =	sdelay $0x1  }
0x154: {  	v0 =	vld [tilespmem:$0xB280]  }
0x155: {  	v1 =	vld [tilespmem:$0xB290]  }
0x156: {  	s22 =	sadd.s32 $0xE340, s14;
	v2 =	vld [tilespmem:$0xB2A0]  }
0x157: {  	v3 =	vld [tilespmem:$0xB2B0];
	[tilespmem:s22+$0xFFFFFFC0] =	vst v4  }
0x158: {  	v4 =	vld [tilespmem:s30+$0xFFFFFFF0];
	_ =	sdelay $0x2  }
0x159: {  	s14 =	sadd.s32 s29, s12  }
0x15a: {  	p0 =	slt.s32 s31, s14  }
0x15b: {  	s14 =	smov.u32 @p0 s31;
	[tilespmem:s22+$0xFFFFFFD0] =	vst v4  }
0x15c: {  	p0 =	slt.s32 s14, $0x60;
	v4 =	vld [tilespmem:s30+$0x0]  }
0x15d: {  	s14 =	simm.s32 @!p0 $0x60  }
0x15e: {  	s29 =	smov.u32 s4;
	p0 =	sgt.s32 s14, s4  }
0x15f: {  	s29 =	smov.u32 @p0 s14  }
0x160: {  	s14 =	ssub.s32 s17, s29  }
0x161: {  	s17 =	sadd.s32 $0x1, s14;
	[tilespmem:s22+$0xFFFFFFE0] =	vst v4  }
0x162: {  	p0 =	seq.s32 s17, $0x0;
	v4 =	vld [tilespmem:s30+$0x10]  }
.Ltmp17:
0x163: {  	[tilespmem:s22+$0x0] =	vst v0;
	(pc) =	sbr.rel @p0 .LBB2_32-.Ltmp17, $4  }
0x164: {  	[tilespmem:s22+$0x10] =	vst v1  }
0x165: {  	[tilespmem:s22+$0x20] =	vst v2  }
0x166: {  	[tilespmem:s22+$0x30] =	vst v3  }
0x167: {  	s29 =	sadd.s32 $0x80, s30;
	[tilespmem:s22+$0xFFFFFFF0] =	vst v4  }
.LBB2_31:
0x168: {  	v4 =	vld [tilespmem:s29+$0xFFFFFFE0];
	s17 =	sadd.s32 $0x1, s17  }
0x169: {  	p0 =	seq.s32 s17, $0x0;
	_ =	sdelay $0x2  }
0x16a: {  	s22 =	sadd.s32 $0x80, s22  }
0x16b: {  	[tilespmem:s22+$0xFFFFFFC0] =	vst v4  }
0x16c: {  	v4 =	vld [tilespmem:s29+$0xFFFFFFF0];
	_ =	sdelay $0x4  }
0x16d: {  	[tilespmem:s22+$0xFFFFFFD0] =	vst v4  }
0x16e: {  	v4 =	vld [tilespmem:s29+$0x0];
	_ =	sdelay $0x4  }
0x16f: {  	[tilespmem:s22+$0xFFFFFFE0] =	vst v4  }
0x170: {  	v4 =	vld [tilespmem:s29+$0x10];
	[tilespmem:s22+$0x0] =	vst v0  }
.Ltmp18:
0x171: {  	[tilespmem:s22+$0x10] =	vst v1;
	(pc) =	sbr.rel @!p0 .LBB2_31-.Ltmp18, $3  }
0x172: {  	[tilespmem:s22+$0x20] =	vst v2  }
0x173: {  	[tilespmem:s22+$0x30] =	vst v3;
	_ =	sdelay $0x1  }
0x174: {  	s29 =	sadd.s32 $0x80, s29;
	[tilespmem:s22+$0xFFFFFFF0] =	vst v4  }
.Ltmp19:
0x175: {  	_ = 	snop;
	(pc) =	sbr.rel .LBB2_32-.Ltmp19, $1  }
0x176: {  	_ =	sdelay $0x3  }
.LBB2_10:
0x177: {  	s29 =	smov.u32 s4  }
.LBB2_14:
0x178: {  	s29 =	sadd.s32 @p0 $0x80, s29  }
0x179: {  	s4 =	smov.u32 @p0 s29  }
0x17a: {  	[tilespmem:s4+$0xFFFFFFC0] =	vst v4  }
0x17b: {  	v4 =	vld [tilespmem:s22+$0xFFFFFFF0];
	_ =	sdelay $0x4  }
0x17c: {  	[tilespmem:s4+$0xFFFFFFD0] =	vst v4  }
0x17d: {  	v4 =	vld [tilespmem:s22+$0x0];
	_ =	sdelay $0x4  }
0x17e: {  	[tilespmem:s4+$0xFFFFFFE0] =	vst v4  }
0x17f: {  	v4 =	vld [tilespmem:s22+$0x10]  }
0x180: {  	[tilespmem:s4+$0x0] =	vst v0  }
0x181: {  	[tilespmem:s4+$0x10] =	vst v1  }
0x182: {  	[tilespmem:s4+$0x20] =	vst v2  }
0x183: {  	[tilespmem:s4+$0x30] =	vst v3  }
0x184: {  	[tilespmem:s4+$0xFFFFFFF0] =	vst v4  }
.LBB2_21:
0x185: {  	s4 =	sadd.s32 s9, s10  }
0x186: {  	s9 =	smov.u32 s17;
	p0 =	slt.s32 s4, s17  }
0x187: {  	s9 =	smov.u32 @p0 s4  }
0x188: {  	p0 =	sgt.s32 s9, s12  }
0x189: {  	s12 =	smov.u32 @p0 s9  }
0x18a: {  	p0 =	slt.s32 s12, s17  }
.Ltmp20:
0x18b: {  	_ = 	snop;
	(pc) =	sbr.rel @!p0 .LBB2_22-.Ltmp20, $2  }
0x18c: {  	_ =	sdelay $0x2  }
0x18d: {  	s4 =	smov.u32 s12  }
.LBB2_6:
0x18e: {  	v0 =	vld [tilespmem:s4+$0x80];
	_ =	sdelay $0x2  }
0x18f: {  	s9 =	sshll.u32 s4, $0x2  }
0x190: {  	s10 =	sshra.s32 s9, $0x2  }
0x191: {  	s29 =	smov.u32 s4;
	s9 =	sadd.s32 $0xFFFFFFF0, s4;
	s12 =	sadd.s32 $0x80, s10;
	v1 =	vbroadcast v0, $0x0  }
.LBB2_7:
0x192: {  	v2 =	vld [tilespmem:s12+$0x0];
	_ =	sdelay $0x4  }
0x193: {  	vm0 =	vne.s32 v2, v1  }
0x194: {  	v2 =	vmctz.xlane vm0;
	_ =	sdelay $0x1  }
0x195: {  	(v2sf) =	vpush v2, $0x0;
	_ =	sdelay $0xd  }
0x196: {  	s9 =	sadd.s32 $0x10, s9  }
0x197: {  	p0 =	sge.s32 s9, s17;
	s10 =	spop (v2sf)  }
0x198: {  	p1 =	sgt.s32 @!p0 s10, $0xF  }
0x199: {  	p0 =	por p0, !p1  }
.Ltmp21:
0x19a: {  	_ = 	snop;
	(pc) =	sbr.rel @!p0 .LBB2_7-.Ltmp21, $2  }
0x19b: {  	_ =	sdelay $0x2  }
0x19c: {  	s22 =	smov.u32 s29;
	s12 =	sadd.s32 $0x10, s12;
	s29 =	sadd.s32 $0x10, s29  }
0x19d: {  	(v2sf) =	vpush v0, $0x0;
	_ =	sdelay $0xe  }
0x19e: {  	s30 =	spop (v2sf)  }
0x19f: {  	s29 =	ssub.s32 s30, s7  }
0x1a0: {  	p0 =	slt.s32 s29, $0x0  }
.Ltmp22:
0x1a1: {  	_ = 	snop;
	(pc) =	sbr.rel @p0 .LBB2_15-.Ltmp22, $2  }
0x1a2: {  	_ =	sdelay $0x2  }
0x1a3: {  	s12 =	sadd.s32 $0x1, s4  }
0x1a4: {  	s22 =	sadd.s32 s22, s10  }
0x1a5: {  	p0 =	slt.s32 s23, s22  }
0x1a6: {  	s22 =	smov.u32 @p0 s23  }
0x1a7: {  	p0 =	slt.s32 s22, $0x60  }
0x1a8: {  	s22 =	simm.s32 @!p0 $0x60  }
0x1a9: {  	s30 =	smov.u32 s12;
	p0 =	sgt.s32 s22, s12  }
0x1aa: {  	s30 =	smov.u32 @p0 s22  }
0x1ab: {  	s29 =	sshll.u32 s29, $0x8;
	s30 =	ssub.s32 s30, s4  }
0x1ac: {  	s14 =	sshll.u32 s4, $0x9;
	s29 =	sshra.s32 s29, $0x2;
	p1 =	seq.s32 s30, $0x1  }
.Ltmp23:
0x1ad: {  	s14 =	sshra.s32 s14, $0x2;
	v0 =	vld [tilespmem:s29+$0x6280];
	(pc) =	sbr.rel @p1 .LBB2_10-.Ltmp23, $4  }
0x1ae: {  	v1 =	vld [tilespmem:s29+$0x6290];
	s22 =	sadd.s32 $0x2A0, s14  }
0x1af: {  	v4 =	vld [tilespmem:s22+$0xFFFFFFE0]  }
0x1b0: {  	v2 =	vld [tilespmem:s29+$0x62A0]  }
0x1b1: {  	v3 =	vld [tilespmem:s29+$0x62B0];
	p0 =	por $0x0, $0x0;
	s4 =	sadd.s32 $0xB340, s14;
	s29 =	sadd.s32 $0xFFFFFFFF, s30  }
0x1b2: {  	_ =	sdelay $0x1  }
0x1b3: {  	[tilespmem:s4+$0xFFFFFFC0] =	vst v4  }
0x1b4: {  	v4 =	vld [tilespmem:s22+$0xFFFFFFF0];
	_ =	sdelay $0x4  }
0x1b5: {  	[tilespmem:s4+$0xFFFFFFD0] =	vst v4  }
0x1b6: {  	v4 =	vld [tilespmem:s22+$0x0];
	_ =	sdelay $0x4  }
0x1b7: {  	[tilespmem:s4+$0xFFFFFFE0] =	vst v4  }
0x1b8: {  	v4 =	vld [tilespmem:s22+$0x10]  }
0x1b9: {  	[tilespmem:s4+$0x0] =	vst v0  }
0x1ba: {  	[tilespmem:s4+$0x10] =	vst v1  }
0x1bb: {  	p1 =	seq.s32 s29, $0x1;
	[tilespmem:s4+$0x20] =	vst v2  }
.Ltmp24:
0x1bc: {  	[tilespmem:s4+$0x30] =	vst v3;
	(pc) =	sbr.rel @p1 .LBB2_12-.Ltmp24, $3  }
0x1bd: {  	s22 =	sadd.s32 $0x80, s22;
	[tilespmem:s4+$0xFFFFFFF0] =	vst v4  }
0x1be: {  	v4 =	vld [tilespmem:s22+$0xFFFFFFE0];
	_ =	sdelay $0x1  }
0x1bf: {  	s30 =	sadd.s32 $0xFFFFFFFF, s29;
	p0 =	por $0x1, $0x1;
	s29 =	smov.u32 s4  }
.LBB2_13:
0x1c0: {  	p1 =	seq.s32 s30, $0x1;
	_ =	sdelay $0x2  }
0x1c1: {  	s29 =	sadd.s32 $0x80, s29  }
0x1c2: {  	[tilespmem:s29+$0xFFFFFFC0] =	vst v4  }
0x1c3: {  	v4 =	vld [tilespmem:s22+$0xFFFFFFF0];
	_ =	sdelay $0x4  }
0x1c4: {  	[tilespmem:s29+$0xFFFFFFD0] =	vst v4  }
0x1c5: {  	v4 =	vld [tilespmem:s22+$0x0];
	_ =	sdelay $0x4  }
0x1c6: {  	[tilespmem:s29+$0xFFFFFFE0] =	vst v4  }
0x1c7: {  	v4 =	vld [tilespmem:s22+$0x10];
	[tilespmem:s29+$0x0] =	vst v0  }
0x1c8: {  	[tilespmem:s29+$0x10] =	vst v1  }
.Ltmp25:
0x1c9: {  	[tilespmem:s29+$0x20] =	vst v2;
	(pc) =	sbr.rel @!p1 .LBB2_13-.Ltmp25, $3  }
0x1ca: {  	[tilespmem:s29+$0x30] =	vst v3;
	_ =	sdelay $0x1  }
0x1cb: {  	s22 =	sadd.s32 $0x80, s22;
	[tilespmem:s29+$0xFFFFFFF0] =	vst v4  }
0x1cc: {  	s30 =	sadd.s32 $0xFFFFFFFF, s30;
	v4 =	vld [tilespmem:s22+$0xFFFFFFE0]  }
.Ltmp26:
0x1cd: {  	_ = 	snop;
	(pc) =	sbr.rel .LBB2_14-.Ltmp26, $1  }
0x1ce: {  	_ =	sdelay $0x3  }
.LBB2_15:
0x1cf: {  	s29 =	sshll.u32 s30, $0x3;
	s22 =	sadd.s32 s22, s10  }
0x1d0: {  	s29 =	sand.u32 $0x1FFFFFF8, s29;
	p0 =	slt.s32 s23, s22  }
0x1d1: {  	s29 =	sadd.s32 s8, s29;
	s22 =	smov.u32 @p0 s23  }
0x1d2: {  	[tilespmem:s19], [sflag:$0x7] =	stream.linear.gather [hbm4b:s29+s3], $0x40, $0x38;
	[tilespmem:$0x11300] =	vst v63  }
0x1d3: {  	p0 =	slt.s32 s22, $0x60  }
0x1d4: {  	s22 =	simm.s32 @!p0 $0x60  }
0x1d5: {  	s29 =	smov.u32 s12;
	p0 =	sgt.s32 s22, s12  }
0x1d6: {  	_ =	swait.ge [sflag:s13], $0x40;
	s29 =	smov.u32 @p0 s22  }
0x1d7: {  	[sflag:s13] =	ssyncset.done $0x0;
	s29 =	ssub.s32 s29, s4  }
0x1d8: {  	[sflag:s13] =	ssyncadd.s32 $0xFFFFFFC0;
	p1 =	sne.s32 s29, $0x1  }
.Ltmp27:
0x1d9: {  	v0 =	vld [tilespmem:$0xB280];
	(pc) =	sbr.rel @!p1 .LBB2_16-.Ltmp27, $4  }
0x1da: {  	s14 =	sshll.u32 s4, $0x9;
	v1 =	vld [tilespmem:$0xB290]  }
0x1db: {  	s30 =	sshra.s32 s14, $0x2;
	v2 =	vld [tilespmem:$0xB2A0]  }
0x1dc: {  	s22 =	sadd.s32 $0x2A0, s30;
	v3 =	vld [tilespmem:$0xB2B0]  }
0x1dd: {  	p0 =	por $0x0, $0x0;
	s4 =	sadd.s32 $0xB340, s30;
	v4 =	vld [tilespmem:s22+$0xFFFFFFE0];
	s29 =	sadd.s32 $0xFFFFFFFF, s29  }
0x1de: {  	_ =	sdelay $0x3  }
0x1df: {  	[tilespmem:s4+$0xFFFFFFC0] =	vst v4  }
0x1e0: {  	v4 =	vld [tilespmem:s22+$0xFFFFFFF0];
	_ =	sdelay $0x4  }
0x1e1: {  	[tilespmem:s4+$0xFFFFFFD0] =	vst v4  }
0x1e2: {  	v4 =	vld [tilespmem:s22+$0x0];
	_ =	sdelay $0x4  }
0x1e3: {  	[tilespmem:s4+$0xFFFFFFE0] =	vst v4  }
0x1e4: {  	v4 =	vld [tilespmem:s22+$0x10]  }
0x1e5: {  	p1 =	sne.s32 s29, $0x1;
	[tilespmem:s4+$0x0] =	vst v0  }
.Ltmp28:
0x1e6: {  	[tilespmem:s4+$0x10] =	vst v1;
	(pc) =	sbr.rel @!p1 .LBB2_18-.Ltmp28, $4  }
0x1e7: {  	[tilespmem:s4+$0x20] =	vst v2  }
0x1e8: {  	[tilespmem:s4+$0x30] =	vst v3  }
0x1e9: {  	s22 =	sadd.s32 $0x80, s22;
	[tilespmem:s4+$0xFFFFFFF0] =	vst v4  }
0x1ea: {  	s30 =	sadd.s32 $0xFFFFFFFF, s29;
	p0 =	por $0x1, $0x1;
	s29 =	smov.u32 s4;
	v4 =	vld [tilespmem:s22+$0xFFFFFFE0]  }
.LBB2_19:
0x1eb: {  	p1 =	sne.s32 s30, $0x1;
	_ =	sdelay $0x2  }
0x1ec: {  	s29 =	sadd.s32 $0x80, s29  }
0x1ed: {  	[tilespmem:s29+$0xFFFFFFC0] =	vst v4  }
0x1ee: {  	v4 =	vld [tilespmem:s22+$0xFFFFFFF0];
	_ =	sdelay $0x4  }
0x1ef: {  	[tilespmem:s29+$0xFFFFFFD0] =	vst v4  }
0x1f0: {  	v4 =	vld [tilespmem:s22+$0x0];
	_ =	sdelay $0x4  }
0x1f1: {  	[tilespmem:s29+$0xFFFFFFE0] =	vst v4  }
0x1f2: {  	v4 =	vld [tilespmem:s22+$0x10];
	[tilespmem:s29+$0x0] =	vst v0  }
0x1f3: {  	[tilespmem:s29+$0x10] =	vst v1  }
.Ltmp29:
0x1f4: {  	[tilespmem:s29+$0x20] =	vst v2;
	(pc) =	sbr.rel @p1 .LBB2_19-.Ltmp29, $3  }
0x1f5: {  	[tilespmem:s29+$0x30] =	vst v3;
	_ =	sdelay $0x1  }
0x1f6: {  	s22 =	sadd.s32 $0x80, s22;
	[tilespmem:s29+$0xFFFFFFF0] =	vst v4  }
0x1f7: {  	s30 =	sadd.s32 $0xFFFFFFFF, s30;
	v4 =	vld [tilespmem:s22+$0xFFFFFFE0]  }
.LBB2_20:
0x1f8: {  	_ =	sdelay $0x1  }
0x1f9: {  	s29 =	sadd.s32 @p0 $0x80, s29  }
0x1fa: {  	s4 =	smov.u32 @p0 s29  }
0x1fb: {  	[tilespmem:s4+$0xFFFFFFC0] =	vst v4  }
0x1fc: {  	v4 =	vld [tilespmem:s22+$0xFFFFFFF0];
	_ =	sdelay $0x4  }
0x1fd: {  	[tilespmem:s4+$0xFFFFFFD0] =	vst v4  }
0x1fe: {  	v4 =	vld [tilespmem:s22+$0x0];
	_ =	sdelay $0x4  }
0x1ff: {  	[tilespmem:s4+$0xFFFFFFE0] =	vst v4  }
0x200: {  	v4 =	vld [tilespmem:s22+$0x10]  }
.Ltmp30:
0x201: {  	[tilespmem:s4+$0x0] =	vst v0;
	(pc) =	sbr.rel .LBB2_21-.Ltmp30, $4  }
0x202: {  	[tilespmem:s4+$0x10] =	vst v1  }
0x203: {  	[tilespmem:s4+$0x20] =	vst v2  }
0x204: {  	[tilespmem:s4+$0x30] =	vst v3  }
0x205: {  	[tilespmem:s4+$0xFFFFFFF0] =	vst v4  }
.LBB2_12:
.Ltmp31:
0x206: {  	(pc) =	sbr.rel .LBB2_14-.Ltmp31, $2  }
0x207: {  	_ =	sdelay $0x2  }
0x208: {  	s29 =	smov.u32 s4  }
.LBB2_16:
.Ltmp32:
0x209: {  	(pc) =	sbr.rel .LBB2_20-.Ltmp32, $2  }
0x20a: {  	_ =	sdelay $0x2  }
0x20b: {  	s29 =	smov.u32 s4  }
.LBB2_18:
.Ltmp33:
0x20c: {  	(pc) =	sbr.rel .LBB2_20-.Ltmp33, $2  }
0x20d: {  	_ =	sdelay $0x2  }
0x20e: {  	s29 =	smov.u32 s4  }
.LBB2_37:
0x20f: {  	_ =	sfence.sel $0x180000  }
0x210: {  	[bflag:$0x0] =	sbarrier.arrive $0xFFFF  }
0x211: {  	_ =	strace $0x9000004A  }
0x212: {  	s0 =	stileid.u32;
	[bflag:$0x2] =	sbarrier.arrive $0xFFFF  }
0x213: {  	p0 =	sne.s32 s0, $0x0;
	s0 =	rddreg [dreg:$0x2]  }
0x214: {  	s0 =	sadd.s32 @!p0 $0x100000, s0  }
0x215: {  	[sflag:s0] =	ssyncadd.tile.s32 @!p0 $0x1;
	_ =	shalt  }
.Lfunc_end2:
_tile_overlayer_lowered:
.L_overlay_start_2:
0x216: {  	(tag) =	ssettag $0x2  }
0x217: {  	s0 =	rddreg [dreg:$0x0];
	s2 =	stileid.u32  }
0x218: {  	s1 =	rddreg [dreg:$0x1];
	p0 =	sne.s32 s2, $0x0  }
0x219: {  	s3 =	rddreg [dreg:$0x2];
	[bflag:$0x3] =	sbarrier.arrive $0xFFFF;
	s2 =	simm.s32 @!p0 $0x1C07  }
0x21a: {  	[timem:s3], [sflag:s2] =	dma.local @!p0 [hbm:s0], s1  }
0x21b: {  	s0 =	simm.s32 @!p0 $0x7  }
0x21c: {  	_ =	swait.ge @!p0 [sflag:s0], s1  }
0x21d: {  	s1 =	ssub.s32 @!p0 $0x0, s1;
	[sflag:s0] =	ssyncset.done @!p0 $0x0  }
0x21e: {  	[sflag:s0] =	ssyncadd.s32 @!p0 s1  }
0x21f: {  	[bflag:$0x3] =	sbarrier.arrive $0xFFFF  }
0x220: {  	_ =	shalt  }

</sc_bundles>
